<compile_context>
chip_gen: v7x
topology: tpu7x:2x2x1
jax: 0.10.2.dev20260603
libtpu: 0.0.44.dev20260713+nightly
codegen_flags: <defaults>
</compile_context>

<pallas_src>
import functools

import jax
import jax.numpy as jnp
from jax import lax
from jax.experimental import pallas as pl
from jax.experimental.pallas import tpu as pltpu
from jax.experimental.pallas import tpu_sc as plsc

_NC, _NS, _L = 2, 16, 16
_NW = _NC * _NS
_R = 4
_NBUF = 8


def kernel(x, col_idxs):
    m, n = x.shape
    k = col_idxs.shape[0]
    rows_w = m // _NW
    nch = rows_w // _R
    kg = k // _L
    mesh = plsc.VectorSubcoreMesh(core_axis_name="c", subcore_axis_name="s")

    @functools.partial(
        pl.kernel,
        out_type=jax.ShapeDtypeStruct((m, n), x.dtype),
        mesh=mesh,
        compiler_params=pltpu.CompilerParams(
            needs_layout_passes=False,
            use_tc_tiling_on_sc=True,
        ),
        scratch_types=[
            [pltpu.VMEM((_R, n), jnp.float32) for _ in range(_NBUF)],
            pltpu.VMEM((k,), jnp.int32),
            pltpu.SemaphoreType.DMA((_NBUF,)),
            pltpu.SemaphoreType.DMA((_NBUF,)),
        ],
    )
    def sc_kernel(x_hbm, ci_hbm, out_hbm, bufs, ci_v, sin, sout):
        wid = lax.axis_index("s") * _NC + lax.axis_index("c")
        base = wid * rows_w

        pltpu.sync_copy(ci_hbm, ci_v)
        cvs = [ci_v[pl.ds(j * _L, _L)] for j in range(kg)]
        ridxs = [jnp.full((_L,), r, jnp.int32) for r in range(_R)]

        def in_copy(g, b):
            return pltpu.make_async_copy(
                x_hbm.at[pl.ds(base + g * _R, _R), :], bufs[b], sin.at[b]
            )

        def out_copy(g, b):
            return pltpu.make_async_copy(
                bufs[b], out_hbm.at[pl.ds(base + g * _R, _R), :], sout.at[b]
            )

        def fix(b):
            for r in range(_R):
                for j in range(kg):
                    v = plsc.load_gather(bufs[b], [ridxs[r], cvs[j]])
                    bv = jnp.where(v >= 0.0, 1.0, 0.0).astype(v.dtype)
                    plsc.store_scatter(bufs[b], [ridxs[r], cvs[j]], bv)

        for b in range(_NBUF - 1):
            in_copy(b, b).start()

        def outer(t, carry):
            c0 = t * _NBUF
            for b in range(_NBUF):
                g = c0 + b
                in_copy(g, b).wait()
                fix(b)
                out_copy(g, b).start()
                p = g + _NBUF - 1
                pb = (b + _NBUF - 1) % _NBUF

                @pl.when(jnp.logical_and(g >= 1, p < nch))
                def _wait_prev():
                    out_copy(g - 1, pb).wait()

                @pl.when(p < nch)
                def _prefetch():
                    in_copy(p, pb).start()

            return carry

        lax.fori_loop(0, nch // _NBUF, outer, 0)

        for b in range(_NBUF):
            out_copy(nch - _NBUF + b, b).wait()

    return sc_kernel(x, col_idxs)

# --- scband reference (transcript-rebuilt; emitter-appended) ---
"""Pipeline reference for scband-bin-column-threshold-68951404970484 (READ-ONLY COPY).

The authoritative reference and input builder live on the scoring server;
editing this copy changes nothing except your own understanding.
"""

import jax, jax.numpy as jnp
import numpy as np

THRESHOLD = 0.5


def setup_inputs(seed: int = 0) -> dict:
    key = jax.random.key(seed)
    x = jax.random.normal(key, (16384, 2048), dtype=jnp.float32)
    col_idxs = jnp.asarray(np.arange(0, 2048, 16), dtype=jnp.int32)
    return {"x": x, "col_idxs": col_idxs}


def reference(x, col_idxs):
    # gather the selected columns, binarize via sigmoid+threshold,
    # scatter-overwrite back into the tensor (faithful to in-place torch semantics)
    cols = jnp.take(x, col_idxs, axis=1)
    binarized = (jax.nn.sigmoid(cols) >= THRESHOLD).astype(x.dtype)
    out = x.at[:, col_idxs].set(binarized)
    return out

if __name__ == "__main__":
    import jax
    _d = setup_inputs()
    print(jax.jit(kernel)(*tuple(_d.values())))

</pallas_src>

<mosaic_0001>
#map = affine_map<(d0, d1) -> (0, 0)>
#map1 = affine_map<(d0, d1) -> (0)>
module attributes {stable_mosaic.version = 14 : i64} {
  func.func @sc_kernel(%arg0: i32, %arg1: i32, %arg2: memref<16384x2048xf32, #tpu.memory_space<hbm>>, %arg3: memref<128xi32, #tpu.memory_space<hbm>>, %arg4: memref<16384x2048xf32, #tpu.memory_space<hbm>>, %arg5: memref<4x2048xf32, #tpu.memory_space<vmem>>, %arg6: memref<4x2048xf32, #tpu.memory_space<vmem>>, %arg7: memref<4x2048xf32, #tpu.memory_space<vmem>>, %arg8: memref<4x2048xf32, #tpu.memory_space<vmem>>, %arg9: memref<4x2048xf32, #tpu.memory_space<vmem>>, %arg10: memref<4x2048xf32, #tpu.memory_space<vmem>>, %arg11: memref<4x2048xf32, #tpu.memory_space<vmem>>, %arg12: memref<4x2048xf32, #tpu.memory_space<vmem>>, %arg13: memref<128xi32, #tpu.memory_space<vmem>>, %arg14: memref<8x!tpu.dma_semaphore, #tpu.memory_space<semaphore_mem>>, %arg15: memref<8x!tpu.dma_semaphore, #tpu.memory_space<semaphore_mem>>) attributes {dimension_semantics = [#tpu.dimension_semantics<core_parallel>, #tpu.dimension_semantics<subcore_parallel>], iteration_bounds = array<i64: 2, 16>, scalar_prefetch = 0 : i64, scratch_operands = 11 : i64, tpu.core_type = #tpu.core_type<sc_vector_subcore>, window_params = [{transform_indices = #map}, {transform_indices = #map1}, {transform_indices = #map}]} {
    %mul3A = arith.constant 2 : i32
    %mul3A_0 = arith.muli %arg1, %mul3A : i32
    %add3A = arith.addi %mul3A_0, %arg0 : i32
    %mul3A_1 = arith.constant 512 : i32
    %mul3A_2 = arith.muli %add3A, %mul3A_1 : i32
    "tpu.region"() ({
      %run_scoped3A = tpu.sem_alloc : memref<!tpu.dma_semaphore, #tpu.memory_space<semaphore_mem>>
      tpu.enqueue_dma source(%arg3 : memref<128xi32, #tpu.memory_space<hbm>>) target(%arg13 : memref<128xi32, #tpu.memory_space<vmem>>) target_semaphore(%run_scoped3A : memref<!tpu.dma_semaphore, #tpu.memory_space<semaphore_mem>>)
      tpu.wait_dma2 semaphore(%run_scoped3A : memref<!tpu.dma_semaphore, #tpu.memory_space<semaphore_mem>>) src(%arg3 : memref<128xi32, #tpu.memory_space<hbm>>) dst(%arg13 : memref<128xi32, #tpu.memory_space<vmem>>)
      tpu.yield
    }) : () -> ()
    %get3A = arith.constant 0 : index
    %get3A_3 = tpu.vector_load %arg13[%get3A] {strides = array<i32>} : memref<128xi32, #tpu.memory_space<vmem>>, vector<16xi32>,
    %get3A_4 = arith.constant 16 : index
    %get3A_5 = tpu.vector_load %arg13[%get3A_4] {strides = array<i32>} : memref<128xi32, #tpu.memory_space<vmem>>, vector<16xi32>,
    %get3A_6 = arith.constant 32 : index
    %get3A_7 = tpu.vector_load %arg13[%get3A_6] {strides = array<i32>} : memref<128xi32, #tpu.memory_space<vmem>>, vector<16xi32>,
    %get3A_8 = arith.constant 48 : index
    %get3A_9 = tpu.vector_load %arg13[%get3A_8] {strides = array<i32>} : memref<128xi32, #tpu.memory_space<vmem>>, vector<16xi32>,
    %get3A_10 = arith.constant 64 : index
    %get3A_11 = tpu.vector_load %arg13[%get3A_10] {strides = array<i32>} : memref<128xi32, #tpu.memory_space<vmem>>, vector<16xi32>,
    %get3A_12 = arith.constant 80 : index
    %get3A_13 = tpu.vector_load %arg13[%get3A_12] {strides = array<i32>} : memref<128xi32, #tpu.memory_space<vmem>>, vector<16xi32>,
    %get3A_14 = arith.constant 96 : index
    %get3A_15 = tpu.vector_load %arg13[%get3A_14] {strides = array<i32>} : memref<128xi32, #tpu.memory_space<vmem>>, vector<16xi32>,
    %get3A_16 = arith.constant 112 : index
    %get3A_17 = tpu.vector_load %arg13[%get3A_16] {strides = array<i32>} : memref<128xi32, #tpu.memory_space<vmem>>, vector<16xi32>,
    %broadcast_in_dim3A = arith.constant 0 : i32
    %broadcast_in_dim3A_18 = vector.broadcast %broadcast_in_dim3A : i32 to vector<16xi32>
    %broadcast_in_dim3A_19 = arith.constant 1 : i32
    %broadcast_in_dim3A_20 = vector.broadcast %broadcast_in_dim3A_19 : i32 to vector<16xi32>
    %broadcast_in_dim3A_21 = arith.constant 2 : i32
    %broadcast_in_dim3A_22 = vector.broadcast %broadcast_in_dim3A_21 : i32 to vector<16xi32>
    %broadcast_in_dim3A_23 = arith.constant 3 : i32
    %broadcast_in_dim3A_24 = vector.broadcast %broadcast_in_dim3A_23 : i32 to vector<16xi32>
    %add3A_25 = arith.constant 0 : i32
    %add3A_26 = arith.addi %mul3A_2, %add3A_25 : i32
    %dma_start3A = arith.constant 0 : i32
    %dma_start3A_27 = arith.constant 0 : i32
    %dma_start3A_28 = tpu.memref_slice %arg2[%add3A_26, %dma_start3A_27] : memref<16384x2048xf32, #tpu.memory_space<hbm>> -> memref<4x2048xf32, #tpu.memory_space<hbm>>
    %dma_start3A_29 = tpu.memref_slice %arg14[%dma_start3A] : memref<8x!tpu.dma_semaphore, #tpu.memory_space<semaphore_mem>> -> memref<1x!tpu.dma_semaphore, #tpu.memory_space<semaphore_mem>>
    %dma_start3A_30 = tpu.memref_squeeze %dma_start3A_29 : memref<1x!tpu.dma_semaphore, #tpu.memory_space<semaphore_mem>> -> memref<!tpu.dma_semaphore, #tpu.memory_space<semaphore_mem>>
    %dma_start3A_31 = arith.constant 0 : i32
    %dma_start3A_32 = tpu.memref_slice %arg2[%add3A_26, %dma_start3A_31] : memref<16384x2048xf32, #tpu.memory_space<hbm>> -> memref<4x2048xf32, #tpu.memory_space<hbm>>
    tpu.enqueue_dma source(%dma_start3A_32 : memref<4x2048xf32, #tpu.memory_space<hbm>>) target(%arg5 : memref<4x2048xf32, #tpu.memory_space<vmem>>) target_semaphore(%dma_start3A_30 : memref<!tpu.dma_semaphore, #tpu.memory_space<semaphore_mem>>)
    %add3A_33 = arith.constant 4 : i32
    %add3A_34 = arith.addi %mul3A_2, %add3A_33 : i32
    %dma_start3A_35 = arith.constant 1 : i32
    %dma_start3A_36 = arith.constant 0 : i32
    %dma_start3A_37 = tpu.memref_slice %arg2[%add3A_34, %dma_start3A_36] : memref<16384x2048xf32, #tpu.memory_space<hbm>> -> memref<4x2048xf32, #tpu.memory_space<hbm>>
    %dma_start3A_38 = tpu.memref_slice %arg14[%dma_start3A_35] : memref<8x!tpu.dma_semaphore, #tpu.memory_space<semaphore_mem>> -> memref<1x!tpu.dma_semaphore, #tpu.memory_space<semaphore_mem>>
    %dma_start3A_39 = tpu.memref_squeeze %dma_start3A_38 : memref<1x!tpu.dma_semaphore, #tpu.memory_space<semaphore_mem>> -> memref<!tpu.dma_semaphore, #tpu.memory_space<semaphore_mem>>
    %dma_start3A_40 = arith.constant 0 : i32
    %dma_start3A_41 = tpu.memref_slice %arg2[%add3A_34, %dma_start3A_40] : memref<16384x2048xf32, #tpu.memory_space<hbm>> -> memref<4x2048xf32, #tpu.memory_space<hbm>>
    tpu.enqueue_dma source(%dma_start3A_41 : memref<4x2048xf32, #tpu.memory_space<hbm>>) target(%arg6 : memref<4x2048xf32, #tpu.memory_space<vmem>>) target_semaphore(%dma_start3A_39 : memref<!tpu.dma_semaphore, #tpu.memory_space<semaphore_mem>>)
    %add3A_42 = arith.constant 8 : i32
    %add3A_43 = arith.addi %mul3A_2, %add3A_42 : i32
    %dma_start3A_44 = arith.constant 2 : i32
    %dma_start3A_45 = arith.constant 0 : i32
    %dma_start3A_46 = tpu.memref_slice %arg2[%add3A_43, %dma_start3A_45] : memref<16384x2048xf32, #tpu.memory_space<hbm>> -> memref<4x2048xf32, #tpu.memory_space<hbm>>
    %dma_start3A_47 = tpu.memref_slice %arg14[%dma_start3A_44] : memref<8x!tpu.dma_semaphore, #tpu.memory_space<semaphore_mem>> -> memref<1x!tpu.dma_semaphore, #tpu.memory_space<semaphore_mem>>
    %dma_start3A_48 = tpu.memref_squeeze %dma_start3A_47 : memref<1x!tpu.dma_semaphore, #tpu.memory_space<semaphore_mem>> -> memref<!tpu.dma_semaphore, #tpu.memory_space<semaphore_mem>>
    %dma_start3A_49 = arith.constant 0 : i32
    %dma_start3A_50 = tpu.memref_slice %arg2[%add3A_43, %dma_start3A_49] : memref<16384x2048xf32, #tpu.memory_space<hbm>> -> memref<4x2048xf32, #tpu.memory_space<hbm>>
    tpu.enqueue_dma source(%dma_start3A_50 : memref<4x2048xf32, #tpu.memory_space<hbm>>) target(%arg7 : memref<4x2048xf32, #tpu.memory_space<vmem>>) target_semaphore(%dma_start3A_48 : memref<!tpu.dma_semaphore, #tpu.memory_space<semaphore_mem>>)
    %add3A_51 = arith.constant 12 : i32
    %add3A_52 = arith.addi %mul3A_2, %add3A_51 : i32
    %dma_start3A_53 = arith.constant 3 : i32
    %dma_start3A_54 = arith.constant 0 : i32
    %dma_start3A_55 = tpu.memref_slice %arg2[%add3A_52, %dma_start3A_54] : memref<16384x2048xf32, #tpu.memory_space<hbm>> -> memref<4x2048xf32, #tpu.memory_space<hbm>>
    %dma_start3A_56 = tpu.memref_slice %arg14[%dma_start3A_53] : memref<8x!tpu.dma_semaphore, #tpu.memory_space<semaphore_mem>> -> memref<1x!tpu.dma_semaphore, #tpu.memory_space<semaphore_mem>>
    %dma_start3A_57 = tpu.memref_squeeze %dma_start3A_56 : memref<1x!tpu.dma_semaphore, #tpu.memory_space<semaphore_mem>> -> memref<!tpu.dma_semaphore, #tpu.memory_space<semaphore_mem>>
    %dma_start3A_58 = arith.constant 0 : i32
    %dma_start3A_59 = tpu.memref_slice %arg2[%add3A_52, %dma_start3A_58] : memref<16384x2048xf32, #tpu.memory_space<hbm>> -> memref<4x2048xf32, #tpu.memory_space<hbm>>
    tpu.enqueue_dma source(%dma_start3A_59 : memref<4x2048xf32, #tpu.memory_space<hbm>>) target(%arg8 : memref<4x2048xf32, #tpu.memory_space<vmem>>) target_semaphore(%dma_start3A_57 : memref<!tpu.dma_semaphore, #tpu.memory_space<semaphore_mem>>)
    %add3A_60 = arith.constant 16 : i32
    %add3A_61 = arith.addi %mul3A_2, %add3A_60 : i32
    %dma_start3A_62 = arith.constant 4 : i32
    %dma_start3A_63 = arith.constant 0 : i32
    %dma_start3A_64 = tpu.memref_slice %arg2[%add3A_61, %dma_start3A_63] : memref<16384x2048xf32, #tpu.memory_space<hbm>> -> memref<4x2048xf32, #tpu.memory_space<hbm>>
    %dma_start3A_65 = tpu.memref_slice %arg14[%dma_start3A_62] : memref<8x!tpu.dma_semaphore, #tpu.memory_space<semaphore_mem>> -> memref<1x!tpu.dma_semaphore, #tpu.memory_space<semaphore_mem>>
    %dma_start3A_66 = tpu.memref_squeeze %dma_start3A_65 : memref<1x!tpu.dma_semaphore, #tpu.memory_space<semaphore_mem>> -> memref<!tpu.dma_semaphore, #tpu.memory_space<semaphore_mem>>
    %dma_start3A_67 = arith.constant 0 : i32
    %dma_start3A_68 = tpu.memref_slice %arg2[%add3A_61, %dma_start3A_67] : memref<16384x2048xf32, #tpu.memory_space<hbm>> -> memref<4x2048xf32, #tpu.memory_space<hbm>>
    tpu.enqueue_dma source(%dma_start3A_68 : memref<4x2048xf32, #tpu.memory_space<hbm>>) target(%arg9 : memref<4x2048xf32, #tpu.memory_space<vmem>>) target_semaphore(%dma_start3A_66 : memref<!tpu.dma_semaphore, #tpu.memory_space<semaphore_mem>>)
    %add3A_69 = arith.constant 20 : i32
    %add3A_70 = arith.addi %mul3A_2, %add3A_69 : i32
    %dma_start3A_71 = arith.constant 5 : i32
    %dma_start3A_72 = arith.constant 0 : i32
    %dma_start3A_73 = tpu.memref_slice %arg2[%add3A_70, %dma_start3A_72] : memref<16384x2048xf32, #tpu.memory_space<hbm>> -> memref<4x2048xf32, #tpu.memory_space<hbm>>
    %dma_start3A_74 = tpu.memref_slice %arg14[%dma_start3A_71] : memref<8x!tpu.dma_semaphore, #tpu.memory_space<semaphore_mem>> -> memref<1x!tpu.dma_semaphore, #tpu.memory_space<semaphore_mem>>
    %dma_start3A_75 = tpu.memref_squeeze %dma_start3A_74 : memref<1x!tpu.dma_semaphore, #tpu.memory_space<semaphore_mem>> -> memref<!tpu.dma_semaphore, #tpu.memory_space<semaphore_mem>>
    %dma_start3A_76 = arith.constant 0 : i32
    %dma_start3A_77 = tpu.memref_slice %arg2[%add3A_70, %dma_start3A_76] : memref<16384x2048xf32, #tpu.memory_space<hbm>> -> memref<4x2048xf32, #tpu.memory_space<hbm>>
    tpu.enqueue_dma source(%dma_start3A_77 : memref<4x2048xf32, #tpu.memory_space<hbm>>) target(%arg10 : memref<4x2048xf32, #tpu.memory_space<vmem>>) target_semaphore(%dma_start3A_75 : memref<!tpu.dma_semaphore, #tpu.memory_space<semaphore_mem>>)
    %add3A_78 = arith.constant 24 : i32
    %add3A_79 = arith.addi %mul3A_2, %add3A_78 : i32
    %dma_start3A_80 = arith.constant 6 : i32
    %dma_start3A_81 = arith.constant 0 : i32
    %dma_start3A_82 = tpu.memref_slice %arg2[%add3A_79, %dma_start3A_81] : memref<16384x2048xf32, #tpu.memory_space<hbm>> -> memref<4x2048xf32, #tpu.memory_space<hbm>>
    %dma_start3A_83 = tpu.memref_slice %arg14[%dma_start3A_80] : memref<8x!tpu.dma_semaphore, #tpu.memory_space<semaphore_mem>> -> memref<1x!tpu.dma_semaphore, #tpu.memory_space<semaphore_mem>>
    %dma_start3A_84 = tpu.memref_squeeze %dma_start3A_83 : memref<1x!tpu.dma_semaphore, #tpu.memory_space<semaphore_mem>> -> memref<!tpu.dma_semaphore, #tpu.memory_space<semaphore_mem>>
    %dma_start3A_85 = arith.constant 0 : i32
    %dma_start3A_86 = tpu.memref_slice %arg2[%add3A_79, %dma_start3A_85] : memref<16384x2048xf32, #tpu.memory_space<hbm>> -> memref<4x2048xf32, #tpu.memory_space<hbm>>
    tpu.enqueue_dma source(%dma_start3A_86 : memref<4x2048xf32, #tpu.memory_space<hbm>>) target(%arg11 : memref<4x2048xf32, #tpu.memory_space<vmem>>) target_semaphore(%dma_start3A_84 : memref<!tpu.dma_semaphore, #tpu.memory_space<semaphore_mem>>)
    %scan3A = arith.constant 0 : i32
    %scan3A_87 = arith.constant 0 : i32
    %scan3A_88 = arith.constant 16 : i32
    %scan3A_89 = arith.addi %scan3A_87, %scan3A_88 : i32
    %scan3A_90 = arith.constant 1 : i32
    scf.for %scan3A_163 = %scan3A_87 to %scan3A_89 step %scan3A_90  : i32 {
      %mul3A_164 = arith.constant 8 : i32
      %mul3A_165 = arith.muli %scan3A_163, %mul3A_164 : i32
      %add3A_166 = arith.constant 0 : i32
      %add3A_167 = arith.addi %mul3A_165, %add3A_166 : i32
      %mul3A_168 = arith.constant 4 : i32
      %mul3A_169 = arith.muli %add3A_167, %mul3A_168 : i32
      %add3A_170 = arith.addi %mul3A_2, %mul3A_169 : i32
      %dma_wait3A_171 = arith.constant 0 : i32
      %dma_wait3A_172 = arith.constant 0 : i32
      %dma_wait3A_173 = tpu.memref_slice %arg2[%add3A_170, %dma_wait3A_172] : memref<16384x2048xf32, #tpu.memory_space<hbm>> -> memref<4x2048xf32, #tpu.memory_space<hbm>>
      %dma_wait3A_174 = tpu.memref_slice %arg14[%dma_wait3A_171] : memref<8x!tpu.dma_semaphore, #tpu.memory_space<semaphore_mem>> -> memref<1x!tpu.dma_semaphore, #tpu.memory_space<semaphore_mem>>
      %dma_wait3A_175 = tpu.memref_squeeze %dma_wait3A_174 : memref<1x!tpu.dma_semaphore, #tpu.memory_space<semaphore_mem>> -> memref<!tpu.dma_semaphore, #tpu.memory_space<semaphore_mem>>
      %dma_wait3A_176 = arith.constant 0 : i32
      %dma_wait3A_177 = tpu.memref_slice %arg2[%add3A_170, %dma_wait3A_176] : memref<16384x2048xf32, #tpu.memory_space<hbm>> -> memref<4x2048xf32, #tpu.memory_space<hbm>>
      tpu.wait_dma2 semaphore(%dma_wait3A_175 : memref<!tpu.dma_semaphore, #tpu.memory_space<semaphore_mem>>) src(%dma_wait3A_177 : memref<4x2048xf32, #tpu.memory_space<hbm>>) dst(%arg5 : memref<4x2048xf32, #tpu.memory_space<vmem>>)
      %gather3A = tpu.vector_load_idx %arg5[%broadcast_in_dim3A_18, %get3A_3] : memref<4x2048xf32, #tpu.memory_space<vmem>>[vector<16xi32>, vector<16xi32>], vector<16xf32>,
      %ge3A = arith.constant 0.000000e+00 : f32
      %ge3A_178 = vector.broadcast %ge3A : f32 to vector<16xf32>
      %ge3A_179 = arith.cmpf oge, %gather3A, %ge3A_178 : vector<16xf32>
      %jit3A = arith.constant 1.000000e+00 : f32
      %jit3A_180 = arith.constant 0.000000e+00 : f32
      %broadcast_in_dim3A_181 = vector.broadcast %jit3A : f32 to vector<16xf32>
      %broadcast_in_dim3A_182 = vector.broadcast %jit3A_180 : f32 to vector<16xf32>
      %select_n3A = arith.select %ge3A_179, %broadcast_in_dim3A_181, %broadcast_in_dim3A_182 : vector<16xi1>, vector<16xf32>
      tpu.vector_store_idx %arg5[%broadcast_in_dim3A_18, %get3A_3], %select_n3A : memref<4x2048xf32, #tpu.memory_space<vmem>>[vector<16xi32>, vector<16xi32>], vector<16xf32>,
      %gather3A_183 = tpu.vector_load_idx %arg5[%broadcast_in_dim3A_18, %get3A_5] : memref<4x2048xf32, #tpu.memory_space<vmem>>[vector<16xi32>, vector<16xi32>], vector<16xf32>,
      %ge3A_184 = arith.constant 0.000000e+00 : f32
      %ge3A_185 = vector.broadcast %ge3A_184 : f32 to vector<16xf32>
      %ge3A_186 = arith.cmpf oge, %gather3A_183, %ge3A_185 : vector<16xf32>
      %jit3A_187 = arith.constant 1.000000e+00 : f32
      %jit3A_188 = arith.constant 0.000000e+00 : f32
      %broadcast_in_dim3A_189 = vector.broadcast %jit3A_187 : f32 to vector<16xf32>
      %broadcast_in_dim3A_190 = vector.broadcast %jit3A_188 : f32 to vector<16xf32>
      %select_n3A_191 = arith.select %ge3A_186, %broadcast_in_dim3A_189, %broadcast_in_dim3A_190 : vector<16xi1>, vector<16xf32>
      tpu.vector_store_idx %arg5[%broadcast_in_dim3A_18, %get3A_5], %select_n3A_191 : memref<4x2048xf32, #tpu.memory_space<vmem>>[vector<16xi32>, vector<16xi32>], vector<16xf32>,
      %gather3A_192 = tpu.vector_load_idx %arg5[%broadcast_in_dim3A_18, %get3A_7] : memref<4x2048xf32, #tpu.memory_space<vmem>>[vector<16xi32>, vector<16xi32>], vector<16xf32>,
      %ge3A_193 = arith.constant 0.000000e+00 : f32
      %ge3A_194 = vector.broadcast %ge3A_193 : f32 to vector<16xf32>
      %ge3A_195 = arith.cmpf oge, %gather3A_192, %ge3A_194 : vector<16xf32>
      %jit3A_196 = arith.constant 1.000000e+00 : f32
      %jit3A_197 = arith.constant 0.000000e+00 : f32
      %broadcast_in_dim3A_198 = vector.broadcast %jit3A_196 : f32 to vector<16xf32>
      %broadcast_in_dim3A_199 = vector.broadcast %jit3A_197 : f32 to vector<16xf32>
      %select_n3A_200 = arith.select %ge3A_195, %broadcast_in_dim3A_198, %broadcast_in_dim3A_199 : vector<16xi1>, vector<16xf32>
      tpu.vector_store_idx %arg5[%broadcast_in_dim3A_18, %get3A_7], %select_n3A_200 : memref<4x2048xf32, #tpu.memory_space<vmem>>[vector<16xi32>, vector<16xi32>], vector<16xf32>,
      %gather3A_201 = tpu.vector_load_idx %arg5[%broadcast_in_dim3A_18, %get3A_9] : memref<4x2048xf32, #tpu.memory_space<vmem>>[vector<16xi32>, vector<16xi32>], vector<16xf32>,
      %ge3A_202 = arith.constant 0.000000e+00 : f32
      %ge3A_203 = vector.broadcast %ge3A_202 : f32 to vector<16xf32>
      %ge3A_204 = arith.cmpf oge, %gather3A_201, %ge3A_203 : vector<16xf32>
      %jit3A_205 = arith.constant 1.000000e+00 : f32
      %jit3A_206 = arith.constant 0.000000e+00 : f32
      %broadcast_in_dim3A_207 = vector.broadcast %jit3A_205 : f32 to vector<16xf32>
      %broadcast_in_dim3A_208 = vector.broadcast %jit3A_206 : f32 to vector<16xf32>
      %select_n3A_209 = arith.select %ge3A_204, %broadcast_in_dim3A_207, %broadcast_in_dim3A_208 : vector<16xi1>, vector<16xf32>
      tpu.vector_store_idx %arg5[%broadcast_in_dim3A_18, %get3A_9], %select_n3A_209 : memref<4x2048xf32, #tpu.memory_space<vmem>>[vector<16xi32>, vector<16xi32>], vector<16xf32>,
      %gather3A_210 = tpu.vector_load_idx %arg5[%broadcast_in_dim3A_18, %get3A_11] : memref<4x2048xf32, #tpu.memory_space<vmem>>[vector<16xi32>, vector<16xi32>], vector<16xf32>,
      %ge3A_211 = arith.constant 0.000000e+00 : f32
      %ge3A_212 = vector.broadcast %ge3A_211 : f32 to vector<16xf32>
      %ge3A_213 = arith.cmpf oge, %gather3A_210, %ge3A_212 : vector<16xf32>
      %jit3A_214 = arith.constant 1.000000e+00 : f32
      %jit3A_215 = arith.constant 0.000000e+00 : f32
      %broadcast_in_dim3A_216 = vector.broadcast %jit3A_214 : f32 to vector<16xf32>
      %broadcast_in_dim3A_217 = vector.broadcast %jit3A_215 : f32 to vector<16xf32>
      %select_n3A_218 = arith.select %ge3A_213, %broadcast_in_dim3A_216, %broadcast_in_dim3A_217 : vector<16xi1>, vector<16xf32>
      tpu.vector_store_idx %arg5[%broadcast_in_dim3A_18, %get3A_11], %select_n3A_218 : memref<4x2048xf32, #tpu.memory_space<vmem>>[vector<16xi32>, vector<16xi32>], vector<16xf32>,
      %gather3A_219 = tpu.vector_load_idx %arg5[%broadcast_in_dim3A_18, %get3A_13] : memref<4x2048xf32, #tpu.memory_space<vmem>>[vector<16xi32>, vector<16xi32>], vector<16xf32>,
      %ge3A_220 = arith.constant 0.000000e+00 : f32
      %ge3A_221 = vector.broadcast %ge3A_220 : f32 to vector<16xf32>
      %ge3A_222 = arith.cmpf oge, %gather3A_219, %ge3A_221 : vector<16xf32>
      %jit3A_223 = arith.constant 1.000000e+00 : f32
      %jit3A_224 = arith.constant 0.000000e+00 : f32
      %broadcast_in_dim3A_225 = vector.broadcast %jit3A_223 : f32 to vector<16xf32>
      %broadcast_in_dim3A_226 = vector.broadcast %jit3A_224 : f32 to vector<16xf32>
      %select_n3A_227 = arith.select %ge3A_222, %broadcast_in_dim3A_225, %broadcast_in_dim3A_226 : vector<16xi1>, vector<16xf32>
      tpu.vector_store_idx %arg5[%broadcast_in_dim3A_18, %get3A_13], %select_n3A_227 : memref<4x2048xf32, #tpu.memory_space<vmem>>[vector<16xi32>, vector<16xi32>], vector<16xf32>,
      %gather3A_228 = tpu.vector_load_idx %arg5[%broadcast_in_dim3A_18, %get3A_15] : memref<4x2048xf32, #tpu.memory_space<vmem>>[vector<16xi32>, vector<16xi32>], vector<16xf32>,
      %ge3A_229 = arith.constant 0.000000e+00 : f32
      %ge3A_230 = vector.broadcast %ge3A_229 : f32 to vector<16xf32>
      %ge3A_231 = arith.cmpf oge, %gather3A_228, %ge3A_230 : vector<16xf32>
      %jit3A_232 = arith.constant 1.000000e+00 : f32
      %jit3A_233 = arith.constant 0.000000e+00 : f32
      %broadcast_in_dim3A_234 = vector.broadcast %jit3A_232 : f32 to vector<16xf32>
      %broadcast_in_dim3A_235 = vector.broadcast %jit3A_233 : f32 to vector<16xf32>
      %select_n3A_236 = arith.select %ge3A_231, %broadcast_in_dim3A_234, %broadcast_in_dim3A_235 : vector<16xi1>, vector<16xf32>
      tpu.vector_store_idx %arg5[%broadcast_in_dim3A_18, %get3A_15], %select_n3A_236 : memref<4x2048xf32, #tpu.memory_space<vmem>>[vector<16xi32>, vector<16xi32>], vector<16xf32>,
      %gather3A_237 = tpu.vector_load_idx %arg5[%broadcast_in_dim3A_18, %get3A_17] : memref<4x2048xf32, #tpu.memory_space<vmem>>[vector<16xi32>, vector<16xi32>], vector<16xf32>,
      %ge3A_238 = arith.constant 0.000000e+00 : f32
      %ge3A_239 = vector.broadcast %ge3A_238 : f32 to vector<16xf32>
      %ge3A_240 = arith.cmpf oge, %gather3A_237, %ge3A_239 : vector<16xf32>
      %jit3A_241 = arith.constant 1.000000e+00 : f32
      %jit3A_242 = arith.constant 0.000000e+00 : f32
      %broadcast_in_dim3A_243 = vector.broadcast %jit3A_241 : f32 to vector<16xf32>
      %broadcast_in_dim3A_244 = vector.broadcast %jit3A_242 : f32 to vector<16xf32>
      %select_n3A_245 = arith.select %ge3A_240, %broadcast_in_dim3A_243, %broadcast_in_dim3A_244 : vector<16xi1>, vector<16xf32>
      tpu.vector_store_idx %arg5[%broadcast_in_dim3A_18, %get3A_17], %select_n3A_245 : memref<4x2048xf32, #tpu.memory_space<vmem>>[vector<16xi32>, vector<16xi32>], vector<16xf32>,
      %gather3A_246 = tpu.vector_load_idx %arg5[%broadcast_in_dim3A_20, %get3A_3] : memref<4x2048xf32, #tpu.memory_space<vmem>>[vector<16xi32>, vector<16xi32>], vector<16xf32>,
      %ge3A_247 = arith.constant 0.000000e+00 : f32
      %ge3A_248 = vector.broadcast %ge3A_247 : f32 to vector<16xf32>
      %ge3A_249 = arith.cmpf oge, %gather3A_246, %ge3A_248 : vector<16xf32>
      %jit3A_250 = arith.constant 1.000000e+00 : f32
      %jit3A_251 = arith.constant 0.000000e+00 : f32
      %broadcast_in_dim3A_252 = vector.broadcast %jit3A_250 : f32 to vector<16xf32>
      %broadcast_in_dim3A_253 = vector.broadcast %jit3A_251 : f32 to vector<16xf32>
      %select_n3A_254 = arith.select %ge3A_249, %broadcast_in_dim3A_252, %broadcast_in_dim3A_253 : vector<16xi1>, vector<16xf32>
      tpu.vector_store_idx %arg5[%broadcast_in_dim3A_20, %get3A_3], %select_n3A_254 : memref<4x2048xf32, #tpu.memory_space<vmem>>[vector<16xi32>, vector<16xi32>], vector<16xf32>,
      %gather3A_255 = tpu.vector_load_idx %arg5[%broadcast_in_dim3A_20, %get3A_5] : memref<4x2048xf32, #tpu.memory_space<vmem>>[vector<16xi32>, vector<16xi32>], vector<16xf32>,
      %ge3A_256 = arith.constant 0.000000e+00 : f32
      %ge3A_257 = vector.broadcast %ge3A_256 : f32 to vector<16xf32>
      %ge3A_258 = arith.cmpf oge, %gather3A_255, %ge3A_257 : vector<16xf32>
      %jit3A_259 = arith.constant 1.000000e+00 : f32
      %jit3A_260 = arith.constant 0.000000e+00 : f32
      %broadcast_in_dim3A_261 = vector.broadcast %jit3A_259 : f32 to vector<16xf32>
      %broadcast_in_dim3A_262 = vector.broadcast %jit3A_260 : f32 to vector<16xf32>
      %select_n3A_263 = arith.select %ge3A_258, %broadcast_in_dim3A_261, %broadcast_in_dim3A_262 : vector<16xi1>, vector<16xf32>
      tpu.vector_store_idx %arg5[%broadcast_in_dim3A_20, %get3A_5], %select_n3A_263 : memref<4x2048xf32, #tpu.memory_space<vmem>>[vector<16xi32>, vector<16xi32>], vector<16xf32>,
      %gather3A_264 = tpu.vector_load_idx %arg5[%broadcast_in_dim3A_20, %get3A_7] : memref<4x2048xf32, #tpu.memory_space<vmem>>[vector<16xi32>, vector<16xi32>], vector<16xf32>,
      %ge3A_265 = arith.constant 0.000000e+00 : f32
      %ge3A_266 = vector.broadcast %ge3A_265 : f32 to vector<16xf32>
      %ge3A_267 = arith.cmpf oge, %gather3A_264, %ge3A_266 : vector<16xf32>
      %jit3A_268 = arith.constant 1.000000e+00 : f32
      %jit3A_269 = arith.constant 0.000000e+00 : f32
      %broadcast_in_dim3A_270 = vector.broadcast %jit3A_268 : f32 to vector<16xf32>
      %broadcast_in_dim3A_271 = vector.broadcast %jit3A_269 : f32 to vector<16xf32>
      %select_n3A_272 = arith.select %ge3A_267, %broadcast_in_dim3A_270, %broadcast_in_dim3A_271 : vector<16xi1>, vector<16xf32>
      tpu.vector_store_idx %arg5[%broadcast_in_dim3A_20, %get3A_7], %select_n3A_272 : memref<4x2048xf32, #tpu.memory_space<vmem>>[vector<16xi32>, vector<16xi32>], vector<16xf32>,
      %gather3A_273 = tpu.vector_load_idx %arg5[%broadcast_in_dim3A_20, %get3A_9] : memref<4x2048xf32, #tpu.memory_space<vmem>>[vector<16xi32>, vector<16xi32>], vector<16xf32>,
      %ge3A_274 = arith.constant 0.000000e+00 : f32
      %ge3A_275 = vector.broadcast %ge3A_274 : f32 to vector<16xf32>
      %ge3A_276 = arith.cmpf oge, %gather3A_273, %ge3A_275 : vector<16xf32>
      %jit3A_277 = arith.constant 1.000000e+00 : f32
      %jit3A_278 = arith.constant 0.000000e+00 : f32
      %broadcast_in_dim3A_279 = vector.broadcast %jit3A_277 : f32 to vector<16xf32>
      %broadcast_in_dim3A_280 = vector.broadcast %jit3A_278 : f32 to vector<16xf32>
      %select_n3A_281 = arith.select %ge3A_276, %broadcast_in_dim3A_279, %broadcast_in_dim3A_280 : vector<16xi1>, vector<16xf32>
      tpu.vector_store_idx %arg5[%broadcast_in_dim3A_20, %get3A_9], %select_n3A_281 : memref<4x2048xf32, #tpu.memory_space<vmem>>[vector<16xi32>, vector<16xi32>], vector<16xf32>,
      %gather3A_282 = tpu.vector_load_idx %arg5[%broadcast_in_dim3A_20, %get3A_11] : memref<4x2048xf32, #tpu.memory_space<vmem>>[vector<16xi32>, vector<16xi32>], vector<16xf32>,
      %ge3A_283 = arith.constant 0.000000e+00 : f32
      %ge3A_284 = vector.broadcast %ge3A_283 : f32 to vector<16xf32>
      %ge3A_285 = arith.cmpf oge, %gather3A_282, %ge3A_284 : vector<16xf32>
      %jit3A_286 = arith.constant 1.000000e+00 : f32
      %jit3A_287 = arith.constant 0.000000e+00 : f32
      %broadcast_in_dim3A_288 = vector.broadcast %jit3A_286 : f32 to vector<16xf32>
      %broadcast_in_dim3A_289 = vector.broadcast %jit3A_287 : f32 to vector<16xf32>
      %select_n3A_290 = arith.select %ge3A_285, %broadcast_in_dim3A_288, %broadcast_in_dim3A_289 : vector<16xi1>, vector<16xf32>
      tpu.vector_store_idx %arg5[%broadcast_in_dim3A_20, %get3A_11], %select_n3A_290 : memref<4x2048xf32, #tpu.memory_space<vmem>>[vector<16xi32>, vector<16xi32>], vector<16xf32>,
      %gather3A_291 = tpu.vector_load_idx %arg5[%broadcast_in_dim3A_20, %get3A_13] : memref<4x2048xf32, #tpu.memory_space<vmem>>[vector<16xi32>, vector<16xi32>], vector<16xf32>,
      %ge3A_292 = arith.constant 0.000000e+00 : f32
      %ge3A_293 = vector.broadcast %ge3A_292 : f32 to vector<16xf32>
      %ge3A_294 = arith.cmpf oge, %gather3A_291, %ge3A_293 : vector<16xf32>
      %jit3A_295 = arith.constant 1.000000e+00 : f32
      %jit3A_296 = arith.constant 0.000000e+00 : f32
      %broadcast_in_dim3A_297 = vector.broadcast %jit3A_295 : f32 to vector<16xf32>
      %broadcast_in_dim3A_298 = vector.broadcast %jit3A_296 : f32 to vector<16xf32>
      %select_n3A_299 = arith.select %ge3A_294, %broadcast_in_dim3A_297, %broadcast_in_dim3A_298 : vector<16xi1>, vector<16xf32>
      tpu.vector_store_idx %arg5[%broadcast_in_dim3A_20, %get3A_13], %select_n3A_299 : memref<4x2048xf32, #tpu.memory_space<vmem>>[vector<16xi32>, vector<16xi32>], vector<16xf32>,
      %gather3A_300 = tpu.vector_load_idx %arg5[%broadcast_in_dim3A_20, %get3A_15] : memref<4x2048xf32, #tpu.memory_space<vmem>>[vector<16xi32>, vector<16xi32>], vector<16xf32>,
      %ge3A_301 = arith.constant 0.000000e+00 : f32
      %ge3A_302 = vector.broadcast %ge3A_301 : f32 to vector<16xf32>
      %ge3A_303 = arith.cmpf oge, %gather3A_300, %ge3A_302 : vector<16xf32>
      %jit3A_304 = arith.constant 1.000000e+00 : f32
      %jit3A_305 = arith.constant 0.000000e+00 : f32
      %broadcast_in_dim3A_306 = vector.broadcast %jit3A_304 : f32 to vector<16xf32>
      %broadcast_in_dim3A_307 = vector.broadcast %jit3A_305 : f32 to vector<16xf32>
      %select_n3A_308 = arith.select %ge3A_303, %broadcast_in_dim3A_306, %broadcast_in_dim3A_307 : vector<16xi1>, vector<16xf32>
      tpu.vector_store_idx %arg5[%broadcast_in_dim3A_20, %get3A_15], %select_n3A_308 : memref<4x2048xf32, #tpu.memory_space<vmem>>[vector<16xi32>, vector<16xi32>], vector<16xf32>,
      %gather3A_309 = tpu.vector_load_idx %arg5[%broadcast_in_dim3A_20, %get3A_17] : memref<4x2048xf32, #tpu.memory_space<vmem>>[vector<16xi32>, vector<16xi32>], vector<16xf32>,
      %ge3A_310 = arith.constant 0.000000e+00 : f32
      %ge3A_311 = vector.broadcast %ge3A_310 : f32 to vector<16xf32>
      %ge3A_312 = arith.cmpf oge, %gather3A_309, %ge3A_311 : vector<16xf32>
      %jit3A_313 = arith.constant 1.000000e+00 : f32
      %jit3A_314 = arith.constant 0.000000e+00 : f32
      %broadcast_in_dim3A_315 = vector.broadcast %jit3A_313 : f32 to vector<16xf32>
      %broadcast_in_dim3A_316 = vector.broadcast %jit3A_314 : f32 to vector<16xf32>
      %select_n3A_317 = arith.select %ge3A_312, %broadcast_in_dim3A_315, %broadcast_in_dim3A_316 : vector<16xi1>, vector<16xf32>
      tpu.vector_store_idx %arg5[%broadcast_in_dim3A_20, %get3A_17], %select_n3A_317 : memref<4x2048xf32, #tpu.memory_space<vmem>>[vector<16xi32>, vector<16xi32>], vector<16xf32>,
      %gather3A_318 = tpu.vector_load_idx %arg5[%broadcast_in_dim3A_22, %get3A_3] : memref<4x2048xf32, #tpu.memory_space<vmem>>[vector<16xi32>, vector<16xi32>], vector<16xf32>,
      %ge3A_319 = arith.constant 0.000000e+00 : f32
      %ge3A_320 = vector.broadcast %ge3A_319 : f32 to vector<16xf32>
      %ge3A_321 = arith.cmpf oge, %gather3A_318, %ge3A_320 : vector<16xf32>
      %jit3A_322 = arith.constant 1.000000e+00 : f32
      %jit3A_323 = arith.constant 0.000000e+00 : f32
      %broadcast_in_dim3A_324 = vector.broadcast %jit3A_322 : f32 to vector<16xf32>
      %broadcast_in_dim3A_325 = vector.broadcast %jit3A_323 : f32 to vector<16xf32>
      %select_n3A_326 = arith.select %ge3A_321, %broadcast_in_dim3A_324, %broadcast_in_dim3A_325 : vector<16xi1>, vector<16xf32>
      tpu.vector_store_idx %arg5[%broadcast_in_dim3A_22, %get3A_3], %select_n3A_326 : memref<4x2048xf32, #tpu.memory_space<vmem>>[vector<16xi32>, vector<16xi32>], vector<16xf32>,
      %gather3A_327 = tpu.vector_load_idx %arg5[%broadcast_in_dim3A_22, %get3A_5] : memref<4x2048xf32, #tpu.memory_space<vmem>>[vector<16xi32>, vector<16xi32>], vector<16xf32>,
      %ge3A_328 = arith.constant 0.000000e+00 : f32
      %ge3A_329 = vector.broadcast %ge3A_328 : f32 to vector<16xf32>
      %ge3A_330 = arith.cmpf oge, %gather3A_327, %ge3A_329 : vector<16xf32>
      %jit3A_331 = arith.constant 1.000000e+00 : f32
      %jit3A_332 = arith.constant 0.000000e+00 : f32
      %broadcast_in_dim3A_333 = vector.broadcast %jit3A_331 : f32 to vector<16xf32>
      %broadcast_in_dim3A_334 = vector.broadcast %jit3A_332 : f32 to vector<16xf32>
      %select_n3A_335 = arith.select %ge3A_330, %broadcast_in_dim3A_333, %broadcast_in_dim3A_334 : vector<16xi1>, vector<16xf32>
      tpu.vector_store_idx %arg5[%broadcast_in_dim3A_22, %get3A_5], %select_n3A_335 : memref<4x2048xf32, #tpu.memory_space<vmem>>[vector<16xi32>, vector<16xi32>], vector<16xf32>,
      %gather3A_336 = tpu.vector_load_idx %arg5[%broadcast_in_dim3A_22, %get3A_7] : memref<4x2048xf32, #tpu.memory_space<vmem>>[vector<16xi32>, vector<16xi32>], vector<16xf32>,
      %ge3A_337 = arith.constant 0.000000e+00 : f32
      %ge3A_338 = vector.broadcast %ge3A_337 : f32 to vector<16xf32>
      %ge3A_339 = arith.cmpf oge, %gather3A_336, %ge3A_338 : vector<16xf32>
      %jit3A_340 = arith.constant 1.000000e+00 : f32
      %jit3A_341 = arith.constant 0.000000e+00 : f32
      %broadcast_in_dim3A_342 = vector.broadcast %jit3A_340 : f32 to vector<16xf32>
      %broadcast_in_dim3A_343 = vector.broadcast %jit3A_341 : f32 to vector<16xf32>
      %select_n3A_344 = arith.select %ge3A_339, %broadcast_in_dim3A_342, %broadcast_in_dim3A_343 : vector<16xi1>, vector<16xf32>
      tpu.vector_store_idx %arg5[%broadcast_in_dim3A_22, %get3A_7], %select_n3A_344 : memref<4x2048xf32, #tpu.memory_space<vmem>>[vector<16xi32>, vector<16xi32>], vector<16xf32>,
      %gather3A_345 = tpu.vector_load_idx %arg5[%broadcast_in_dim3A_22, %get3A_9] : memref<4x2048xf32, #tpu.memory_space<vmem>>[vector<16xi32>, vector<16xi32>], vector<16xf32>,
      %ge3A_346 = arith.constant 0.000000e+00 : f32
      %ge3A_347 = vector.broadcast %ge3A_346 : f32 to vector<16xf32>
      %ge3A_348 = arith.cmpf oge, %gather3A_345, %ge3A_347 : vector<16xf32>
      %jit3A_349 = arith.constant 1.000000e+00 : f32
      %jit3A_350 = arith.constant 0.000000e+00 : f32
      %broadcast_in_dim3A_351 = vector.broadcast %jit3A_349 : f32 to vector<16xf32>
      %broadcast_in_dim3A_352 = vector.broadcast %jit3A_350 : f32 to vector<16xf32>
      %select_n3A_353 = arith.select %ge3A_348, %broadcast_in_dim3A_351, %broadcast_in_dim3A_352 : vector<16xi1>, vector<16xf32>
      tpu.vector_store_idx %arg5[%broadcast_in_dim3A_22, %get3A_9], %select_n3A_353 : memref<4x2048xf32, #tpu.memory_space<vmem>>[vector<16xi32>, vector<16xi32>], vector<16xf32>,
      %gather3A_354 = tpu.vector_load_idx %arg5[%broadcast_in_dim3A_22, %get3A_11] : memref<4x2048xf32, #tpu.memory_space<vmem>>[vector<16xi32>, vector<16xi32>], vector<16xf32>,
      %ge3A_355 = arith.constant 0.000000e+00 : f32
      %ge3A_356 = vector.broadcast %ge3A_355 : f32 to vector<16xf32>
      %ge3A_357 = arith.cmpf oge, %gather3A_354, %ge3A_356 : vector<16xf32>
      %jit3A_358 = arith.constant 1.000000e+00 : f32
      %jit3A_359 = arith.constant 0.000000e+00 : f32
      %broadcast_in_dim3A_360 = vector.broadcast %jit3A_358 : f32 to vector<16xf32>
      %broadcast_in_dim3A_361 = vector.broadcast %jit3A_359 : f32 to vector<16xf32>
      %select_n3A_362 = arith.select %ge3A_357, %broadcast_in_dim3A_360, %broadcast_in_dim3A_361 : vector<16xi1>, vector<16xf32>
      tpu.vector_store_idx %arg5[%broadcast_in_dim3A_22, %get3A_11], %select_n3A_362 : memref<4x2048xf32, #tpu.memory_space<vmem>>[vector<16xi32>, vector<16xi32>], vector<16xf32>,
      %gather3A_363 = tpu.vector_load_idx %arg5[%broadcast_in_dim3A_22, %get3A_13] : memref<4x2048xf32, #tpu.memory_space<vmem>>[vector<16xi32>, vector<16xi32>], vector<16xf32>,
      %ge3A_364 = arith.constant 0.000000e+00 : f32
      %ge3A_365 = vector.broadcast %ge3A_364 : f32 to vector<16xf32>
      %ge3A_366 = arith.cmpf oge, %gather3A_363, %ge3A_365 : vector<16xf32>
      %jit3A_367 = arith.constant 1.000000e+00 : f32
      %jit3A_368 = arith.constant 0.000000e+00 : f32
      %broadcast_in_dim3A_369 = vector.broadcast %jit3A_367 : f32 to vector<16xf32>
      %broadcast_in_dim3A_370 = vector.broadcast %jit3A_368 : f32 to vector<16xf32>
      %select_n3A_371 = arith.select %ge3A_366, %broadcast_in_dim3A_369, %broadcast_in_dim3A_370 : vector<16xi1>, vector<16xf32>
      tpu.vector_store_idx %arg5[%broadcast_in_dim3A_22, %get3A_13], %select_n3A_371 : memref<4x2048xf32, #tpu.memory_space<vmem>>[vector<16xi32>, vector<16xi32>], vector<16xf32>,
      %gather3A_372 = tpu.vector_load_idx %arg5[%broadcast_in_dim3A_22, %get3A_15] : memref<4x2048xf32, #tpu.memory_space<vmem>>[vector<16xi32>, vector<16xi32>], vector<16xf32>,
      %ge3A_373 = arith.constant 0.000000e+00 : f32
      %ge3A_374 = vector.broadcast %ge3A_373 : f32 to vector<16xf32>
      %ge3A_375 = arith.cmpf oge, %gather3A_372, %ge3A_374 : vector<16xf32>
      %jit3A_376 = arith.constant 1.000000e+00 : f32
      %jit3A_377 = arith.constant 0.000000e+00 : f32
      %broadcast_in_dim3A_378 = vector.broadcast %jit3A_376 : f32 to vector<16xf32>
      %broadcast_in_dim3A_379 = vector.broadcast %jit3A_377 : f32 to vector<16xf32>
      %select_n3A_380 = arith.select %ge3A_375, %broadcast_in_dim3A_378, %broadcast_in_dim3A_379 : vector<16xi1>, vector<16xf32>
      tpu.vector_store_idx %arg5[%broadcast_in_dim3A_22, %get3A_15], %select_n3A_380 : memref<4x2048xf32, #tpu.memory_space<vmem>>[vector<16xi32>, vector<16xi32>], vector<16xf32>,
      %gather3A_381 = tpu.vector_load_idx %arg5[%broadcast_in_dim3A_22, %get3A_17] : memref<4x2048xf32, #tpu.memory_space<vmem>>[vector<16xi32>, vector<16xi32>], vector<16xf32>,
      %ge3A_382 = arith.constant 0.000000e+00 : f32
      %ge3A_383 = vector.broadcast %ge3A_382 : f32 to vector<16xf32>
      %ge3A_384 = arith.cmpf oge, %gather3A_381, %ge3A_383 : vector<16xf32>
      %jit3A_385 = arith.constant 1.000000e+00 : f32
      %jit3A_386 = arith.constant 0.000000e+00 : f32
      %broadcast_in_dim3A_387 = vector.broadcast %jit3A_385 : f32 to vector<16xf32>
      %broadcast_in_dim3A_388 = vector.broadcast %jit3A_386 : f32 to vector<16xf32>
      %select_n3A_389 = arith.select %ge3A_384, %broadcast_in_dim3A_387, %broadcast_in_dim3A_388 : vector<16xi1>, vector<16xf32>
      tpu.vector_store_idx %arg5[%broadcast_in_dim3A_22, %get3A_17], %select_n3A_389 : memref<4x2048xf32, #tpu.memory_space<vmem>>[vector<16xi32>, vector<16xi32>], vector<16xf32>,
      %gather3A_390 = tpu.vector_load_idx %arg5[%broadcast_in_dim3A_24, %get3A_3] : memref<4x2048xf32, #tpu.memory_space<vmem>>[vector<16xi32>, vector<16xi32>], vector<16xf32>,
      %ge3A_391 = arith.constant 0.000000e+00 : f32
      %ge3A_392 = vector.broadcast %ge3A_391 : f32 to vector<16xf32>
      %ge3A_393 = arith.cmpf oge, %gather3A_390, %ge3A_392 : vector<16xf32>
      %jit3A_394 = arith.constant 1.000000e+00 : f32
      %jit3A_395 = arith.constant 0.000000e+00 : f32
      %broadcast_in_dim3A_396 = vector.broadcast %jit3A_394 : f32 to vector<16xf32>
      %broadcast_in_dim3A_397 = vector.broadcast %jit3A_395 : f32 to vector<16xf32>
      %select_n3A_398 = arith.select %ge3A_393, %broadcast_in_dim3A_396, %broadcast_in_dim3A_397 : vector<16xi1>, vector<16xf32>
      tpu.vector_store_idx %arg5[%broadcast_in_dim3A_24, %get3A_3], %select_n3A_398 : memref<4x2048xf32, #tpu.memory_space<vmem>>[vector<16xi32>, vector<16xi32>], vector<16xf32>,
      %gather3A_399 = tpu.vector_load_idx %arg5[%broadcast_in_dim3A_24, %get3A_5] : memref<4x2048xf32, #tpu.memory_space<vmem>>[vector<16xi32>, vector<16xi32>], vector<16xf32>,
      %ge3A_400 = arith.constant 0.000000e+00 : f32
      %ge3A_401 = vector.broadcast %ge3A_400 : f32 to vector<16xf32>
      %ge3A_402 = arith.cmpf oge, %gather3A_399, %ge3A_401 : vector<16xf32>
      %jit3A_403 = arith.constant 1.000000e+00 : f32
      %jit3A_404 = arith.constant 0.000000e+00 : f32
      %broadcast_in_dim3A_405 = vector.broadcast %jit3A_403 : f32 to vector<16xf32>
      %broadcast_in_dim3A_406 = vector.broadcast %jit3A_404 : f32 to vector<16xf32>
      %select_n3A_407 = arith.select %ge3A_402, %broadcast_in_dim3A_405, %broadcast_in_dim3A_406 : vector<16xi1>, vector<16xf32>
      tpu.vector_store_idx %arg5[%broadcast_in_dim3A_24, %get3A_5], %select_n3A_407 : memref<4x2048xf32, #tpu.memory_space<vmem>>[vector<16xi32>, vector<16xi32>], vector<16xf32>,
      %gather3A_408 = tpu.vector_load_idx %arg5[%broadcast_in_dim3A_24, %get3A_7] : memref<4x2048xf32, #tpu.memory_space<vmem>>[vector<16xi32>, vector<16xi32>], vector<16xf32>,
      %ge3A_409 = arith.constant 0.000000e+00 : f32
      %ge3A_410 = vector.broadcast %ge3A_409 : f32 to vector<16xf32>
      %ge3A_411 = arith.cmpf oge, %gather3A_408, %ge3A_410 : vector<16xf32>
      %jit3A_412 = arith.constant 1.000000e+00 : f32
      %jit3A_413 = arith.constant 0.000000e+00 : f32
      %broadcast_in_dim3A_414 = vector.broadcast %jit3A_412 : f32 to vector<16xf32>
      %broadcast_in_dim3A_415 = vector.broadcast %jit3A_413 : f32 to vector<16xf32>
      %select_n3A_416 = arith.select %ge3A_411, %broadcast_in_dim3A_414, %broadcast_in_dim3A_415 : vector<16xi1>, vector<16xf32>
      tpu.vector_store_idx %arg5[%broadcast_in_dim3A_24, %get3A_7], %select_n3A_416 : memref<4x2048xf32, #tpu.memory_space<vmem>>[vector<16xi32>, vector<16xi32>], vector<16xf32>,
      %gather3A_417 = tpu.vector_load_idx %arg5[%broadcast_in_dim3A_24, %get3A_9] : memref<4x2048xf32, #tpu.memory_space<vmem>>[vector<16xi32>, vector<16xi32>], vector<16xf32>,
      %ge3A_418 = arith.constant 0.000000e+00 : f32
      %ge3A_419 = vector.broadcast %ge3A_418 : f32 to vector<16xf32>
      %ge3A_420 = arith.cmpf oge, %gather3A_417, %ge3A_419 : vector<16xf32>
      %jit3A_421 = arith.constant 1.000000e+00 : f32
      %jit3A_422 = arith.constant 0.000000e+00 : f32
      %broadcast_in_dim3A_423 = vector.broadcast %jit3A_421 : f32 to vector<16xf32>
      %broadcast_in_dim3A_424 = vector.broadcast %jit3A_422 : f32 to vector<16xf32>
      %select_n3A_425 = arith.select %ge3A_420, %broadcast_in_dim3A_423, %broadcast_in_dim3A_424 : vector<16xi1>, vector<16xf32>
      tpu.vector_store_idx %arg5[%broadcast_in_dim3A_24, %get3A_9], %select_n3A_425 : memref<4x2048xf32, #tpu.memory_space<vmem>>[vector<16xi32>, vector<16xi32>], vector<16xf32>,
      %gather3A_426 = tpu.vector_load_idx %arg5[%broadcast_in_dim3A_24, %get3A_11] : memref<4x2048xf32, #tpu.memory_space<vmem>>[vector<16xi32>, vector<16xi32>], vector<16xf32>,
      %ge3A_427 = arith.constant 0.000000e+00 : f32
      %ge3A_428 = vector.broadcast %ge3A_427 : f32 to vector<16xf32>
      %ge3A_429 = arith.cmpf oge, %gather3A_426, %ge3A_428 : vector<16xf32>
      %jit3A_430 = arith.constant 1.000000e+00 : f32
      %jit3A_431 = arith.constant 0.000000e+00 : f32
      %broadcast_in_dim3A_432 = vector.broadcast %jit3A_430 : f32 to vector<16xf32>
      %broadcast_in_dim3A_433 = vector.broadcast %jit3A_431 : f32 to vector<16xf32>
      %select_n3A_434 = arith.select %ge3A_429, %broadcast_in_dim3A_432, %broadcast_in_dim3A_433 : vector<16xi1>, vector<16xf32>
      tpu.vector_store_idx %arg5[%broadcast_in_dim3A_24, %get3A_11], %select_n3A_434 : memref<4x2048xf32, #tpu.memory_space<vmem>>[vector<16xi32>, vector<16xi32>], vector<16xf32>,
      %gather3A_435 = tpu.vector_load_idx %arg5[%broadcast_in_dim3A_24, %get3A_13] : memref<4x2048xf32, #tpu.memory_space<vmem>>[vector<16xi32>, vector<16xi32>], vector<16xf32>,
      %ge3A_436 = arith.constant 0.000000e+00 : f32
      %ge3A_437 = vector.broadcast %ge3A_436 : f32 to vector<16xf32>
      %ge3A_438 = arith.cmpf oge, %gather3A_435, %ge3A_437 : vector<16xf32>
      %jit3A_439 = arith.constant 1.000000e+00 : f32
      %jit3A_440 = arith.constant 0.000000e+00 : f32
      %broadcast_in_dim3A_441 = vector.broadcast %jit3A_439 : f32 to vector<16xf32>
      %broadcast_in_dim3A_442 = vector.broadcast %jit3A_440 : f32 to vector<16xf32>
      %select_n3A_443 = arith.select %ge3A_438, %broadcast_in_dim3A_441, %broadcast_in_dim3A_442 : vector<16xi1>, vector<16xf32>
      tpu.vector_store_idx %arg5[%broadcast_in_dim3A_24, %get3A_13], %select_n3A_443 : memref<4x2048xf32, #tpu.memory_space<vmem>>[vector<16xi32>, vector<16xi32>], vector<16xf32>,
      %gather3A_444 = tpu.vector_load_idx %arg5[%broadcast_in_dim3A_24, %get3A_15] : memref<4x2048xf32, #tpu.memory_space<vmem>>[vector<16xi32>, vector<16xi32>], vector<16xf32>,
      %ge3A_445 = arith.constant 0.000000e+00 : f32
      %ge3A_446 = vector.broadcast %ge3A_445 : f32 to vector<16xf32>
      %ge3A_447 = arith.cmpf oge, %gather3A_444, %ge3A_446 : vector<16xf32>
      %jit3A_448 = arith.constant 1.000000e+00 : f32
      %jit3A_449 = arith.constant 0.000000e+00 : f32
      %broadcast_in_dim3A_450 = vector.broadcast %jit3A_448 : f32 to vector<16xf32>
      %broadcast_in_dim3A_451 = vector.broadcast %jit3A_449 : f32 to vector<16xf32>
      %select_n3A_452 = arith.select %ge3A_447, %broadcast_in_dim3A_450, %broadcast_in_dim3A_451 : vector<16xi1>, vector<16xf32>
      tpu.vector_store_idx %arg5[%broadcast_in_dim3A_24, %get3A_15], %select_n3A_452 : memref<4x2048xf32, #tpu.memory_space<vmem>>[vector<16xi32>, vector<16xi32>], vector<16xf32>,
      %gather3A_453 = tpu.vector_load_idx %arg5[%broadcast_in_dim3A_24, %get3A_17] : memref<4x2048xf32, #tpu.memory_space<vmem>>[vector<16xi32>, vector<16xi32>], vector<16xf32>,
      %ge3A_454 = arith.constant 0.000000e+00 : f32
      %ge3A_455 = vector.broadcast %ge3A_454 : f32 to vector<16xf32>
      %ge3A_456 = arith.cmpf oge, %gather3A_453, %ge3A_455 : vector<16xf32>
      %jit3A_457 = arith.constant 1.000000e+00 : f32
      %jit3A_458 = arith.constant 0.000000e+00 : f32
      %broadcast_in_dim3A_459 = vector.broadcast %jit3A_457 : f32 to vector<16xf32>
      %broadcast_in_dim3A_460 = vector.broadcast %jit3A_458 : f32 to vector<16xf32>
      %select_n3A_461 = arith.select %ge3A_456, %broadcast_in_dim3A_459, %broadcast_in_dim3A_460 : vector<16xi1>, vector<16xf32>
      tpu.vector_store_idx %arg5[%broadcast_in_dim3A_24, %get3A_17], %select_n3A_461 : memref<4x2048xf32, #tpu.memory_space<vmem>>[vector<16xi32>, vector<16xi32>], vector<16xf32>,
      %mul3A_462 = arith.constant 4 : i32
      %mul3A_463 = arith.muli %add3A_167, %mul3A_462 : i32
      %add3A_464 = arith.addi %mul3A_2, %mul3A_463 : i32
      %dma_start3A_465 = arith.constant 0 : i32
      %dma_start3A_466 = arith.constant 0 : i32
      %dma_start3A_467 = tpu.memref_slice %arg4[%add3A_464, %dma_start3A_466] : memref<16384x2048xf32, #tpu.memory_space<hbm>> -> memref<4x2048xf32, #tpu.memory_space<hbm>>
      %dma_start3A_468 = tpu.memref_slice %arg15[%dma_start3A_465] : memref<8x!tpu.dma_semaphore, #tpu.memory_space<semaphore_mem>> -> memref<1x!tpu.dma_semaphore, #tpu.memory_space<semaphore_mem>>
      %dma_start3A_469 = tpu.memref_squeeze %dma_start3A_468 : memref<1x!tpu.dma_semaphore, #tpu.memory_space<semaphore_mem>> -> memref<!tpu.dma_semaphore, #tpu.memory_space<semaphore_mem>>
      %dma_start3A_470 = arith.constant 0 : i32
      %dma_start3A_471 = tpu.memref_slice %arg4[%add3A_464, %dma_start3A_470] : memref<16384x2048xf32, #tpu.memory_space<hbm>> -> memref<4x2048xf32, #tpu.memory_space<hbm>>
      tpu.enqueue_dma source(%arg5 : memref<4x2048xf32, #tpu.memory_space<vmem>>) target(%dma_start3A_471 : memref<4x2048xf32, #tpu.memory_space<hbm>>) target_semaphore(%dma_start3A_469 : memref<!tpu.dma_semaphore, #tpu.memory_space<semaphore_mem>>)
      %add3A_472 = arith.constant 8 : i32
      %add3A_473 = arith.addi %add3A_167, %add3A_472 : i32
      %sub3A = arith.constant 1 : i32
      %sub3A_474 = arith.subi %add3A_473, %sub3A : i32
      %ge3A_475 = arith.constant 1 : i32
      %ge3A_476 = arith.cmpi sge, %add3A_167, %ge3A_475 : i32
      %lt3A = arith.constant 128 : i32
      %lt3A_477 = arith.cmpi slt, %sub3A_474, %lt3A : i32
      %and3A = arith.andi %ge3A_476, %lt3A_477 : i1
      %convert_element_type3A = arith.extui %and3A : i1 to i32
      %cond3A = arith.constant 0 : i32
      %cond3A_478 = arith.cmpi ne, %convert_element_type3A, %cond3A : i32
      scf.if %cond3A_478 {
        %sub3A_2773 = arith.constant 1 : i32
        %sub3A_2774 = arith.subi %add3A_167, %sub3A_2773 : i32
        %mul3A_2775 = arith.constant 4 : i32
        %mul3A_2776 = arith.muli %sub3A_2774, %mul3A_2775 : i32
        %add3A_2777 = arith.addi %mul3A_2, %mul3A_2776 : i32
        %dma_wait3A_2778 = arith.constant 7 : i32
        %dma_wait3A_2779 = arith.constant 0 : i32
        %dma_wait3A_2780 = tpu.memref_slice %arg4[%add3A_2777, %dma_wait3A_2779] : memref<16384x2048xf32, #tpu.memory_space<hbm>> -> memref<4x2048xf32, #tpu.memory_space<hbm>>
        %dma_wait3A_2781 = tpu.memref_slice %arg15[%dma_wait3A_2778] : memref<8x!tpu.dma_semaphore, #tpu.memory_space<semaphore_mem>> -> memref<1x!tpu.dma_semaphore, #tpu.memory_space<semaphore_mem>>
        %dma_wait3A_2782 = tpu.memref_squeeze %dma_wait3A_2781 : memref<1x!tpu.dma_semaphore, #tpu.memory_space<semaphore_mem>> -> memref<!tpu.dma_semaphore, #tpu.memory_space<semaphore_mem>>
        %dma_wait3A_2783 = arith.constant 0 : i32
        %dma_wait3A_2784 = tpu.memref_slice %arg4[%add3A_2777, %dma_wait3A_2783] : memref<16384x2048xf32, #tpu.memory_space<hbm>> -> memref<4x2048xf32, #tpu.memory_space<hbm>>
        tpu.wait_dma2 semaphore(%dma_wait3A_2782 : memref<!tpu.dma_semaphore, #tpu.memory_space<semaphore_mem>>) src(%arg12 : memref<4x2048xf32, #tpu.memory_space<vmem>>) dst(%dma_wait3A_2784 : memref<4x2048xf32, #tpu.memory_space<hbm>>)
      } else {
      }
      %lt3A_479 = arith.constant 128 : i32
      %lt3A_480 = arith.cmpi slt, %sub3A_474, %lt3A_479 : i32
      %convert_element_type3A_481 = arith.extui %lt3A_480 : i1 to i32
      %cond3A_482 = arith.constant 0 : i32
      %cond3A_483 = arith.cmpi ne, %convert_element_type3A_481, %cond3A_482 : i32
      scf.if %cond3A_483 {
        %mul3A_2773 = arith.constant 4 : i32
        %mul3A_2774 = arith.muli %sub3A_474, %mul3A_2773 : i32
        %add3A_2775 = arith.addi %mul3A_2, %mul3A_2774 : i32
        %dma_start3A_2776 = arith.constant 7 : i32
        %dma_start3A_2777 = arith.constant 0 : i32
        %dma_start3A_2778 = tpu.memref_slice %arg2[%add3A_2775, %dma_start3A_2777] : memref<16384x2048xf32, #tpu.memory_space<hbm>> -> memref<4x2048xf32, #tpu.memory_space<hbm>>
        %dma_start3A_2779 = tpu.memref_slice %arg14[%dma_start3A_2776] : memref<8x!tpu.dma_semaphore, #tpu.memory_space<semaphore_mem>> -> memref<1x!tpu.dma_semaphore, #tpu.memory_space<semaphore_mem>>
        %dma_start3A_2780 = tpu.memref_squeeze %dma_start3A_2779 : memref<1x!tpu.dma_semaphore, #tpu.memory_space<semaphore_mem>> -> memref<!tpu.dma_semaphore, #tpu.memory_space<semaphore_mem>>
        %dma_start3A_2781 = arith.constant 0 : i32
        %dma_start3A_2782 = tpu.memref_slice %arg2[%add3A_2775, %dma_start3A_2781] : memref<16384x2048xf32, #tpu.memory_space<hbm>> -> memref<4x2048xf32, #tpu.memory_space<hbm>>
        tpu.enqueue_dma source(%dma_start3A_2782 : memref<4x2048xf32, #tpu.memory_space<hbm>>) target(%arg12 : memref<4x2048xf32, #tpu.memory_space<vmem>>) target_semaphore(%dma_start3A_2780 : memref<!tpu.dma_semaphore, #tpu.memory_space<semaphore_mem>>)
      } else {
      }
      %add3A_484 = arith.constant 1 : i32
      %add3A_485 = arith.addi %mul3A_165, %add3A_484 : i32
      %mul3A_486 = arith.constant 4 : i32
      %mul3A_487 = arith.muli %add3A_485, %mul3A_486 : i32
      %add3A_488 = arith.addi %mul3A_2, %mul3A_487 : i32
      %dma_wait3A_489 = arith.constant 1 : i32
      %dma_wait3A_490 = arith.constant 0 : i32
      %dma_wait3A_491 = tpu.memref_slice %arg2[%add3A_488, %dma_wait3A_490] : memref<16384x2048xf32, #tpu.memory_space<hbm>> -> memref<4x2048xf32, #tpu.memory_space<hbm>>
      %dma_wait3A_492 = tpu.memref_slice %arg14[%dma_wait3A_489] : memref<8x!tpu.dma_semaphore, #tpu.memory_space<semaphore_mem>> -> memref<1x!tpu.dma_semaphore, #tpu.memory_space<semaphore_mem>>
      %dma_wait3A_493 = tpu.memref_squeeze %dma_wait3A_492 : memref<1x!tpu.dma_semaphore, #tpu.memory_space<semaphore_mem>> -> memref<!tpu.dma_semaphore, #tpu.memory_space<semaphore_mem>>
      %dma_wait3A_494 = arith.constant 0 : i32
      %dma_wait3A_495 = tpu.memref_slice %arg2[%add3A_488, %dma_wait3A_494] : memref<16384x2048xf32, #tpu.memory_space<hbm>> -> memref<4x2048xf32, #tpu.memory_space<hbm>>
      tpu.wait_dma2 semaphore(%dma_wait3A_493 : memref<!tpu.dma_semaphore, #tpu.memory_space<semaphore_mem>>) src(%dma_wait3A_495 : memref<4x2048xf32, #tpu.memory_space<hbm>>) dst(%arg6 : memref<4x2048xf32, #tpu.memory_space<vmem>>)
      %gather3A_496 = tpu.vector_load_idx %arg6[%broadcast_in_dim3A_18, %get3A_3] : memref<4x2048xf32, #tpu.memory_space<vmem>>[vector<16xi32>, vector<16xi32>], vector<16xf32>,
      %ge3A_497 = arith.constant 0.000000e+00 : f32
      %ge3A_498 = vector.broadcast %ge3A_497 : f32 to vector<16xf32>
      %ge3A_499 = arith.cmpf oge, %gather3A_496, %ge3A_498 : vector<16xf32>
      %jit3A_500 = arith.constant 1.000000e+00 : f32
      %jit3A_501 = arith.constant 0.000000e+00 : f32
      %broadcast_in_dim3A_502 = vector.broadcast %jit3A_500 : f32 to vector<16xf32>
      %broadcast_in_dim3A_503 = vector.broadcast %jit3A_501 : f32 to vector<16xf32>
      %select_n3A_504 = arith.select %ge3A_499, %broadcast_in_dim3A_502, %broadcast_in_dim3A_503 : vector<16xi1>, vector<16xf32>
      tpu.vector_store_idx %arg6[%broadcast_in_dim3A_18, %get3A_3], %select_n3A_504 : memref<4x2048xf32, #tpu.memory_space<vmem>>[vector<16xi32>, vector<16xi32>], vector<16xf32>,
      %gather3A_505 = tpu.vector_load_idx %arg6[%broadcast_in_dim3A_18, %get3A_5] : memref<4x2048xf32, #tpu.memory_space<vmem>>[vector<16xi32>, vector<16xi32>], vector<16xf32>,
      %ge3A_506 = arith.constant 0.000000e+00 : f32
      %ge3A_507 = vector.broadcast %ge3A_506 : f32 to vector<16xf32>
      %ge3A_508 = arith.cmpf oge, %gather3A_505, %ge3A_507 : vector<16xf32>
      %jit3A_509 = arith.constant 1.000000e+00 : f32
      %jit3A_510 = arith.constant 0.000000e+00 : f32
      %broadcast_in_dim3A_511 = vector.broadcast %jit3A_509 : f32 to vector<16xf32>
      %broadcast_in_dim3A_512 = vector.broadcast %jit3A_510 : f32 to vector<16xf32>
      %select_n3A_513 = arith.select %ge3A_508, %broadcast_in_dim3A_511, %broadcast_in_dim3A_512 : vector<16xi1>, vector<16xf32>
      tpu.vector_store_idx %arg6[%broadcast_in_dim3A_18, %get3A_5], %select_n3A_513 : memref<4x2048xf32, #tpu.memory_space<vmem>>[vector<16xi32>, vector<16xi32>], vector<16xf32>,
      %gather3A_514 = tpu.vector_load_idx %arg6[%broadcast_in_dim3A_18, %get3A_7] : memref<4x2048xf32, #tpu.memory_space<vmem>>[vector<16xi32>, vector<16xi32>], vector<16xf32>,
      %ge3A_515 = arith.constant 0.000000e+00 : f32
      %ge3A_516 = vector.broadcast %ge3A_515 : f32 to vector<16xf32>
      %ge3A_517 = arith.cmpf oge, %gather3A_514, %ge3A_516 : vector<16xf32>
      %jit3A_518 = arith.constant 1.000000e+00 : f32
      %jit3A_519 = arith.constant 0.000000e+00 : f32
      %broadcast_in_dim3A_520 = vector.broadcast %jit3A_518 : f32 to vector<16xf32>
      %broadcast_in_dim3A_521 = vector.broadcast %jit3A_519 : f32 to vector<16xf32>
      %select_n3A_522 = arith.select %ge3A_517, %broadcast_in_dim3A_520, %broadcast_in_dim3A_521 : vector<16xi1>, vector<16xf32>
      tpu.vector_store_idx %arg6[%broadcast_in_dim3A_18, %get3A_7], %select_n3A_522 : memref<4x2048xf32, #tpu.memory_space<vmem>>[vector<16xi32>, vector<16xi32>], vector<16xf32>,
      %gather3A_523 = tpu.vector_load_idx %arg6[%broadcast_in_dim3A_18, %get3A_9] : memref<4x2048xf32, #tpu.memory_space<vmem>>[vector<16xi32>, vector<16xi32>], vector<16xf32>,
      %ge3A_524 = arith.constant 0.000000e+00 : f32
      %ge3A_525 = vector.broadcast %ge3A_524 : f32 to vector<16xf32>
      %ge3A_526 = arith.cmpf oge, %gather3A_523, %ge3A_525 : vector<16xf32>
      %jit3A_527 = arith.constant 1.000000e+00 : f32
      %jit3A_528 = arith.constant 0.000000e+00 : f32
      %broadcast_in_dim3A_529 = vector.broadcast %jit3A_527 : f32 to vector<16xf32>
      %broadcast_in_dim3A_530 = vector.broadcast %jit3A_528 : f32 to vector<16xf32>
      %select_n3A_531 = arith.select %ge3A_526, %broadcast_in_dim3A_529, %broadcast_in_dim3A_530 : vector<16xi1>, vector<16xf32>
      tpu.vector_store_idx %arg6[%broadcast_in_dim3A_18, %get3A_9], %select_n3A_531 : memref<4x2048xf32, #tpu.memory_space<vmem>>[vector<16xi32>, vector<16xi32>], vector<16xf32>,
      %gather3A_532 = tpu.vector_load_idx %arg6[%broadcast_in_dim3A_18, %get3A_11] : memref<4x2048xf32, #tpu.memory_space<vmem>>[vector<16xi32>, vector<16xi32>], vector<16xf32>,
      %ge3A_533 = arith.constant 0.000000e+00 : f32
      %ge3A_534 = vector.broadcast %ge3A_533 : f32 to vector<16xf32>
      %ge3A_535 = arith.cmpf oge, %gather3A_532, %ge3A_534 : vector<16xf32>
      %jit3A_536 = arith.constant 1.000000e+00 : f32
      %jit3A_537 = arith.constant 0.000000e+00 : f32
      %broadcast_in_dim3A_538 = vector.broadcast %jit3A_536 : f32 to vector<16xf32>
      %broadcast_in_dim3A_539 = vector.broadcast %jit3A_537 : f32 to vector<16xf32>
      %select_n3A_540 = arith.select %ge3A_535, %broadcast_in_dim3A_538, %broadcast_in_dim3A_539 : vector<16xi1>, vector<16xf32>
      tpu.vector_store_idx %arg6[%broadcast_in_dim3A_18, %get3A_11], %select_n3A_540 : memref<4x2048xf32, #tpu.memory_space<vmem>>[vector<16xi32>, vector<16xi32>], vector<16xf32>,
      %gather3A_541 = tpu.vector_load_idx %arg6[%broadcast_in_dim3A_18, %get3A_13] : memref<4x2048xf32, #tpu.memory_space<vmem>>[vector<16xi32>, vector<16xi32>], vector<16xf32>,
      %ge3A_542 = arith.constant 0.000000e+00 : f32
      %ge3A_543 = vector.broadcast %ge3A_542 : f32 to vector<16xf32>
      %ge3A_544 = arith.cmpf oge, %gather3A_541, %ge3A_543 : vector<16xf32>
      %jit3A_545 = arith.constant 1.000000e+00 : f32
      %jit3A_546 = arith.constant 0.000000e+00 : f32
      %broadcast_in_dim3A_547 = vector.broadcast %jit3A_545 : f32 to vector<16xf32>
      %broadcast_in_dim3A_548 = vector.broadcast %jit3A_546 : f32 to vector<16xf32>
      %select_n3A_549 = arith.select %ge3A_544, %broadcast_in_dim3A_547, %broadcast_in_dim3A_548 : vector<16xi1>, vector<16xf32>
      tpu.vector_store_idx %arg6[%broadcast_in_dim3A_18, %get3A_13], %select_n3A_549 : memref<4x2048xf32, #tpu.memory_space<vmem>>[vector<16xi32>, vector<16xi32>], vector<16xf32>,
      %gather3A_550 = tpu.vector_load_idx %arg6[%broadcast_in_dim3A_18, %get3A_15] : memref<4x2048xf32, #tpu.memory_space<vmem>>[vector<16xi32>, vector<16xi32>], vector<16xf32>,
      %ge3A_551 = arith.constant 0.000000e+00 : f32
      %ge3A_552 = vector.broadcast %ge3A_551 : f32 to vector<16xf32>
      %ge3A_553 = arith.cmpf oge, %gather3A_550, %ge3A_552 : vector<16xf32>
      %jit3A_554 = arith.constant 1.000000e+00 : f32
      %jit3A_555 = arith.constant 0.000000e+00 : f32
      %broadcast_in_dim3A_556 = vector.broadcast %jit3A_554 : f32 to vector<16xf32>
      %broadcast_in_dim3A_557 = vector.broadcast %jit3A_555 : f32 to vector<16xf32>
      %select_n3A_558 = arith.select %ge3A_553, %broadcast_in_dim3A_556, %broadcast_in_dim3A_557 : vector<16xi1>, vector<16xf32>
      tpu.vector_store_idx %arg6[%broadcast_in_dim3A_18, %get3A_15], %select_n3A_558 : memref<4x2048xf32, #tpu.memory_space<vmem>>[vector<16xi32>, vector<16xi32>], vector<16xf32>,
      %gather3A_559 = tpu.vector_load_idx %arg6[%broadcast_in_dim3A_18, %get3A_17] : memref<4x2048xf32, #tpu.memory_space<vmem>>[vector<16xi32>, vector<16xi32>], vector<16xf32>,
      %ge3A_560 = arith.constant 0.000000e+00 : f32
      %ge3A_561 = vector.broadcast %ge3A_560 : f32 to vector<16xf32>
      %ge3A_562 = arith.cmpf oge, %gather3A_559, %ge3A_561 : vector<16xf32>
      %jit3A_563 = arith.constant 1.000000e+00 : f32
      %jit3A_564 = arith.constant 0.000000e+00 : f32
      %broadcast_in_dim3A_565 = vector.broadcast %jit3A_563 : f32 to vector<16xf32>
      %broadcast_in_dim3A_566 = vector.broadcast %jit3A_564 : f32 to vector<16xf32>
      %select_n3A_567 = arith.select %ge3A_562, %broadcast_in_dim3A_565, %broadcast_in_dim3A_566 : vector<16xi1>, vector<16xf32>
      tpu.vector_store_idx %arg6[%broadcast_in_dim3A_18, %get3A_17], %select_n3A_567 : memref<4x2048xf32, #tpu.memory_space<vmem>>[vector<16xi32>, vector<16xi32>], vector<16xf32>,
      %gather3A_568 = tpu.vector_load_idx %arg6[%broadcast_in_dim3A_20, %get3A_3] : memref<4x2048xf32, #tpu.memory_space<vmem>>[vector<16xi32>, vector<16xi32>], vector<16xf32>,
      %ge3A_569 = arith.constant 0.000000e+00 : f32
      %ge3A_570 = vector.broadcast %ge3A_569 : f32 to vector<16xf32>
      %ge3A_571 = arith.cmpf oge, %gather3A_568, %ge3A_570 : vector<16xf32>
      %jit3A_572 = arith.constant 1.000000e+00 : f32
      %jit3A_573 = arith.constant 0.000000e+00 : f32
      %broadcast_in_dim3A_574 = vector.broadcast %jit3A_572 : f32 to vector<16xf32>
      %broadcast_in_dim3A_575 = vector.broadcast %jit3A_573 : f32 to vector<16xf32>
      %select_n3A_576 = arith.select %ge3A_571, %broadcast_in_dim3A_574, %broadcast_in_dim3A_575 : vector<16xi1>, vector<16xf32>
      tpu.vector_store_idx %arg6[%broadcast_in_dim3A_20, %get3A_3], %select_n3A_576 : memref<4x2048xf32, #tpu.memory_space<vmem>>[vector<16xi32>, vector<16xi32>], vector<16xf32>,
      %gather3A_577 = tpu.vector_load_idx %arg6[%broadcast_in_dim3A_20, %get3A_5] : memref<4x2048xf32, #tpu.memory_space<vmem>>[vector<16xi32>, vector<16xi32>], vector<16xf32>,
      %ge3A_578 = arith.constant 0.000000e+00 : f32
      %ge3A_579 = vector.broadcast %ge3A_578 : f32 to vector<16xf32>
      %ge3A_580 = arith.cmpf oge, %gather3A_577, %ge3A_579 : vector<16xf32>
      %jit3A_581 = arith.constant 1.000000e+00 : f32
      %jit3A_582 = arith.constant 0.000000e+00 : f32
      %broadcast_in_dim3A_583 = vector.broadcast %jit3A_581 : f32 to vector<16xf32>
      %broadcast_in_dim3A_584 = vector.broadcast %jit3A_582 : f32 to vector<16xf32>
      %select_n3A_585 = arith.select %ge3A_580, %broadcast_in_dim3A_583, %broadcast_in_dim3A_584 : vector<16xi1>, vector<16xf32>
      tpu.vector_store_idx %arg6[%broadcast_in_dim3A_20, %get3A_5], %select_n3A_585 : memref<4x2048xf32, #tpu.memory_space<vmem>>[vector<16xi32>, vector<16xi32>], vector<16xf32>,
      %gather3A_586 = tpu.vector_load_idx %arg6[%broadcast_in_dim3A_20, %get3A_7] : memref<4x2048xf32, #tpu.memory_space<vmem>>[vector<16xi32>, vector<16xi32>], vector<16xf32>,
      %ge3A_587 = arith.constant 0.000000e+00 : f32
      %ge3A_588 = vector.broadcast %ge3A_587 : f32 to vector<16xf32>
      %ge3A_589 = arith.cmpf oge, %gather3A_586, %ge3A_588 : vector<16xf32>
      %jit3A_590 = arith.constant 1.000000e+00 : f32
      %jit3A_591 = arith.constant 0.000000e+00 : f32
      %broadcast_in_dim3A_592 = vector.broadcast %jit3A_590 : f32 to vector<16xf32>
      %broadcast_in_dim3A_593 = vector.broadcast %jit3A_591 : f32 to vector<16xf32>
      %select_n3A_594 = arith.select %ge3A_589, %broadcast_in_dim3A_592, %broadcast_in_dim3A_593 : vector<16xi1>, vector<16xf32>
      tpu.vector_store_idx %arg6[%broadcast_in_dim3A_20, %get3A_7], %select_n3A_594 : memref<4x2048xf32, #tpu.memory_space<vmem>>[vector<16xi32>, vector<16xi32>], vector<16xf32>,
      %gather3A_595 = tpu.vector_load_idx %arg6[%broadcast_in_dim3A_20, %get3A_9] : memref<4x2048xf32, #tpu.memory_space<vmem>>[vector<16xi32>, vector<16xi32>], vector<16xf32>,
      %ge3A_596 = arith.constant 0.000000e+00 : f32
      %ge3A_597 = vector.broadcast %ge3A_596 : f32 to vector<16xf32>
      %ge3A_598 = arith.cmpf oge, %gather3A_595, %ge3A_597 : vector<16xf32>
      %jit3A_599 = arith.constant 1.000000e+00 : f32
      %jit3A_600 = arith.constant 0.000000e+00 : f32
      %broadcast_in_dim3A_601 = vector.broadcast %jit3A_599 : f32 to vector<16xf32>
      %broadcast_in_dim3A_602 = vector.broadcast %jit3A_600 : f32 to vector<16xf32>
      %select_n3A_603 = arith.select %ge3A_598, %broadcast_in_dim3A_601, %broadcast_in_dim3A_602 : vector<16xi1>, vector<16xf32>
      tpu.vector_store_idx %arg6[%broadcast_in_dim3A_20, %get3A_9], %select_n3A_603 : memref<4x2048xf32, #tpu.memory_space<vmem>>[vector<16xi32>, vector<16xi32>], vector<16xf32>,
      %gather3A_604 = tpu.vector_load_idx %arg6[%broadcast_in_dim3A_20, %get3A_11] : memref<4x2048xf32, #tpu.memory_space<vmem>>[vector<16xi32>, vector<16xi32>], vector<16xf32>,
      %ge3A_605 = arith.constant 0.000000e+00 : f32
      %ge3A_606 = vector.broadcast %ge3A_605 : f32 to vector<16xf32>
      %ge3A_607 = arith.cmpf oge, %gather3A_604, %ge3A_606 : vector<16xf32>
      %jit3A_608 = arith.constant 1.000000e+00 : f32
      %jit3A_609 = arith.constant 0.000000e+00 : f32
      %broadcast_in_dim3A_610 = vector.broadcast %jit3A_608 : f32 to vector<16xf32>
      %broadcast_in_dim3A_611 = vector.broadcast %jit3A_609 : f32 to vector<16xf32>
      %select_n3A_612 = arith.select %ge3A_607, %broadcast_in_dim3A_610, %broadcast_in_dim3A_611 : vector<16xi1>, vector<16xf32>
      tpu.vector_store_idx %arg6[%broadcast_in_dim3A_20, %get3A_11], %select_n3A_612 : memref<4x2048xf32, #tpu.memory_space<vmem>>[vector<16xi32>, vector<16xi32>], vector<16xf32>,
      %gather3A_613 = tpu.vector_load_idx %arg6[%broadcast_in_dim3A_20, %get3A_13] : memref<4x2048xf32, #tpu.memory_space<vmem>>[vector<16xi32>, vector<16xi32>], vector<16xf32>,
      %ge3A_614 = arith.constant 0.000000e+00 : f32
      %ge3A_615 = vector.broadcast %ge3A_614 : f32 to vector<16xf32>
      %ge3A_616 = arith.cmpf oge, %gather3A_613, %ge3A_615 : vector<16xf32>
      %jit3A_617 = arith.constant 1.000000e+00 : f32
      %jit3A_618 = arith.constant 0.000000e+00 : f32
      %broadcast_in_dim3A_619 = vector.broadcast %jit3A_617 : f32 to vector<16xf32>
      %broadcast_in_dim3A_620 = vector.broadcast %jit3A_618 : f32 to vector<16xf32>
      %select_n3A_621 = arith.select %ge3A_616, %broadcast_in_dim3A_619, %broadcast_in_dim3A_620 : vector<16xi1>, vector<16xf32>
      tpu.vector_store_idx %arg6[%broadcast_in_dim3A_20, %get3A_13], %select_n3A_621 : memref<4x2048xf32, #tpu.memory_space<vmem>>[vector<16xi32>, vector<16xi32>], vector<16xf32>,
      %gather3A_622 = tpu.vector_load_idx %arg6[%broadcast_in_dim3A_20, %get3A_15] : memref<4x2048xf32, #tpu.memory_space<vmem>>[vector<16xi32>, vector<16xi32>], vector<16xf32>,
      %ge3A_623 = arith.constant 0.000000e+00 : f32
      %ge3A_624 = vector.broadcast %ge3A_623 : f32 to vector<16xf32>
      %ge3A_625 = arith.cmpf oge, %gather3A_622, %ge3A_624 : vector<16xf32>
      %jit3A_626 = arith.constant 1.000000e+00 : f32
      %jit3A_627 = arith.constant 0.000000e+00 : f32
      %broadcast_in_dim3A_628 = vector.broadcast %jit3A_626 : f32 to vector<16xf32>
      %broadcast_in_dim3A_629 = vector.broadcast %jit3A_627 : f32 to vector<16xf32>
      %select_n3A_630 = arith.select %ge3A_625, %broadcast_in_dim3A_628, %broadcast_in_dim3A_629 : vector<16xi1>, vector<16xf32>
      tpu.vector_store_idx %arg6[%broadcast_in_dim3A_20, %get3A_15], %select_n3A_630 : memref<4x2048xf32, #tpu.memory_space<vmem>>[vector<16xi32>, vector<16xi32>], vector<16xf32>,
      %gather3A_631 = tpu.vector_load_idx %arg6[%broadcast_in_dim3A_20, %get3A_17] : memref<4x2048xf32, #tpu.memory_space<vmem>>[vector<16xi32>, vector<16xi32>], vector<16xf32>,
      %ge3A_632 = arith.constant 0.000000e+00 : f32
      %ge3A_633 = vector.broadcast %ge3A_632 : f32 to vector<16xf32>
      %ge3A_634 = arith.cmpf oge, %gather3A_631, %ge3A_633 : vector<16xf32>
      %jit3A_635 = arith.constant 1.000000e+00 : f32
      %jit3A_636 = arith.constant 0.000000e+00 : f32
      %broadcast_in_dim3A_637 = vector.broadcast %jit3A_635 : f32 to vector<16xf32>
      %broadcast_in_dim3A_638 = vector.broadcast %jit3A_636 : f32 to vector<16xf32>
      %select_n3A_639 = arith.select %ge3A_634, %broadcast_in_dim3A_637, %broadcast_in_dim3A_638 : vector<16xi1>, vector<16xf32>
      tpu.vector_store_idx %arg6[%broadcast_in_dim3A_20, %get3A_17], %select_n3A_639 : memref<4x2048xf32, #tpu.memory_space<vmem>>[vector<16xi32>, vector<16xi32>], vector<16xf32>,
      %gather3A_640 = tpu.vector_load_idx %arg6[%broadcast_in_dim3A_22, %get3A_3] : memref<4x2048xf32, #tpu.memory_space<vmem>>[vector<16xi32>, vector<16xi32>], vector<16xf32>,
      %ge3A_641 = arith.constant 0.000000e+00 : f32
      %ge3A_642 = vector.broadcast %ge3A_641 : f32 to vector<16xf32>
      %ge3A_643 = arith.cmpf oge, %gather3A_640, %ge3A_642 : vector<16xf32>
      %jit3A_644 = arith.constant 1.000000e+00 : f32
      %jit3A_645 = arith.constant 0.000000e+00 : f32
      %broadcast_in_dim3A_646 = vector.broadcast %jit3A_644 : f32 to vector<16xf32>
      %broadcast_in_dim3A_647 = vector.broadcast %jit3A_645 : f32 to vector<16xf32>
      %select_n3A_648 = arith.select %ge3A_643, %broadcast_in_dim3A_646, %broadcast_in_dim3A_647 : vector<16xi1>, vector<16xf32>
      tpu.vector_store_idx %arg6[%broadcast_in_dim3A_22, %get3A_3], %select_n3A_648 : memref<4x2048xf32, #tpu.memory_space<vmem>>[vector<16xi32>, vector<16xi32>], vector<16xf32>,
      %gather3A_649 = tpu.vector_load_idx %arg6[%broadcast_in_dim3A_22, %get3A_5] : memref<4x2048xf32, #tpu.memory_space<vmem>>[vector<16xi32>, vector<16xi32>], vector<16xf32>,
      %ge3A_650 = arith.constant 0.000000e+00 : f32
      %ge3A_651 = vector.broadcast %ge3A_650 : f32 to vector<16xf32>
      %ge3A_652 = arith.cmpf oge, %gather3A_649, %ge3A_651 : vector<16xf32>
      %jit3A_653 = arith.constant 1.000000e+00 : f32
      %jit3A_654 = arith.constant 0.000000e+00 : f32
      %broadcast_in_dim3A_655 = vector.broadcast %jit3A_653 : f32 to vector<16xf32>
      %broadcast_in_dim3A_656 = vector.broadcast %jit3A_654 : f32 to vector<16xf32>
      %select_n3A_657 = arith.select %ge3A_652, %broadcast_in_dim3A_655, %broadcast_in_dim3A_656 : vector<16xi1>, vector<16xf32>
      tpu.vector_store_idx %arg6[%broadcast_in_dim3A_22, %get3A_5], %select_n3A_657 : memref<4x2048xf32, #tpu.memory_space<vmem>>[vector<16xi32>, vector<16xi32>], vector<16xf32>,
      %gather3A_658 = tpu.vector_load_idx %arg6[%broadcast_in_dim3A_22, %get3A_7] : memref<4x2048xf32, #tpu.memory_space<vmem>>[vector<16xi32>, vector<16xi32>], vector<16xf32>,
      %ge3A_659 = arith.constant 0.000000e+00 : f32
      %ge3A_660 = vector.broadcast %ge3A_659 : f32 to vector<16xf32>
      %ge3A_661 = arith.cmpf oge, %gather3A_658, %ge3A_660 : vector<16xf32>
      %jit3A_662 = arith.constant 1.000000e+00 : f32
      %jit3A_663 = arith.constant 0.000000e+00 : f32
      %broadcast_in_dim3A_664 = vector.broadcast %jit3A_662 : f32 to vector<16xf32>
      %broadcast_in_dim3A_665 = vector.broadcast %jit3A_663 : f32 to vector<16xf32>
      %select_n3A_666 = arith.select %ge3A_661, %broadcast_in_dim3A_664, %broadcast_in_dim3A_665 : vector<16xi1>, vector<16xf32>
      tpu.vector_store_idx %arg6[%broadcast_in_dim3A_22, %get3A_7], %select_n3A_666 : memref<4x2048xf32, #tpu.memory_space<vmem>>[vector<16xi32>, vector<16xi32>], vector<16xf32>,
      %gather3A_667 = tpu.vector_load_idx %arg6[%broadcast_in_dim3A_22, %get3A_9] : memref<4x2048xf32, #tpu.memory_space<vmem>>[vector<16xi32>, vector<16xi32>], vector<16xf32>,
      %ge3A_668 = arith.constant 0.000000e+00 : f32
      %ge3A_669 = vector.broadcast %ge3A_668 : f32 to vector<16xf32>
      %ge3A_670 = arith.cmpf oge, %gather3A_667, %ge3A_669 : vector<16xf32>
      %jit3A_671 = arith.constant 1.000000e+00 : f32
      %jit3A_672 = arith.constant 0.000000e+00 : f32
      %broadcast_in_dim3A_673 = vector.broadcast %jit3A_671 : f32 to vector<16xf32>
      %broadcast_in_dim3A_674 = vector.broadcast %jit3A_672 : f32 to vector<16xf32>
      %select_n3A_675 = arith.select %ge3A_670, %broadcast_in_dim3A_673, %broadcast_in_dim3A_674 : vector<16xi1>, vector<16xf32>
      tpu.vector_store_idx %arg6[%broadcast_in_dim3A_22, %get3A_9], %select_n3A_675 : memref<4x2048xf32, #tpu.memory_space<vmem>>[vector<16xi32>, vector<16xi32>], vector<16xf32>,
      %gather3A_676 = tpu.vector_load_idx %arg6[%broadcast_in_dim3A_22, %get3A_11] : memref<4x2048xf32, #tpu.memory_space<vmem>>[vector<16xi32>, vector<16xi32>], vector<16xf32>,
      %ge3A_677 = arith.constant 0.000000e+00 : f32
      %ge3A_678 = vector.broadcast %ge3A_677 : f32 to vector<16xf32>
      %ge3A_679 = arith.cmpf oge, %gather3A_676, %ge3A_678 : vector<16xf32>
      %jit3A_680 = arith.constant 1.000000e+00 : f32
      %jit3A_681 = arith.constant 0.000000e+00 : f32
      %broadcast_in_dim3A_682 = vector.broadcast %jit3A_680 : f32 to vector<16xf32>
      %broadcast_in_dim3A_683 = vector.broadcast %jit3A_681 : f32 to vector<16xf32>
      %select_n3A_684 = arith.select %ge3A_679, %broadcast_in_dim3A_682, %broadcast_in_dim3A_683 : vector<16xi1>, vector<16xf32>
      tpu.vector_store_idx %arg6[%broadcast_in_dim3A_22, %get3A_11], %select_n3A_684 : memref<4x2048xf32, #tpu.memory_space<vmem>>[vector<16xi32>, vector<16xi32>], vector<16xf32>,
      %gather3A_685 = tpu.vector_load_idx %arg6[%broadcast_in_dim3A_22, %get3A_13] : memref<4x2048xf32, #tpu.memory_space<vmem>>[vector<16xi32>, vector<16xi32>], vector<16xf32>,
      %ge3A_686 = arith.constant 0.000000e+00 : f32
      %ge3A_687 = vector.broadcast %ge3A_686 : f32 to vector<16xf32>
      %ge3A_688 = arith.cmpf oge, %gather3A_685, %ge3A_687 : vector<16xf32>
      %jit3A_689 = arith.constant 1.000000e+00 : f32
      %jit3A_690 = arith.constant 0.000000e+00 : f32
      %broadcast_in_dim3A_691 = vector.broadcast %jit3A_689 : f32 to vector<16xf32>
      %broadcast_in_dim3A_692 = vector.broadcast %jit3A_690 : f32 to vector<16xf32>
      %select_n3A_693 = arith.select %ge3A_688, %broadcast_in_dim3A_691, %broadcast_in_dim3A_692 : vector<16xi1>, vector<16xf32>
      tpu.vector_store_idx %arg6[%broadcast_in_dim3A_22, %get3A_13], %select_n3A_693 : memref<4x2048xf32, #tpu.memory_space<vmem>>[vector<16xi32>, vector<16xi32>], vector<16xf32>,
      %gather3A_694 = tpu.vector_load_idx %arg6[%broadcast_in_dim3A_22, %get3A_15] : memref<4x2048xf32, #tpu.memory_space<vmem>>[vector<16xi32>, vector<16xi32>], vector<16xf32>,
      %ge3A_695 = arith.constant 0.000000e+00 : f32
      %ge3A_696 = vector.broadcast %ge3A_695 : f32 to vector<16xf32>
      %ge3A_697 = arith.cmpf oge, %gather3A_694, %ge3A_696 : vector<16xf32>
      %jit3A_698 = arith.constant 1.000000e+00 : f32
      %jit3A_699 = arith.constant 0.000000e+00 : f32
      %broadcast_in_dim3A_700 = vector.broadcast %jit3A_698 : f32 to vector<16xf32>
      %broadcast_in_dim3A_701 = vector.broadcast %jit3A_699 : f32 to vector<16xf32>
      %select_n3A_702 = arith.select %ge3A_697, %broadcast_in_dim3A_700, %broadcast_in_dim3A_701 : vector<16xi1>, vector<16xf32>
      tpu.vector_store_idx %arg6[%broadcast_in_dim3A_22, %get3A_15], %select_n3A_702 : memref<4x2048xf32, #tpu.memory_space<vmem>>[vector<16xi32>, vector<16xi32>], vector<16xf32>,
      %gather3A_703 = tpu.vector_load_idx %arg6[%broadcast_in_dim3A_22, %get3A_17] : memref<4x2048xf32, #tpu.memory_space<vmem>>[vector<16xi32>, vector<16xi32>], vector<16xf32>,
      %ge3A_704 = arith.constant 0.000000e+00 : f32
      %ge3A_705 = vector.broadcast %ge3A_704 : f32 to vector<16xf32>
      %ge3A_706 = arith.cmpf oge, %gather3A_703, %ge3A_705 : vector<16xf32>
      %jit3A_707 = arith.constant 1.000000e+00 : f32
      %jit3A_708 = arith.constant 0.000000e+00 : f32
      %broadcast_in_dim3A_709 = vector.broadcast %jit3A_707 : f32 to vector<16xf32>
      %broadcast_in_dim3A_710 = vector.broadcast %jit3A_708 : f32 to vector<16xf32>
      %select_n3A_711 = arith.select %ge3A_706, %broadcast_in_dim3A_709, %broadcast_in_dim3A_710 : vector<16xi1>, vector<16xf32>
      tpu.vector_store_idx %arg6[%broadcast_in_dim3A_22, %get3A_17], %select_n3A_711 : memref<4x2048xf32, #tpu.memory_space<vmem>>[vector<16xi32>, vector<16xi32>], vector<16xf32>,
      %gather3A_712 = tpu.vector_load_idx %arg6[%broadcast_in_dim3A_24, %get3A_3] : memref<4x2048xf32, #tpu.memory_space<vmem>>[vector<16xi32>, vector<16xi32>], vector<16xf32>,
      %ge3A_713 = arith.constant 0.000000e+00 : f32
      %ge3A_714 = vector.broadcast %ge3A_713 : f32 to vector<16xf32>
      %ge3A_715 = arith.cmpf oge, %gather3A_712, %ge3A_714 : vector<16xf32>
      %jit3A_716 = arith.constant 1.000000e+00 : f32
      %jit3A_717 = arith.constant 0.000000e+00 : f32
      %broadcast_in_dim3A_718 = vector.broadcast %jit3A_716 : f32 to vector<16xf32>
      %broadcast_in_dim3A_719 = vector.broadcast %jit3A_717 : f32 to vector<16xf32>
      %select_n3A_720 = arith.select %ge3A_715, %broadcast_in_dim3A_718, %broadcast_in_dim3A_719 : vector<16xi1>, vector<16xf32>
      tpu.vector_store_idx %arg6[%broadcast_in_dim3A_24, %get3A_3], %select_n3A_720 : memref<4x2048xf32, #tpu.memory_space<vmem>>[vector<16xi32>, vector<16xi32>], vector<16xf32>,
      %gather3A_721 = tpu.vector_load_idx %arg6[%broadcast_in_dim3A_24, %get3A_5] : memref<4x2048xf32, #tpu.memory_space<vmem>>[vector<16xi32>, vector<16xi32>], vector<16xf32>,
      %ge3A_722 = arith.constant 0.000000e+00 : f32
      %ge3A_723 = vector.broadcast %ge3A_722 : f32 to vector<16xf32>
      %ge3A_724 = arith.cmpf oge, %gather3A_721, %ge3A_723 : vector<16xf32>
      %jit3A_725 = arith.constant 1.000000e+00 : f32
      %jit3A_726 = arith.constant 0.000000e+00 : f32
      %broadcast_in_dim3A_727 = vector.broadcast %jit3A_725 : f32 to vector<16xf32>
      %broadcast_in_dim3A_728 = vector.broadcast %jit3A_726 : f32 to vector<16xf32>
      %select_n3A_729 = arith.select %ge3A_724, %broadcast_in_dim3A_727, %broadcast_in_dim3A_728 : vector<16xi1>, vector<16xf32>
      tpu.vector_store_idx %arg6[%broadcast_in_dim3A_24, %get3A_5], %select_n3A_729 : memref<4x2048xf32, #tpu.memory_space<vmem>>[vector<16xi32>, vector<16xi32>], vector<16xf32>,
      %gather3A_730 = tpu.vector_load_idx %arg6[%broadcast_in_dim3A_24, %get3A_7] : memref<4x2048xf32, #tpu.memory_space<vmem>>[vector<16xi32>, vector<16xi32>], vector<16xf32>,
      %ge3A_731 = arith.constant 0.000000e+00 : f32
      %ge3A_732 = vector.broadcast %ge3A_731 : f32 to vector<16xf32>
      %ge3A_733 = arith.cmpf oge, %gather3A_730, %ge3A_732 : vector<16xf32>
      %jit3A_734 = arith.constant 1.000000e+00 : f32
      %jit3A_735 = arith.constant 0.000000e+00 : f32
      %broadcast_in_dim3A_736 = vector.broadcast %jit3A_734 : f32 to vector<16xf32>
      %broadcast_in_dim3A_737 = vector.broadcast %jit3A_735 : f32 to vector<16xf32>
      %select_n3A_738 = arith.select %ge3A_733, %broadcast_in_dim3A_736, %broadcast_in_dim3A_737 : vector<16xi1>, vector<16xf32>
      tpu.vector_store_idx %arg6[%broadcast_in_dim3A_24, %get3A_7], %select_n3A_738 : memref<4x2048xf32, #tpu.memory_space<vmem>>[vector<16xi32>, vector<16xi32>], vector<16xf32>,
      %gather3A_739 = tpu.vector_load_idx %arg6[%broadcast_in_dim3A_24, %get3A_9] : memref<4x2048xf32, #tpu.memory_space<vmem>>[vector<16xi32>, vector<16xi32>], vector<16xf32>,
      %ge3A_740 = arith.constant 0.000000e+00 : f32
      %ge3A_741 = vector.broadcast %ge3A_740 : f32 to vector<16xf32>
      %ge3A_742 = arith.cmpf oge, %gather3A_739, %ge3A_741 : vector<16xf32>
      %jit3A_743 = arith.constant 1.000000e+00 : f32
      %jit3A_744 = arith.constant 0.000000e+00 : f32
      %broadcast_in_dim3A_745 = vector.broadcast %jit3A_743 : f32 to vector<16xf32>
      %broadcast_in_dim3A_746 = vector.broadcast %jit3A_744 : f32 to vector<16xf32>
      %select_n3A_747 = arith.select %ge3A_742, %broadcast_in_dim3A_745, %broadcast_in_dim3A_746 : vector<16xi1>, vector<16xf32>
      tpu.vector_store_idx %arg6[%broadcast_in_dim3A_24, %get3A_9], %select_n3A_747 : memref<4x2048xf32, #tpu.memory_space<vmem>>[vector<16xi32>, vector<16xi32>], vector<16xf32>,
      %gather3A_748 = tpu.vector_load_idx %arg6[%broadcast_in_dim3A_24, %get3A_11] : memref<4x2048xf32, #tpu.memory_space<vmem>>[vector<16xi32>, vector<16xi32>], vector<16xf32>,
      %ge3A_749 = arith.constant 0.000000e+00 : f32
      %ge3A_750 = vector.broadcast %ge3A_749 : f32 to vector<16xf32>
      %ge3A_751 = arith.cmpf oge, %gather3A_748, %ge3A_750 : vector<16xf32>
      %jit3A_752 = arith.constant 1.000000e+00 : f32
      %jit3A_753 = arith.constant 0.000000e+00 : f32
      %broadcast_in_dim3A_754 = vector.broadcast %jit3A_752 : f32 to vector<16xf32>
      %broadcast_in_dim3A_755 = vector.broadcast %jit3A_753 : f32 to vector<16xf32>
      %select_n3A_756 = arith.select %ge3A_751, %broadcast_in_dim3A_754, %broadcast_in_dim3A_755 : vector<16xi1>, vector<16xf32>
      tpu.vector_store_idx %arg6[%broadcast_in_dim3A_24, %get3A_11], %select_n3A_756 : memref<4x2048xf32, #tpu.memory_space<vmem>>[vector<16xi32>, vector<16xi32>], vector<16xf32>,
      %gather3A_757 = tpu.vector_load_idx %arg6[%broadcast_in_dim3A_24, %get3A_13] : memref<4x2048xf32, #tpu.memory_space<vmem>>[vector<16xi32>, vector<16xi32>], vector<16xf32>,
      %ge3A_758 = arith.constant 0.000000e+00 : f32
      %ge3A_759 = vector.broadcast %ge3A_758 : f32 to vector<16xf32>
      %ge3A_760 = arith.cmpf oge, %gather3A_757, %ge3A_759 : vector<16xf32>
      %jit3A_761 = arith.constant 1.000000e+00 : f32
      %jit3A_762 = arith.constant 0.000000e+00 : f32
      %broadcast_in_dim3A_763 = vector.broadcast %jit3A_761 : f32 to vector<16xf32>
      %broadcast_in_dim3A_764 = vector.broadcast %jit3A_762 : f32 to vector<16xf32>
      %select_n3A_765 = arith.select %ge3A_760, %broadcast_in_dim3A_763, %broadcast_in_dim3A_764 : vector<16xi1>, vector<16xf32>
      tpu.vector_store_idx %arg6[%broadcast_in_dim3A_24, %get3A_13], %select_n3A_765 : memref<4x2048xf32, #tpu.memory_space<vmem>>[vector<16xi32>, vector<16xi32>], vector<16xf32>,
      %gather3A_766 = tpu.vector_load_idx %arg6[%broadcast_in_dim3A_24, %get3A_15] : memref<4x2048xf32, #tpu.memory_space<vmem>>[vector<16xi32>, vector<16xi32>], vector<16xf32>,
      %ge3A_767 = arith.constant 0.000000e+00 : f32
      %ge3A_768 = vector.broadcast %ge3A_767 : f32 to vector<16xf32>
      %ge3A_769 = arith.cmpf oge, %gather3A_766, %ge3A_768 : vector<16xf32>
      %jit3A_770 = arith.constant 1.000000e+00 : f32
      %jit3A_771 = arith.constant 0.000000e+00 : f32
      %broadcast_in_dim3A_772 = vector.broadcast %jit3A_770 : f32 to vector<16xf32>
      %broadcast_in_dim3A_773 = vector.broadcast %jit3A_771 : f32 to vector<16xf32>
      %select_n3A_774 = arith.select %ge3A_769, %broadcast_in_dim3A_772, %broadcast_in_dim3A_773 : vector<16xi1>, vector<16xf32>
      tpu.vector_store_idx %arg6[%broadcast_in_dim3A_24, %get3A_15], %select_n3A_774 : memref<4x2048xf32, #tpu.memory_space<vmem>>[vector<16xi32>, vector<16xi32>], vector<16xf32>,
      %gather3A_775 = tpu.vector_load_idx %arg6[%broadcast_in_dim3A_24, %get3A_17] : memref<4x2048xf32, #tpu.memory_space<vmem>>[vector<16xi32>, vector<16xi32>], vector<16xf32>,
      %ge3A_776 = arith.constant 0.000000e+00 : f32
      %ge3A_777 = vector.broadcast %ge3A_776 : f32 to vector<16xf32>
      %ge3A_778 = arith.cmpf oge, %gather3A_775, %ge3A_777 : vector<16xf32>
      %jit3A_779 = arith.constant 1.000000e+00 : f32
      %jit3A_780 = arith.constant 0.000000e+00 : f32
      %broadcast_in_dim3A_781 = vector.broadcast %jit3A_779 : f32 to vector<16xf32>
      %broadcast_in_dim3A_782 = vector.broadcast %jit3A_780 : f32 to vector<16xf32>
      %select_n3A_783 = arith.select %ge3A_778, %broadcast_in_dim3A_781, %broadcast_in_dim3A_782 : vector<16xi1>, vector<16xf32>
      tpu.vector_store_idx %arg6[%broadcast_in_dim3A_24, %get3A_17], %select_n3A_783 : memref<4x2048xf32, #tpu.memory_space<vmem>>[vector<16xi32>, vector<16xi32>], vector<16xf32>,
      %mul3A_784 = arith.constant 4 : i32
      %mul3A_785 = arith.muli %add3A_485, %mul3A_784 : i32
      %add3A_786 = arith.addi %mul3A_2, %mul3A_785 : i32
      %dma_start3A_787 = arith.constant 1 : i32
      %dma_start3A_788 = arith.constant 0 : i32
      %dma_start3A_789 = tpu.memref_slice %arg4[%add3A_786, %dma_start3A_788] : memref<16384x2048xf32, #tpu.memory_space<hbm>> -> memref<4x2048xf32, #tpu.memory_space<hbm>>
      %dma_start3A_790 = tpu.memref_slice %arg15[%dma_start3A_787] : memref<8x!tpu.dma_semaphore, #tpu.memory_space<semaphore_mem>> -> memref<1x!tpu.dma_semaphore, #tpu.memory_space<semaphore_mem>>
      %dma_start3A_791 = tpu.memref_squeeze %dma_start3A_790 : memref<1x!tpu.dma_semaphore, #tpu.memory_space<semaphore_mem>> -> memref<!tpu.dma_semaphore, #tpu.memory_space<semaphore_mem>>
      %dma_start3A_792 = arith.constant 0 : i32
      %dma_start3A_793 = tpu.memref_slice %arg4[%add3A_786, %dma_start3A_792] : memref<16384x2048xf32, #tpu.memory_space<hbm>> -> memref<4x2048xf32, #tpu.memory_space<hbm>>
      tpu.enqueue_dma source(%arg6 : memref<4x2048xf32, #tpu.memory_space<vmem>>) target(%dma_start3A_793 : memref<4x2048xf32, #tpu.memory_space<hbm>>) target_semaphore(%dma_start3A_791 : memref<!tpu.dma_semaphore, #tpu.memory_space<semaphore_mem>>)
      %add3A_794 = arith.constant 8 : i32
      %add3A_795 = arith.addi %add3A_485, %add3A_794 : i32
      %sub3A_796 = arith.constant 1 : i32
      %sub3A_797 = arith.subi %add3A_795, %sub3A_796 : i32
      %ge3A_798 = arith.constant 1 : i32
      %ge3A_799 = arith.cmpi sge, %add3A_485, %ge3A_798 : i32
      %lt3A_800 = arith.constant 128 : i32
      %lt3A_801 = arith.cmpi slt, %sub3A_797, %lt3A_800 : i32
      %and3A_802 = arith.andi %ge3A_799, %lt3A_801 : i1
      %convert_element_type3A_803 = arith.extui %and3A_802 : i1 to i32
      %cond3A_804 = arith.constant 0 : i32
      %cond3A_805 = arith.cmpi ne, %convert_element_type3A_803, %cond3A_804 : i32
      scf.if %cond3A_805 {
        %sub3A_2773 = arith.constant 1 : i32
        %sub3A_2774 = arith.subi %add3A_485, %sub3A_2773 : i32
        %mul3A_2775 = arith.constant 4 : i32
        %mul3A_2776 = arith.muli %sub3A_2774, %mul3A_2775 : i32
        %add3A_2777 = arith.addi %mul3A_2, %mul3A_2776 : i32
        %dma_wait3A_2778 = arith.constant 0 : i32
        %dma_wait3A_2779 = arith.constant 0 : i32
        %dma_wait3A_2780 = tpu.memref_slice %arg4[%add3A_2777, %dma_wait3A_2779] : memref<16384x2048xf32, #tpu.memory_space<hbm>> -> memref<4x2048xf32, #tpu.memory_space<hbm>>
        %dma_wait3A_2781 = tpu.memref_slice %arg15[%dma_wait3A_2778] : memref<8x!tpu.dma_semaphore, #tpu.memory_space<semaphore_mem>> -> memref<1x!tpu.dma_semaphore, #tpu.memory_space<semaphore_mem>>
        %dma_wait3A_2782 = tpu.memref_squeeze %dma_wait3A_2781 : memref<1x!tpu.dma_semaphore, #tpu.memory_space<semaphore_mem>> -> memref<!tpu.dma_semaphore, #tpu.memory_space<semaphore_mem>>
        %dma_wait3A_2783 = arith.constant 0 : i32
        %dma_wait3A_2784 = tpu.memref_slice %arg4[%add3A_2777, %dma_wait3A_2783] : memref<16384x2048xf32, #tpu.memory_space<hbm>> -> memref<4x2048xf32, #tpu.memory_space<hbm>>
        tpu.wait_dma2 semaphore(%dma_wait3A_2782 : memref<!tpu.dma_semaphore, #tpu.memory_space<semaphore_mem>>) src(%arg5 : memref<4x2048xf32, #tpu.memory_space<vmem>>) dst(%dma_wait3A_2784 : memref<4x2048xf32, #tpu.memory_space<hbm>>)
      } else {
      }
      %lt3A_806 = arith.constant 128 : i32
      %lt3A_807 = arith.cmpi slt, %sub3A_797, %lt3A_806 : i32
      %convert_element_type3A_808 = arith.extui %lt3A_807 : i1 to i32
      %cond3A_809 = arith.constant 0 : i32
      %cond3A_810 = arith.cmpi ne, %convert_element_type3A_808, %cond3A_809 : i32
      scf.if %cond3A_810 {
        %mul3A_2773 = arith.constant 4 : i32
        %mul3A_2774 = arith.muli %sub3A_797, %mul3A_2773 : i32
        %add3A_2775 = arith.addi %mul3A_2, %mul3A_2774 : i32
        %dma_start3A_2776 = arith.constant 0 : i32
        %dma_start3A_2777 = arith.constant 0 : i32
        %dma_start3A_2778 = tpu.memref_slice %arg2[%add3A_2775, %dma_start3A_2777] : memref<16384x2048xf32, #tpu.memory_space<hbm>> -> memref<4x2048xf32, #tpu.memory_space<hbm>>
        %dma_start3A_2779 = tpu.memref_slice %arg14[%dma_start3A_2776] : memref<8x!tpu.dma_semaphore, #tpu.memory_space<semaphore_mem>> -> memref<1x!tpu.dma_semaphore, #tpu.memory_space<semaphore_mem>>
        %dma_start3A_2780 = tpu.memref_squeeze %dma_start3A_2779 : memref<1x!tpu.dma_semaphore, #tpu.memory_space<semaphore_mem>> -> memref<!tpu.dma_semaphore, #tpu.memory_space<semaphore_mem>>
        %dma_start3A_2781 = arith.constant 0 : i32
        %dma_start3A_2782 = tpu.memref_slice %arg2[%add3A_2775, %dma_start3A_2781] : memref<16384x2048xf32, #tpu.memory_space<hbm>> -> memref<4x2048xf32, #tpu.memory_space<hbm>>
        tpu.enqueue_dma source(%dma_start3A_2782 : memref<4x2048xf32, #tpu.memory_space<hbm>>) target(%arg5 : memref<4x2048xf32, #tpu.memory_space<vmem>>) target_semaphore(%dma_start3A_2780 : memref<!tpu.dma_semaphore, #tpu.memory_space<semaphore_mem>>)
      } else {
      }
      %add3A_811 = arith.constant 2 : i32
      %add3A_812 = arith.addi %mul3A_165, %add3A_811 : i32
      %mul3A_813 = arith.constant 4 : i32
      %mul3A_814 = arith.muli %add3A_812, %mul3A_813 : i32
      %add3A_815 = arith.addi %mul3A_2, %mul3A_814 : i32
      %dma_wait3A_816 = arith.constant 2 : i32
      %dma_wait3A_817 = arith.constant 0 : i32
      %dma_wait3A_818 = tpu.memref_slice %arg2[%add3A_815, %dma_wait3A_817] : memref<16384x2048xf32, #tpu.memory_space<hbm>> -> memref<4x2048xf32, #tpu.memory_space<hbm>>
      %dma_wait3A_819 = tpu.memref_slice %arg14[%dma_wait3A_816] : memref<8x!tpu.dma_semaphore, #tpu.memory_space<semaphore_mem>> -> memref<1x!tpu.dma_semaphore, #tpu.memory_space<semaphore_mem>>
      %dma_wait3A_820 = tpu.memref_squeeze %dma_wait3A_819 : memref<1x!tpu.dma_semaphore, #tpu.memory_space<semaphore_mem>> -> memref<!tpu.dma_semaphore, #tpu.memory_space<semaphore_mem>>
      %dma_wait3A_821 = arith.constant 0 : i32
      %dma_wait3A_822 = tpu.memref_slice %arg2[%add3A_815, %dma_wait3A_821] : memref<16384x2048xf32, #tpu.memory_space<hbm>> -> memref<4x2048xf32, #tpu.memory_space<hbm>>
      tpu.wait_dma2 semaphore(%dma_wait3A_820 : memref<!tpu.dma_semaphore, #tpu.memory_space<semaphore_mem>>) src(%dma_wait3A_822 : memref<4x2048xf32, #tpu.memory_space<hbm>>) dst(%arg7 : memref<4x2048xf32, #tpu.memory_space<vmem>>)
      %gather3A_823 = tpu.vector_load_idx %arg7[%broadcast_in_dim3A_18, %get3A_3] : memref<4x2048xf32, #tpu.memory_space<vmem>>[vector<16xi32>, vector<16xi32>], vector<16xf32>,
      %ge3A_824 = arith.constant 0.000000e+00 : f32
      %ge3A_825 = vector.broadcast %ge3A_824 : f32 to vector<16xf32>
      %ge3A_826 = arith.cmpf oge, %gather3A_823, %ge3A_825 : vector<16xf32>
      %jit3A_827 = arith.constant 1.000000e+00 : f32
      %jit3A_828 = arith.constant 0.000000e+00 : f32
      %broadcast_in_dim3A_829 = vector.broadcast %jit3A_827 : f32 to vector<16xf32>
      %broadcast_in_dim3A_830 = vector.broadcast %jit3A_828 : f32 to vector<16xf32>
      %select_n3A_831 = arith.select %ge3A_826, %broadcast_in_dim3A_829, %broadcast_in_dim3A_830 : vector<16xi1>, vector<16xf32>
      tpu.vector_store_idx %arg7[%broadcast_in_dim3A_18, %get3A_3], %select_n3A_831 : memref<4x2048xf32, #tpu.memory_space<vmem>>[vector<16xi32>, vector<16xi32>], vector<16xf32>,
      %gather3A_832 = tpu.vector_load_idx %arg7[%broadcast_in_dim3A_18, %get3A_5] : memref<4x2048xf32, #tpu.memory_space<vmem>>[vector<16xi32>, vector<16xi32>], vector<16xf32>,
      %ge3A_833 = arith.constant 0.000000e+00 : f32
      %ge3A_834 = vector.broadcast %ge3A_833 : f32 to vector<16xf32>
      %ge3A_835 = arith.cmpf oge, %gather3A_832, %ge3A_834 : vector<16xf32>
      %jit3A_836 = arith.constant 1.000000e+00 : f32
      %jit3A_837 = arith.constant 0.000000e+00 : f32
      %broadcast_in_dim3A_838 = vector.broadcast %jit3A_836 : f32 to vector<16xf32>
      %broadcast_in_dim3A_839 = vector.broadcast %jit3A_837 : f32 to vector<16xf32>
      %select_n3A_840 = arith.select %ge3A_835, %broadcast_in_dim3A_838, %broadcast_in_dim3A_839 : vector<16xi1>, vector<16xf32>
      tpu.vector_store_idx %arg7[%broadcast_in_dim3A_18, %get3A_5], %select_n3A_840 : memref<4x2048xf32, #tpu.memory_space<vmem>>[vector<16xi32>, vector<16xi32>], vector<16xf32>,
      %gather3A_841 = tpu.vector_load_idx %arg7[%broadcast_in_dim3A_18, %get3A_7] : memref<4x2048xf32, #tpu.memory_space<vmem>>[vector<16xi32>, vector<16xi32>], vector<16xf32>,
      %ge3A_842 = arith.constant 0.000000e+00 : f32
      %ge3A_843 = vector.broadcast %ge3A_842 : f32 to vector<16xf32>
      %ge3A_844 = arith.cmpf oge, %gather3A_841, %ge3A_843 : vector<16xf32>
      %jit3A_845 = arith.constant 1.000000e+00 : f32
      %jit3A_846 = arith.constant 0.000000e+00 : f32
      %broadcast_in_dim3A_847 = vector.broadcast %jit3A_845 : f32 to vector<16xf32>
      %broadcast_in_dim3A_848 = vector.broadcast %jit3A_846 : f32 to vector<16xf32>
      %select_n3A_849 = arith.select %ge3A_844, %broadcast_in_dim3A_847, %broadcast_in_dim3A_848 : vector<16xi1>, vector<16xf32>
      tpu.vector_store_idx %arg7[%broadcast_in_dim3A_18, %get3A_7], %select_n3A_849 : memref<4x2048xf32, #tpu.memory_space<vmem>>[vector<16xi32>, vector<16xi32>], vector<16xf32>,
      %gather3A_850 = tpu.vector_load_idx %arg7[%broadcast_in_dim3A_18, %get3A_9] : memref<4x2048xf32, #tpu.memory_space<vmem>>[vector<16xi32>, vector<16xi32>], vector<16xf32>,
      %ge3A_851 = arith.constant 0.000000e+00 : f32
      %ge3A_852 = vector.broadcast %ge3A_851 : f32 to vector<16xf32>
      %ge3A_853 = arith.cmpf oge, %gather3A_850, %ge3A_852 : vector<16xf32>
      %jit3A_854 = arith.constant 1.000000e+00 : f32
      %jit3A_855 = arith.constant 0.000000e+00 : f32
      %broadcast_in_dim3A_856 = vector.broadcast %jit3A_854 : f32 to vector<16xf32>
      %broadcast_in_dim3A_857 = vector.broadcast %jit3A_855 : f32 to vector<16xf32>
      %select_n3A_858 = arith.select %ge3A_853, %broadcast_in_dim3A_856, %broadcast_in_dim3A_857 : vector<16xi1>, vector<16xf32>
      tpu.vector_store_idx %arg7[%broadcast_in_dim3A_18, %get3A_9], %select_n3A_858 : memref<4x2048xf32, #tpu.memory_space<vmem>>[vector<16xi32>, vector<16xi32>], vector<16xf32>,
      %gather3A_859 = tpu.vector_load_idx %arg7[%broadcast_in_dim3A_18, %get3A_11] : memref<4x2048xf32, #tpu.memory_space<vmem>>[vector<16xi32>, vector<16xi32>], vector<16xf32>,
      %ge3A_860 = arith.constant 0.000000e+00 : f32
      %ge3A_861 = vector.broadcast %ge3A_860 : f32 to vector<16xf32>
      %ge3A_862 = arith.cmpf oge, %gather3A_859, %ge3A_861 : vector<16xf32>
      %jit3A_863 = arith.constant 1.000000e+00 : f32
      %jit3A_864 = arith.constant 0.000000e+00 : f32
      %broadcast_in_dim3A_865 = vector.broadcast %jit3A_863 : f32 to vector<16xf32>
      %broadcast_in_dim3A_866 = vector.broadcast %jit3A_864 : f32 to vector<16xf32>
      %select_n3A_867 = arith.select %ge3A_862, %broadcast_in_dim3A_865, %broadcast_in_dim3A_866 : vector<16xi1>, vector<16xf32>
      tpu.vector_store_idx %arg7[%broadcast_in_dim3A_18, %get3A_11], %select_n3A_867 : memref<4x2048xf32, #tpu.memory_space<vmem>>[vector<16xi32>, vector<16xi32>], vector<16xf32>,
      %gather3A_868 = tpu.vector_load_idx %arg7[%broadcast_in_dim3A_18, %get3A_13] : memref<4x2048xf32, #tpu.memory_space<vmem>>[vector<16xi32>, vector<16xi32>], vector<16xf32>,
      %ge3A_869 = arith.constant 0.000000e+00 : f32
      %ge3A_870 = vector.broadcast %ge3A_869 : f32 to vector<16xf32>
      %ge3A_871 = arith.cmpf oge, %gather3A_868, %ge3A_870 : vector<16xf32>
      %jit3A_872 = arith.constant 1.000000e+00 : f32
      %jit3A_873 = arith.constant 0.000000e+00 : f32
      %broadcast_in_dim3A_874 = vector.broadcast %jit3A_872 : f32 to vector<16xf32>
      %broadcast_in_dim3A_875 = vector.broadcast %jit3A_873 : f32 to vector<16xf32>
      %select_n3A_876 = arith.select %ge3A_871, %broadcast_in_dim3A_874, %broadcast_in_dim3A_875 : vector<16xi1>, vector<16xf32>
      tpu.vector_store_idx %arg7[%broadcast_in_dim3A_18, %get3A_13], %select_n3A_876 : memref<4x2048xf32, #tpu.memory_space<vmem>>[vector<16xi32>, vector<16xi32>], vector<16xf32>,
      %gather3A_877 = tpu.vector_load_idx %arg7[%broadcast_in_dim3A_18, %get3A_15] : memref<4x2048xf32, #tpu.memory_space<vmem>>[vector<16xi32>, vector<16xi32>], vector<16xf32>,
      %ge3A_878 = arith.constant 0.000000e+00 : f32
      %ge3A_879 = vector.broadcast %ge3A_878 : f32 to vector<16xf32>
      %ge3A_880 = arith.cmpf oge, %gather3A_877, %ge3A_879 : vector<16xf32>
      %jit3A_881 = arith.constant 1.000000e+00 : f32
      %jit3A_882 = arith.constant 0.000000e+00 : f32
      %broadcast_in_dim3A_883 = vector.broadcast %jit3A_881 : f32 to vector<16xf32>
      %broadcast_in_dim3A_884 = vector.broadcast %jit3A_882 : f32 to vector<16xf32>
      %select_n3A_885 = arith.select %ge3A_880, %broadcast_in_dim3A_883, %broadcast_in_dim3A_884 : vector<16xi1>, vector<16xf32>
      tpu.vector_store_idx %arg7[%broadcast_in_dim3A_18, %get3A_15], %select_n3A_885 : memref<4x2048xf32, #tpu.memory_space<vmem>>[vector<16xi32>, vector<16xi32>], vector<16xf32>,
      %gather3A_886 = tpu.vector_load_idx %arg7[%broadcast_in_dim3A_18, %get3A_17] : memref<4x2048xf32, #tpu.memory_space<vmem>>[vector<16xi32>, vector<16xi32>], vector<16xf32>,
      %ge3A_887 = arith.constant 0.000000e+00 : f32
      %ge3A_888 = vector.broadcast %ge3A_887 : f32 to vector<16xf32>
      %ge3A_889 = arith.cmpf oge, %gather3A_886, %ge3A_888 : vector<16xf32>
      %jit3A_890 = arith.constant 1.000000e+00 : f32
      %jit3A_891 = arith.constant 0.000000e+00 : f32
      %broadcast_in_dim3A_892 = vector.broadcast %jit3A_890 : f32 to vector<16xf32>
      %broadcast_in_dim3A_893 = vector.broadcast %jit3A_891 : f32 to vector<16xf32>
      %select_n3A_894 = arith.select %ge3A_889, %broadcast_in_dim3A_892, %broadcast_in_dim3A_893 : vector<16xi1>, vector<16xf32>
      tpu.vector_store_idx %arg7[%broadcast_in_dim3A_18, %get3A_17], %select_n3A_894 : memref<4x2048xf32, #tpu.memory_space<vmem>>[vector<16xi32>, vector<16xi32>], vector<16xf32>,
      %gather3A_895 = tpu.vector_load_idx %arg7[%broadcast_in_dim3A_20, %get3A_3] : memref<4x2048xf32, #tpu.memory_space<vmem>>[vector<16xi32>, vector<16xi32>], vector<16xf32>,
      %ge3A_896 = arith.constant 0.000000e+00 : f32
      %ge3A_897 = vector.broadcast %ge3A_896 : f32 to vector<16xf32>
      %ge3A_898 = arith.cmpf oge, %gather3A_895, %ge3A_897 : vector<16xf32>
      %jit3A_899 = arith.constant 1.000000e+00 : f32
      %jit3A_900 = arith.constant 0.000000e+00 : f32
      %broadcast_in_dim3A_901 = vector.broadcast %jit3A_899 : f32 to vector<16xf32>
      %broadcast_in_dim3A_902 = vector.broadcast %jit3A_900 : f32 to vector<16xf32>
      %select_n3A_903 = arith.select %ge3A_898, %broadcast_in_dim3A_901, %broadcast_in_dim3A_902 : vector<16xi1>, vector<16xf32>
      tpu.vector_store_idx %arg7[%broadcast_in_dim3A_20, %get3A_3], %select_n3A_903 : memref<4x2048xf32, #tpu.memory_space<vmem>>[vector<16xi32>, vector<16xi32>], vector<16xf32>,
      %gather3A_904 = tpu.vector_load_idx %arg7[%broadcast_in_dim3A_20, %get3A_5] : memref<4x2048xf32, #tpu.memory_space<vmem>>[vector<16xi32>, vector<16xi32>], vector<16xf32>,
      %ge3A_905 = arith.constant 0.000000e+00 : f32
      %ge3A_906 = vector.broadcast %ge3A_905 : f32 to vector<16xf32>
      %ge3A_907 = arith.cmpf oge, %gather3A_904, %ge3A_906 : vector<16xf32>
      %jit3A_908 = arith.constant 1.000000e+00 : f32
      %jit3A_909 = arith.constant 0.000000e+00 : f32
      %broadcast_in_dim3A_910 = vector.broadcast %jit3A_908 : f32 to vector<16xf32>
      %broadcast_in_dim3A_911 = vector.broadcast %jit3A_909 : f32 to vector<16xf32>
      %select_n3A_912 = arith.select %ge3A_907, %broadcast_in_dim3A_910, %broadcast_in_dim3A_911 : vector<16xi1>, vector<16xf32>
      tpu.vector_store_idx %arg7[%broadcast_in_dim3A_20, %get3A_5], %select_n3A_912 : memref<4x2048xf32, #tpu.memory_space<vmem>>[vector<16xi32>, vector<16xi32>], vector<16xf32>,
      %gather3A_913 = tpu.vector_load_idx %arg7[%broadcast_in_dim3A_20, %get3A_7] : memref<4x2048xf32, #tpu.memory_space<vmem>>[vector<16xi32>, vector<16xi32>], vector<16xf32>,
      %ge3A_914 = arith.constant 0.000000e+00 : f32
      %ge3A_915 = vector.broadcast %ge3A_914 : f32 to vector<16xf32>
      %ge3A_916 = arith.cmpf oge, %gather3A_913, %ge3A_915 : vector<16xf32>
      %jit3A_917 = arith.constant 1.000000e+00 : f32
      %jit3A_918 = arith.constant 0.000000e+00 : f32
      %broadcast_in_dim3A_919 = vector.broadcast %jit3A_917 : f32 to vector<16xf32>
      %broadcast_in_dim3A_920 = vector.broadcast %jit3A_918 : f32 to vector<16xf32>
      %select_n3A_921 = arith.select %ge3A_916, %broadcast_in_dim3A_919, %broadcast_in_dim3A_920 : vector<16xi1>, vector<16xf32>
      tpu.vector_store_idx %arg7[%broadcast_in_dim3A_20, %get3A_7], %select_n3A_921 : memref<4x2048xf32, #tpu.memory_space<vmem>>[vector<16xi32>, vector<16xi32>], vector<16xf32>,
      %gather3A_922 = tpu.vector_load_idx %arg7[%broadcast_in_dim3A_20, %get3A_9] : memref<4x2048xf32, #tpu.memory_space<vmem>>[vector<16xi32>, vector<16xi32>], vector<16xf32>,
      %ge3A_923 = arith.constant 0.000000e+00 : f32
      %ge3A_924 = vector.broadcast %ge3A_923 : f32 to vector<16xf32>
      %ge3A_925 = arith.cmpf oge, %gather3A_922, %ge3A_924 : vector<16xf32>
      %jit3A_926 = arith.constant 1.000000e+00 : f32
      %jit3A_927 = arith.constant 0.000000e+00 : f32
      %broadcast_in_dim3A_928 = vector.broadcast %jit3A_926 : f32 to vector<16xf32>
      %broadcast_in_dim3A_929 = vector.broadcast %jit3A_927 : f32 to vector<16xf32>
      %select_n3A_930 = arith.select %ge3A_925, %broadcast_in_dim3A_928, %broadcast_in_dim3A_929 : vector<16xi1>, vector<16xf32>
      tpu.vector_store_idx %arg7[%broadcast_in_dim3A_20, %get3A_9], %select_n3A_930 : memref<4x2048xf32, #tpu.memory_space<vmem>>[vector<16xi32>, vector<16xi32>], vector<16xf32>,
      %gather3A_931 = tpu.vector_load_idx %arg7[%broadcast_in_dim3A_20, %get3A_11] : memref<4x2048xf32, #tpu.memory_space<vmem>>[vector<16xi32>, vector<16xi32>], vector<16xf32>,
      %ge3A_932 = arith.constant 0.000000e+00 : f32
      %ge3A_933 = vector.broadcast %ge3A_932 : f32 to vector<16xf32>
      %ge3A_934 = arith.cmpf oge, %gather3A_931, %ge3A_933 : vector<16xf32>
      %jit3A_935 = arith.constant 1.000000e+00 : f32
      %jit3A_936 = arith.constant 0.000000e+00 : f32
      %broadcast_in_dim3A_937 = vector.broadcast %jit3A_935 : f32 to vector<16xf32>
      %broadcast_in_dim3A_938 = vector.broadcast %jit3A_936 : f32 to vector<16xf32>
      %select_n3A_939 = arith.select %ge3A_934, %broadcast_in_dim3A_937, %broadcast_in_dim3A_938 : vector<16xi1>, vector<16xf32>
      tpu.vector_store_idx %arg7[%broadcast_in_dim3A_20, %get3A_11], %select_n3A_939 : memref<4x2048xf32, #tpu.memory_space<vmem>>[vector<16xi32>, vector<16xi32>], vector<16xf32>,
      %gather3A_940 = tpu.vector_load_idx %arg7[%broadcast_in_dim3A_20, %get3A_13] : memref<4x2048xf32, #tpu.memory_space<vmem>>[vector<16xi32>, vector<16xi32>], vector<16xf32>,
      %ge3A_941 = arith.constant 0.000000e+00 : f32
      %ge3A_942 = vector.broadcast %ge3A_941 : f32 to vector<16xf32>
      %ge3A_943 = arith.cmpf oge, %gather3A_940, %ge3A_942 : vector<16xf32>
      %jit3A_944 = arith.constant 1.000000e+00 : f32
      %jit3A_945 = arith.constant 0.000000e+00 : f32
      %broadcast_in_dim3A_946 = vector.broadcast %jit3A_944 : f32 to vector<16xf32>
      %broadcast_in_dim3A_947 = vector.broadcast %jit3A_945 : f32 to vector<16xf32>
      %select_n3A_948 = arith.select %ge3A_943, %broadcast_in_dim3A_946, %broadcast_in_dim3A_947 : vector<16xi1>, vector<16xf32>
      tpu.vector_store_idx %arg7[%broadcast_in_dim3A_20, %get3A_13], %select_n3A_948 : memref<4x2048xf32, #tpu.memory_space<vmem>>[vector<16xi32>, vector<16xi32>], vector<16xf32>,
      %gather3A_949 = tpu.vector_load_idx %arg7[%broadcast_in_dim3A_20, %get3A_15] : memref<4x2048xf32, #tpu.memory_space<vmem>>[vector<16xi32>, vector<16xi32>], vector<16xf32>,
      %ge3A_950 = arith.constant 0.000000e+00 : f32
      %ge3A_951 = vector.broadcast %ge3A_950 : f32 to vector<16xf32>
      %ge3A_952 = arith.cmpf oge, %gather3A_949, %ge3A_951 : vector<16xf32>
      %jit3A_953 = arith.constant 1.000000e+00 : f32
      %jit3A_954 = arith.constant 0.000000e+00 : f32
      %broadcast_in_dim3A_955 = vector.broadcast %jit3A_953 : f32 to vector<16xf32>
      %broadcast_in_dim3A_956 = vector.broadcast %jit3A_954 : f32 to vector<16xf32>
      %select_n3A_957 = arith.select %ge3A_952, %broadcast_in_dim3A_955, %broadcast_in_dim3A_956 : vector<16xi1>, vector<16xf32>
      tpu.vector_store_idx %arg7[%broadcast_in_dim3A_20, %get3A_15], %select_n3A_957 : memref<4x2048xf32, #tpu.memory_space<vmem>>[vector<16xi32>, vector<16xi32>], vector<16xf32>,
      %gather3A_958 = tpu.vector_load_idx %arg7[%broadcast_in_dim3A_20, %get3A_17] : memref<4x2048xf32, #tpu.memory_space<vmem>>[vector<16xi32>, vector<16xi32>], vector<16xf32>,
      %ge3A_959 = arith.constant 0.000000e+00 : f32
      %ge3A_960 = vector.broadcast %ge3A_959 : f32 to vector<16xf32>
      %ge3A_961 = arith.cmpf oge, %gather3A_958, %ge3A_960 : vector<16xf32>
      %jit3A_962 = arith.constant 1.000000e+00 : f32
      %jit3A_963 = arith.constant 0.000000e+00 : f32
      %broadcast_in_dim3A_964 = vector.broadcast %jit3A_962 : f32 to vector<16xf32>
      %broadcast_in_dim3A_965 = vector.broadcast %jit3A_963 : f32 to vector<16xf32>
      %select_n3A_966 = arith.select %ge3A_961, %broadcast_in_dim3A_964, %broadcast_in_dim3A_965 : vector<16xi1>, vector<16xf32>
      tpu.vector_store_idx %arg7[%broadcast_in_dim3A_20, %get3A_17], %select_n3A_966 : memref<4x2048xf32, #tpu.memory_space<vmem>>[vector<16xi32>, vector<16xi32>], vector<16xf32>,
      %gather3A_967 = tpu.vector_load_idx %arg7[%broadcast_in_dim3A_22, %get3A_3] : memref<4x2048xf32, #tpu.memory_space<vmem>>[vector<16xi32>, vector<16xi32>], vector<16xf32>,
      %ge3A_968 = arith.constant 0.000000e+00 : f32
      %ge3A_969 = vector.broadcast %ge3A_968 : f32 to vector<16xf32>
      %ge3A_970 = arith.cmpf oge, %gather3A_967, %ge3A_969 : vector<16xf32>
      %jit3A_971 = arith.constant 1.000000e+00 : f32
      %jit3A_972 = arith.constant 0.000000e+00 : f32
      %broadcast_in_dim3A_973 = vector.broadcast %jit3A_971 : f32 to vector<16xf32>
      %broadcast_in_dim3A_974 = vector.broadcast %jit3A_972 : f32 to vector<16xf32>
      %select_n3A_975 = arith.select %ge3A_970, %broadcast_in_dim3A_973, %broadcast_in_dim3A_974 : vector<16xi1>, vector<16xf32>
      tpu.vector_store_idx %arg7[%broadcast_in_dim3A_22, %get3A_3], %select_n3A_975 : memref<4x2048xf32, #tpu.memory_space<vmem>>[vector<16xi32>, vector<16xi32>], vector<16xf32>,
      %gather3A_976 = tpu.vector_load_idx %arg7[%broadcast_in_dim3A_22, %get3A_5] : memref<4x2048xf32, #tpu.memory_space<vmem>>[vector<16xi32>, vector<16xi32>], vector<16xf32>,
      %ge3A_977 = arith.constant 0.000000e+00 : f32
      %ge3A_978 = vector.broadcast %ge3A_977 : f32 to vector<16xf32>
      %ge3A_979 = arith.cmpf oge, %gather3A_976, %ge3A_978 : vector<16xf32>
      %jit3A_980 = arith.constant 1.000000e+00 : f32
      %jit3A_981 = arith.constant 0.000000e+00 : f32
      %broadcast_in_dim3A_982 = vector.broadcast %jit3A_980 : f32 to vector<16xf32>
      %broadcast_in_dim3A_983 = vector.broadcast %jit3A_981 : f32 to vector<16xf32>
      %select_n3A_984 = arith.select %ge3A_979, %broadcast_in_dim3A_982, %broadcast_in_dim3A_983 : vector<16xi1>, vector<16xf32>
      tpu.vector_store_idx %arg7[%broadcast_in_dim3A_22, %get3A_5], %select_n3A_984 : memref<4x2048xf32, #tpu.memory_space<vmem>>[vector<16xi32>, vector<16xi32>], vector<16xf32>,
      %gather3A_985 = tpu.vector_load_idx %arg7[%broadcast_in_dim3A_22, %get3A_7] : memref<4x2048xf32, #tpu.memory_space<vmem>>[vector<16xi32>, vector<16xi32>], vector<16xf32>,
      %ge3A_986 = arith.constant 0.000000e+00 : f32
      %ge3A_987 = vector.broadcast %ge3A_986 : f32 to vector<16xf32>
      %ge3A_988 = arith.cmpf oge, %gather3A_985, %ge3A_987 : vector<16xf32>
      %jit3A_989 = arith.constant 1.000000e+00 : f32
      %jit3A_990 = arith.constant 0.000000e+00 : f32
      %broadcast_in_dim3A_991 = vector.broadcast %jit3A_989 : f32 to vector<16xf32>
      %broadcast_in_dim3A_992 = vector.broadcast %jit3A_990 : f32 to vector<16xf32>
      %select_n3A_993 = arith.select %ge3A_988, %broadcast_in_dim3A_991, %broadcast_in_dim3A_992 : vector<16xi1>, vector<16xf32>
      tpu.vector_store_idx %arg7[%broadcast_in_dim3A_22, %get3A_7], %select_n3A_993 : memref<4x2048xf32, #tpu.memory_space<vmem>>[vector<16xi32>, vector<16xi32>], vector<16xf32>,
      %gather3A_994 = tpu.vector_load_idx %arg7[%broadcast_in_dim3A_22, %get3A_9] : memref<4x2048xf32, #tpu.memory_space<vmem>>[vector<16xi32>, vector<16xi32>], vector<16xf32>,
      %ge3A_995 = arith.constant 0.000000e+00 : f32
      %ge3A_996 = vector.broadcast %ge3A_995 : f32 to vector<16xf32>
      %ge3A_997 = arith.cmpf oge, %gather3A_994, %ge3A_996 : vector<16xf32>
      %jit3A_998 = arith.constant 1.000000e+00 : f32
      %jit3A_999 = arith.constant 0.000000e+00 : f32
      %broadcast_in_dim3A_1000 = vector.broadcast %jit3A_998 : f32 to vector<16xf32>
      %broadcast_in_dim3A_1001 = vector.broadcast %jit3A_999 : f32 to vector<16xf32>
      %select_n3A_1002 = arith.select %ge3A_997, %broadcast_in_dim3A_1000, %broadcast_in_dim3A_1001 : vector<16xi1>, vector<16xf32>
      tpu.vector_store_idx %arg7[%broadcast_in_dim3A_22, %get3A_9], %select_n3A_1002 : memref<4x2048xf32, #tpu.memory_space<vmem>>[vector<16xi32>, vector<16xi32>], vector<16xf32>,
      %gather3A_1003 = tpu.vector_load_idx %arg7[%broadcast_in_dim3A_22, %get3A_11] : memref<4x2048xf32, #tpu.memory_space<vmem>>[vector<16xi32>, vector<16xi32>], vector<16xf32>,
      %ge3A_1004 = arith.constant 0.000000e+00 : f32
      %ge3A_1005 = vector.broadcast %ge3A_1004 : f32 to vector<16xf32>
      %ge3A_1006 = arith.cmpf oge, %gather3A_1003, %ge3A_1005 : vector<16xf32>
      %jit3A_1007 = arith.constant 1.000000e+00 : f32
      %jit3A_1008 = arith.constant 0.000000e+00 : f32
      %broadcast_in_dim3A_1009 = vector.broadcast %jit3A_1007 : f32 to vector<16xf32>
      %broadcast_in_dim3A_1010 = vector.broadcast %jit3A_1008 : f32 to vector<16xf32>
      %select_n3A_1011 = arith.select %ge3A_1006, %broadcast_in_dim3A_1009, %broadcast_in_dim3A_1010 : vector<16xi1>, vector<16xf32>
      tpu.vector_store_idx %arg7[%broadcast_in_dim3A_22, %get3A_11], %select_n3A_1011 : memref<4x2048xf32, #tpu.memory_space<vmem>>[vector<16xi32>, vector<16xi32>], vector<16xf32>,
      %gather3A_1012 = tpu.vector_load_idx %arg7[%broadcast_in_dim3A_22, %get3A_13] : memref<4x2048xf32, #tpu.memory_space<vmem>>[vector<16xi32>, vector<16xi32>], vector<16xf32>,
      %ge3A_1013 = arith.constant 0.000000e+00 : f32
      %ge3A_1014 = vector.broadcast %ge3A_1013 : f32 to vector<16xf32>
      %ge3A_1015 = arith.cmpf oge, %gather3A_1012, %ge3A_1014 : vector<16xf32>
      %jit3A_1016 = arith.constant 1.000000e+00 : f32
      %jit3A_1017 = arith.constant 0.000000e+00 : f32
      %broadcast_in_dim3A_1018 = vector.broadcast %jit3A_1016 : f32 to vector<16xf32>
      %broadcast_in_dim3A_1019 = vector.broadcast %jit3A_1017 : f32 to vector<16xf32>
      %select_n3A_1020 = arith.select %ge3A_1015, %broadcast_in_dim3A_1018, %broadcast_in_dim3A_1019 : vector<16xi1>, vector<16xf32>
      tpu.vector_store_idx %arg7[%broadcast_in_dim3A_22, %get3A_13], %select_n3A_1020 : memref<4x2048xf32, #tpu.memory_space<vmem>>[vector<16xi32>, vector<16xi32>], vector<16xf32>,
      %gather3A_1021 = tpu.vector_load_idx %arg7[%broadcast_in_dim3A_22, %get3A_15] : memref<4x2048xf32, #tpu.memory_space<vmem>>[vector<16xi32>, vector<16xi32>], vector<16xf32>,
      %ge3A_1022 = arith.constant 0.000000e+00 : f32
      %ge3A_1023 = vector.broadcast %ge3A_1022 : f32 to vector<16xf32>
      %ge3A_1024 = arith.cmpf oge, %gather3A_1021, %ge3A_1023 : vector<16xf32>
      %jit3A_1025 = arith.constant 1.000000e+00 : f32
      %jit3A_1026 = arith.constant 0.000000e+00 : f32
      %broadcast_in_dim3A_1027 = vector.broadcast %jit3A_1025 : f32 to vector<16xf32>
      %broadcast_in_dim3A_1028 = vector.broadcast %jit3A_1026 : f32 to vector<16xf32>
      %select_n3A_1029 = arith.select %ge3A_1024, %broadcast_in_dim3A_1027, %broadcast_in_dim3A_1028 : vector<16xi1>, vector<16xf32>
      tpu.vector_store_idx %arg7[%broadcast_in_dim3A_22, %get3A_15], %select_n3A_1029 : memref<4x2048xf32, #tpu.memory_space<vmem>>[vector<16xi32>, vector<16xi32>], vector<16xf32>,
      %gather3A_1030 = tpu.vector_load_idx %arg7[%broadcast_in_dim3A_22, %get3A_17] : memref<4x2048xf32, #tpu.memory_space<vmem>>[vector<16xi32>, vector<16xi32>], vector<16xf32>,
      %ge3A_1031 = arith.constant 0.000000e+00 : f32
      %ge3A_1032 = vector.broadcast %ge3A_1031 : f32 to vector<16xf32>
      %ge3A_1033 = arith.cmpf oge, %gather3A_1030, %ge3A_1032 : vector<16xf32>
      %jit3A_1034 = arith.constant 1.000000e+00 : f32
      %jit3A_1035 = arith.constant 0.000000e+00 : f32
      %broadcast_in_dim3A_1036 = vector.broadcast %jit3A_1034 : f32 to vector<16xf32>
      %broadcast_in_dim3A_1037 = vector.broadcast %jit3A_1035 : f32 to vector<16xf32>
      %select_n3A_1038 = arith.select %ge3A_1033, %broadcast_in_dim3A_1036, %broadcast_in_dim3A_1037 : vector<16xi1>, vector<16xf32>
      tpu.vector_store_idx %arg7[%broadcast_in_dim3A_22, %get3A_17], %select_n3A_1038 : memref<4x2048xf32, #tpu.memory_space<vmem>>[vector<16xi32>, vector<16xi32>], vector<16xf32>,
      %gather3A_1039 = tpu.vector_load_idx %arg7[%broadcast_in_dim3A_24, %get3A_3] : memref<4x2048xf32, #tpu.memory_space<vmem>>[vector<16xi32>, vector<16xi32>], vector<16xf32>,
      %ge3A_1040 = arith.constant 0.000000e+00 : f32
      %ge3A_1041 = vector.broadcast %ge3A_1040 : f32 to vector<16xf32>
      %ge3A_1042 = arith.cmpf oge, %gather3A_1039, %ge3A_1041 : vector<16xf32>
      %jit3A_1043 = arith.constant 1.000000e+00 : f32
      %jit3A_1044 = arith.constant 0.000000e+00 : f32
      %broadcast_in_dim3A_1045 = vector.broadcast %jit3A_1043 : f32 to vector<16xf32>
      %broadcast_in_dim3A_1046 = vector.broadcast %jit3A_1044 : f32 to vector<16xf32>
      %select_n3A_1047 = arith.select %ge3A_1042, %broadcast_in_dim3A_1045, %broadcast_in_dim3A_1046 : vector<16xi1>, vector<16xf32>
      tpu.vector_store_idx %arg7[%broadcast_in_dim3A_24, %get3A_3], %select_n3A_1047 : memref<4x2048xf32, #tpu.memory_space<vmem>>[vector<16xi32>, vector<16xi32>], vector<16xf32>,
      %gather3A_1048 = tpu.vector_load_idx %arg7[%broadcast_in_dim3A_24, %get3A_5] : memref<4x2048xf32, #tpu.memory_space<vmem>>[vector<16xi32>, vector<16xi32>], vector<16xf32>,
      %ge3A_1049 = arith.constant 0.000000e+00 : f32
      %ge3A_1050 = vector.broadcast %ge3A_1049 : f32 to vector<16xf32>
      %ge3A_1051 = arith.cmpf oge, %gather3A_1048, %ge3A_1050 : vector<16xf32>
      %jit3A_1052 = arith.constant 1.000000e+00 : f32
      %jit3A_1053 = arith.constant 0.000000e+00 : f32
      %broadcast_in_dim3A_1054 = vector.broadcast %jit3A_1052 : f32 to vector<16xf32>
      %broadcast_in_dim3A_1055 = vector.broadcast %jit3A_1053 : f32 to vector<16xf32>
      %select_n3A_1056 = arith.select %ge3A_1051, %broadcast_in_dim3A_1054, %broadcast_in_dim3A_1055 : vector<16xi1>, vector<16xf32>
      tpu.vector_store_idx %arg7[%broadcast_in_dim3A_24, %get3A_5], %select_n3A_1056 : memref<4x2048xf32, #tpu.memory_space<vmem>>[vector<16xi32>, vector<16xi32>], vector<16xf32>,
      %gather3A_1057 = tpu.vector_load_idx %arg7[%broadcast_in_dim3A_24, %get3A_7] : memref<4x2048xf32, #tpu.memory_space<vmem>>[vector<16xi32>, vector<16xi32>], vector<16xf32>,
      %ge3A_1058 = arith.constant 0.000000e+00 : f32
      %ge3A_1059 = vector.broadcast %ge3A_1058 : f32 to vector<16xf32>
      %ge3A_1060 = arith.cmpf oge, %gather3A_1057, %ge3A_1059 : vector<16xf32>
      %jit3A_1061 = arith.constant 1.000000e+00 : f32
      %jit3A_1062 = arith.constant 0.000000e+00 : f32
      %broadcast_in_dim3A_1063 = vector.broadcast %jit3A_1061 : f32 to vector<16xf32>
      %broadcast_in_dim3A_1064 = vector.broadcast %jit3A_1062 : f32 to vector<16xf32>
      %select_n3A_1065 = arith.select %ge3A_1060, %broadcast_in_dim3A_1063, %broadcast_in_dim3A_1064 : vector<16xi1>, vector<16xf32>
      tpu.vector_store_idx %arg7[%broadcast_in_dim3A_24, %get3A_7], %select_n3A_1065 : memref<4x2048xf32, #tpu.memory_space<vmem>>[vector<16xi32>, vector<16xi32>], vector<16xf32>,
      %gather3A_1066 = tpu.vector_load_idx %arg7[%broadcast_in_dim3A_24, %get3A_9] : memref<4x2048xf32, #tpu.memory_space<vmem>>[vector<16xi32>, vector<16xi32>], vector<16xf32>,
      %ge3A_1067 = arith.constant 0.000000e+00 : f32
      %ge3A_1068 = vector.broadcast %ge3A_1067 : f32 to vector<16xf32>
      %ge3A_1069 = arith.cmpf oge, %gather3A_1066, %ge3A_1068 : vector<16xf32>
      %jit3A_1070 = arith.constant 1.000000e+00 : f32
      %jit3A_1071 = arith.constant 0.000000e+00 : f32
      %broadcast_in_dim3A_1072 = vector.broadcast %jit3A_1070 : f32 to vector<16xf32>
      %broadcast_in_dim3A_1073 = vector.broadcast %jit3A_1071 : f32 to vector<16xf32>
      %select_n3A_1074 = arith.select %ge3A_1069, %broadcast_in_dim3A_1072, %broadcast_in_dim3A_1073 : vector<16xi1>, vector<16xf32>
      tpu.vector_store_idx %arg7[%broadcast_in_dim3A_24, %get3A_9], %select_n3A_1074 : memref<4x2048xf32, #tpu.memory_space<vmem>>[vector<16xi32>, vector<16xi32>], vector<16xf32>,
      %gather3A_1075 = tpu.vector_load_idx %arg7[%broadcast_in_dim3A_24, %get3A_11] : memref<4x2048xf32, #tpu.memory_space<vmem>>[vector<16xi32>, vector<16xi32>], vector<16xf32>,
      %ge3A_1076 = arith.constant 0.000000e+00 : f32
      %ge3A_1077 = vector.broadcast %ge3A_1076 : f32 to vector<16xf32>
      %ge3A_1078 = arith.cmpf oge, %gather3A_1075, %ge3A_1077 : vector<16xf32>
      %jit3A_1079 = arith.constant 1.000000e+00 : f32
      %jit3A_1080 = arith.constant 0.000000e+00 : f32
      %broadcast_in_dim3A_1081 = vector.broadcast %jit3A_1079 : f32 to vector<16xf32>
      %broadcast_in_dim3A_1082 = vector.broadcast %jit3A_1080 : f32 to vector<16xf32>
      %select_n3A_1083 = arith.select %ge3A_1078, %broadcast_in_dim3A_1081, %broadcast_in_dim3A_1082 : vector<16xi1>, vector<16xf32>
      tpu.vector_store_idx %arg7[%broadcast_in_dim3A_24, %get3A_11], %select_n3A_1083 : memref<4x2048xf32, #tpu.memory_space<vmem>>[vector<16xi32>, vector<16xi32>], vector<16xf32>,
      %gather3A_1084 = tpu.vector_load_idx %arg7[%broadcast_in_dim3A_24, %get3A_13] : memref<4x2048xf32, #tpu.memory_space<vmem>>[vector<16xi32>, vector<16xi32>], vector<16xf32>,
      %ge3A_1085 = arith.constant 0.000000e+00 : f32
      %ge3A_1086 = vector.broadcast %ge3A_1085 : f32 to vector<16xf32>
      %ge3A_1087 = arith.cmpf oge, %gather3A_1084, %ge3A_1086 : vector<16xf32>
      %jit3A_1088 = arith.constant 1.000000e+00 : f32
      %jit3A_1089 = arith.constant 0.000000e+00 : f32
      %broadcast_in_dim3A_1090 = vector.broadcast %jit3A_1088 : f32 to vector<16xf32>
      %broadcast_in_dim3A_1091 = vector.broadcast %jit3A_1089 : f32 to vector<16xf32>
      %select_n3A_1092 = arith.select %ge3A_1087, %broadcast_in_dim3A_1090, %broadcast_in_dim3A_1091 : vector<16xi1>, vector<16xf32>
      tpu.vector_store_idx %arg7[%broadcast_in_dim3A_24, %get3A_13], %select_n3A_1092 : memref<4x2048xf32, #tpu.memory_space<vmem>>[vector<16xi32>, vector<16xi32>], vector<16xf32>,
      %gather3A_1093 = tpu.vector_load_idx %arg7[%broadcast_in_dim3A_24, %get3A_15] : memref<4x2048xf32, #tpu.memory_space<vmem>>[vector<16xi32>, vector<16xi32>], vector<16xf32>,
      %ge3A_1094 = arith.constant 0.000000e+00 : f32
      %ge3A_1095 = vector.broadcast %ge3A_1094 : f32 to vector<16xf32>
      %ge3A_1096 = arith.cmpf oge, %gather3A_1093, %ge3A_1095 : vector<16xf32>
      %jit3A_1097 = arith.constant 1.000000e+00 : f32
      %jit3A_1098 = arith.constant 0.000000e+00 : f32
      %broadcast_in_dim3A_1099 = vector.broadcast %jit3A_1097 : f32 to vector<16xf32>
      %broadcast_in_dim3A_1100 = vector.broadcast %jit3A_1098 : f32 to vector<16xf32>
      %select_n3A_1101 = arith.select %ge3A_1096, %broadcast_in_dim3A_1099, %broadcast_in_dim3A_1100 : vector<16xi1>, vector<16xf32>
      tpu.vector_store_idx %arg7[%broadcast_in_dim3A_24, %get3A_15], %select_n3A_1101 : memref<4x2048xf32, #tpu.memory_space<vmem>>[vector<16xi32>, vector<16xi32>], vector<16xf32>,
      %gather3A_1102 = tpu.vector_load_idx %arg7[%broadcast_in_dim3A_24, %get3A_17] : memref<4x2048xf32, #tpu.memory_space<vmem>>[vector<16xi32>, vector<16xi32>], vector<16xf32>,
      %ge3A_1103 = arith.constant 0.000000e+00 : f32
      %ge3A_1104 = vector.broadcast %ge3A_1103 : f32 to vector<16xf32>
      %ge3A_1105 = arith.cmpf oge, %gather3A_1102, %ge3A_1104 : vector<16xf32>
      %jit3A_1106 = arith.constant 1.000000e+00 : f32
      %jit3A_1107 = arith.constant 0.000000e+00 : f32
      %broadcast_in_dim3A_1108 = vector.broadcast %jit3A_1106 : f32 to vector<16xf32>
      %broadcast_in_dim3A_1109 = vector.broadcast %jit3A_1107 : f32 to vector<16xf32>
      %select_n3A_1110 = arith.select %ge3A_1105, %broadcast_in_dim3A_1108, %broadcast_in_dim3A_1109 : vector<16xi1>, vector<16xf32>
      tpu.vector_store_idx %arg7[%broadcast_in_dim3A_24, %get3A_17], %select_n3A_1110 : memref<4x2048xf32, #tpu.memory_space<vmem>>[vector<16xi32>, vector<16xi32>], vector<16xf32>,
      %mul3A_1111 = arith.constant 4 : i32
      %mul3A_1112 = arith.muli %add3A_812, %mul3A_1111 : i32
      %add3A_1113 = arith.addi %mul3A_2, %mul3A_1112 : i32
      %dma_start3A_1114 = arith.constant 2 : i32
      %dma_start3A_1115 = arith.constant 0 : i32
      %dma_start3A_1116 = tpu.memref_slice %arg4[%add3A_1113, %dma_start3A_1115] : memref<16384x2048xf32, #tpu.memory_space<hbm>> -> memref<4x2048xf32, #tpu.memory_space<hbm>>
      %dma_start3A_1117 = tpu.memref_slice %arg15[%dma_start3A_1114] : memref<8x!tpu.dma_semaphore, #tpu.memory_space<semaphore_mem>> -> memref<1x!tpu.dma_semaphore, #tpu.memory_space<semaphore_mem>>
      %dma_start3A_1118 = tpu.memref_squeeze %dma_start3A_1117 : memref<1x!tpu.dma_semaphore, #tpu.memory_space<semaphore_mem>> -> memref<!tpu.dma_semaphore, #tpu.memory_space<semaphore_mem>>
      %dma_start3A_1119 = arith.constant 0 : i32
      %dma_start3A_1120 = tpu.memref_slice %arg4[%add3A_1113, %dma_start3A_1119] : memref<16384x2048xf32, #tpu.memory_space<hbm>> -> memref<4x2048xf32, #tpu.memory_space<hbm>>
      tpu.enqueue_dma source(%arg7 : memref<4x2048xf32, #tpu.memory_space<vmem>>) target(%dma_start3A_1120 : memref<4x2048xf32, #tpu.memory_space<hbm>>) target_semaphore(%dma_start3A_1118 : memref<!tpu.dma_semaphore, #tpu.memory_space<semaphore_mem>>)
      %add3A_1121 = arith.constant 8 : i32
      %add3A_1122 = arith.addi %add3A_812, %add3A_1121 : i32
      %sub3A_1123 = arith.constant 1 : i32
      %sub3A_1124 = arith.subi %add3A_1122, %sub3A_1123 : i32
      %ge3A_1125 = arith.constant 1 : i32
      %ge3A_1126 = arith.cmpi sge, %add3A_812, %ge3A_1125 : i32
      %lt3A_1127 = arith.constant 128 : i32
      %lt3A_1128 = arith.cmpi slt, %sub3A_1124, %lt3A_1127 : i32
      %and3A_1129 = arith.andi %ge3A_1126, %lt3A_1128 : i1
      %convert_element_type3A_1130 = arith.extui %and3A_1129 : i1 to i32
      %cond3A_1131 = arith.constant 0 : i32
      %cond3A_1132 = arith.cmpi ne, %convert_element_type3A_1130, %cond3A_1131 : i32
      scf.if %cond3A_1132 {
        %sub3A_2773 = arith.constant 1 : i32
        %sub3A_2774 = arith.subi %add3A_812, %sub3A_2773 : i32
        %mul3A_2775 = arith.constant 4 : i32
        %mul3A_2776 = arith.muli %sub3A_2774, %mul3A_2775 : i32
        %add3A_2777 = arith.addi %mul3A_2, %mul3A_2776 : i32
        %dma_wait3A_2778 = arith.constant 1 : i32
        %dma_wait3A_2779 = arith.constant 0 : i32
        %dma_wait3A_2780 = tpu.memref_slice %arg4[%add3A_2777, %dma_wait3A_2779] : memref<16384x2048xf32, #tpu.memory_space<hbm>> -> memref<4x2048xf32, #tpu.memory_space<hbm>>
        %dma_wait3A_2781 = tpu.memref_slice %arg15[%dma_wait3A_2778] : memref<8x!tpu.dma_semaphore, #tpu.memory_space<semaphore_mem>> -> memref<1x!tpu.dma_semaphore, #tpu.memory_space<semaphore_mem>>
        %dma_wait3A_2782 = tpu.memref_squeeze %dma_wait3A_2781 : memref<1x!tpu.dma_semaphore, #tpu.memory_space<semaphore_mem>> -> memref<!tpu.dma_semaphore, #tpu.memory_space<semaphore_mem>>
        %dma_wait3A_2783 = arith.constant 0 : i32
        %dma_wait3A_2784 = tpu.memref_slice %arg4[%add3A_2777, %dma_wait3A_2783] : memref<16384x2048xf32, #tpu.memory_space<hbm>> -> memref<4x2048xf32, #tpu.memory_space<hbm>>
        tpu.wait_dma2 semaphore(%dma_wait3A_2782 : memref<!tpu.dma_semaphore, #tpu.memory_space<semaphore_mem>>) src(%arg6 : memref<4x2048xf32, #tpu.memory_space<vmem>>) dst(%dma_wait3A_2784 : memref<4x2048xf32, #tpu.memory_space<hbm>>)
      } else {
      }
      %lt3A_1133 = arith.constant 128 : i32
      %lt3A_1134 = arith.cmpi slt, %sub3A_1124, %lt3A_1133 : i32
      %convert_element_type3A_1135 = arith.extui %lt3A_1134 : i1 to i32
      %cond3A_1136 = arith.constant 0 : i32
      %cond3A_1137 = arith.cmpi ne, %convert_element_type3A_1135, %cond3A_1136 : i32
      scf.if %cond3A_1137 {
        %mul3A_2773 = arith.constant 4 : i32
        %mul3A_2774 = arith.muli %sub3A_1124, %mul3A_2773 : i32
        %add3A_2775 = arith.addi %mul3A_2, %mul3A_2774 : i32
        %dma_start3A_2776 = arith.constant 1 : i32
        %dma_start3A_2777 = arith.constant 0 : i32
        %dma_start3A_2778 = tpu.memref_slice %arg2[%add3A_2775, %dma_start3A_2777] : memref<16384x2048xf32, #tpu.memory_space<hbm>> -> memref<4x2048xf32, #tpu.memory_space<hbm>>
        %dma_start3A_2779 = tpu.memref_slice %arg14[%dma_start3A_2776] : memref<8x!tpu.dma_semaphore, #tpu.memory_space<semaphore_mem>> -> memref<1x!tpu.dma_semaphore, #tpu.memory_space<semaphore_mem>>
        %dma_start3A_2780 = tpu.memref_squeeze %dma_start3A_2779 : memref<1x!tpu.dma_semaphore, #tpu.memory_space<semaphore_mem>> -> memref<!tpu.dma_semaphore, #tpu.memory_space<semaphore_mem>>
        %dma_start3A_2781 = arith.constant 0 : i32
        %dma_start3A_2782 = tpu.memref_slice %arg2[%add3A_2775, %dma_start3A_2781] : memref<16384x2048xf32, #tpu.memory_space<hbm>> -> memref<4x2048xf32, #tpu.memory_space<hbm>>
        tpu.enqueue_dma source(%dma_start3A_2782 : memref<4x2048xf32, #tpu.memory_space<hbm>>) target(%arg6 : memref<4x2048xf32, #tpu.memory_space<vmem>>) target_semaphore(%dma_start3A_2780 : memref<!tpu.dma_semaphore, #tpu.memory_space<semaphore_mem>>)
      } else {
      }
      %add3A_1138 = arith.constant 3 : i32
      %add3A_1139 = arith.addi %mul3A_165, %add3A_1138 : i32
      %mul3A_1140 = arith.constant 4 : i32
      %mul3A_1141 = arith.muli %add3A_1139, %mul3A_1140 : i32
      %add3A_1142 = arith.addi %mul3A_2, %mul3A_1141 : i32
      %dma_wait3A_1143 = arith.constant 3 : i32
      %dma_wait3A_1144 = arith.constant 0 : i32
      %dma_wait3A_1145 = tpu.memref_slice %arg2[%add3A_1142, %dma_wait3A_1144] : memref<16384x2048xf32, #tpu.memory_space<hbm>> -> memref<4x2048xf32, #tpu.memory_space<hbm>>
      %dma_wait3A_1146 = tpu.memref_slice %arg14[%dma_wait3A_1143] : memref<8x!tpu.dma_semaphore, #tpu.memory_space<semaphore_mem>> -> memref<1x!tpu.dma_semaphore, #tpu.memory_space<semaphore_mem>>
      %dma_wait3A_1147 = tpu.memref_squeeze %dma_wait3A_1146 : memref<1x!tpu.dma_semaphore, #tpu.memory_space<semaphore_mem>> -> memref<!tpu.dma_semaphore, #tpu.memory_space<semaphore_mem>>
      %dma_wait3A_1148 = arith.constant 0 : i32
      %dma_wait3A_1149 = tpu.memref_slice %arg2[%add3A_1142, %dma_wait3A_1148] : memref<16384x2048xf32, #tpu.memory_space<hbm>> -> memref<4x2048xf32, #tpu.memory_space<hbm>>
      tpu.wait_dma2 semaphore(%dma_wait3A_1147 : memref<!tpu.dma_semaphore, #tpu.memory_space<semaphore_mem>>) src(%dma_wait3A_1149 : memref<4x2048xf32, #tpu.memory_space<hbm>>) dst(%arg8 : memref<4x2048xf32, #tpu.memory_space<vmem>>)
      %gather3A_1150 = tpu.vector_load_idx %arg8[%broadcast_in_dim3A_18, %get3A_3] : memref<4x2048xf32, #tpu.memory_space<vmem>>[vector<16xi32>, vector<16xi32>], vector<16xf32>,
      %ge3A_1151 = arith.constant 0.000000e+00 : f32
      %ge3A_1152 = vector.broadcast %ge3A_1151 : f32 to vector<16xf32>
      %ge3A_1153 = arith.cmpf oge, %gather3A_1150, %ge3A_1152 : vector<16xf32>
      %jit3A_1154 = arith.constant 1.000000e+00 : f32
      %jit3A_1155 = arith.constant 0.000000e+00 : f32
      %broadcast_in_dim3A_1156 = vector.broadcast %jit3A_1154 : f32 to vector<16xf32>
      %broadcast_in_dim3A_1157 = vector.broadcast %jit3A_1155 : f32 to vector<16xf32>
      %select_n3A_1158 = arith.select %ge3A_1153, %broadcast_in_dim3A_1156, %broadcast_in_dim3A_1157 : vector<16xi1>, vector<16xf32>
      tpu.vector_store_idx %arg8[%broadcast_in_dim3A_18, %get3A_3], %select_n3A_1158 : memref<4x2048xf32, #tpu.memory_space<vmem>>[vector<16xi32>, vector<16xi32>], vector<16xf32>,
      %gather3A_1159 = tpu.vector_load_idx %arg8[%broadcast_in_dim3A_18, %get3A_5] : memref<4x2048xf32, #tpu.memory_space<vmem>>[vector<16xi32>, vector<16xi32>], vector<16xf32>,
      %ge3A_1160 = arith.constant 0.000000e+00 : f32
      %ge3A_1161 = vector.broadcast %ge3A_1160 : f32 to vector<16xf32>
      %ge3A_1162 = arith.cmpf oge, %gather3A_1159, %ge3A_1161 : vector<16xf32>
      %jit3A_1163 = arith.constant 1.000000e+00 : f32
      %jit3A_1164 = arith.constant 0.000000e+00 : f32
      %broadcast_in_dim3A_1165 = vector.broadcast %jit3A_1163 : f32 to vector<16xf32>
      %broadcast_in_dim3A_1166 = vector.broadcast %jit3A_1164 : f32 to vector<16xf32>
      %select_n3A_1167 = arith.select %ge3A_1162, %broadcast_in_dim3A_1165, %broadcast_in_dim3A_1166 : vector<16xi1>, vector<16xf32>
      tpu.vector_store_idx %arg8[%broadcast_in_dim3A_18, %get3A_5], %select_n3A_1167 : memref<4x2048xf32, #tpu.memory_space<vmem>>[vector<16xi32>, vector<16xi32>], vector<16xf32>,
      %gather3A_1168 = tpu.vector_load_idx %arg8[%broadcast_in_dim3A_18, %get3A_7] : memref<4x2048xf32, #tpu.memory_space<vmem>>[vector<16xi32>, vector<16xi32>], vector<16xf32>,
      %ge3A_1169 = arith.constant 0.000000e+00 : f32
      %ge3A_1170 = vector.broadcast %ge3A_1169 : f32 to vector<16xf32>
      %ge3A_1171 = arith.cmpf oge, %gather3A_1168, %ge3A_1170 : vector<16xf32>
      %jit3A_1172 = arith.constant 1.000000e+00 : f32
      %jit3A_1173 = arith.constant 0.000000e+00 : f32
      %broadcast_in_dim3A_1174 = vector.broadcast %jit3A_1172 : f32 to vector<16xf32>
      %broadcast_in_dim3A_1175 = vector.broadcast %jit3A_1173 : f32 to vector<16xf32>
      %select_n3A_1176 = arith.select %ge3A_1171, %broadcast_in_dim3A_1174, %broadcast_in_dim3A_1175 : vector<16xi1>, vector<16xf32>
      tpu.vector_store_idx %arg8[%broadcast_in_dim3A_18, %get3A_7], %select_n3A_1176 : memref<4x2048xf32, #tpu.memory_space<vmem>>[vector<16xi32>, vector<16xi32>], vector<16xf32>,
      %gather3A_1177 = tpu.vector_load_idx %arg8[%broadcast_in_dim3A_18, %get3A_9] : memref<4x2048xf32, #tpu.memory_space<vmem>>[vector<16xi32>, vector<16xi32>], vector<16xf32>,
      %ge3A_1178 = arith.constant 0.000000e+00 : f32
      %ge3A_1179 = vector.broadcast %ge3A_1178 : f32 to vector<16xf32>
      %ge3A_1180 = arith.cmpf oge, %gather3A_1177, %ge3A_1179 : vector<16xf32>
      %jit3A_1181 = arith.constant 1.000000e+00 : f32
      %jit3A_1182 = arith.constant 0.000000e+00 : f32
      %broadcast_in_dim3A_1183 = vector.broadcast %jit3A_1181 : f32 to vector<16xf32>
      %broadcast_in_dim3A_1184 = vector.broadcast %jit3A_1182 : f32 to vector<16xf32>
      %select_n3A_1185 = arith.select %ge3A_1180, %broadcast_in_dim3A_1183, %broadcast_in_dim3A_1184 : vector<16xi1>, vector<16xf32>
      tpu.vector_store_idx %arg8[%broadcast_in_dim3A_18, %get3A_9], %select_n3A_1185 : memref<4x2048xf32, #tpu.memory_space<vmem>>[vector<16xi32>, vector<16xi32>], vector<16xf32>,
      %gather3A_1186 = tpu.vector_load_idx %arg8[%broadcast_in_dim3A_18, %get3A_11] : memref<4x2048xf32, #tpu.memory_space<vmem>>[vector<16xi32>, vector<16xi32>], vector<16xf32>,
      %ge3A_1187 = arith.constant 0.000000e+00 : f32
      %ge3A_1188 = vector.broadcast %ge3A_1187 : f32 to vector<16xf32>
      %ge3A_1189 = arith.cmpf oge, %gather3A_1186, %ge3A_1188 : vector<16xf32>
      %jit3A_1190 = arith.constant 1.000000e+00 : f32
      %jit3A_1191 = arith.constant 0.000000e+00 : f32
      %broadcast_in_dim3A_1192 = vector.broadcast %jit3A_1190 : f32 to vector<16xf32>
      %broadcast_in_dim3A_1193 = vector.broadcast %jit3A_1191 : f32 to vector<16xf32>
      %select_n3A_1194 = arith.select %ge3A_1189, %broadcast_in_dim3A_1192, %broadcast_in_dim3A_1193 : vector<16xi1>, vector<16xf32>
      tpu.vector_store_idx %arg8[%broadcast_in_dim3A_18, %get3A_11], %select_n3A_1194 : memref<4x2048xf32, #tpu.memory_space<vmem>>[vector<16xi32>, vector<16xi32>], vector<16xf32>,
      %gather3A_1195 = tpu.vector_load_idx %arg8[%broadcast_in_dim3A_18, %get3A_13] : memref<4x2048xf32, #tpu.memory_space<vmem>>[vector<16xi32>, vector<16xi32>], vector<16xf32>,
      %ge3A_1196 = arith.constant 0.000000e+00 : f32
      %ge3A_1197 = vector.broadcast %ge3A_1196 : f32 to vector<16xf32>
      %ge3A_1198 = arith.cmpf oge, %gather3A_1195, %ge3A_1197 : vector<16xf32>
      %jit3A_1199 = arith.constant 1.000000e+00 : f32
      %jit3A_1200 = arith.constant 0.000000e+00 : f32
      %broadcast_in_dim3A_1201 = vector.broadcast %jit3A_1199 : f32 to vector<16xf32>
      %broadcast_in_dim3A_1202 = vector.broadcast %jit3A_1200 : f32 to vector<16xf32>
      %select_n3A_1203 = arith.select %ge3A_1198, %broadcast_in_dim3A_1201, %broadcast_in_dim3A_1202 : vector<16xi1>, vector<16xf32>
      tpu.vector_store_idx %arg8[%broadcast_in_dim3A_18, %get3A_13], %select_n3A_1203 : memref<4x2048xf32, #tpu.memory_space<vmem>>[vector<16xi32>, vector<16xi32>], vector<16xf32>,
      %gather3A_1204 = tpu.vector_load_idx %arg8[%broadcast_in_dim3A_18, %get3A_15] : memref<4x2048xf32, #tpu.memory_space<vmem>>[vector<16xi32>, vector<16xi32>], vector<16xf32>,
      %ge3A_1205 = arith.constant 0.000000e+00 : f32
      %ge3A_1206 = vector.broadcast %ge3A_1205 : f32 to vector<16xf32>
      %ge3A_1207 = arith.cmpf oge, %gather3A_1204, %ge3A_1206 : vector<16xf32>
      %jit3A_1208 = arith.constant 1.000000e+00 : f32
      %jit3A_1209 = arith.constant 0.000000e+00 : f32
      %broadcast_in_dim3A_1210 = vector.broadcast %jit3A_1208 : f32 to vector<16xf32>
      %broadcast_in_dim3A_1211 = vector.broadcast %jit3A_1209 : f32 to vector<16xf32>
      %select_n3A_1212 = arith.select %ge3A_1207, %broadcast_in_dim3A_1210, %broadcast_in_dim3A_1211 : vector<16xi1>, vector<16xf32>
      tpu.vector_store_idx %arg8[%broadcast_in_dim3A_18, %get3A_15], %select_n3A_1212 : memref<4x2048xf32, #tpu.memory_space<vmem>>[vector<16xi32>, vector<16xi32>], vector<16xf32>,
      %gather3A_1213 = tpu.vector_load_idx %arg8[%broadcast_in_dim3A_18, %get3A_17] : memref<4x2048xf32, #tpu.memory_space<vmem>>[vector<16xi32>, vector<16xi32>], vector<16xf32>,
      %ge3A_1214 = arith.constant 0.000000e+00 : f32
      %ge3A_1215 = vector.broadcast %ge3A_1214 : f32 to vector<16xf32>
      %ge3A_1216 = arith.cmpf oge, %gather3A_1213, %ge3A_1215 : vector<16xf32>
      %jit3A_1217 = arith.constant 1.000000e+00 : f32
      %jit3A_1218 = arith.constant 0.000000e+00 : f32
      %broadcast_in_dim3A_1219 = vector.broadcast %jit3A_1217 : f32 to vector<16xf32>
      %broadcast_in_dim3A_1220 = vector.broadcast %jit3A_1218 : f32 to vector<16xf32>
      %select_n3A_1221 = arith.select %ge3A_1216, %broadcast_in_dim3A_1219, %broadcast_in_dim3A_1220 : vector<16xi1>, vector<16xf32>
      tpu.vector_store_idx %arg8[%broadcast_in_dim3A_18, %get3A_17], %select_n3A_1221 : memref<4x2048xf32, #tpu.memory_space<vmem>>[vector<16xi32>, vector<16xi32>], vector<16xf32>,
      %gather3A_1222 = tpu.vector_load_idx %arg8[%broadcast_in_dim3A_20, %get3A_3] : memref<4x2048xf32, #tpu.memory_space<vmem>>[vector<16xi32>, vector<16xi32>], vector<16xf32>,
      %ge3A_1223 = arith.constant 0.000000e+00 : f32
      %ge3A_1224 = vector.broadcast %ge3A_1223 : f32 to vector<16xf32>
      %ge3A_1225 = arith.cmpf oge, %gather3A_1222, %ge3A_1224 : vector<16xf32>
      %jit3A_1226 = arith.constant 1.000000e+00 : f32
      %jit3A_1227 = arith.constant 0.000000e+00 : f32
      %broadcast_in_dim3A_1228 = vector.broadcast %jit3A_1226 : f32 to vector<16xf32>
      %broadcast_in_dim3A_1229 = vector.broadcast %jit3A_1227 : f32 to vector<16xf32>
      %select_n3A_1230 = arith.select %ge3A_1225, %broadcast_in_dim3A_1228, %broadcast_in_dim3A_1229 : vector<16xi1>, vector<16xf32>
      tpu.vector_store_idx %arg8[%broadcast_in_dim3A_20, %get3A_3], %select_n3A_1230 : memref<4x2048xf32, #tpu.memory_space<vmem>>[vector<16xi32>, vector<16xi32>], vector<16xf32>,
      %gather3A_1231 = tpu.vector_load_idx %arg8[%broadcast_in_dim3A_20, %get3A_5] : memref<4x2048xf32, #tpu.memory_space<vmem>>[vector<16xi32>, vector<16xi32>], vector<16xf32>,
      %ge3A_1232 = arith.constant 0.000000e+00 : f32
      %ge3A_1233 = vector.broadcast %ge3A_1232 : f32 to vector<16xf32>
      %ge3A_1234 = arith.cmpf oge, %gather3A_1231, %ge3A_1233 : vector<16xf32>
      %jit3A_1235 = arith.constant 1.000000e+00 : f32
      %jit3A_1236 = arith.constant 0.000000e+00 : f32
      %broadcast_in_dim3A_1237 = vector.broadcast %jit3A_1235 : f32 to vector<16xf32>
      %broadcast_in_dim3A_1238 = vector.broadcast %jit3A_1236 : f32 to vector<16xf32>
      %select_n3A_1239 = arith.select %ge3A_1234, %broadcast_in_dim3A_1237, %broadcast_in_dim3A_1238 : vector<16xi1>, vector<16xf32>
      tpu.vector_store_idx %arg8[%broadcast_in_dim3A_20, %get3A_5], %select_n3A_1239 : memref<4x2048xf32, #tpu.memory_space<vmem>>[vector<16xi32>, vector<16xi32>], vector<16xf32>,
      %gather3A_1240 = tpu.vector_load_idx %arg8[%broadcast_in_dim3A_20, %get3A_7] : memref<4x2048xf32, #tpu.memory_space<vmem>>[vector<16xi32>, vector<16xi32>], vector<16xf32>,
      %ge3A_1241 = arith.constant 0.000000e+00 : f32
      %ge3A_1242 = vector.broadcast %ge3A_1241 : f32 to vector<16xf32>
      %ge3A_1243 = arith.cmpf oge, %gather3A_1240, %ge3A_1242 : vector<16xf32>
      %jit3A_1244 = arith.constant 1.000000e+00 : f32
      %jit3A_1245 = arith.constant 0.000000e+00 : f32
      %broadcast_in_dim3A_1246 = vector.broadcast %jit3A_1244 : f32 to vector<16xf32>
      %broadcast_in_dim3A_1247 = vector.broadcast %jit3A_1245 : f32 to vector<16xf32>
      %select_n3A_1248 = arith.select %ge3A_1243, %broadcast_in_dim3A_1246, %broadcast_in_dim3A_1247 : vector<16xi1>, vector<16xf32>
      tpu.vector_store_idx %arg8[%broadcast_in_dim3A_20, %get3A_7], %select_n3A_1248 : memref<4x2048xf32, #tpu.memory_space<vmem>>[vector<16xi32>, vector<16xi32>], vector<16xf32>,
      %gather3A_1249 = tpu.vector_load_idx %arg8[%broadcast_in_dim3A_20, %get3A_9] : memref<4x2048xf32, #tpu.memory_space<vmem>>[vector<16xi32>, vector<16xi32>], vector<16xf32>,
      %ge3A_1250 = arith.constant 0.000000e+00 : f32
      %ge3A_1251 = vector.broadcast %ge3A_1250 : f32 to vector<16xf32>
      %ge3A_1252 = arith.cmpf oge, %gather3A_1249, %ge3A_1251 : vector<16xf32>
      %jit3A_1253 = arith.constant 1.000000e+00 : f32
      %jit3A_1254 = arith.constant 0.000000e+00 : f32
      %broadcast_in_dim3A_1255 = vector.broadcast %jit3A_1253 : f32 to vector<16xf32>
      %broadcast_in_dim3A_1256 = vector.broadcast %jit3A_1254 : f32 to vector<16xf32>
      %select_n3A_1257 = arith.select %ge3A_1252, %broadcast_in_dim3A_1255, %broadcast_in_dim3A_1256 : vector<16xi1>, vector<16xf32>
      tpu.vector_store_idx %arg8[%broadcast_in_dim3A_20, %get3A_9], %select_n3A_1257 : memref<4x2048xf32, #tpu.memory_space<vmem>>[vector<16xi32>, vector<16xi32>], vector<16xf32>,
      %gather3A_1258 = tpu.vector_load_idx %arg8[%broadcast_in_dim3A_20, %get3A_11] : memref<4x2048xf32, #tpu.memory_space<vmem>>[vector<16xi32>, vector<16xi32>], vector<16xf32>,
      %ge3A_1259 = arith.constant 0.000000e+00 : f32
      %ge3A_1260 = vector.broadcast %ge3A_1259 : f32 to vector<16xf32>
      %ge3A_1261 = arith.cmpf oge, %gather3A_1258, %ge3A_1260 : vector<16xf32>
      %jit3A_1262 = arith.constant 1.000000e+00 : f32
      %jit3A_1263 = arith.constant 0.000000e+00 : f32
      %broadcast_in_dim3A_1264 = vector.broadcast %jit3A_1262 : f32 to vector<16xf32>
      %broadcast_in_dim3A_1265 = vector.broadcast %jit3A_1263 : f32 to vector<16xf32>
      %select_n3A_1266 = arith.select %ge3A_1261, %broadcast_in_dim3A_1264, %broadcast_in_dim3A_1265 : vector<16xi1>, vector<16xf32>
      tpu.vector_store_idx %arg8[%broadcast_in_dim3A_20, %get3A_11], %select_n3A_1266 : memref<4x2048xf32, #tpu.memory_space<vmem>>[vector<16xi32>, vector<16xi32>], vector<16xf32>,
      %gather3A_1267 = tpu.vector_load_idx %arg8[%broadcast_in_dim3A_20, %get3A_13] : memref<4x2048xf32, #tpu.memory_space<vmem>>[vector<16xi32>, vector<16xi32>], vector<16xf32>,
      %ge3A_1268 = arith.constant 0.000000e+00 : f32
      %ge3A_1269 = vector.broadcast %ge3A_1268 : f32 to vector<16xf32>
      %ge3A_1270 = arith.cmpf oge, %gather3A_1267, %ge3A_1269 : vector<16xf32>
      %jit3A_1271 = arith.constant 1.000000e+00 : f32
      %jit3A_1272 = arith.constant 0.000000e+00 : f32
      %broadcast_in_dim3A_1273 = vector.broadcast %jit3A_1271 : f32 to vector<16xf32>
      %broadcast_in_dim3A_1274 = vector.broadcast %jit3A_1272 : f32 to vector<16xf32>
      %select_n3A_1275 = arith.select %ge3A_1270, %broadcast_in_dim3A_1273, %broadcast_in_dim3A_1274 : vector<16xi1>, vector<16xf32>
      tpu.vector_store_idx %arg8[%broadcast_in_dim3A_20, %get3A_13], %select_n3A_1275 : memref<4x2048xf32, #tpu.memory_space<vmem>>[vector<16xi32>, vector<16xi32>], vector<16xf32>,
      %gather3A_1276 = tpu.vector_load_idx %arg8[%broadcast_in_dim3A_20, %get3A_15] : memref<4x2048xf32, #tpu.memory_space<vmem>>[vector<16xi32>, vector<16xi32>], vector<16xf32>,
      %ge3A_1277 = arith.constant 0.000000e+00 : f32
      %ge3A_1278 = vector.broadcast %ge3A_1277 : f32 to vector<16xf32>
      %ge3A_1279 = arith.cmpf oge, %gather3A_1276, %ge3A_1278 : vector<16xf32>
      %jit3A_1280 = arith.constant 1.000000e+00 : f32
      %jit3A_1281 = arith.constant 0.000000e+00 : f32
      %broadcast_in_dim3A_1282 = vector.broadcast %jit3A_1280 : f32 to vector<16xf32>
      %broadcast_in_dim3A_1283 = vector.broadcast %jit3A_1281 : f32 to vector<16xf32>
      %select_n3A_1284 = arith.select %ge3A_1279, %broadcast_in_dim3A_1282, %broadcast_in_dim3A_1283 : vector<16xi1>, vector<16xf32>
      tpu.vector_store_idx %arg8[%broadcast_in_dim3A_20, %get3A_15], %select_n3A_1284 : memref<4x2048xf32, #tpu.memory_space<vmem>>[vector<16xi32>, vector<16xi32>], vector<16xf32>,
      %gather3A_1285 = tpu.vector_load_idx %arg8[%broadcast_in_dim3A_20, %get3A_17] : memref<4x2048xf32, #tpu.memory_space<vmem>>[vector<16xi32>, vector<16xi32>], vector<16xf32>,
      %ge3A_1286 = arith.constant 0.000000e+00 : f32
      %ge3A_1287 = vector.broadcast %ge3A_1286 : f32 to vector<16xf32>
      %ge3A_1288 = arith.cmpf oge, %gather3A_1285, %ge3A_1287 : vector<16xf32>
      %jit3A_1289 = arith.constant 1.000000e+00 : f32
      %jit3A_1290 = arith.constant 0.000000e+00 : f32
      %broadcast_in_dim3A_1291 = vector.broadcast %jit3A_1289 : f32 to vector<16xf32>
      %broadcast_in_dim3A_1292 = vector.broadcast %jit3A_1290 : f32 to vector<16xf32>
      %select_n3A_1293 = arith.select %ge3A_1288, %broadcast_in_dim3A_1291, %broadcast_in_dim3A_1292 : vector<16xi1>, vector<16xf32>
      tpu.vector_store_idx %arg8[%broadcast_in_dim3A_20, %get3A_17], %select_n3A_1293 : memref<4x2048xf32, #tpu.memory_space<vmem>>[vector<16xi32>, vector<16xi32>], vector<16xf32>,
      %gather3A_1294 = tpu.vector_load_idx %arg8[%broadcast_in_dim3A_22, %get3A_3] : memref<4x2048xf32, #tpu.memory_space<vmem>>[vector<16xi32>, vector<16xi32>], vector<16xf32>,
      %ge3A_1295 = arith.constant 0.000000e+00 : f32
      %ge3A_1296 = vector.broadcast %ge3A_1295 : f32 to vector<16xf32>
      %ge3A_1297 = arith.cmpf oge, %gather3A_1294, %ge3A_1296 : vector<16xf32>
      %jit3A_1298 = arith.constant 1.000000e+00 : f32
      %jit3A_1299 = arith.constant 0.000000e+00 : f32
      %broadcast_in_dim3A_1300 = vector.broadcast %jit3A_1298 : f32 to vector<16xf32>
      %broadcast_in_dim3A_1301 = vector.broadcast %jit3A_1299 : f32 to vector<16xf32>
      %select_n3A_1302 = arith.select %ge3A_1297, %broadcast_in_dim3A_1300, %broadcast_in_dim3A_1301 : vector<16xi1>, vector<16xf32>
      tpu.vector_store_idx %arg8[%broadcast_in_dim3A_22, %get3A_3], %select_n3A_1302 : memref<4x2048xf32, #tpu.memory_space<vmem>>[vector<16xi32>, vector<16xi32>], vector<16xf32>,
      %gather3A_1303 = tpu.vector_load_idx %arg8[%broadcast_in_dim3A_22, %get3A_5] : memref<4x2048xf32, #tpu.memory_space<vmem>>[vector<16xi32>, vector<16xi32>], vector<16xf32>,
      %ge3A_1304 = arith.constant 0.000000e+00 : f32
      %ge3A_1305 = vector.broadcast %ge3A_1304 : f32 to vector<16xf32>
      %ge3A_1306 = arith.cmpf oge, %gather3A_1303, %ge3A_1305 : vector<16xf32>
      %jit3A_1307 = arith.constant 1.000000e+00 : f32
      %jit3A_1308 = arith.constant 0.000000e+00 : f32
      %broadcast_in_dim3A_1309 = vector.broadcast %jit3A_1307 : f32 to vector<16xf32>
      %broadcast_in_dim3A_1310 = vector.broadcast %jit3A_1308 : f32 to vector<16xf32>
      %select_n3A_1311 = arith.select %ge3A_1306, %broadcast_in_dim3A_1309, %broadcast_in_dim3A_1310 : vector<16xi1>, vector<16xf32>
      tpu.vector_store_idx %arg8[%broadcast_in_dim3A_22, %get3A_5], %select_n3A_1311 : memref<4x2048xf32, #tpu.memory_space<vmem>>[vector<16xi32>, vector<16xi32>], vector<16xf32>,
      %gather3A_1312 = tpu.vector_load_idx %arg8[%broadcast_in_dim3A_22, %get3A_7] : memref<4x2048xf32, #tpu.memory_space<vmem>>[vector<16xi32>, vector<16xi32>], vector<16xf32>,
      %ge3A_1313 = arith.constant 0.000000e+00 : f32
      %ge3A_1314 = vector.broadcast %ge3A_1313 : f32 to vector<16xf32>
      %ge3A_1315 = arith.cmpf oge, %gather3A_1312, %ge3A_1314 : vector<16xf32>
      %jit3A_1316 = arith.constant 1.000000e+00 : f32
      %jit3A_1317 = arith.constant 0.000000e+00 : f32
      %broadcast_in_dim3A_1318 = vector.broadcast %jit3A_1316 : f32 to vector<16xf32>
      %broadcast_in_dim3A_1319 = vector.broadcast %jit3A_1317 : f32 to vector<16xf32>
      %select_n3A_1320 = arith.select %ge3A_1315, %broadcast_in_dim3A_1318, %broadcast_in_dim3A_1319 : vector<16xi1>, vector<16xf32>
      tpu.vector_store_idx %arg8[%broadcast_in_dim3A_22, %get3A_7], %select_n3A_1320 : memref<4x2048xf32, #tpu.memory_space<vmem>>[vector<16xi32>, vector<16xi32>], vector<16xf32>,
      %gather3A_1321 = tpu.vector_load_idx %arg8[%broadcast_in_dim3A_22, %get3A_9] : memref<4x2048xf32, #tpu.memory_space<vmem>>[vector<16xi32>, vector<16xi32>], vector<16xf32>,
      %ge3A_1322 = arith.constant 0.000000e+00 : f32
      %ge3A_1323 = vector.broadcast %ge3A_1322 : f32 to vector<16xf32>
      %ge3A_1324 = arith.cmpf oge, %gather3A_1321, %ge3A_1323 : vector<16xf32>
      %jit3A_1325 = arith.constant 1.000000e+00 : f32
      %jit3A_1326 = arith.constant 0.000000e+00 : f32
      %broadcast_in_dim3A_1327 = vector.broadcast %jit3A_1325 : f32 to vector<16xf32>
      %broadcast_in_dim3A_1328 = vector.broadcast %jit3A_1326 : f32 to vector<16xf32>
      %select_n3A_1329 = arith.select %ge3A_1324, %broadcast_in_dim3A_1327, %broadcast_in_dim3A_1328 : vector<16xi1>, vector<16xf32>
      tpu.vector_store_idx %arg8[%broadcast_in_dim3A_22, %get3A_9], %select_n3A_1329 : memref<4x2048xf32, #tpu.memory_space<vmem>>[vector<16xi32>, vector<16xi32>], vector<16xf32>,
      %gather3A_1330 = tpu.vector_load_idx %arg8[%broadcast_in_dim3A_22, %get3A_11] : memref<4x2048xf32, #tpu.memory_space<vmem>>[vector<16xi32>, vector<16xi32>], vector<16xf32>,
      %ge3A_1331 = arith.constant 0.000000e+00 : f32
      %ge3A_1332 = vector.broadcast %ge3A_1331 : f32 to vector<16xf32>
      %ge3A_1333 = arith.cmpf oge, %gather3A_1330, %ge3A_1332 : vector<16xf32>
      %jit3A_1334 = arith.constant 1.000000e+00 : f32
      %jit3A_1335 = arith.constant 0.000000e+00 : f32
      %broadcast_in_dim3A_1336 = vector.broadcast %jit3A_1334 : f32 to vector<16xf32>
      %broadcast_in_dim3A_1337 = vector.broadcast %jit3A_1335 : f32 to vector<16xf32>
      %select_n3A_1338 = arith.select %ge3A_1333, %broadcast_in_dim3A_1336, %broadcast_in_dim3A_1337 : vector<16xi1>, vector<16xf32>
      tpu.vector_store_idx %arg8[%broadcast_in_dim3A_22, %get3A_11], %select_n3A_1338 : memref<4x2048xf32, #tpu.memory_space<vmem>>[vector<16xi32>, vector<16xi32>], vector<16xf32>,
      %gather3A_1339 = tpu.vector_load_idx %arg8[%broadcast_in_dim3A_22, %get3A_13] : memref<4x2048xf32, #tpu.memory_space<vmem>>[vector<16xi32>, vector<16xi32>], vector<16xf32>,
      %ge3A_1340 = arith.constant 0.000000e+00 : f32
      %ge3A_1341 = vector.broadcast %ge3A_1340 : f32 to vector<16xf32>
      %ge3A_1342 = arith.cmpf oge, %gather3A_1339, %ge3A_1341 : vector<16xf32>
      %jit3A_1343 = arith.constant 1.000000e+00 : f32
      %jit3A_1344 = arith.constant 0.000000e+00 : f32
      %broadcast_in_dim3A_1345 = vector.broadcast %jit3A_1343 : f32 to vector<16xf32>
      %broadcast_in_dim3A_1346 = vector.broadcast %jit3A_1344 : f32 to vector<16xf32>
      %select_n3A_1347 = arith.select %ge3A_1342, %broadcast_in_dim3A_1345, %broadcast_in_dim3A_1346 : vector<16xi1>, vector<16xf32>
      tpu.vector_store_idx %arg8[%broadcast_in_dim3A_22, %get3A_13], %select_n3A_1347 : memref<4x2048xf32, #tpu.memory_space<vmem>>[vector<16xi32>, vector<16xi32>], vector<16xf32>,
      %gather3A_1348 = tpu.vector_load_idx %arg8[%broadcast_in_dim3A_22, %get3A_15] : memref<4x2048xf32, #tpu.memory_space<vmem>>[vector<16xi32>, vector<16xi32>], vector<16xf32>,
      %ge3A_1349 = arith.constant 0.000000e+00 : f32
      %ge3A_1350 = vector.broadcast %ge3A_1349 : f32 to vector<16xf32>
      %ge3A_1351 = arith.cmpf oge, %gather3A_1348, %ge3A_1350 : vector<16xf32>
      %jit3A_1352 = arith.constant 1.000000e+00 : f32
      %jit3A_1353 = arith.constant 0.000000e+00 : f32
      %broadcast_in_dim3A_1354 = vector.broadcast %jit3A_1352 : f32 to vector<16xf32>
      %broadcast_in_dim3A_1355 = vector.broadcast %jit3A_1353 : f32 to vector<16xf32>
      %select_n3A_1356 = arith.select %ge3A_1351, %broadcast_in_dim3A_1354, %broadcast_in_dim3A_1355 : vector<16xi1>, vector<16xf32>
      tpu.vector_store_idx %arg8[%broadcast_in_dim3A_22, %get3A_15], %select_n3A_1356 : memref<4x2048xf32, #tpu.memory_space<vmem>>[vector<16xi32>, vector<16xi32>], vector<16xf32>,
      %gather3A_1357 = tpu.vector_load_idx %arg8[%broadcast_in_dim3A_22, %get3A_17] : memref<4x2048xf32, #tpu.memory_space<vmem>>[vector<16xi32>, vector<16xi32>], vector<16xf32>,
      %ge3A_1358 = arith.constant 0.000000e+00 : f32
      %ge3A_1359 = vector.broadcast %ge3A_1358 : f32 to vector<16xf32>
      %ge3A_1360 = arith.cmpf oge, %gather3A_1357, %ge3A_1359 : vector<16xf32>
      %jit3A_1361 = arith.constant 1.000000e+00 : f32
      %jit3A_1362 = arith.constant 0.000000e+00 : f32
      %broadcast_in_dim3A_1363 = vector.broadcast %jit3A_1361 : f32 to vector<16xf32>
      %broadcast_in_dim3A_1364 = vector.broadcast %jit3A_1362 : f32 to vector<16xf32>
      %select_n3A_1365 = arith.select %ge3A_1360, %broadcast_in_dim3A_1363, %broadcast_in_dim3A_1364 : vector<16xi1>, vector<16xf32>
      tpu.vector_store_idx %arg8[%broadcast_in_dim3A_22, %get3A_17], %select_n3A_1365 : memref<4x2048xf32, #tpu.memory_space<vmem>>[vector<16xi32>, vector<16xi32>], vector<16xf32>,
      %gather3A_1366 = tpu.vector_load_idx %arg8[%broadcast_in_dim3A_24, %get3A_3] : memref<4x2048xf32, #tpu.memory_space<vmem>>[vector<16xi32>, vector<16xi32>], vector<16xf32>,
      %ge3A_1367 = arith.constant 0.000000e+00 : f32
      %ge3A_1368 = vector.broadcast %ge3A_1367 : f32 to vector<16xf32>
      %ge3A_1369 = arith.cmpf oge, %gather3A_1366, %ge3A_1368 : vector<16xf32>
      %jit3A_1370 = arith.constant 1.000000e+00 : f32
      %jit3A_1371 = arith.constant 0.000000e+00 : f32
      %broadcast_in_dim3A_1372 = vector.broadcast %jit3A_1370 : f32 to vector<16xf32>
      %broadcast_in_dim3A_1373 = vector.broadcast %jit3A_1371 : f32 to vector<16xf32>
      %select_n3A_1374 = arith.select %ge3A_1369, %broadcast_in_dim3A_1372, %broadcast_in_dim3A_1373 : vector<16xi1>, vector<16xf32>
      tpu.vector_store_idx %arg8[%broadcast_in_dim3A_24, %get3A_3], %select_n3A_1374 : memref<4x2048xf32, #tpu.memory_space<vmem>>[vector<16xi32>, vector<16xi32>], vector<16xf32>,
      %gather3A_1375 = tpu.vector_load_idx %arg8[%broadcast_in_dim3A_24, %get3A_5] : memref<4x2048xf32, #tpu.memory_space<vmem>>[vector<16xi32>, vector<16xi32>], vector<16xf32>,
      %ge3A_1376 = arith.constant 0.000000e+00 : f32
      %ge3A_1377 = vector.broadcast %ge3A_1376 : f32 to vector<16xf32>
      %ge3A_1378 = arith.cmpf oge, %gather3A_1375, %ge3A_1377 : vector<16xf32>
      %jit3A_1379 = arith.constant 1.000000e+00 : f32
      %jit3A_1380 = arith.constant 0.000000e+00 : f32
      %broadcast_in_dim3A_1381 = vector.broadcast %jit3A_1379 : f32 to vector<16xf32>
      %broadcast_in_dim3A_1382 = vector.broadcast %jit3A_1380 : f32 to vector<16xf32>
      %select_n3A_1383 = arith.select %ge3A_1378, %broadcast_in_dim3A_1381, %broadcast_in_dim3A_1382 : vector<16xi1>, vector<16xf32>
      tpu.vector_store_idx %arg8[%broadcast_in_dim3A_24, %get3A_5], %select_n3A_1383 : memref<4x2048xf32, #tpu.memory_space<vmem>>[vector<16xi32>, vector<16xi32>], vector<16xf32>,
      %gather3A_1384 = tpu.vector_load_idx %arg8[%broadcast_in_dim3A_24, %get3A_7] : memref<4x2048xf32, #tpu.memory_space<vmem>>[vector<16xi32>, vector<16xi32>], vector<16xf32>,
      %ge3A_1385 = arith.constant 0.000000e+00 : f32
      %ge3A_1386 = vector.broadcast %ge3A_1385 : f32 to vector<16xf32>
      %ge3A_1387 = arith.cmpf oge, %gather3A_1384, %ge3A_1386 : vector<16xf32>
      %jit3A_1388 = arith.constant 1.000000e+00 : f32
      %jit3A_1389 = arith.constant 0.000000e+00 : f32
      %broadcast_in_dim3A_1390 = vector.broadcast %jit3A_1388 : f32 to vector<16xf32>
      %broadcast_in_dim3A_1391 = vector.broadcast %jit3A_1389 : f32 to vector<16xf32>
      %select_n3A_1392 = arith.select %ge3A_1387, %broadcast_in_dim3A_1390, %broadcast_in_dim3A_1391 : vector<16xi1>, vector<16xf32>
      tpu.vector_store_idx %arg8[%broadcast_in_dim3A_24, %get3A_7], %select_n3A_1392 : memref<4x2048xf32, #tpu.memory_space<vmem>>[vector<16xi32>, vector<16xi32>], vector<16xf32>,
      %gather3A_1393 = tpu.vector_load_idx %arg8[%broadcast_in_dim3A_24, %get3A_9] : memref<4x2048xf32, #tpu.memory_space<vmem>>[vector<16xi32>, vector<16xi32>], vector<16xf32>,
      %ge3A_1394 = arith.constant 0.000000e+00 : f32
      %ge3A_1395 = vector.broadcast %ge3A_1394 : f32 to vector<16xf32>
      %ge3A_1396 = arith.cmpf oge, %gather3A_1393, %ge3A_1395 : vector<16xf32>
      %jit3A_1397 = arith.constant 1.000000e+00 : f32
      %jit3A_1398 = arith.constant 0.000000e+00 : f32
      %broadcast_in_dim3A_1399 = vector.broadcast %jit3A_1397 : f32 to vector<16xf32>
      %broadcast_in_dim3A_1400 = vector.broadcast %jit3A_1398 : f32 to vector<16xf32>
      %select_n3A_1401 = arith.select %ge3A_1396, %broadcast_in_dim3A_1399, %broadcast_in_dim3A_1400 : vector<16xi1>, vector<16xf32>
      tpu.vector_store_idx %arg8[%broadcast_in_dim3A_24, %get3A_9], %select_n3A_1401 : memref<4x2048xf32, #tpu.memory_space<vmem>>[vector<16xi32>, vector<16xi32>], vector<16xf32>,
      %gather3A_1402 = tpu.vector_load_idx %arg8[%broadcast_in_dim3A_24, %get3A_11] : memref<4x2048xf32, #tpu.memory_space<vmem>>[vector<16xi32>, vector<16xi32>], vector<16xf32>,
      %ge3A_1403 = arith.constant 0.000000e+00 : f32
      %ge3A_1404 = vector.broadcast %ge3A_1403 : f32 to vector<16xf32>
      %ge3A_1405 = arith.cmpf oge, %gather3A_1402, %ge3A_1404 : vector<16xf32>
      %jit3A_1406 = arith.constant 1.000000e+00 : f32
      %jit3A_1407 = arith.constant 0.000000e+00 : f32
      %broadcast_in_dim3A_1408 = vector.broadcast %jit3A_1406 : f32 to vector<16xf32>
      %broadcast_in_dim3A_1409 = vector.broadcast %jit3A_1407 : f32 to vector<16xf32>
      %select_n3A_1410 = arith.select %ge3A_1405, %broadcast_in_dim3A_1408, %broadcast_in_dim3A_1409 : vector<16xi1>, vector<16xf32>
      tpu.vector_store_idx %arg8[%broadcast_in_dim3A_24, %get3A_11], %select_n3A_1410 : memref<4x2048xf32, #tpu.memory_space<vmem>>[vector<16xi32>, vector<16xi32>], vector<16xf32>,
      %gather3A_1411 = tpu.vector_load_idx %arg8[%broadcast_in_dim3A_24, %get3A_13] : memref<4x2048xf32, #tpu.memory_space<vmem>>[vector<16xi32>, vector<16xi32>], vector<16xf32>,
      %ge3A_1412 = arith.constant 0.000000e+00 : f32
      %ge3A_1413 = vector.broadcast %ge3A_1412 : f32 to vector<16xf32>
      %ge3A_1414 = arith.cmpf oge, %gather3A_1411, %ge3A_1413 : vector<16xf32>
      %jit3A_1415 = arith.constant 1.000000e+00 : f32
      %jit3A_1416 = arith.constant 0.000000e+00 : f32
      %broadcast_in_dim3A_1417 = vector.broadcast %jit3A_1415 : f32 to vector<16xf32>
      %broadcast_in_dim3A_1418 = vector.broadcast %jit3A_1416 : f32 to vector<16xf32>
      %select_n3A_1419 = arith.select %ge3A_1414, %broadcast_in_dim3A_1417, %broadcast_in_dim3A_1418 : vector<16xi1>, vector<16xf32>
      tpu.vector_store_idx %arg8[%broadcast_in_dim3A_24, %get3A_13], %select_n3A_1419 : memref<4x2048xf32, #tpu.memory_space<vmem>>[vector<16xi32>, vector<16xi32>], vector<16xf32>,
      %gather3A_1420 = tpu.vector_load_idx %arg8[%broadcast_in_dim3A_24, %get3A_15] : memref<4x2048xf32, #tpu.memory_space<vmem>>[vector<16xi32>, vector<16xi32>], vector<16xf32>,
      %ge3A_1421 = arith.constant 0.000000e+00 : f32
      %ge3A_1422 = vector.broadcast %ge3A_1421 : f32 to vector<16xf32>
      %ge3A_1423 = arith.cmpf oge, %gather3A_1420, %ge3A_1422 : vector<16xf32>
      %jit3A_1424 = arith.constant 1.000000e+00 : f32
      %jit3A_1425 = arith.constant 0.000000e+00 : f32
      %broadcast_in_dim3A_1426 = vector.broadcast %jit3A_1424 : f32 to vector<16xf32>
      %broadcast_in_dim3A_1427 = vector.broadcast %jit3A_1425 : f32 to vector<16xf32>
      %select_n3A_1428 = arith.select %ge3A_1423, %broadcast_in_dim3A_1426, %broadcast_in_dim3A_1427 : vector<16xi1>, vector<16xf32>
      tpu.vector_store_idx %arg8[%broadcast_in_dim3A_24, %get3A_15], %select_n3A_1428 : memref<4x2048xf32, #tpu.memory_space<vmem>>[vector<16xi32>, vector<16xi32>], vector<16xf32>,
      %gather3A_1429 = tpu.vector_load_idx %arg8[%broadcast_in_dim3A_24, %get3A_17] : memref<4x2048xf32, #tpu.memory_space<vmem>>[vector<16xi32>, vector<16xi32>], vector<16xf32>,
      %ge3A_1430 = arith.constant 0.000000e+00 : f32
      %ge3A_1431 = vector.broadcast %ge3A_1430 : f32 to vector<16xf32>
      %ge3A_1432 = arith.cmpf oge, %gather3A_1429, %ge3A_1431 : vector<16xf32>
      %jit3A_1433 = arith.constant 1.000000e+00 : f32
      %jit3A_1434 = arith.constant 0.000000e+00 : f32
      %broadcast_in_dim3A_1435 = vector.broadcast %jit3A_1433 : f32 to vector<16xf32>
      %broadcast_in_dim3A_1436 = vector.broadcast %jit3A_1434 : f32 to vector<16xf32>
      %select_n3A_1437 = arith.select %ge3A_1432, %broadcast_in_dim3A_1435, %broadcast_in_dim3A_1436 : vector<16xi1>, vector<16xf32>
      tpu.vector_store_idx %arg8[%broadcast_in_dim3A_24, %get3A_17], %select_n3A_1437 : memref<4x2048xf32, #tpu.memory_space<vmem>>[vector<16xi32>, vector<16xi32>], vector<16xf32>,
      %mul3A_1438 = arith.constant 4 : i32
      %mul3A_1439 = arith.muli %add3A_1139, %mul3A_1438 : i32
      %add3A_1440 = arith.addi %mul3A_2, %mul3A_1439 : i32
      %dma_start3A_1441 = arith.constant 3 : i32
      %dma_start3A_1442 = arith.constant 0 : i32
      %dma_start3A_1443 = tpu.memref_slice %arg4[%add3A_1440, %dma_start3A_1442] : memref<16384x2048xf32, #tpu.memory_space<hbm>> -> memref<4x2048xf32, #tpu.memory_space<hbm>>
      %dma_start3A_1444 = tpu.memref_slice %arg15[%dma_start3A_1441] : memref<8x!tpu.dma_semaphore, #tpu.memory_space<semaphore_mem>> -> memref<1x!tpu.dma_semaphore, #tpu.memory_space<semaphore_mem>>
      %dma_start3A_1445 = tpu.memref_squeeze %dma_start3A_1444 : memref<1x!tpu.dma_semaphore, #tpu.memory_space<semaphore_mem>> -> memref<!tpu.dma_semaphore, #tpu.memory_space<semaphore_mem>>
      %dma_start3A_1446 = arith.constant 0 : i32
      %dma_start3A_1447 = tpu.memref_slice %arg4[%add3A_1440, %dma_start3A_1446] : memref<16384x2048xf32, #tpu.memory_space<hbm>> -> memref<4x2048xf32, #tpu.memory_space<hbm>>
      tpu.enqueue_dma source(%arg8 : memref<4x2048xf32, #tpu.memory_space<vmem>>) target(%dma_start3A_1447 : memref<4x2048xf32, #tpu.memory_space<hbm>>) target_semaphore(%dma_start3A_1445 : memref<!tpu.dma_semaphore, #tpu.memory_space<semaphore_mem>>)
      %add3A_1448 = arith.constant 8 : i32
      %add3A_1449 = arith.addi %add3A_1139, %add3A_1448 : i32
      %sub3A_1450 = arith.constant 1 : i32
      %sub3A_1451 = arith.subi %add3A_1449, %sub3A_1450 : i32
      %ge3A_1452 = arith.constant 1 : i32
      %ge3A_1453 = arith.cmpi sge, %add3A_1139, %ge3A_1452 : i32
      %lt3A_1454 = arith.constant 128 : i32
      %lt3A_1455 = arith.cmpi slt, %sub3A_1451, %lt3A_1454 : i32
      %and3A_1456 = arith.andi %ge3A_1453, %lt3A_1455 : i1
      %convert_element_type3A_1457 = arith.extui %and3A_1456 : i1 to i32
      %cond3A_1458 = arith.constant 0 : i32
      %cond3A_1459 = arith.cmpi ne, %convert_element_type3A_1457, %cond3A_1458 : i32
      scf.if %cond3A_1459 {
        %sub3A_2773 = arith.constant 1 : i32
        %sub3A_2774 = arith.subi %add3A_1139, %sub3A_2773 : i32
        %mul3A_2775 = arith.constant 4 : i32
        %mul3A_2776 = arith.muli %sub3A_2774, %mul3A_2775 : i32
        %add3A_2777 = arith.addi %mul3A_2, %mul3A_2776 : i32
        %dma_wait3A_2778 = arith.constant 2 : i32
        %dma_wait3A_2779 = arith.constant 0 : i32
        %dma_wait3A_2780 = tpu.memref_slice %arg4[%add3A_2777, %dma_wait3A_2779] : memref<16384x2048xf32, #tpu.memory_space<hbm>> -> memref<4x2048xf32, #tpu.memory_space<hbm>>
        %dma_wait3A_2781 = tpu.memref_slice %arg15[%dma_wait3A_2778] : memref<8x!tpu.dma_semaphore, #tpu.memory_space<semaphore_mem>> -> memref<1x!tpu.dma_semaphore, #tpu.memory_space<semaphore_mem>>
        %dma_wait3A_2782 = tpu.memref_squeeze %dma_wait3A_2781 : memref<1x!tpu.dma_semaphore, #tpu.memory_space<semaphore_mem>> -> memref<!tpu.dma_semaphore, #tpu.memory_space<semaphore_mem>>
        %dma_wait3A_2783 = arith.constant 0 : i32
        %dma_wait3A_2784 = tpu.memref_slice %arg4[%add3A_2777, %dma_wait3A_2783] : memref<16384x2048xf32, #tpu.memory_space<hbm>> -> memref<4x2048xf32, #tpu.memory_space<hbm>>
        tpu.wait_dma2 semaphore(%dma_wait3A_2782 : memref<!tpu.dma_semaphore, #tpu.memory_space<semaphore_mem>>) src(%arg7 : memref<4x2048xf32, #tpu.memory_space<vmem>>) dst(%dma_wait3A_2784 : memref<4x2048xf32, #tpu.memory_space<hbm>>)
      } else {
      }
      %lt3A_1460 = arith.constant 128 : i32
      %lt3A_1461 = arith.cmpi slt, %sub3A_1451, %lt3A_1460 : i32
      %convert_element_type3A_1462 = arith.extui %lt3A_1461 : i1 to i32
      %cond3A_1463 = arith.constant 0 : i32
      %cond3A_1464 = arith.cmpi ne, %convert_element_type3A_1462, %cond3A_1463 : i32
      scf.if %cond3A_1464 {
        %mul3A_2773 = arith.constant 4 : i32
        %mul3A_2774 = arith.muli %sub3A_1451, %mul3A_2773 : i32
        %add3A_2775 = arith.addi %mul3A_2, %mul3A_2774 : i32
        %dma_start3A_2776 = arith.constant 2 : i32
        %dma_start3A_2777 = arith.constant 0 : i32
        %dma_start3A_2778 = tpu.memref_slice %arg2[%add3A_2775, %dma_start3A_2777] : memref<16384x2048xf32, #tpu.memory_space<hbm>> -> memref<4x2048xf32, #tpu.memory_space<hbm>>
        %dma_start3A_2779 = tpu.memref_slice %arg14[%dma_start3A_2776] : memref<8x!tpu.dma_semaphore, #tpu.memory_space<semaphore_mem>> -> memref<1x!tpu.dma_semaphore, #tpu.memory_space<semaphore_mem>>
        %dma_start3A_2780 = tpu.memref_squeeze %dma_start3A_2779 : memref<1x!tpu.dma_semaphore, #tpu.memory_space<semaphore_mem>> -> memref<!tpu.dma_semaphore, #tpu.memory_space<semaphore_mem>>
        %dma_start3A_2781 = arith.constant 0 : i32
        %dma_start3A_2782 = tpu.memref_slice %arg2[%add3A_2775, %dma_start3A_2781] : memref<16384x2048xf32, #tpu.memory_space<hbm>> -> memref<4x2048xf32, #tpu.memory_space<hbm>>
        tpu.enqueue_dma source(%dma_start3A_2782 : memref<4x2048xf32, #tpu.memory_space<hbm>>) target(%arg7 : memref<4x2048xf32, #tpu.memory_space<vmem>>) target_semaphore(%dma_start3A_2780 : memref<!tpu.dma_semaphore, #tpu.memory_space<semaphore_mem>>)
      } else {
      }
      %add3A_1465 = arith.constant 4 : i32
      %add3A_1466 = arith.addi %mul3A_165, %add3A_1465 : i32
      %mul3A_1467 = arith.constant 4 : i32
      %mul3A_1468 = arith.muli %add3A_1466, %mul3A_1467 : i32
      %add3A_1469 = arith.addi %mul3A_2, %mul3A_1468 : i32
      %dma_wait3A_1470 = arith.constant 4 : i32
      %dma_wait3A_1471 = arith.constant 0 : i32
      %dma_wait3A_1472 = tpu.memref_slice %arg2[%add3A_1469, %dma_wait3A_1471] : memref<16384x2048xf32, #tpu.memory_space<hbm>> -> memref<4x2048xf32, #tpu.memory_space<hbm>>
      %dma_wait3A_1473 = tpu.memref_slice %arg14[%dma_wait3A_1470] : memref<8x!tpu.dma_semaphore, #tpu.memory_space<semaphore_mem>> -> memref<1x!tpu.dma_semaphore, #tpu.memory_space<semaphore_mem>>
      %dma_wait3A_1474 = tpu.memref_squeeze %dma_wait3A_1473 : memref<1x!tpu.dma_semaphore, #tpu.memory_space<semaphore_mem>> -> memref<!tpu.dma_semaphore, #tpu.memory_space<semaphore_mem>>
      %dma_wait3A_1475 = arith.constant 0 : i32
      %dma_wait3A_1476 = tpu.memref_slice %arg2[%add3A_1469, %dma_wait3A_1475] : memref<16384x2048xf32, #tpu.memory_space<hbm>> -> memref<4x2048xf32, #tpu.memory_space<hbm>>
      tpu.wait_dma2 semaphore(%dma_wait3A_1474 : memref<!tpu.dma_semaphore, #tpu.memory_space<semaphore_mem>>) src(%dma_wait3A_1476 : memref<4x2048xf32, #tpu.memory_space<hbm>>) dst(%arg9 : memref<4x2048xf32, #tpu.memory_space<vmem>>)
      %gather3A_1477 = tpu.vector_load_idx %arg9[%broadcast_in_dim3A_18, %get3A_3] : memref<4x2048xf32, #tpu.memory_space<vmem>>[vector<16xi32>, vector<16xi32>], vector<16xf32>,
      %ge3A_1478 = arith.constant 0.000000e+00 : f32
      %ge3A_1479 = vector.broadcast %ge3A_1478 : f32 to vector<16xf32>
      %ge3A_1480 = arith.cmpf oge, %gather3A_1477, %ge3A_1479 : vector<16xf32>
      %jit3A_1481 = arith.constant 1.000000e+00 : f32
      %jit3A_1482 = arith.constant 0.000000e+00 : f32
      %broadcast_in_dim3A_1483 = vector.broadcast %jit3A_1481 : f32 to vector<16xf32>
      %broadcast_in_dim3A_1484 = vector.broadcast %jit3A_1482 : f32 to vector<16xf32>
      %select_n3A_1485 = arith.select %ge3A_1480, %broadcast_in_dim3A_1483, %broadcast_in_dim3A_1484 : vector<16xi1>, vector<16xf32>
      tpu.vector_store_idx %arg9[%broadcast_in_dim3A_18, %get3A_3], %select_n3A_1485 : memref<4x2048xf32, #tpu.memory_space<vmem>>[vector<16xi32>, vector<16xi32>], vector<16xf32>,
      %gather3A_1486 = tpu.vector_load_idx %arg9[%broadcast_in_dim3A_18, %get3A_5] : memref<4x2048xf32, #tpu.memory_space<vmem>>[vector<16xi32>, vector<16xi32>], vector<16xf32>,
      %ge3A_1487 = arith.constant 0.000000e+00 : f32
      %ge3A_1488 = vector.broadcast %ge3A_1487 : f32 to vector<16xf32>
      %ge3A_1489 = arith.cmpf oge, %gather3A_1486, %ge3A_1488 : vector<16xf32>
      %jit3A_1490 = arith.constant 1.000000e+00 : f32
      %jit3A_1491 = arith.constant 0.000000e+00 : f32
      %broadcast_in_dim3A_1492 = vector.broadcast %jit3A_1490 : f32 to vector<16xf32>
      %broadcast_in_dim3A_1493 = vector.broadcast %jit3A_1491 : f32 to vector<16xf32>
      %select_n3A_1494 = arith.select %ge3A_1489, %broadcast_in_dim3A_1492, %broadcast_in_dim3A_1493 : vector<16xi1>, vector<16xf32>
      tpu.vector_store_idx %arg9[%broadcast_in_dim3A_18, %get3A_5], %select_n3A_1494 : memref<4x2048xf32, #tpu.memory_space<vmem>>[vector<16xi32>, vector<16xi32>], vector<16xf32>,
      %gather3A_1495 = tpu.vector_load_idx %arg9[%broadcast_in_dim3A_18, %get3A_7] : memref<4x2048xf32, #tpu.memory_space<vmem>>[vector<16xi32>, vector<16xi32>], vector<16xf32>,
      %ge3A_1496 = arith.constant 0.000000e+00 : f32
      %ge3A_1497 = vector.broadcast %ge3A_1496 : f32 to vector<16xf32>
      %ge3A_1498 = arith.cmpf oge, %gather3A_1495, %ge3A_1497 : vector<16xf32>
      %jit3A_1499 = arith.constant 1.000000e+00 : f32
      %jit3A_1500 = arith.constant 0.000000e+00 : f32
      %broadcast_in_dim3A_1501 = vector.broadcast %jit3A_1499 : f32 to vector<16xf32>
      %broadcast_in_dim3A_1502 = vector.broadcast %jit3A_1500 : f32 to vector<16xf32>
      %select_n3A_1503 = arith.select %ge3A_1498, %broadcast_in_dim3A_1501, %broadcast_in_dim3A_1502 : vector<16xi1>, vector<16xf32>
      tpu.vector_store_idx %arg9[%broadcast_in_dim3A_18, %get3A_7], %select_n3A_1503 : memref<4x2048xf32, #tpu.memory_space<vmem>>[vector<16xi32>, vector<16xi32>], vector<16xf32>,
      %gather3A_1504 = tpu.vector_load_idx %arg9[%broadcast_in_dim3A_18, %get3A_9] : memref<4x2048xf32, #tpu.memory_space<vmem>>[vector<16xi32>, vector<16xi32>], vector<16xf32>,
      %ge3A_1505 = arith.constant 0.000000e+00 : f32
      %ge3A_1506 = vector.broadcast %ge3A_1505 : f32 to vector<16xf32>
      %ge3A_1507 = arith.cmpf oge, %gather3A_1504, %ge3A_1506 : vector<16xf32>
      %jit3A_1508 = arith.constant 1.000000e+00 : f32
      %jit3A_1509 = arith.constant 0.000000e+00 : f32
      %broadcast_in_dim3A_1510 = vector.broadcast %jit3A_1508 : f32 to vector<16xf32>
      %broadcast_in_dim3A_1511 = vector.broadcast %jit3A_1509 : f32 to vector<16xf32>
      %select_n3A_1512 = arith.select %ge3A_1507, %broadcast_in_dim3A_1510, %broadcast_in_dim3A_1511 : vector<16xi1>, vector<16xf32>
      tpu.vector_store_idx %arg9[%broadcast_in_dim3A_18, %get3A_9], %select_n3A_1512 : memref<4x2048xf32, #tpu.memory_space<vmem>>[vector<16xi32>, vector<16xi32>], vector<16xf32>,
      %gather3A_1513 = tpu.vector_load_idx %arg9[%broadcast_in_dim3A_18, %get3A_11] : memref<4x2048xf32, #tpu.memory_space<vmem>>[vector<16xi32>, vector<16xi32>], vector<16xf32>,
      %ge3A_1514 = arith.constant 0.000000e+00 : f32
      %ge3A_1515 = vector.broadcast %ge3A_1514 : f32 to vector<16xf32>
      %ge3A_1516 = arith.cmpf oge, %gather3A_1513, %ge3A_1515 : vector<16xf32>
      %jit3A_1517 = arith.constant 1.000000e+00 : f32
      %jit3A_1518 = arith.constant 0.000000e+00 : f32
      %broadcast_in_dim3A_1519 = vector.broadcast %jit3A_1517 : f32 to vector<16xf32>
      %broadcast_in_dim3A_1520 = vector.broadcast %jit3A_1518 : f32 to vector<16xf32>
      %select_n3A_1521 = arith.select %ge3A_1516, %broadcast_in_dim3A_1519, %broadcast_in_dim3A_1520 : vector<16xi1>, vector<16xf32>
      tpu.vector_store_idx %arg9[%broadcast_in_dim3A_18, %get3A_11], %select_n3A_1521 : memref<4x2048xf32, #tpu.memory_space<vmem>>[vector<16xi32>, vector<16xi32>], vector<16xf32>,
      %gather3A_1522 = tpu.vector_load_idx %arg9[%broadcast_in_dim3A_18, %get3A_13] : memref<4x2048xf32, #tpu.memory_space<vmem>>[vector<16xi32>, vector<16xi32>], vector<16xf32>,
      %ge3A_1523 = arith.constant 0.000000e+00 : f32
      %ge3A_1524 = vector.broadcast %ge3A_1523 : f32 to vector<16xf32>
      %ge3A_1525 = arith.cmpf oge, %gather3A_1522, %ge3A_1524 : vector<16xf32>
      %jit3A_1526 = arith.constant 1.000000e+00 : f32
      %jit3A_1527 = arith.constant 0.000000e+00 : f32
      %broadcast_in_dim3A_1528 = vector.broadcast %jit3A_1526 : f32 to vector<16xf32>
      %broadcast_in_dim3A_1529 = vector.broadcast %jit3A_1527 : f32 to vector<16xf32>
      %select_n3A_1530 = arith.select %ge3A_1525, %broadcast_in_dim3A_1528, %broadcast_in_dim3A_1529 : vector<16xi1>, vector<16xf32>
      tpu.vector_store_idx %arg9[%broadcast_in_dim3A_18, %get3A_13], %select_n3A_1530 : memref<4x2048xf32, #tpu.memory_space<vmem>>[vector<16xi32>, vector<16xi32>], vector<16xf32>,
      %gather3A_1531 = tpu.vector_load_idx %arg9[%broadcast_in_dim3A_18, %get3A_15] : memref<4x2048xf32, #tpu.memory_space<vmem>>[vector<16xi32>, vector<16xi32>], vector<16xf32>,
      %ge3A_1532 = arith.constant 0.000000e+00 : f32
      %ge3A_1533 = vector.broadcast %ge3A_1532 : f32 to vector<16xf32>
      %ge3A_1534 = arith.cmpf oge, %gather3A_1531, %ge3A_1533 : vector<16xf32>
      %jit3A_1535 = arith.constant 1.000000e+00 : f32
      %jit3A_1536 = arith.constant 0.000000e+00 : f32
      %broadcast_in_dim3A_1537 = vector.broadcast %jit3A_1535 : f32 to vector<16xf32>
      %broadcast_in_dim3A_1538 = vector.broadcast %jit3A_1536 : f32 to vector<16xf32>
      %select_n3A_1539 = arith.select %ge3A_1534, %broadcast_in_dim3A_1537, %broadcast_in_dim3A_1538 : vector<16xi1>, vector<16xf32>
      tpu.vector_store_idx %arg9[%broadcast_in_dim3A_18, %get3A_15], %select_n3A_1539 : memref<4x2048xf32, #tpu.memory_space<vmem>>[vector<16xi32>, vector<16xi32>], vector<16xf32>,
      %gather3A_1540 = tpu.vector_load_idx %arg9[%broadcast_in_dim3A_18, %get3A_17] : memref<4x2048xf32, #tpu.memory_space<vmem>>[vector<16xi32>, vector<16xi32>], vector<16xf32>,
      %ge3A_1541 = arith.constant 0.000000e+00 : f32
      %ge3A_1542 = vector.broadcast %ge3A_1541 : f32 to vector<16xf32>
      %ge3A_1543 = arith.cmpf oge, %gather3A_1540, %ge3A_1542 : vector<16xf32>
      %jit3A_1544 = arith.constant 1.000000e+00 : f32
      %jit3A_1545 = arith.constant 0.000000e+00 : f32
      %broadcast_in_dim3A_1546 = vector.broadcast %jit3A_1544 : f32 to vector<16xf32>
      %broadcast_in_dim3A_1547 = vector.broadcast %jit3A_1545 : f32 to vector<16xf32>
      %select_n3A_1548 = arith.select %ge3A_1543, %broadcast_in_dim3A_1546, %broadcast_in_dim3A_1547 : vector<16xi1>, vector<16xf32>
      tpu.vector_store_idx %arg9[%broadcast_in_dim3A_18, %get3A_17], %select_n3A_1548 : memref<4x2048xf32, #tpu.memory_space<vmem>>[vector<16xi32>, vector<16xi32>], vector<16xf32>,
      %gather3A_1549 = tpu.vector_load_idx %arg9[%broadcast_in_dim3A_20, %get3A_3] : memref<4x2048xf32, #tpu.memory_space<vmem>>[vector<16xi32>, vector<16xi32>], vector<16xf32>,
      %ge3A_1550 = arith.constant 0.000000e+00 : f32
      %ge3A_1551 = vector.broadcast %ge3A_1550 : f32 to vector<16xf32>
      %ge3A_1552 = arith.cmpf oge, %gather3A_1549, %ge3A_1551 : vector<16xf32>
      %jit3A_1553 = arith.constant 1.000000e+00 : f32
      %jit3A_1554 = arith.constant 0.000000e+00 : f32
      %broadcast_in_dim3A_1555 = vector.broadcast %jit3A_1553 : f32 to vector<16xf32>
      %broadcast_in_dim3A_1556 = vector.broadcast %jit3A_1554 : f32 to vector<16xf32>
      %select_n3A_1557 = arith.select %ge3A_1552, %broadcast_in_dim3A_1555, %broadcast_in_dim3A_1556 : vector<16xi1>, vector<16xf32>
      tpu.vector_store_idx %arg9[%broadcast_in_dim3A_20, %get3A_3], %select_n3A_1557 : memref<4x2048xf32, #tpu.memory_space<vmem>>[vector<16xi32>, vector<16xi32>], vector<16xf32>,
      %gather3A_1558 = tpu.vector_load_idx %arg9[%broadcast_in_dim3A_20, %get3A_5] : memref<4x2048xf32, #tpu.memory_space<vmem>>[vector<16xi32>, vector<16xi32>], vector<16xf32>,
      %ge3A_1559 = arith.constant 0.000000e+00 : f32
      %ge3A_1560 = vector.broadcast %ge3A_1559 : f32 to vector<16xf32>
      %ge3A_1561 = arith.cmpf oge, %gather3A_1558, %ge3A_1560 : vector<16xf32>
      %jit3A_1562 = arith.constant 1.000000e+00 : f32
      %jit3A_1563 = arith.constant 0.000000e+00 : f32
      %broadcast_in_dim3A_1564 = vector.broadcast %jit3A_1562 : f32 to vector<16xf32>
      %broadcast_in_dim3A_1565 = vector.broadcast %jit3A_1563 : f32 to vector<16xf32>
      %select_n3A_1566 = arith.select %ge3A_1561, %broadcast_in_dim3A_1564, %broadcast_in_dim3A_1565 : vector<16xi1>, vector<16xf32>
      tpu.vector_store_idx %arg9[%broadcast_in_dim3A_20, %get3A_5], %select_n3A_1566 : memref<4x2048xf32, #tpu.memory_space<vmem>>[vector<16xi32>, vector<16xi32>], vector<16xf32>,
      %gather3A_1567 = tpu.vector_load_idx %arg9[%broadcast_in_dim3A_20, %get3A_7] : memref<4x2048xf32, #tpu.memory_space<vmem>>[vector<16xi32>, vector<16xi32>], vector<16xf32>,
      %ge3A_1568 = arith.constant 0.000000e+00 : f32
      %ge3A_1569 = vector.broadcast %ge3A_1568 : f32 to vector<16xf32>
      %ge3A_1570 = arith.cmpf oge, %gather3A_1567, %ge3A_1569 : vector<16xf32>
      %jit3A_1571 = arith.constant 1.000000e+00 : f32
      %jit3A_1572 = arith.constant 0.000000e+00 : f32
      %broadcast_in_dim3A_1573 = vector.broadcast %jit3A_1571 : f32 to vector<16xf32>
      %broadcast_in_dim3A_1574 = vector.broadcast %jit3A_1572 : f32 to vector<16xf32>
      %select_n3A_1575 = arith.select %ge3A_1570, %broadcast_in_dim3A_1573, %broadcast_in_dim3A_1574 : vector<16xi1>, vector<16xf32>
      tpu.vector_store_idx %arg9[%broadcast_in_dim3A_20, %get3A_7], %select_n3A_1575 : memref<4x2048xf32, #tpu.memory_space<vmem>>[vector<16xi32>, vector<16xi32>], vector<16xf32>,
      %gather3A_1576 = tpu.vector_load_idx %arg9[%broadcast_in_dim3A_20, %get3A_9] : memref<4x2048xf32, #tpu.memory_space<vmem>>[vector<16xi32>, vector<16xi32>], vector<16xf32>,
      %ge3A_1577 = arith.constant 0.000000e+00 : f32
      %ge3A_1578 = vector.broadcast %ge3A_1577 : f32 to vector<16xf32>
      %ge3A_1579 = arith.cmpf oge, %gather3A_1576, %ge3A_1578 : vector<16xf32>
      %jit3A_1580 = arith.constant 1.000000e+00 : f32
      %jit3A_1581 = arith.constant 0.000000e+00 : f32
      %broadcast_in_dim3A_1582 = vector.broadcast %jit3A_1580 : f32 to vector<16xf32>
      %broadcast_in_dim3A_1583 = vector.broadcast %jit3A_1581 : f32 to vector<16xf32>
      %select_n3A_1584 = arith.select %ge3A_1579, %broadcast_in_dim3A_1582, %broadcast_in_dim3A_1583 : vector<16xi1>, vector<16xf32>
      tpu.vector_store_idx %arg9[%broadcast_in_dim3A_20, %get3A_9], %select_n3A_1584 : memref<4x2048xf32, #tpu.memory_space<vmem>>[vector<16xi32>, vector<16xi32>], vector<16xf32>,
      %gather3A_1585 = tpu.vector_load_idx %arg9[%broadcast_in_dim3A_20, %get3A_11] : memref<4x2048xf32, #tpu.memory_space<vmem>>[vector<16xi32>, vector<16xi32>], vector<16xf32>,
      %ge3A_1586 = arith.constant 0.000000e+00 : f32
      %ge3A_1587 = vector.broadcast %ge3A_1586 : f32 to vector<16xf32>
      %ge3A_1588 = arith.cmpf oge, %gather3A_1585, %ge3A_1587 : vector<16xf32>
      %jit3A_1589 = arith.constant 1.000000e+00 : f32
      %jit3A_1590 = arith.constant 0.000000e+00 : f32
      %broadcast_in_dim3A_1591 = vector.broadcast %jit3A_1589 : f32 to vector<16xf32>
      %broadcast_in_dim3A_1592 = vector.broadcast %jit3A_1590 : f32 to vector<16xf32>
      %select_n3A_1593 = arith.select %ge3A_1588, %broadcast_in_dim3A_1591, %broadcast_in_dim3A_1592 : vector<16xi1>, vector<16xf32>
      tpu.vector_store_idx %arg9[%broadcast_in_dim3A_20, %get3A_11], %select_n3A_1593 : memref<4x2048xf32, #tpu.memory_space<vmem>>[vector<16xi32>, vector<16xi32>], vector<16xf32>,
      %gather3A_1594 = tpu.vector_load_idx %arg9[%broadcast_in_dim3A_20, %get3A_13] : memref<4x2048xf32, #tpu.memory_space<vmem>>[vector<16xi32>, vector<16xi32>], vector<16xf32>,
      %ge3A_1595 = arith.constant 0.000000e+00 : f32
      %ge3A_1596 = vector.broadcast %ge3A_1595 : f32 to vector<16xf32>
      %ge3A_1597 = arith.cmpf oge, %gather3A_1594, %ge3A_1596 : vector<16xf32>
      %jit3A_1598 = arith.constant 1.000000e+00 : f32
      %jit3A_1599 = arith.constant 0.000000e+00 : f32
      %broadcast_in_dim3A_1600 = vector.broadcast %jit3A_1598 : f32 to vector<16xf32>
      %broadcast_in_dim3A_1601 = vector.broadcast %jit3A_1599 : f32 to vector<16xf32>
      %select_n3A_1602 = arith.select %ge3A_1597, %broadcast_in_dim3A_1600, %broadcast_in_dim3A_1601 : vector<16xi1>, vector<16xf32>
      tpu.vector_store_idx %arg9[%broadcast_in_dim3A_20, %get3A_13], %select_n3A_1602 : memref<4x2048xf32, #tpu.memory_space<vmem>>[vector<16xi32>, vector<16xi32>], vector<16xf32>,
      %gather3A_1603 = tpu.vector_load_idx %arg9[%broadcast_in_dim3A_20, %get3A_15] : memref<4x2048xf32, #tpu.memory_space<vmem>>[vector<16xi32>, vector<16xi32>], vector<16xf32>,
      %ge3A_1604 = arith.constant 0.000000e+00 : f32
      %ge3A_1605 = vector.broadcast %ge3A_1604 : f32 to vector<16xf32>
      %ge3A_1606 = arith.cmpf oge, %gather3A_1603, %ge3A_1605 : vector<16xf32>
      %jit3A_1607 = arith.constant 1.000000e+00 : f32
      %jit3A_1608 = arith.constant 0.000000e+00 : f32
      %broadcast_in_dim3A_1609 = vector.broadcast %jit3A_1607 : f32 to vector<16xf32>
      %broadcast_in_dim3A_1610 = vector.broadcast %jit3A_1608 : f32 to vector<16xf32>
      %select_n3A_1611 = arith.select %ge3A_1606, %broadcast_in_dim3A_1609, %broadcast_in_dim3A_1610 : vector<16xi1>, vector<16xf32>
      tpu.vector_store_idx %arg9[%broadcast_in_dim3A_20, %get3A_15], %select_n3A_1611 : memref<4x2048xf32, #tpu.memory_space<vmem>>[vector<16xi32>, vector<16xi32>], vector<16xf32>,
      %gather3A_1612 = tpu.vector_load_idx %arg9[%broadcast_in_dim3A_20, %get3A_17] : memref<4x2048xf32, #tpu.memory_space<vmem>>[vector<16xi32>, vector<16xi32>], vector<16xf32>,
      %ge3A_1613 = arith.constant 0.000000e+00 : f32
      %ge3A_1614 = vector.broadcast %ge3A_1613 : f32 to vector<16xf32>
      %ge3A_1615 = arith.cmpf oge, %gather3A_1612, %ge3A_1614 : vector<16xf32>
      %jit3A_1616 = arith.constant 1.000000e+00 : f32
      %jit3A_1617 = arith.constant 0.000000e+00 : f32
      %broadcast_in_dim3A_1618 = vector.broadcast %jit3A_1616 : f32 to vector<16xf32>
      %broadcast_in_dim3A_1619 = vector.broadcast %jit3A_1617 : f32 to vector<16xf32>
      %select_n3A_1620 = arith.select %ge3A_1615, %broadcast_in_dim3A_1618, %broadcast_in_dim3A_1619 : vector<16xi1>, vector<16xf32>
      tpu.vector_store_idx %arg9[%broadcast_in_dim3A_20, %get3A_17], %select_n3A_1620 : memref<4x2048xf32, #tpu.memory_space<vmem>>[vector<16xi32>, vector<16xi32>], vector<16xf32>,
      %gather3A_1621 = tpu.vector_load_idx %arg9[%broadcast_in_dim3A_22, %get3A_3] : memref<4x2048xf32, #tpu.memory_space<vmem>>[vector<16xi32>, vector<16xi32>], vector<16xf32>,
      %ge3A_1622 = arith.constant 0.000000e+00 : f32
      %ge3A_1623 = vector.broadcast %ge3A_1622 : f32 to vector<16xf32>
      %ge3A_1624 = arith.cmpf oge, %gather3A_1621, %ge3A_1623 : vector<16xf32>
      %jit3A_1625 = arith.constant 1.000000e+00 : f32
      %jit3A_1626 = arith.constant 0.000000e+00 : f32
      %broadcast_in_dim3A_1627 = vector.broadcast %jit3A_1625 : f32 to vector<16xf32>
      %broadcast_in_dim3A_1628 = vector.broadcast %jit3A_1626 : f32 to vector<16xf32>
      %select_n3A_1629 = arith.select %ge3A_1624, %broadcast_in_dim3A_1627, %broadcast_in_dim3A_1628 : vector<16xi1>, vector<16xf32>
      tpu.vector_store_idx %arg9[%broadcast_in_dim3A_22, %get3A_3], %select_n3A_1629 : memref<4x2048xf32, #tpu.memory_space<vmem>>[vector<16xi32>, vector<16xi32>], vector<16xf32>,
      %gather3A_1630 = tpu.vector_load_idx %arg9[%broadcast_in_dim3A_22, %get3A_5] : memref<4x2048xf32, #tpu.memory_space<vmem>>[vector<16xi32>, vector<16xi32>], vector<16xf32>,
      %ge3A_1631 = arith.constant 0.000000e+00 : f32
      %ge3A_1632 = vector.broadcast %ge3A_1631 : f32 to vector<16xf32>
      %ge3A_1633 = arith.cmpf oge, %gather3A_1630, %ge3A_1632 : vector<16xf32>
      %jit3A_1634 = arith.constant 1.000000e+00 : f32
      %jit3A_1635 = arith.constant 0.000000e+00 : f32
      %broadcast_in_dim3A_1636 = vector.broadcast %jit3A_1634 : f32 to vector<16xf32>
      %broadcast_in_dim3A_1637 = vector.broadcast %jit3A_1635 : f32 to vector<16xf32>
      %select_n3A_1638 = arith.select %ge3A_1633, %broadcast_in_dim3A_1636, %broadcast_in_dim3A_1637 : vector<16xi1>, vector<16xf32>
      tpu.vector_store_idx %arg9[%broadcast_in_dim3A_22, %get3A_5], %select_n3A_1638 : memref<4x2048xf32, #tpu.memory_space<vmem>>[vector<16xi32>, vector<16xi32>], vector<16xf32>,
      %gather3A_1639 = tpu.vector_load_idx %arg9[%broadcast_in_dim3A_22, %get3A_7] : memref<4x2048xf32, #tpu.memory_space<vmem>>[vector<16xi32>, vector<16xi32>], vector<16xf32>,
      %ge3A_1640 = arith.constant 0.000000e+00 : f32
      %ge3A_1641 = vector.broadcast %ge3A_1640 : f32 to vector<16xf32>
      %ge3A_1642 = arith.cmpf oge, %gather3A_1639, %ge3A_1641 : vector<16xf32>
      %jit3A_1643 = arith.constant 1.000000e+00 : f32
      %jit3A_1644 = arith.constant 0.000000e+00 : f32
      %broadcast_in_dim3A_1645 = vector.broadcast %jit3A_1643 : f32 to vector<16xf32>
      %broadcast_in_dim3A_1646 = vector.broadcast %jit3A_1644 : f32 to vector<16xf32>
      %select_n3A_1647 = arith.select %ge3A_1642, %broadcast_in_dim3A_1645, %broadcast_in_dim3A_1646 : vector<16xi1>, vector<16xf32>
      tpu.vector_store_idx %arg9[%broadcast_in_dim3A_22, %get3A_7], %select_n3A_1647 : memref<4x2048xf32, #tpu.memory_space<vmem>>[vector<16xi32>, vector<16xi32>], vector<16xf32>,
      %gather3A_1648 = tpu.vector_load_idx %arg9[%broadcast_in_dim3A_22, %get3A_9] : memref<4x2048xf32, #tpu.memory_space<vmem>>[vector<16xi32>, vector<16xi32>], vector<16xf32>,
      %ge3A_1649 = arith.constant 0.000000e+00 : f32
      %ge3A_1650 = vector.broadcast %ge3A_1649 : f32 to vector<16xf32>
      %ge3A_1651 = arith.cmpf oge, %gather3A_1648, %ge3A_1650 : vector<16xf32>
      %jit3A_1652 = arith.constant 1.000000e+00 : f32
      %jit3A_1653 = arith.constant 0.000000e+00 : f32
      %broadcast_in_dim3A_1654 = vector.broadcast %jit3A_1652 : f32 to vector<16xf32>
      %broadcast_in_dim3A_1655 = vector.broadcast %jit3A_1653 : f32 to vector<16xf32>
      %select_n3A_1656 = arith.select %ge3A_1651, %broadcast_in_dim3A_1654, %broadcast_in_dim3A_1655 : vector<16xi1>, vector<16xf32>
      tpu.vector_store_idx %arg9[%broadcast_in_dim3A_22, %get3A_9], %select_n3A_1656 : memref<4x2048xf32, #tpu.memory_space<vmem>>[vector<16xi32>, vector<16xi32>], vector<16xf32>,
      %gather3A_1657 = tpu.vector_load_idx %arg9[%broadcast_in_dim3A_22, %get3A_11] : memref<4x2048xf32, #tpu.memory_space<vmem>>[vector<16xi32>, vector<16xi32>], vector<16xf32>,
      %ge3A_1658 = arith.constant 0.000000e+00 : f32
      %ge3A_1659 = vector.broadcast %ge3A_1658 : f32 to vector<16xf32>
      %ge3A_1660 = arith.cmpf oge, %gather3A_1657, %ge3A_1659 : vector<16xf32>
      %jit3A_1661 = arith.constant 1.000000e+00 : f32
      %jit3A_1662 = arith.constant 0.000000e+00 : f32
      %broadcast_in_dim3A_1663 = vector.broadcast %jit3A_1661 : f32 to vector<16xf32>
      %broadcast_in_dim3A_1664 = vector.broadcast %jit3A_1662 : f32 to vector<16xf32>
      %select_n3A_1665 = arith.select %ge3A_1660, %broadcast_in_dim3A_1663, %broadcast_in_dim3A_1664 : vector<16xi1>, vector<16xf32>
      tpu.vector_store_idx %arg9[%broadcast_in_dim3A_22, %get3A_11], %select_n3A_1665 : memref<4x2048xf32, #tpu.memory_space<vmem>>[vector<16xi32>, vector<16xi32>], vector<16xf32>,
      %gather3A_1666 = tpu.vector_load_idx %arg9[%broadcast_in_dim3A_22, %get3A_13] : memref<4x2048xf32, #tpu.memory_space<vmem>>[vector<16xi32>, vector<16xi32>], vector<16xf32>,
      %ge3A_1667 = arith.constant 0.000000e+00 : f32
      %ge3A_1668 = vector.broadcast %ge3A_1667 : f32 to vector<16xf32>
      %ge3A_1669 = arith.cmpf oge, %gather3A_1666, %ge3A_1668 : vector<16xf32>
      %jit3A_1670 = arith.constant 1.000000e+00 : f32
      %jit3A_1671 = arith.constant 0.000000e+00 : f32
      %broadcast_in_dim3A_1672 = vector.broadcast %jit3A_1670 : f32 to vector<16xf32>
      %broadcast_in_dim3A_1673 = vector.broadcast %jit3A_1671 : f32 to vector<16xf32>
      %select_n3A_1674 = arith.select %ge3A_1669, %broadcast_in_dim3A_1672, %broadcast_in_dim3A_1673 : vector<16xi1>, vector<16xf32>
      tpu.vector_store_idx %arg9[%broadcast_in_dim3A_22, %get3A_13], %select_n3A_1674 : memref<4x2048xf32, #tpu.memory_space<vmem>>[vector<16xi32>, vector<16xi32>], vector<16xf32>,
      %gather3A_1675 = tpu.vector_load_idx %arg9[%broadcast_in_dim3A_22, %get3A_15] : memref<4x2048xf32, #tpu.memory_space<vmem>>[vector<16xi32>, vector<16xi32>], vector<16xf32>,
      %ge3A_1676 = arith.constant 0.000000e+00 : f32
      %ge3A_1677 = vector.broadcast %ge3A_1676 : f32 to vector<16xf32>
      %ge3A_1678 = arith.cmpf oge, %gather3A_1675, %ge3A_1677 : vector<16xf32>
      %jit3A_1679 = arith.constant 1.000000e+00 : f32
      %jit3A_1680 = arith.constant 0.000000e+00 : f32
      %broadcast_in_dim3A_1681 = vector.broadcast %jit3A_1679 : f32 to vector<16xf32>
      %broadcast_in_dim3A_1682 = vector.broadcast %jit3A_1680 : f32 to vector<16xf32>
      %select_n3A_1683 = arith.select %ge3A_1678, %broadcast_in_dim3A_1681, %broadcast_in_dim3A_1682 : vector<16xi1>, vector<16xf32>
      tpu.vector_store_idx %arg9[%broadcast_in_dim3A_22, %get3A_15], %select_n3A_1683 : memref<4x2048xf32, #tpu.memory_space<vmem>>[vector<16xi32>, vector<16xi32>], vector<16xf32>,
      %gather3A_1684 = tpu.vector_load_idx %arg9[%broadcast_in_dim3A_22, %get3A_17] : memref<4x2048xf32, #tpu.memory_space<vmem>>[vector<16xi32>, vector<16xi32>], vector<16xf32>,
      %ge3A_1685 = arith.constant 0.000000e+00 : f32
      %ge3A_1686 = vector.broadcast %ge3A_1685 : f32 to vector<16xf32>
      %ge3A_1687 = arith.cmpf oge, %gather3A_1684, %ge3A_1686 : vector<16xf32>
      %jit3A_1688 = arith.constant 1.000000e+00 : f32
      %jit3A_1689 = arith.constant 0.000000e+00 : f32
      %broadcast_in_dim3A_1690 = vector.broadcast %jit3A_1688 : f32 to vector<16xf32>
      %broadcast_in_dim3A_1691 = vector.broadcast %jit3A_1689 : f32 to vector<16xf32>
      %select_n3A_1692 = arith.select %ge3A_1687, %broadcast_in_dim3A_1690, %broadcast_in_dim3A_1691 : vector<16xi1>, vector<16xf32>
      tpu.vector_store_idx %arg9[%broadcast_in_dim3A_22, %get3A_17], %select_n3A_1692 : memref<4x2048xf32, #tpu.memory_space<vmem>>[vector<16xi32>, vector<16xi32>], vector<16xf32>,
      %gather3A_1693 = tpu.vector_load_idx %arg9[%broadcast_in_dim3A_24, %get3A_3] : memref<4x2048xf32, #tpu.memory_space<vmem>>[vector<16xi32>, vector<16xi32>], vector<16xf32>,
      %ge3A_1694 = arith.constant 0.000000e+00 : f32
      %ge3A_1695 = vector.broadcast %ge3A_1694 : f32 to vector<16xf32>
      %ge3A_1696 = arith.cmpf oge, %gather3A_1693, %ge3A_1695 : vector<16xf32>
      %jit3A_1697 = arith.constant 1.000000e+00 : f32
      %jit3A_1698 = arith.constant 0.000000e+00 : f32
      %broadcast_in_dim3A_1699 = vector.broadcast %jit3A_1697 : f32 to vector<16xf32>
      %broadcast_in_dim3A_1700 = vector.broadcast %jit3A_1698 : f32 to vector<16xf32>
      %select_n3A_1701 = arith.select %ge3A_1696, %broadcast_in_dim3A_1699, %broadcast_in_dim3A_1700 : vector<16xi1>, vector<16xf32>
      tpu.vector_store_idx %arg9[%broadcast_in_dim3A_24, %get3A_3], %select_n3A_1701 : memref<4x2048xf32, #tpu.memory_space<vmem>>[vector<16xi32>, vector<16xi32>], vector<16xf32>,
      %gather3A_1702 = tpu.vector_load_idx %arg9[%broadcast_in_dim3A_24, %get3A_5] : memref<4x2048xf32, #tpu.memory_space<vmem>>[vector<16xi32>, vector<16xi32>], vector<16xf32>,
      %ge3A_1703 = arith.constant 0.000000e+00 : f32
      %ge3A_1704 = vector.broadcast %ge3A_1703 : f32 to vector<16xf32>
      %ge3A_1705 = arith.cmpf oge, %gather3A_1702, %ge3A_1704 : vector<16xf32>
      %jit3A_1706 = arith.constant 1.000000e+00 : f32
      %jit3A_1707 = arith.constant 0.000000e+00 : f32
      %broadcast_in_dim3A_1708 = vector.broadcast %jit3A_1706 : f32 to vector<16xf32>
      %broadcast_in_dim3A_1709 = vector.broadcast %jit3A_1707 : f32 to vector<16xf32>
      %select_n3A_1710 = arith.select %ge3A_1705, %broadcast_in_dim3A_1708, %broadcast_in_dim3A_1709 : vector<16xi1>, vector<16xf32>
      tpu.vector_store_idx %arg9[%broadcast_in_dim3A_24, %get3A_5], %select_n3A_1710 : memref<4x2048xf32, #tpu.memory_space<vmem>>[vector<16xi32>, vector<16xi32>], vector<16xf32>,
      %gather3A_1711 = tpu.vector_load_idx %arg9[%broadcast_in_dim3A_24, %get3A_7] : memref<4x2048xf32, #tpu.memory_space<vmem>>[vector<16xi32>, vector<16xi32>], vector<16xf32>,
      %ge3A_1712 = arith.constant 0.000000e+00 : f32
      %ge3A_1713 = vector.broadcast %ge3A_1712 : f32 to vector<16xf32>
      %ge3A_1714 = arith.cmpf oge, %gather3A_1711, %ge3A_1713 : vector<16xf32>
      %jit3A_1715 = arith.constant 1.000000e+00 : f32
      %jit3A_1716 = arith.constant 0.000000e+00 : f32
      %broadcast_in_dim3A_1717 = vector.broadcast %jit3A_1715 : f32 to vector<16xf32>
      %broadcast_in_dim3A_1718 = vector.broadcast %jit3A_1716 : f32 to vector<16xf32>
      %select_n3A_1719 = arith.select %ge3A_1714, %broadcast_in_dim3A_1717, %broadcast_in_dim3A_1718 : vector<16xi1>, vector<16xf32>
      tpu.vector_store_idx %arg9[%broadcast_in_dim3A_24, %get3A_7], %select_n3A_1719 : memref<4x2048xf32, #tpu.memory_space<vmem>>[vector<16xi32>, vector<16xi32>], vector<16xf32>,
      %gather3A_1720 = tpu.vector_load_idx %arg9[%broadcast_in_dim3A_24, %get3A_9] : memref<4x2048xf32, #tpu.memory_space<vmem>>[vector<16xi32>, vector<16xi32>], vector<16xf32>,
      %ge3A_1721 = arith.constant 0.000000e+00 : f32
      %ge3A_1722 = vector.broadcast %ge3A_1721 : f32 to vector<16xf32>
      %ge3A_1723 = arith.cmpf oge, %gather3A_1720, %ge3A_1722 : vector<16xf32>
      %jit3A_1724 = arith.constant 1.000000e+00 : f32
      %jit3A_1725 = arith.constant 0.000000e+00 : f32
      %broadcast_in_dim3A_1726 = vector.broadcast %jit3A_1724 : f32 to vector<16xf32>
      %broadcast_in_dim3A_1727 = vector.broadcast %jit3A_1725 : f32 to vector<16xf32>
      %select_n3A_1728 = arith.select %ge3A_1723, %broadcast_in_dim3A_1726, %broadcast_in_dim3A_1727 : vector<16xi1>, vector<16xf32>
      tpu.vector_store_idx %arg9[%broadcast_in_dim3A_24, %get3A_9], %select_n3A_1728 : memref<4x2048xf32, #tpu.memory_space<vmem>>[vector<16xi32>, vector<16xi32>], vector<16xf32>,
      %gather3A_1729 = tpu.vector_load_idx %arg9[%broadcast_in_dim3A_24, %get3A_11] : memref<4x2048xf32, #tpu.memory_space<vmem>>[vector<16xi32>, vector<16xi32>], vector<16xf32>,
      %ge3A_1730 = arith.constant 0.000000e+00 : f32
      %ge3A_1731 = vector.broadcast %ge3A_1730 : f32 to vector<16xf32>
      %ge3A_1732 = arith.cmpf oge, %gather3A_1729, %ge3A_1731 : vector<16xf32>
      %jit3A_1733 = arith.constant 1.000000e+00 : f32
      %jit3A_1734 = arith.constant 0.000000e+00 : f32
      %broadcast_in_dim3A_1735 = vector.broadcast %jit3A_1733 : f32 to vector<16xf32>
      %broadcast_in_dim3A_1736 = vector.broadcast %jit3A_1734 : f32 to vector<16xf32>
      %select_n3A_1737 = arith.select %ge3A_1732, %broadcast_in_dim3A_1735, %broadcast_in_dim3A_1736 : vector<16xi1>, vector<16xf32>
      tpu.vector_store_idx %arg9[%broadcast_in_dim3A_24, %get3A_11], %select_n3A_1737 : memref<4x2048xf32, #tpu.memory_space<vmem>>[vector<16xi32>, vector<16xi32>], vector<16xf32>,
      %gather3A_1738 = tpu.vector_load_idx %arg9[%broadcast_in_dim3A_24, %get3A_13] : memref<4x2048xf32, #tpu.memory_space<vmem>>[vector<16xi32>, vector<16xi32>], vector<16xf32>,
      %ge3A_1739 = arith.constant 0.000000e+00 : f32
      %ge3A_1740 = vector.broadcast %ge3A_1739 : f32 to vector<16xf32>
      %ge3A_1741 = arith.cmpf oge, %gather3A_1738, %ge3A_1740 : vector<16xf32>
      %jit3A_1742 = arith.constant 1.000000e+00 : f32
      %jit3A_1743 = arith.constant 0.000000e+00 : f32
      %broadcast_in_dim3A_1744 = vector.broadcast %jit3A_1742 : f32 to vector<16xf32>
      %broadcast_in_dim3A_1745 = vector.broadcast %jit3A_1743 : f32 to vector<16xf32>
      %select_n3A_1746 = arith.select %ge3A_1741, %broadcast_in_dim3A_1744, %broadcast_in_dim3A_1745 : vector<16xi1>, vector<16xf32>
      tpu.vector_store_idx %arg9[%broadcast_in_dim3A_24, %get3A_13], %select_n3A_1746 : memref<4x2048xf32, #tpu.memory_space<vmem>>[vector<16xi32>, vector<16xi32>], vector<16xf32>,
      %gather3A_1747 = tpu.vector_load_idx %arg9[%broadcast_in_dim3A_24, %get3A_15] : memref<4x2048xf32, #tpu.memory_space<vmem>>[vector<16xi32>, vector<16xi32>], vector<16xf32>,
      %ge3A_1748 = arith.constant 0.000000e+00 : f32
      %ge3A_1749 = vector.broadcast %ge3A_1748 : f32 to vector<16xf32>
      %ge3A_1750 = arith.cmpf oge, %gather3A_1747, %ge3A_1749 : vector<16xf32>
      %jit3A_1751 = arith.constant 1.000000e+00 : f32
      %jit3A_1752 = arith.constant 0.000000e+00 : f32
      %broadcast_in_dim3A_1753 = vector.broadcast %jit3A_1751 : f32 to vector<16xf32>
      %broadcast_in_dim3A_1754 = vector.broadcast %jit3A_1752 : f32 to vector<16xf32>
      %select_n3A_1755 = arith.select %ge3A_1750, %broadcast_in_dim3A_1753, %broadcast_in_dim3A_1754 : vector<16xi1>, vector<16xf32>
      tpu.vector_store_idx %arg9[%broadcast_in_dim3A_24, %get3A_15], %select_n3A_1755 : memref<4x2048xf32, #tpu.memory_space<vmem>>[vector<16xi32>, vector<16xi32>], vector<16xf32>,
      %gather3A_1756 = tpu.vector_load_idx %arg9[%broadcast_in_dim3A_24, %get3A_17] : memref<4x2048xf32, #tpu.memory_space<vmem>>[vector<16xi32>, vector<16xi32>], vector<16xf32>,
      %ge3A_1757 = arith.constant 0.000000e+00 : f32
      %ge3A_1758 = vector.broadcast %ge3A_1757 : f32 to vector<16xf32>
      %ge3A_1759 = arith.cmpf oge, %gather3A_1756, %ge3A_1758 : vector<16xf32>
      %jit3A_1760 = arith.constant 1.000000e+00 : f32
      %jit3A_1761 = arith.constant 0.000000e+00 : f32
      %broadcast_in_dim3A_1762 = vector.broadcast %jit3A_1760 : f32 to vector<16xf32>
      %broadcast_in_dim3A_1763 = vector.broadcast %jit3A_1761 : f32 to vector<16xf32>
      %select_n3A_1764 = arith.select %ge3A_1759, %broadcast_in_dim3A_1762, %broadcast_in_dim3A_1763 : vector<16xi1>, vector<16xf32>
      tpu.vector_store_idx %arg9[%broadcast_in_dim3A_24, %get3A_17], %select_n3A_1764 : memref<4x2048xf32, #tpu.memory_space<vmem>>[vector<16xi32>, vector<16xi32>], vector<16xf32>,
      %mul3A_1765 = arith.constant 4 : i32
      %mul3A_1766 = arith.muli %add3A_1466, %mul3A_1765 : i32
      %add3A_1767 = arith.addi %mul3A_2, %mul3A_1766 : i32
      %dma_start3A_1768 = arith.constant 4 : i32
      %dma_start3A_1769 = arith.constant 0 : i32
      %dma_start3A_1770 = tpu.memref_slice %arg4[%add3A_1767, %dma_start3A_1769] : memref<16384x2048xf32, #tpu.memory_space<hbm>> -> memref<4x2048xf32, #tpu.memory_space<hbm>>
      %dma_start3A_1771 = tpu.memref_slice %arg15[%dma_start3A_1768] : memref<8x!tpu.dma_semaphore, #tpu.memory_space<semaphore_mem>> -> memref<1x!tpu.dma_semaphore, #tpu.memory_space<semaphore_mem>>
      %dma_start3A_1772 = tpu.memref_squeeze %dma_start3A_1771 : memref<1x!tpu.dma_semaphore, #tpu.memory_space<semaphore_mem>> -> memref<!tpu.dma_semaphore, #tpu.memory_space<semaphore_mem>>
      %dma_start3A_1773 = arith.constant 0 : i32
      %dma_start3A_1774 = tpu.memref_slice %arg4[%add3A_1767, %dma_start3A_1773] : memref<16384x2048xf32, #tpu.memory_space<hbm>> -> memref<4x2048xf32, #tpu.memory_space<hbm>>
      tpu.enqueue_dma source(%arg9 : memref<4x2048xf32, #tpu.memory_space<vmem>>) target(%dma_start3A_1774 : memref<4x2048xf32, #tpu.memory_space<hbm>>) target_semaphore(%dma_start3A_1772 : memref<!tpu.dma_semaphore, #tpu.memory_space<semaphore_mem>>)
      %add3A_1775 = arith.constant 8 : i32
      %add3A_1776 = arith.addi %add3A_1466, %add3A_1775 : i32
      %sub3A_1777 = arith.constant 1 : i32
      %sub3A_1778 = arith.subi %add3A_1776, %sub3A_1777 : i32
      %ge3A_1779 = arith.constant 1 : i32
      %ge3A_1780 = arith.cmpi sge, %add3A_1466, %ge3A_1779 : i32
      %lt3A_1781 = arith.constant 128 : i32
      %lt3A_1782 = arith.cmpi slt, %sub3A_1778, %lt3A_1781 : i32
      %and3A_1783 = arith.andi %ge3A_1780, %lt3A_1782 : i1
      %convert_element_type3A_1784 = arith.extui %and3A_1783 : i1 to i32
      %cond3A_1785 = arith.constant 0 : i32
      %cond3A_1786 = arith.cmpi ne, %convert_element_type3A_1784, %cond3A_1785 : i32
      scf.if %cond3A_1786 {
        %sub3A_2773 = arith.constant 1 : i32
        %sub3A_2774 = arith.subi %add3A_1466, %sub3A_2773 : i32
        %mul3A_2775 = arith.constant 4 : i32
        %mul3A_2776 = arith.muli %sub3A_2774, %mul3A_2775 : i32
        %add3A_2777 = arith.addi %mul3A_2, %mul3A_2776 : i32
        %dma_wait3A_2778 = arith.constant 3 : i32
        %dma_wait3A_2779 = arith.constant 0 : i32
        %dma_wait3A_2780 = tpu.memref_slice %arg4[%add3A_2777, %dma_wait3A_2779] : memref<16384x2048xf32, #tpu.memory_space<hbm>> -> memref<4x2048xf32, #tpu.memory_space<hbm>>
        %dma_wait3A_2781 = tpu.memref_slice %arg15[%dma_wait3A_2778] : memref<8x!tpu.dma_semaphore, #tpu.memory_space<semaphore_mem>> -> memref<1x!tpu.dma_semaphore, #tpu.memory_space<semaphore_mem>>
        %dma_wait3A_2782 = tpu.memref_squeeze %dma_wait3A_2781 : memref<1x!tpu.dma_semaphore, #tpu.memory_space<semaphore_mem>> -> memref<!tpu.dma_semaphore, #tpu.memory_space<semaphore_mem>>
        %dma_wait3A_2783 = arith.constant 0 : i32
        %dma_wait3A_2784 = tpu.memref_slice %arg4[%add3A_2777, %dma_wait3A_2783] : memref<16384x2048xf32, #tpu.memory_space<hbm>> -> memref<4x2048xf32, #tpu.memory_space<hbm>>
        tpu.wait_dma2 semaphore(%dma_wait3A_2782 : memref<!tpu.dma_semaphore, #tpu.memory_space<semaphore_mem>>) src(%arg8 : memref<4x2048xf32, #tpu.memory_space<vmem>>) dst(%dma_wait3A_2784 : memref<4x2048xf32, #tpu.memory_space<hbm>>)
      } else {
      }
      %lt3A_1787 = arith.constant 128 : i32
      %lt3A_1788 = arith.cmpi slt, %sub3A_1778, %lt3A_1787 : i32
      %convert_element_type3A_1789 = arith.extui %lt3A_1788 : i1 to i32
      %cond3A_1790 = arith.constant 0 : i32
      %cond3A_1791 = arith.cmpi ne, %convert_element_type3A_1789, %cond3A_1790 : i32
      scf.if %cond3A_1791 {
        %mul3A_2773 = arith.constant 4 : i32
        %mul3A_2774 = arith.muli %sub3A_1778, %mul3A_2773 : i32
        %add3A_2775 = arith.addi %mul3A_2, %mul3A_2774 : i32
        %dma_start3A_2776 = arith.constant 3 : i32
        %dma_start3A_2777 = arith.constant 0 : i32
        %dma_start3A_2778 = tpu.memref_slice %arg2[%add3A_2775, %dma_start3A_2777] : memref<16384x2048xf32, #tpu.memory_space<hbm>> -> memref<4x2048xf32, #tpu.memory_space<hbm>>
        %dma_start3A_2779 = tpu.memref_slice %arg14[%dma_start3A_2776] : memref<8x!tpu.dma_semaphore, #tpu.memory_space<semaphore_mem>> -> memref<1x!tpu.dma_semaphore, #tpu.memory_space<semaphore_mem>>
        %dma_start3A_2780 = tpu.memref_squeeze %dma_start3A_2779 : memref<1x!tpu.dma_semaphore, #tpu.memory_space<semaphore_mem>> -> memref<!tpu.dma_semaphore, #tpu.memory_space<semaphore_mem>>
        %dma_start3A_2781 = arith.constant 0 : i32
        %dma_start3A_2782 = tpu.memref_slice %arg2[%add3A_2775, %dma_start3A_2781] : memref<16384x2048xf32, #tpu.memory_space<hbm>> -> memref<4x2048xf32, #tpu.memory_space<hbm>>
        tpu.enqueue_dma source(%dma_start3A_2782 : memref<4x2048xf32, #tpu.memory_space<hbm>>) target(%arg8 : memref<4x2048xf32, #tpu.memory_space<vmem>>) target_semaphore(%dma_start3A_2780 : memref<!tpu.dma_semaphore, #tpu.memory_space<semaphore_mem>>)
      } else {
      }
      %add3A_1792 = arith.constant 5 : i32
      %add3A_1793 = arith.addi %mul3A_165, %add3A_1792 : i32
      %mul3A_1794 = arith.constant 4 : i32
      %mul3A_1795 = arith.muli %add3A_1793, %mul3A_1794 : i32
      %add3A_1796 = arith.addi %mul3A_2, %mul3A_1795 : i32
      %dma_wait3A_1797 = arith.constant 5 : i32
      %dma_wait3A_1798 = arith.constant 0 : i32
      %dma_wait3A_1799 = tpu.memref_slice %arg2[%add3A_1796, %dma_wait3A_1798] : memref<16384x2048xf32, #tpu.memory_space<hbm>> -> memref<4x2048xf32, #tpu.memory_space<hbm>>
      %dma_wait3A_1800 = tpu.memref_slice %arg14[%dma_wait3A_1797] : memref<8x!tpu.dma_semaphore, #tpu.memory_space<semaphore_mem>> -> memref<1x!tpu.dma_semaphore, #tpu.memory_space<semaphore_mem>>
      %dma_wait3A_1801 = tpu.memref_squeeze %dma_wait3A_1800 : memref<1x!tpu.dma_semaphore, #tpu.memory_space<semaphore_mem>> -> memref<!tpu.dma_semaphore, #tpu.memory_space<semaphore_mem>>
      %dma_wait3A_1802 = arith.constant 0 : i32
      %dma_wait3A_1803 = tpu.memref_slice %arg2[%add3A_1796, %dma_wait3A_1802] : memref<16384x2048xf32, #tpu.memory_space<hbm>> -> memref<4x2048xf32, #tpu.memory_space<hbm>>
      tpu.wait_dma2 semaphore(%dma_wait3A_1801 : memref<!tpu.dma_semaphore, #tpu.memory_space<semaphore_mem>>) src(%dma_wait3A_1803 : memref<4x2048xf32, #tpu.memory_space<hbm>>) dst(%arg10 : memref<4x2048xf32, #tpu.memory_space<vmem>>)
      %gather3A_1804 = tpu.vector_load_idx %arg10[%broadcast_in_dim3A_18, %get3A_3] : memref<4x2048xf32, #tpu.memory_space<vmem>>[vector<16xi32>, vector<16xi32>], vector<16xf32>,
      %ge3A_1805 = arith.constant 0.000000e+00 : f32
      %ge3A_1806 = vector.broadcast %ge3A_1805 : f32 to vector<16xf32>
      %ge3A_1807 = arith.cmpf oge, %gather3A_1804, %ge3A_1806 : vector<16xf32>
      %jit3A_1808 = arith.constant 1.000000e+00 : f32
      %jit3A_1809 = arith.constant 0.000000e+00 : f32
      %broadcast_in_dim3A_1810 = vector.broadcast %jit3A_1808 : f32 to vector<16xf32>
      %broadcast_in_dim3A_1811 = vector.broadcast %jit3A_1809 : f32 to vector<16xf32>
      %select_n3A_1812 = arith.select %ge3A_1807, %broadcast_in_dim3A_1810, %broadcast_in_dim3A_1811 : vector<16xi1>, vector<16xf32>
      tpu.vector_store_idx %arg10[%broadcast_in_dim3A_18, %get3A_3], %select_n3A_1812 : memref<4x2048xf32, #tpu.memory_space<vmem>>[vector<16xi32>, vector<16xi32>], vector<16xf32>,
      %gather3A_1813 = tpu.vector_load_idx %arg10[%broadcast_in_dim3A_18, %get3A_5] : memref<4x2048xf32, #tpu.memory_space<vmem>>[vector<16xi32>, vector<16xi32>], vector<16xf32>,
      %ge3A_1814 = arith.constant 0.000000e+00 : f32
      %ge3A_1815 = vector.broadcast %ge3A_1814 : f32 to vector<16xf32>
      %ge3A_1816 = arith.cmpf oge, %gather3A_1813, %ge3A_1815 : vector<16xf32>
      %jit3A_1817 = arith.constant 1.000000e+00 : f32
      %jit3A_1818 = arith.constant 0.000000e+00 : f32
      %broadcast_in_dim3A_1819 = vector.broadcast %jit3A_1817 : f32 to vector<16xf32>
      %broadcast_in_dim3A_1820 = vector.broadcast %jit3A_1818 : f32 to vector<16xf32>
      %select_n3A_1821 = arith.select %ge3A_1816, %broadcast_in_dim3A_1819, %broadcast_in_dim3A_1820 : vector<16xi1>, vector<16xf32>
      tpu.vector_store_idx %arg10[%broadcast_in_dim3A_18, %get3A_5], %select_n3A_1821 : memref<4x2048xf32, #tpu.memory_space<vmem>>[vector<16xi32>, vector<16xi32>], vector<16xf32>,
      %gather3A_1822 = tpu.vector_load_idx %arg10[%broadcast_in_dim3A_18, %get3A_7] : memref<4x2048xf32, #tpu.memory_space<vmem>>[vector<16xi32>, vector<16xi32>], vector<16xf32>,
      %ge3A_1823 = arith.constant 0.000000e+00 : f32
      %ge3A_1824 = vector.broadcast %ge3A_1823 : f32 to vector<16xf32>
      %ge3A_1825 = arith.cmpf oge, %gather3A_1822, %ge3A_1824 : vector<16xf32>
      %jit3A_1826 = arith.constant 1.000000e+00 : f32
      %jit3A_1827 = arith.constant 0.000000e+00 : f32
      %broadcast_in_dim3A_1828 = vector.broadcast %jit3A_1826 : f32 to vector<16xf32>
      %broadcast_in_dim3A_1829 = vector.broadcast %jit3A_1827 : f32 to vector<16xf32>
      %select_n3A_1830 = arith.select %ge3A_1825, %broadcast_in_dim3A_1828, %broadcast_in_dim3A_1829 : vector<16xi1>, vector<16xf32>
      tpu.vector_store_idx %arg10[%broadcast_in_dim3A_18, %get3A_7], %select_n3A_1830 : memref<4x2048xf32, #tpu.memory_space<vmem>>[vector<16xi32>, vector<16xi32>], vector<16xf32>,
      %gather3A_1831 = tpu.vector_load_idx %arg10[%broadcast_in_dim3A_18, %get3A_9] : memref<4x2048xf32, #tpu.memory_space<vmem>>[vector<16xi32>, vector<16xi32>], vector<16xf32>,
      %ge3A_1832 = arith.constant 0.000000e+00 : f32
      %ge3A_1833 = vector.broadcast %ge3A_1832 : f32 to vector<16xf32>
      %ge3A_1834 = arith.cmpf oge, %gather3A_1831, %ge3A_1833 : vector<16xf32>
      %jit3A_1835 = arith.constant 1.000000e+00 : f32
      %jit3A_1836 = arith.constant 0.000000e+00 : f32
      %broadcast_in_dim3A_1837 = vector.broadcast %jit3A_1835 : f32 to vector<16xf32>
      %broadcast_in_dim3A_1838 = vector.broadcast %jit3A_1836 : f32 to vector<16xf32>
      %select_n3A_1839 = arith.select %ge3A_1834, %broadcast_in_dim3A_1837, %broadcast_in_dim3A_1838 : vector<16xi1>, vector<16xf32>
      tpu.vector_store_idx %arg10[%broadcast_in_dim3A_18, %get3A_9], %select_n3A_1839 : memref<4x2048xf32, #tpu.memory_space<vmem>>[vector<16xi32>, vector<16xi32>], vector<16xf32>,
      %gather3A_1840 = tpu.vector_load_idx %arg10[%broadcast_in_dim3A_18, %get3A_11] : memref<4x2048xf32, #tpu.memory_space<vmem>>[vector<16xi32>, vector<16xi32>], vector<16xf32>,
      %ge3A_1841 = arith.constant 0.000000e+00 : f32
      %ge3A_1842 = vector.broadcast %ge3A_1841 : f32 to vector<16xf32>
      %ge3A_1843 = arith.cmpf oge, %gather3A_1840, %ge3A_1842 : vector<16xf32>
      %jit3A_1844 = arith.constant 1.000000e+00 : f32
      %jit3A_1845 = arith.constant 0.000000e+00 : f32
      %broadcast_in_dim3A_1846 = vector.broadcast %jit3A_1844 : f32 to vector<16xf32>
      %broadcast_in_dim3A_1847 = vector.broadcast %jit3A_1845 : f32 to vector<16xf32>
      %select_n3A_1848 = arith.select %ge3A_1843, %broadcast_in_dim3A_1846, %broadcast_in_dim3A_1847 : vector<16xi1>, vector<16xf32>
      tpu.vector_store_idx %arg10[%broadcast_in_dim3A_18, %get3A_11], %select_n3A_1848 : memref<4x2048xf32, #tpu.memory_space<vmem>>[vector<16xi32>, vector<16xi32>], vector<16xf32>,
      %gather3A_1849 = tpu.vector_load_idx %arg10[%broadcast_in_dim3A_18, %get3A_13] : memref<4x2048xf32, #tpu.memory_space<vmem>>[vector<16xi32>, vector<16xi32>], vector<16xf32>,
      %ge3A_1850 = arith.constant 0.000000e+00 : f32
      %ge3A_1851 = vector.broadcast %ge3A_1850 : f32 to vector<16xf32>
      %ge3A_1852 = arith.cmpf oge, %gather3A_1849, %ge3A_1851 : vector<16xf32>
      %jit3A_1853 = arith.constant 1.000000e+00 : f32
      %jit3A_1854 = arith.constant 0.000000e+00 : f32
      %broadcast_in_dim3A_1855 = vector.broadcast %jit3A_1853 : f32 to vector<16xf32>
      %broadcast_in_dim3A_1856 = vector.broadcast %jit3A_1854 : f32 to vector<16xf32>
      %select_n3A_1857 = arith.select %ge3A_1852, %broadcast_in_dim3A_1855, %broadcast_in_dim3A_1856 : vector<16xi1>, vector<16xf32>
      tpu.vector_store_idx %arg10[%broadcast_in_dim3A_18, %get3A_13], %select_n3A_1857 : memref<4x2048xf32, #tpu.memory_space<vmem>>[vector<16xi32>, vector<16xi32>], vector<16xf32>,
      %gather3A_1858 = tpu.vector_load_idx %arg10[%broadcast_in_dim3A_18, %get3A_15] : memref<4x2048xf32, #tpu.memory_space<vmem>>[vector<16xi32>, vector<16xi32>], vector<16xf32>,
      %ge3A_1859 = arith.constant 0.000000e+00 : f32
      %ge3A_1860 = vector.broadcast %ge3A_1859 : f32 to vector<16xf32>
      %ge3A_1861 = arith.cmpf oge, %gather3A_1858, %ge3A_1860 : vector<16xf32>
      %jit3A_1862 = arith.constant 1.000000e+00 : f32
      %jit3A_1863 = arith.constant 0.000000e+00 : f32
      %broadcast_in_dim3A_1864 = vector.broadcast %jit3A_1862 : f32 to vector<16xf32>
      %broadcast_in_dim3A_1865 = vector.broadcast %jit3A_1863 : f32 to vector<16xf32>
      %select_n3A_1866 = arith.select %ge3A_1861, %broadcast_in_dim3A_1864, %broadcast_in_dim3A_1865 : vector<16xi1>, vector<16xf32>
      tpu.vector_store_idx %arg10[%broadcast_in_dim3A_18, %get3A_15], %select_n3A_1866 : memref<4x2048xf32, #tpu.memory_space<vmem>>[vector<16xi32>, vector<16xi32>], vector<16xf32>,
      %gather3A_1867 = tpu.vector_load_idx %arg10[%broadcast_in_dim3A_18, %get3A_17] : memref<4x2048xf32, #tpu.memory_space<vmem>>[vector<16xi32>, vector<16xi32>], vector<16xf32>,
      %ge3A_1868 = arith.constant 0.000000e+00 : f32
      %ge3A_1869 = vector.broadcast %ge3A_1868 : f32 to vector<16xf32>
      %ge3A_1870 = arith.cmpf oge, %gather3A_1867, %ge3A_1869 : vector<16xf32>
      %jit3A_1871 = arith.constant 1.000000e+00 : f32
      %jit3A_1872 = arith.constant 0.000000e+00 : f32
      %broadcast_in_dim3A_1873 = vector.broadcast %jit3A_1871 : f32 to vector<16xf32>
      %broadcast_in_dim3A_1874 = vector.broadcast %jit3A_1872 : f32 to vector<16xf32>
      %select_n3A_1875 = arith.select %ge3A_1870, %broadcast_in_dim3A_1873, %broadcast_in_dim3A_1874 : vector<16xi1>, vector<16xf32>
      tpu.vector_store_idx %arg10[%broadcast_in_dim3A_18, %get3A_17], %select_n3A_1875 : memref<4x2048xf32, #tpu.memory_space<vmem>>[vector<16xi32>, vector<16xi32>], vector<16xf32>,
      %gather3A_1876 = tpu.vector_load_idx %arg10[%broadcast_in_dim3A_20, %get3A_3] : memref<4x2048xf32, #tpu.memory_space<vmem>>[vector<16xi32>, vector<16xi32>], vector<16xf32>,
      %ge3A_1877 = arith.constant 0.000000e+00 : f32
      %ge3A_1878 = vector.broadcast %ge3A_1877 : f32 to vector<16xf32>
      %ge3A_1879 = arith.cmpf oge, %gather3A_1876, %ge3A_1878 : vector<16xf32>
      %jit3A_1880 = arith.constant 1.000000e+00 : f32
      %jit3A_1881 = arith.constant 0.000000e+00 : f32
      %broadcast_in_dim3A_1882 = vector.broadcast %jit3A_1880 : f32 to vector<16xf32>
      %broadcast_in_dim3A_1883 = vector.broadcast %jit3A_1881 : f32 to vector<16xf32>
      %select_n3A_1884 = arith.select %ge3A_1879, %broadcast_in_dim3A_1882, %broadcast_in_dim3A_1883 : vector<16xi1>, vector<16xf32>
      tpu.vector_store_idx %arg10[%broadcast_in_dim3A_20, %get3A_3], %select_n3A_1884 : memref<4x2048xf32, #tpu.memory_space<vmem>>[vector<16xi32>, vector<16xi32>], vector<16xf32>,
      %gather3A_1885 = tpu.vector_load_idx %arg10[%broadcast_in_dim3A_20, %get3A_5] : memref<4x2048xf32, #tpu.memory_space<vmem>>[vector<16xi32>, vector<16xi32>], vector<16xf32>,
      %ge3A_1886 = arith.constant 0.000000e+00 : f32
      %ge3A_1887 = vector.broadcast %ge3A_1886 : f32 to vector<16xf32>
      %ge3A_1888 = arith.cmpf oge, %gather3A_1885, %ge3A_1887 : vector<16xf32>
      %jit3A_1889 = arith.constant 1.000000e+00 : f32
      %jit3A_1890 = arith.constant 0.000000e+00 : f32
      %broadcast_in_dim3A_1891 = vector.broadcast %jit3A_1889 : f32 to vector<16xf32>
      %broadcast_in_dim3A_1892 = vector.broadcast %jit3A_1890 : f32 to vector<16xf32>
      %select_n3A_1893 = arith.select %ge3A_1888, %broadcast_in_dim3A_1891, %broadcast_in_dim3A_1892 : vector<16xi1>, vector<16xf32>
      tpu.vector_store_idx %arg10[%broadcast_in_dim3A_20, %get3A_5], %select_n3A_1893 : memref<4x2048xf32, #tpu.memory_space<vmem>>[vector<16xi32>, vector<16xi32>], vector<16xf32>,
      %gather3A_1894 = tpu.vector_load_idx %arg10[%broadcast_in_dim3A_20, %get3A_7] : memref<4x2048xf32, #tpu.memory_space<vmem>>[vector<16xi32>, vector<16xi32>], vector<16xf32>,
      %ge3A_1895 = arith.constant 0.000000e+00 : f32
      %ge3A_1896 = vector.broadcast %ge3A_1895 : f32 to vector<16xf32>
      %ge3A_1897 = arith.cmpf oge, %gather3A_1894, %ge3A_1896 : vector<16xf32>
      %jit3A_1898 = arith.constant 1.000000e+00 : f32
      %jit3A_1899 = arith.constant 0.000000e+00 : f32
      %broadcast_in_dim3A_1900 = vector.broadcast %jit3A_1898 : f32 to vector<16xf32>
      %broadcast_in_dim3A_1901 = vector.broadcast %jit3A_1899 : f32 to vector<16xf32>
      %select_n3A_1902 = arith.select %ge3A_1897, %broadcast_in_dim3A_1900, %broadcast_in_dim3A_1901 : vector<16xi1>, vector<16xf32>
      tpu.vector_store_idx %arg10[%broadcast_in_dim3A_20, %get3A_7], %select_n3A_1902 : memref<4x2048xf32, #tpu.memory_space<vmem>>[vector<16xi32>, vector<16xi32>], vector<16xf32>,
      %gather3A_1903 = tpu.vector_load_idx %arg10[%broadcast_in_dim3A_20, %get3A_9] : memref<4x2048xf32, #tpu.memory_space<vmem>>[vector<16xi32>, vector<16xi32>], vector<16xf32>,
      %ge3A_1904 = arith.constant 0.000000e+00 : f32
      %ge3A_1905 = vector.broadcast %ge3A_1904 : f32 to vector<16xf32>
      %ge3A_1906 = arith.cmpf oge, %gather3A_1903, %ge3A_1905 : vector<16xf32>
      %jit3A_1907 = arith.constant 1.000000e+00 : f32
      %jit3A_1908 = arith.constant 0.000000e+00 : f32
      %broadcast_in_dim3A_1909 = vector.broadcast %jit3A_1907 : f32 to vector<16xf32>
      %broadcast_in_dim3A_1910 = vector.broadcast %jit3A_1908 : f32 to vector<16xf32>
      %select_n3A_1911 = arith.select %ge3A_1906, %broadcast_in_dim3A_1909, %broadcast_in_dim3A_1910 : vector<16xi1>, vector<16xf32>
      tpu.vector_store_idx %arg10[%broadcast_in_dim3A_20, %get3A_9], %select_n3A_1911 : memref<4x2048xf32, #tpu.memory_space<vmem>>[vector<16xi32>, vector<16xi32>], vector<16xf32>,
      %gather3A_1912 = tpu.vector_load_idx %arg10[%broadcast_in_dim3A_20, %get3A_11] : memref<4x2048xf32, #tpu.memory_space<vmem>>[vector<16xi32>, vector<16xi32>], vector<16xf32>,
      %ge3A_1913 = arith.constant 0.000000e+00 : f32
      %ge3A_1914 = vector.broadcast %ge3A_1913 : f32 to vector<16xf32>
      %ge3A_1915 = arith.cmpf oge, %gather3A_1912, %ge3A_1914 : vector<16xf32>
      %jit3A_1916 = arith.constant 1.000000e+00 : f32
      %jit3A_1917 = arith.constant 0.000000e+00 : f32
      %broadcast_in_dim3A_1918 = vector.broadcast %jit3A_1916 : f32 to vector<16xf32>
      %broadcast_in_dim3A_1919 = vector.broadcast %jit3A_1917 : f32 to vector<16xf32>
      %select_n3A_1920 = arith.select %ge3A_1915, %broadcast_in_dim3A_1918, %broadcast_in_dim3A_1919 : vector<16xi1>, vector<16xf32>
      tpu.vector_store_idx %arg10[%broadcast_in_dim3A_20, %get3A_11], %select_n3A_1920 : memref<4x2048xf32, #tpu.memory_space<vmem>>[vector<16xi32>, vector<16xi32>], vector<16xf32>,
      %gather3A_1921 = tpu.vector_load_idx %arg10[%broadcast_in_dim3A_20, %get3A_13] : memref<4x2048xf32, #tpu.memory_space<vmem>>[vector<16xi32>, vector<16xi32>], vector<16xf32>,
      %ge3A_1922 = arith.constant 0.000000e+00 : f32
      %ge3A_1923 = vector.broadcast %ge3A_1922 : f32 to vector<16xf32>
      %ge3A_1924 = arith.cmpf oge, %gather3A_1921, %ge3A_1923 : vector<16xf32>
      %jit3A_1925 = arith.constant 1.000000e+00 : f32
      %jit3A_1926 = arith.constant 0.000000e+00 : f32
      %broadcast_in_dim3A_1927 = vector.broadcast %jit3A_1925 : f32 to vector<16xf32>
      %broadcast_in_dim3A_1928 = vector.broadcast %jit3A_1926 : f32 to vector<16xf32>
      %select_n3A_1929 = arith.select %ge3A_1924, %broadcast_in_dim3A_1927, %broadcast_in_dim3A_1928 : vector<16xi1>, vector<16xf32>
      tpu.vector_store_idx %arg10[%broadcast_in_dim3A_20, %get3A_13], %select_n3A_1929 : memref<4x2048xf32, #tpu.memory_space<vmem>>[vector<16xi32>, vector<16xi32>], vector<16xf32>,
      %gather3A_1930 = tpu.vector_load_idx %arg10[%broadcast_in_dim3A_20, %get3A_15] : memref<4x2048xf32, #tpu.memory_space<vmem>>[vector<16xi32>, vector<16xi32>], vector<16xf32>,
      %ge3A_1931 = arith.constant 0.000000e+00 : f32
      %ge3A_1932 = vector.broadcast %ge3A_1931 : f32 to vector<16xf32>
      %ge3A_1933 = arith.cmpf oge, %gather3A_1930, %ge3A_1932 : vector<16xf32>
      %jit3A_1934 = arith.constant 1.000000e+00 : f32
      %jit3A_1935 = arith.constant 0.000000e+00 : f32
      %broadcast_in_dim3A_1936 = vector.broadcast %jit3A_1934 : f32 to vector<16xf32>
      %broadcast_in_dim3A_1937 = vector.broadcast %jit3A_1935 : f32 to vector<16xf32>
      %select_n3A_1938 = arith.select %ge3A_1933, %broadcast_in_dim3A_1936, %broadcast_in_dim3A_1937 : vector<16xi1>, vector<16xf32>
      tpu.vector_store_idx %arg10[%broadcast_in_dim3A_20, %get3A_15], %select_n3A_1938 : memref<4x2048xf32, #tpu.memory_space<vmem>>[vector<16xi32>, vector<16xi32>], vector<16xf32>,
      %gather3A_1939 = tpu.vector_load_idx %arg10[%broadcast_in_dim3A_20, %get3A_17] : memref<4x2048xf32, #tpu.memory_space<vmem>>[vector<16xi32>, vector<16xi32>], vector<16xf32>,
      %ge3A_1940 = arith.constant 0.000000e+00 : f32
      %ge3A_1941 = vector.broadcast %ge3A_1940 : f32 to vector<16xf32>
      %ge3A_1942 = arith.cmpf oge, %gather3A_1939, %ge3A_1941 : vector<16xf32>
      %jit3A_1943 = arith.constant 1.000000e+00 : f32
      %jit3A_1944 = arith.constant 0.000000e+00 : f32
      %broadcast_in_dim3A_1945 = vector.broadcast %jit3A_1943 : f32 to vector<16xf32>
      %broadcast_in_dim3A_1946 = vector.broadcast %jit3A_1944 : f32 to vector<16xf32>
      %select_n3A_1947 = arith.select %ge3A_1942, %broadcast_in_dim3A_1945, %broadcast_in_dim3A_1946 : vector<16xi1>, vector<16xf32>
      tpu.vector_store_idx %arg10[%broadcast_in_dim3A_20, %get3A_17], %select_n3A_1947 : memref<4x2048xf32, #tpu.memory_space<vmem>>[vector<16xi32>, vector<16xi32>], vector<16xf32>,
      %gather3A_1948 = tpu.vector_load_idx %arg10[%broadcast_in_dim3A_22, %get3A_3] : memref<4x2048xf32, #tpu.memory_space<vmem>>[vector<16xi32>, vector<16xi32>], vector<16xf32>,
      %ge3A_1949 = arith.constant 0.000000e+00 : f32
      %ge3A_1950 = vector.broadcast %ge3A_1949 : f32 to vector<16xf32>
      %ge3A_1951 = arith.cmpf oge, %gather3A_1948, %ge3A_1950 : vector<16xf32>
      %jit3A_1952 = arith.constant 1.000000e+00 : f32
      %jit3A_1953 = arith.constant 0.000000e+00 : f32
      %broadcast_in_dim3A_1954 = vector.broadcast %jit3A_1952 : f32 to vector<16xf32>
      %broadcast_in_dim3A_1955 = vector.broadcast %jit3A_1953 : f32 to vector<16xf32>
      %select_n3A_1956 = arith.select %ge3A_1951, %broadcast_in_dim3A_1954, %broadcast_in_dim3A_1955 : vector<16xi1>, vector<16xf32>
      tpu.vector_store_idx %arg10[%broadcast_in_dim3A_22, %get3A_3], %select_n3A_1956 : memref<4x2048xf32, #tpu.memory_space<vmem>>[vector<16xi32>, vector<16xi32>], vector<16xf32>,
      %gather3A_1957 = tpu.vector_load_idx %arg10[%broadcast_in_dim3A_22, %get3A_5] : memref<4x2048xf32, #tpu.memory_space<vmem>>[vector<16xi32>, vector<16xi32>], vector<16xf32>,
      %ge3A_1958 = arith.constant 0.000000e+00 : f32
      %ge3A_1959 = vector.broadcast %ge3A_1958 : f32 to vector<16xf32>
      %ge3A_1960 = arith.cmpf oge, %gather3A_1957, %ge3A_1959 : vector<16xf32>
      %jit3A_1961 = arith.constant 1.000000e+00 : f32
      %jit3A_1962 = arith.constant 0.000000e+00 : f32
      %broadcast_in_dim3A_1963 = vector.broadcast %jit3A_1961 : f32 to vector<16xf32>
      %broadcast_in_dim3A_1964 = vector.broadcast %jit3A_1962 : f32 to vector<16xf32>
      %select_n3A_1965 = arith.select %ge3A_1960, %broadcast_in_dim3A_1963, %broadcast_in_dim3A_1964 : vector<16xi1>, vector<16xf32>
      tpu.vector_store_idx %arg10[%broadcast_in_dim3A_22, %get3A_5], %select_n3A_1965 : memref<4x2048xf32, #tpu.memory_space<vmem>>[vector<16xi32>, vector<16xi32>], vector<16xf32>,
      %gather3A_1966 = tpu.vector_load_idx %arg10[%broadcast_in_dim3A_22, %get3A_7] : memref<4x2048xf32, #tpu.memory_space<vmem>>[vector<16xi32>, vector<16xi32>], vector<16xf32>,
      %ge3A_1967 = arith.constant 0.000000e+00 : f32
      %ge3A_1968 = vector.broadcast %ge3A_1967 : f32 to vector<16xf32>
      %ge3A_1969 = arith.cmpf oge, %gather3A_1966, %ge3A_1968 : vector<16xf32>
      %jit3A_1970 = arith.constant 1.000000e+00 : f32
      %jit3A_1971 = arith.constant 0.000000e+00 : f32
      %broadcast_in_dim3A_1972 = vector.broadcast %jit3A_1970 : f32 to vector<16xf32>
      %broadcast_in_dim3A_1973 = vector.broadcast %jit3A_1971 : f32 to vector<16xf32>
      %select_n3A_1974 = arith.select %ge3A_1969, %broadcast_in_dim3A_1972, %broadcast_in_dim3A_1973 : vector<16xi1>, vector<16xf32>
      tpu.vector_store_idx %arg10[%broadcast_in_dim3A_22, %get3A_7], %select_n3A_1974 : memref<4x2048xf32, #tpu.memory_space<vmem>>[vector<16xi32>, vector<16xi32>], vector<16xf32>,
      %gather3A_1975 = tpu.vector_load_idx %arg10[%broadcast_in_dim3A_22, %get3A_9] : memref<4x2048xf32, #tpu.memory_space<vmem>>[vector<16xi32>, vector<16xi32>], vector<16xf32>,
      %ge3A_1976 = arith.constant 0.000000e+00 : f32
      %ge3A_1977 = vector.broadcast %ge3A_1976 : f32 to vector<16xf32>
      %ge3A_1978 = arith.cmpf oge, %gather3A_1975, %ge3A_1977 : vector<16xf32>
      %jit3A_1979 = arith.constant 1.000000e+00 : f32
      %jit3A_1980 = arith.constant 0.000000e+00 : f32
      %broadcast_in_dim3A_1981 = vector.broadcast %jit3A_1979 : f32 to vector<16xf32>
      %broadcast_in_dim3A_1982 = vector.broadcast %jit3A_1980 : f32 to vector<16xf32>
      %select_n3A_1983 = arith.select %ge3A_1978, %broadcast_in_dim3A_1981, %broadcast_in_dim3A_1982 : vector<16xi1>, vector<16xf32>
      tpu.vector_store_idx %arg10[%broadcast_in_dim3A_22, %get3A_9], %select_n3A_1983 : memref<4x2048xf32, #tpu.memory_space<vmem>>[vector<16xi32>, vector<16xi32>], vector<16xf32>,
      %gather3A_1984 = tpu.vector_load_idx %arg10[%broadcast_in_dim3A_22, %get3A_11] : memref<4x2048xf32, #tpu.memory_space<vmem>>[vector<16xi32>, vector<16xi32>], vector<16xf32>,
      %ge3A_1985 = arith.constant 0.000000e+00 : f32
      %ge3A_1986 = vector.broadcast %ge3A_1985 : f32 to vector<16xf32>
      %ge3A_1987 = arith.cmpf oge, %gather3A_1984, %ge3A_1986 : vector<16xf32>
      %jit3A_1988 = arith.constant 1.000000e+00 : f32
      %jit3A_1989 = arith.constant 0.000000e+00 : f32
      %broadcast_in_dim3A_1990 = vector.broadcast %jit3A_1988 : f32 to vector<16xf32>
      %broadcast_in_dim3A_1991 = vector.broadcast %jit3A_1989 : f32 to vector<16xf32>
      %select_n3A_1992 = arith.select %ge3A_1987, %broadcast_in_dim3A_1990, %broadcast_in_dim3A_1991 : vector<16xi1>, vector<16xf32>
      tpu.vector_store_idx %arg10[%broadcast_in_dim3A_22, %get3A_11], %select_n3A_1992 : memref<4x2048xf32, #tpu.memory_space<vmem>>[vector<16xi32>, vector<16xi32>], vector<16xf32>,
      %gather3A_1993 = tpu.vector_load_idx %arg10[%broadcast_in_dim3A_22, %get3A_13] : memref<4x2048xf32, #tpu.memory_space<vmem>>[vector<16xi32>, vector<16xi32>], vector<16xf32>,
      %ge3A_1994 = arith.constant 0.000000e+00 : f32
      %ge3A_1995 = vector.broadcast %ge3A_1994 : f32 to vector<16xf32>
      %ge3A_1996 = arith.cmpf oge, %gather3A_1993, %ge3A_1995 : vector<16xf32>
      %jit3A_1997 = arith.constant 1.000000e+00 : f32
      %jit3A_1998 = arith.constant 0.000000e+00 : f32
      %broadcast_in_dim3A_1999 = vector.broadcast %jit3A_1997 : f32 to vector<16xf32>
      %broadcast_in_dim3A_2000 = vector.broadcast %jit3A_1998 : f32 to vector<16xf32>
      %select_n3A_2001 = arith.select %ge3A_1996, %broadcast_in_dim3A_1999, %broadcast_in_dim3A_2000 : vector<16xi1>, vector<16xf32>
      tpu.vector_store_idx %arg10[%broadcast_in_dim3A_22, %get3A_13], %select_n3A_2001 : memref<4x2048xf32, #tpu.memory_space<vmem>>[vector<16xi32>, vector<16xi32>], vector<16xf32>,
      %gather3A_2002 = tpu.vector_load_idx %arg10[%broadcast_in_dim3A_22, %get3A_15] : memref<4x2048xf32, #tpu.memory_space<vmem>>[vector<16xi32>, vector<16xi32>], vector<16xf32>,
      %ge3A_2003 = arith.constant 0.000000e+00 : f32
      %ge3A_2004 = vector.broadcast %ge3A_2003 : f32 to vector<16xf32>
      %ge3A_2005 = arith.cmpf oge, %gather3A_2002, %ge3A_2004 : vector<16xf32>
      %jit3A_2006 = arith.constant 1.000000e+00 : f32
      %jit3A_2007 = arith.constant 0.000000e+00 : f32
      %broadcast_in_dim3A_2008 = vector.broadcast %jit3A_2006 : f32 to vector<16xf32>
      %broadcast_in_dim3A_2009 = vector.broadcast %jit3A_2007 : f32 to vector<16xf32>
      %select_n3A_2010 = arith.select %ge3A_2005, %broadcast_in_dim3A_2008, %broadcast_in_dim3A_2009 : vector<16xi1>, vector<16xf32>
      tpu.vector_store_idx %arg10[%broadcast_in_dim3A_22, %get3A_15], %select_n3A_2010 : memref<4x2048xf32, #tpu.memory_space<vmem>>[vector<16xi32>, vector<16xi32>], vector<16xf32>,
      %gather3A_2011 = tpu.vector_load_idx %arg10[%broadcast_in_dim3A_22, %get3A_17] : memref<4x2048xf32, #tpu.memory_space<vmem>>[vector<16xi32>, vector<16xi32>], vector<16xf32>,
      %ge3A_2012 = arith.constant 0.000000e+00 : f32
      %ge3A_2013 = vector.broadcast %ge3A_2012 : f32 to vector<16xf32>
      %ge3A_2014 = arith.cmpf oge, %gather3A_2011, %ge3A_2013 : vector<16xf32>
      %jit3A_2015 = arith.constant 1.000000e+00 : f32
      %jit3A_2016 = arith.constant 0.000000e+00 : f32
      %broadcast_in_dim3A_2017 = vector.broadcast %jit3A_2015 : f32 to vector<16xf32>
      %broadcast_in_dim3A_2018 = vector.broadcast %jit3A_2016 : f32 to vector<16xf32>
      %select_n3A_2019 = arith.select %ge3A_2014, %broadcast_in_dim3A_2017, %broadcast_in_dim3A_2018 : vector<16xi1>, vector<16xf32>
      tpu.vector_store_idx %arg10[%broadcast_in_dim3A_22, %get3A_17], %select_n3A_2019 : memref<4x2048xf32, #tpu.memory_space<vmem>>[vector<16xi32>, vector<16xi32>], vector<16xf32>,
      %gather3A_2020 = tpu.vector_load_idx %arg10[%broadcast_in_dim3A_24, %get3A_3] : memref<4x2048xf32, #tpu.memory_space<vmem>>[vector<16xi32>, vector<16xi32>], vector<16xf32>,
      %ge3A_2021 = arith.constant 0.000000e+00 : f32
      %ge3A_2022 = vector.broadcast %ge3A_2021 : f32 to vector<16xf32>
      %ge3A_2023 = arith.cmpf oge, %gather3A_2020, %ge3A_2022 : vector<16xf32>
      %jit3A_2024 = arith.constant 1.000000e+00 : f32
      %jit3A_2025 = arith.constant 0.000000e+00 : f32
      %broadcast_in_dim3A_2026 = vector.broadcast %jit3A_2024 : f32 to vector<16xf32>
      %broadcast_in_dim3A_2027 = vector.broadcast %jit3A_2025 : f32 to vector<16xf32>
      %select_n3A_2028 = arith.select %ge3A_2023, %broadcast_in_dim3A_2026, %broadcast_in_dim3A_2027 : vector<16xi1>, vector<16xf32>
      tpu.vector_store_idx %arg10[%broadcast_in_dim3A_24, %get3A_3], %select_n3A_2028 : memref<4x2048xf32, #tpu.memory_space<vmem>>[vector<16xi32>, vector<16xi32>], vector<16xf32>,
      %gather3A_2029 = tpu.vector_load_idx %arg10[%broadcast_in_dim3A_24, %get3A_5] : memref<4x2048xf32, #tpu.memory_space<vmem>>[vector<16xi32>, vector<16xi32>], vector<16xf32>,
      %ge3A_2030 = arith.constant 0.000000e+00 : f32
      %ge3A_2031 = vector.broadcast %ge3A_2030 : f32 to vector<16xf32>
      %ge3A_2032 = arith.cmpf oge, %gather3A_2029, %ge3A_2031 : vector<16xf32>
      %jit3A_2033 = arith.constant 1.000000e+00 : f32
      %jit3A_2034 = arith.constant 0.000000e+00 : f32
      %broadcast_in_dim3A_2035 = vector.broadcast %jit3A_2033 : f32 to vector<16xf32>
      %broadcast_in_dim3A_2036 = vector.broadcast %jit3A_2034 : f32 to vector<16xf32>
      %select_n3A_2037 = arith.select %ge3A_2032, %broadcast_in_dim3A_2035, %broadcast_in_dim3A_2036 : vector<16xi1>, vector<16xf32>
      tpu.vector_store_idx %arg10[%broadcast_in_dim3A_24, %get3A_5], %select_n3A_2037 : memref<4x2048xf32, #tpu.memory_space<vmem>>[vector<16xi32>, vector<16xi32>], vector<16xf32>,
      %gather3A_2038 = tpu.vector_load_idx %arg10[%broadcast_in_dim3A_24, %get3A_7] : memref<4x2048xf32, #tpu.memory_space<vmem>>[vector<16xi32>, vector<16xi32>], vector<16xf32>,
      %ge3A_2039 = arith.constant 0.000000e+00 : f32
      %ge3A_2040 = vector.broadcast %ge3A_2039 : f32 to vector<16xf32>
      %ge3A_2041 = arith.cmpf oge, %gather3A_2038, %ge3A_2040 : vector<16xf32>
      %jit3A_2042 = arith.constant 1.000000e+00 : f32
      %jit3A_2043 = arith.constant 0.000000e+00 : f32
      %broadcast_in_dim3A_2044 = vector.broadcast %jit3A_2042 : f32 to vector<16xf32>
      %broadcast_in_dim3A_2045 = vector.broadcast %jit3A_2043 : f32 to vector<16xf32>
      %select_n3A_2046 = arith.select %ge3A_2041, %broadcast_in_dim3A_2044, %broadcast_in_dim3A_2045 : vector<16xi1>, vector<16xf32>
      tpu.vector_store_idx %arg10[%broadcast_in_dim3A_24, %get3A_7], %select_n3A_2046 : memref<4x2048xf32, #tpu.memory_space<vmem>>[vector<16xi32>, vector<16xi32>], vector<16xf32>,
      %gather3A_2047 = tpu.vector_load_idx %arg10[%broadcast_in_dim3A_24, %get3A_9] : memref<4x2048xf32, #tpu.memory_space<vmem>>[vector<16xi32>, vector<16xi32>], vector<16xf32>,
      %ge3A_2048 = arith.constant 0.000000e+00 : f32
      %ge3A_2049 = vector.broadcast %ge3A_2048 : f32 to vector<16xf32>
      %ge3A_2050 = arith.cmpf oge, %gather3A_2047, %ge3A_2049 : vector<16xf32>
      %jit3A_2051 = arith.constant 1.000000e+00 : f32
      %jit3A_2052 = arith.constant 0.000000e+00 : f32
      %broadcast_in_dim3A_2053 = vector.broadcast %jit3A_2051 : f32 to vector<16xf32>
      %broadcast_in_dim3A_2054 = vector.broadcast %jit3A_2052 : f32 to vector<16xf32>
      %select_n3A_2055 = arith.select %ge3A_2050, %broadcast_in_dim3A_2053, %broadcast_in_dim3A_2054 : vector<16xi1>, vector<16xf32>
      tpu.vector_store_idx %arg10[%broadcast_in_dim3A_24, %get3A_9], %select_n3A_2055 : memref<4x2048xf32, #tpu.memory_space<vmem>>[vector<16xi32>, vector<16xi32>], vector<16xf32>,
      %gather3A_2056 = tpu.vector_load_idx %arg10[%broadcast_in_dim3A_24, %get3A_11] : memref<4x2048xf32, #tpu.memory_space<vmem>>[vector<16xi32>, vector<16xi32>], vector<16xf32>,
      %ge3A_2057 = arith.constant 0.000000e+00 : f32
      %ge3A_2058 = vector.broadcast %ge3A_2057 : f32 to vector<16xf32>
      %ge3A_2059 = arith.cmpf oge, %gather3A_2056, %ge3A_2058 : vector<16xf32>
      %jit3A_2060 = arith.constant 1.000000e+00 : f32
      %jit3A_2061 = arith.constant 0.000000e+00 : f32
      %broadcast_in_dim3A_2062 = vector.broadcast %jit3A_2060 : f32 to vector<16xf32>
      %broadcast_in_dim3A_2063 = vector.broadcast %jit3A_2061 : f32 to vector<16xf32>
      %select_n3A_2064 = arith.select %ge3A_2059, %broadcast_in_dim3A_2062, %broadcast_in_dim3A_2063 : vector<16xi1>, vector<16xf32>
      tpu.vector_store_idx %arg10[%broadcast_in_dim3A_24, %get3A_11], %select_n3A_2064 : memref<4x2048xf32, #tpu.memory_space<vmem>>[vector<16xi32>, vector<16xi32>], vector<16xf32>,
      %gather3A_2065 = tpu.vector_load_idx %arg10[%broadcast_in_dim3A_24, %get3A_13] : memref<4x2048xf32, #tpu.memory_space<vmem>>[vector<16xi32>, vector<16xi32>], vector<16xf32>,
      %ge3A_2066 = arith.constant 0.000000e+00 : f32
      %ge3A_2067 = vector.broadcast %ge3A_2066 : f32 to vector<16xf32>
      %ge3A_2068 = arith.cmpf oge, %gather3A_2065, %ge3A_2067 : vector<16xf32>
      %jit3A_2069 = arith.constant 1.000000e+00 : f32
      %jit3A_2070 = arith.constant 0.000000e+00 : f32
      %broadcast_in_dim3A_2071 = vector.broadcast %jit3A_2069 : f32 to vector<16xf32>
      %broadcast_in_dim3A_2072 = vector.broadcast %jit3A_2070 : f32 to vector<16xf32>
      %select_n3A_2073 = arith.select %ge3A_2068, %broadcast_in_dim3A_2071, %broadcast_in_dim3A_2072 : vector<16xi1>, vector<16xf32>
      tpu.vector_store_idx %arg10[%broadcast_in_dim3A_24, %get3A_13], %select_n3A_2073 : memref<4x2048xf32, #tpu.memory_space<vmem>>[vector<16xi32>, vector<16xi32>], vector<16xf32>,
      %gather3A_2074 = tpu.vector_load_idx %arg10[%broadcast_in_dim3A_24, %get3A_15] : memref<4x2048xf32, #tpu.memory_space<vmem>>[vector<16xi32>, vector<16xi32>], vector<16xf32>,
      %ge3A_2075 = arith.constant 0.000000e+00 : f32
      %ge3A_2076 = vector.broadcast %ge3A_2075 : f32 to vector<16xf32>
      %ge3A_2077 = arith.cmpf oge, %gather3A_2074, %ge3A_2076 : vector<16xf32>
      %jit3A_2078 = arith.constant 1.000000e+00 : f32
      %jit3A_2079 = arith.constant 0.000000e+00 : f32
      %broadcast_in_dim3A_2080 = vector.broadcast %jit3A_2078 : f32 to vector<16xf32>
      %broadcast_in_dim3A_2081 = vector.broadcast %jit3A_2079 : f32 to vector<16xf32>
      %select_n3A_2082 = arith.select %ge3A_2077, %broadcast_in_dim3A_2080, %broadcast_in_dim3A_2081 : vector<16xi1>, vector<16xf32>
      tpu.vector_store_idx %arg10[%broadcast_in_dim3A_24, %get3A_15], %select_n3A_2082 : memref<4x2048xf32, #tpu.memory_space<vmem>>[vector<16xi32>, vector<16xi32>], vector<16xf32>,
      %gather3A_2083 = tpu.vector_load_idx %arg10[%broadcast_in_dim3A_24, %get3A_17] : memref<4x2048xf32, #tpu.memory_space<vmem>>[vector<16xi32>, vector<16xi32>], vector<16xf32>,
      %ge3A_2084 = arith.constant 0.000000e+00 : f32
      %ge3A_2085 = vector.broadcast %ge3A_2084 : f32 to vector<16xf32>
      %ge3A_2086 = arith.cmpf oge, %gather3A_2083, %ge3A_2085 : vector<16xf32>
      %jit3A_2087 = arith.constant 1.000000e+00 : f32
      %jit3A_2088 = arith.constant 0.000000e+00 : f32
      %broadcast_in_dim3A_2089 = vector.broadcast %jit3A_2087 : f32 to vector<16xf32>
      %broadcast_in_dim3A_2090 = vector.broadcast %jit3A_2088 : f32 to vector<16xf32>
      %select_n3A_2091 = arith.select %ge3A_2086, %broadcast_in_dim3A_2089, %broadcast_in_dim3A_2090 : vector<16xi1>, vector<16xf32>
      tpu.vector_store_idx %arg10[%broadcast_in_dim3A_24, %get3A_17], %select_n3A_2091 : memref<4x2048xf32, #tpu.memory_space<vmem>>[vector<16xi32>, vector<16xi32>], vector<16xf32>,
      %mul3A_2092 = arith.constant 4 : i32
      %mul3A_2093 = arith.muli %add3A_1793, %mul3A_2092 : i32
      %add3A_2094 = arith.addi %mul3A_2, %mul3A_2093 : i32
      %dma_start3A_2095 = arith.constant 5 : i32
      %dma_start3A_2096 = arith.constant 0 : i32
      %dma_start3A_2097 = tpu.memref_slice %arg4[%add3A_2094, %dma_start3A_2096] : memref<16384x2048xf32, #tpu.memory_space<hbm>> -> memref<4x2048xf32, #tpu.memory_space<hbm>>
      %dma_start3A_2098 = tpu.memref_slice %arg15[%dma_start3A_2095] : memref<8x!tpu.dma_semaphore, #tpu.memory_space<semaphore_mem>> -> memref<1x!tpu.dma_semaphore, #tpu.memory_space<semaphore_mem>>
      %dma_start3A_2099 = tpu.memref_squeeze %dma_start3A_2098 : memref<1x!tpu.dma_semaphore, #tpu.memory_space<semaphore_mem>> -> memref<!tpu.dma_semaphore, #tpu.memory_space<semaphore_mem>>
      %dma_start3A_2100 = arith.constant 0 : i32
      %dma_start3A_2101 = tpu.memref_slice %arg4[%add3A_2094, %dma_start3A_2100] : memref<16384x2048xf32, #tpu.memory_space<hbm>> -> memref<4x2048xf32, #tpu.memory_space<hbm>>
      tpu.enqueue_dma source(%arg10 : memref<4x2048xf32, #tpu.memory_space<vmem>>) target(%dma_start3A_2101 : memref<4x2048xf32, #tpu.memory_space<hbm>>) target_semaphore(%dma_start3A_2099 : memref<!tpu.dma_semaphore, #tpu.memory_space<semaphore_mem>>)
      %add3A_2102 = arith.constant 8 : i32
      %add3A_2103 = arith.addi %add3A_1793, %add3A_2102 : i32
      %sub3A_2104 = arith.constant 1 : i32
      %sub3A_2105 = arith.subi %add3A_2103, %sub3A_2104 : i32
      %ge3A_2106 = arith.constant 1 : i32
      %ge3A_2107 = arith.cmpi sge, %add3A_1793, %ge3A_2106 : i32
      %lt3A_2108 = arith.constant 128 : i32
      %lt3A_2109 = arith.cmpi slt, %sub3A_2105, %lt3A_2108 : i32
      %and3A_2110 = arith.andi %ge3A_2107, %lt3A_2109 : i1
      %convert_element_type3A_2111 = arith.extui %and3A_2110 : i1 to i32
      %cond3A_2112 = arith.constant 0 : i32
      %cond3A_2113 = arith.cmpi ne, %convert_element_type3A_2111, %cond3A_2112 : i32
      scf.if %cond3A_2113 {
        %sub3A_2773 = arith.constant 1 : i32
        %sub3A_2774 = arith.subi %add3A_1793, %sub3A_2773 : i32
        %mul3A_2775 = arith.constant 4 : i32
        %mul3A_2776 = arith.muli %sub3A_2774, %mul3A_2775 : i32
        %add3A_2777 = arith.addi %mul3A_2, %mul3A_2776 : i32
        %dma_wait3A_2778 = arith.constant 4 : i32
        %dma_wait3A_2779 = arith.constant 0 : i32
        %dma_wait3A_2780 = tpu.memref_slice %arg4[%add3A_2777, %dma_wait3A_2779] : memref<16384x2048xf32, #tpu.memory_space<hbm>> -> memref<4x2048xf32, #tpu.memory_space<hbm>>
        %dma_wait3A_2781 = tpu.memref_slice %arg15[%dma_wait3A_2778] : memref<8x!tpu.dma_semaphore, #tpu.memory_space<semaphore_mem>> -> memref<1x!tpu.dma_semaphore, #tpu.memory_space<semaphore_mem>>
        %dma_wait3A_2782 = tpu.memref_squeeze %dma_wait3A_2781 : memref<1x!tpu.dma_semaphore, #tpu.memory_space<semaphore_mem>> -> memref<!tpu.dma_semaphore, #tpu.memory_space<semaphore_mem>>
        %dma_wait3A_2783 = arith.constant 0 : i32
        %dma_wait3A_2784 = tpu.memref_slice %arg4[%add3A_2777, %dma_wait3A_2783] : memref<16384x2048xf32, #tpu.memory_space<hbm>> -> memref<4x2048xf32, #tpu.memory_space<hbm>>
        tpu.wait_dma2 semaphore(%dma_wait3A_2782 : memref<!tpu.dma_semaphore, #tpu.memory_space<semaphore_mem>>) src(%arg9 : memref<4x2048xf32, #tpu.memory_space<vmem>>) dst(%dma_wait3A_2784 : memref<4x2048xf32, #tpu.memory_space<hbm>>)
      } else {
      }
      %lt3A_2114 = arith.constant 128 : i32
      %lt3A_2115 = arith.cmpi slt, %sub3A_2105, %lt3A_2114 : i32
      %convert_element_type3A_2116 = arith.extui %lt3A_2115 : i1 to i32
      %cond3A_2117 = arith.constant 0 : i32
      %cond3A_2118 = arith.cmpi ne, %convert_element_type3A_2116, %cond3A_2117 : i32
      scf.if %cond3A_2118 {
        %mul3A_2773 = arith.constant 4 : i32
        %mul3A_2774 = arith.muli %sub3A_2105, %mul3A_2773 : i32
        %add3A_2775 = arith.addi %mul3A_2, %mul3A_2774 : i32
        %dma_start3A_2776 = arith.constant 4 : i32
        %dma_start3A_2777 = arith.constant 0 : i32
        %dma_start3A_2778 = tpu.memref_slice %arg2[%add3A_2775, %dma_start3A_2777] : memref<16384x2048xf32, #tpu.memory_space<hbm>> -> memref<4x2048xf32, #tpu.memory_space<hbm>>
        %dma_start3A_2779 = tpu.memref_slice %arg14[%dma_start3A_2776] : memref<8x!tpu.dma_semaphore, #tpu.memory_space<semaphore_mem>> -> memref<1x!tpu.dma_semaphore, #tpu.memory_space<semaphore_mem>>
        %dma_start3A_2780 = tpu.memref_squeeze %dma_start3A_2779 : memref<1x!tpu.dma_semaphore, #tpu.memory_space<semaphore_mem>> -> memref<!tpu.dma_semaphore, #tpu.memory_space<semaphore_mem>>
        %dma_start3A_2781 = arith.constant 0 : i32
        %dma_start3A_2782 = tpu.memref_slice %arg2[%add3A_2775, %dma_start3A_2781] : memref<16384x2048xf32, #tpu.memory_space<hbm>> -> memref<4x2048xf32, #tpu.memory_space<hbm>>
        tpu.enqueue_dma source(%dma_start3A_2782 : memref<4x2048xf32, #tpu.memory_space<hbm>>) target(%arg9 : memref<4x2048xf32, #tpu.memory_space<vmem>>) target_semaphore(%dma_start3A_2780 : memref<!tpu.dma_semaphore, #tpu.memory_space<semaphore_mem>>)
      } else {
      }
      %add3A_2119 = arith.constant 6 : i32
      %add3A_2120 = arith.addi %mul3A_165, %add3A_2119 : i32
      %mul3A_2121 = arith.constant 4 : i32
      %mul3A_2122 = arith.muli %add3A_2120, %mul3A_2121 : i32
      %add3A_2123 = arith.addi %mul3A_2, %mul3A_2122 : i32
      %dma_wait3A_2124 = arith.constant 6 : i32
      %dma_wait3A_2125 = arith.constant 0 : i32
      %dma_wait3A_2126 = tpu.memref_slice %arg2[%add3A_2123, %dma_wait3A_2125] : memref<16384x2048xf32, #tpu.memory_space<hbm>> -> memref<4x2048xf32, #tpu.memory_space<hbm>>
      %dma_wait3A_2127 = tpu.memref_slice %arg14[%dma_wait3A_2124] : memref<8x!tpu.dma_semaphore, #tpu.memory_space<semaphore_mem>> -> memref<1x!tpu.dma_semaphore, #tpu.memory_space<semaphore_mem>>
      %dma_wait3A_2128 = tpu.memref_squeeze %dma_wait3A_2127 : memref<1x!tpu.dma_semaphore, #tpu.memory_space<semaphore_mem>> -> memref<!tpu.dma_semaphore, #tpu.memory_space<semaphore_mem>>
      %dma_wait3A_2129 = arith.constant 0 : i32
      %dma_wait3A_2130 = tpu.memref_slice %arg2[%add3A_2123, %dma_wait3A_2129] : memref<16384x2048xf32, #tpu.memory_space<hbm>> -> memref<4x2048xf32, #tpu.memory_space<hbm>>
      tpu.wait_dma2 semaphore(%dma_wait3A_2128 : memref<!tpu.dma_semaphore, #tpu.memory_space<semaphore_mem>>) src(%dma_wait3A_2130 : memref<4x2048xf32, #tpu.memory_space<hbm>>) dst(%arg11 : memref<4x2048xf32, #tpu.memory_space<vmem>>)
      %gather3A_2131 = tpu.vector_load_idx %arg11[%broadcast_in_dim3A_18, %get3A_3] : memref<4x2048xf32, #tpu.memory_space<vmem>>[vector<16xi32>, vector<16xi32>], vector<16xf32>,
      %ge3A_2132 = arith.constant 0.000000e+00 : f32
      %ge3A_2133 = vector.broadcast %ge3A_2132 : f32 to vector<16xf32>
      %ge3A_2134 = arith.cmpf oge, %gather3A_2131, %ge3A_2133 : vector<16xf32>
      %jit3A_2135 = arith.constant 1.000000e+00 : f32
      %jit3A_2136 = arith.constant 0.000000e+00 : f32
      %broadcast_in_dim3A_2137 = vector.broadcast %jit3A_2135 : f32 to vector<16xf32>
      %broadcast_in_dim3A_2138 = vector.broadcast %jit3A_2136 : f32 to vector<16xf32>
      %select_n3A_2139 = arith.select %ge3A_2134, %broadcast_in_dim3A_2137, %broadcast_in_dim3A_2138 : vector<16xi1>, vector<16xf32>
      tpu.vector_store_idx %arg11[%broadcast_in_dim3A_18, %get3A_3], %select_n3A_2139 : memref<4x2048xf32, #tpu.memory_space<vmem>>[vector<16xi32>, vector<16xi32>], vector<16xf32>,
      %gather3A_2140 = tpu.vector_load_idx %arg11[%broadcast_in_dim3A_18, %get3A_5] : memref<4x2048xf32, #tpu.memory_space<vmem>>[vector<16xi32>, vector<16xi32>], vector<16xf32>,
      %ge3A_2141 = arith.constant 0.000000e+00 : f32
      %ge3A_2142 = vector.broadcast %ge3A_2141 : f32 to vector<16xf32>
      %ge3A_2143 = arith.cmpf oge, %gather3A_2140, %ge3A_2142 : vector<16xf32>
      %jit3A_2144 = arith.constant 1.000000e+00 : f32
      %jit3A_2145 = arith.constant 0.000000e+00 : f32
      %broadcast_in_dim3A_2146 = vector.broadcast %jit3A_2144 : f32 to vector<16xf32>
      %broadcast_in_dim3A_2147 = vector.broadcast %jit3A_2145 : f32 to vector<16xf32>
      %select_n3A_2148 = arith.select %ge3A_2143, %broadcast_in_dim3A_2146, %broadcast_in_dim3A_2147 : vector<16xi1>, vector<16xf32>
      tpu.vector_store_idx %arg11[%broadcast_in_dim3A_18, %get3A_5], %select_n3A_2148 : memref<4x2048xf32, #tpu.memory_space<vmem>>[vector<16xi32>, vector<16xi32>], vector<16xf32>,
      %gather3A_2149 = tpu.vector_load_idx %arg11[%broadcast_in_dim3A_18, %get3A_7] : memref<4x2048xf32, #tpu.memory_space<vmem>>[vector<16xi32>, vector<16xi32>], vector<16xf32>,
      %ge3A_2150 = arith.constant 0.000000e+00 : f32
      %ge3A_2151 = vector.broadcast %ge3A_2150 : f32 to vector<16xf32>
      %ge3A_2152 = arith.cmpf oge, %gather3A_2149, %ge3A_2151 : vector<16xf32>
      %jit3A_2153 = arith.constant 1.000000e+00 : f32
      %jit3A_2154 = arith.constant 0.000000e+00 : f32
      %broadcast_in_dim3A_2155 = vector.broadcast %jit3A_2153 : f32 to vector<16xf32>
      %broadcast_in_dim3A_2156 = vector.broadcast %jit3A_2154 : f32 to vector<16xf32>
      %select_n3A_2157 = arith.select %ge3A_2152, %broadcast_in_dim3A_2155, %broadcast_in_dim3A_2156 : vector<16xi1>, vector<16xf32>
      tpu.vector_store_idx %arg11[%broadcast_in_dim3A_18, %get3A_7], %select_n3A_2157 : memref<4x2048xf32, #tpu.memory_space<vmem>>[vector<16xi32>, vector<16xi32>], vector<16xf32>,
      %gather3A_2158 = tpu.vector_load_idx %arg11[%broadcast_in_dim3A_18, %get3A_9] : memref<4x2048xf32, #tpu.memory_space<vmem>>[vector<16xi32>, vector<16xi32>], vector<16xf32>,
      %ge3A_2159 = arith.constant 0.000000e+00 : f32
      %ge3A_2160 = vector.broadcast %ge3A_2159 : f32 to vector<16xf32>
      %ge3A_2161 = arith.cmpf oge, %gather3A_2158, %ge3A_2160 : vector<16xf32>
      %jit3A_2162 = arith.constant 1.000000e+00 : f32
      %jit3A_2163 = arith.constant 0.000000e+00 : f32
      %broadcast_in_dim3A_2164 = vector.broadcast %jit3A_2162 : f32 to vector<16xf32>
      %broadcast_in_dim3A_2165 = vector.broadcast %jit3A_2163 : f32 to vector<16xf32>
      %select_n3A_2166 = arith.select %ge3A_2161, %broadcast_in_dim3A_2164, %broadcast_in_dim3A_2165 : vector<16xi1>, vector<16xf32>
      tpu.vector_store_idx %arg11[%broadcast_in_dim3A_18, %get3A_9], %select_n3A_2166 : memref<4x2048xf32, #tpu.memory_space<vmem>>[vector<16xi32>, vector<16xi32>], vector<16xf32>,
      %gather3A_2167 = tpu.vector_load_idx %arg11[%broadcast_in_dim3A_18, %get3A_11] : memref<4x2048xf32, #tpu.memory_space<vmem>>[vector<16xi32>, vector<16xi32>], vector<16xf32>,
      %ge3A_2168 = arith.constant 0.000000e+00 : f32
      %ge3A_2169 = vector.broadcast %ge3A_2168 : f32 to vector<16xf32>
      %ge3A_2170 = arith.cmpf oge, %gather3A_2167, %ge3A_2169 : vector<16xf32>
      %jit3A_2171 = arith.constant 1.000000e+00 : f32
      %jit3A_2172 = arith.constant 0.000000e+00 : f32
      %broadcast_in_dim3A_2173 = vector.broadcast %jit3A_2171 : f32 to vector<16xf32>
      %broadcast_in_dim3A_2174 = vector.broadcast %jit3A_2172 : f32 to vector<16xf32>
      %select_n3A_2175 = arith.select %ge3A_2170, %broadcast_in_dim3A_2173, %broadcast_in_dim3A_2174 : vector<16xi1>, vector<16xf32>
      tpu.vector_store_idx %arg11[%broadcast_in_dim3A_18, %get3A_11], %select_n3A_2175 : memref<4x2048xf32, #tpu.memory_space<vmem>>[vector<16xi32>, vector<16xi32>], vector<16xf32>,
      %gather3A_2176 = tpu.vector_load_idx %arg11[%broadcast_in_dim3A_18, %get3A_13] : memref<4x2048xf32, #tpu.memory_space<vmem>>[vector<16xi32>, vector<16xi32>], vector<16xf32>,
      %ge3A_2177 = arith.constant 0.000000e+00 : f32
      %ge3A_2178 = vector.broadcast %ge3A_2177 : f32 to vector<16xf32>
      %ge3A_2179 = arith.cmpf oge, %gather3A_2176, %ge3A_2178 : vector<16xf32>
      %jit3A_2180 = arith.constant 1.000000e+00 : f32
      %jit3A_2181 = arith.constant 0.000000e+00 : f32
      %broadcast_in_dim3A_2182 = vector.broadcast %jit3A_2180 : f32 to vector<16xf32>
      %broadcast_in_dim3A_2183 = vector.broadcast %jit3A_2181 : f32 to vector<16xf32>
      %select_n3A_2184 = arith.select %ge3A_2179, %broadcast_in_dim3A_2182, %broadcast_in_dim3A_2183 : vector<16xi1>, vector<16xf32>
      tpu.vector_store_idx %arg11[%broadcast_in_dim3A_18, %get3A_13], %select_n3A_2184 : memref<4x2048xf32, #tpu.memory_space<vmem>>[vector<16xi32>, vector<16xi32>], vector<16xf32>,
      %gather3A_2185 = tpu.vector_load_idx %arg11[%broadcast_in_dim3A_18, %get3A_15] : memref<4x2048xf32, #tpu.memory_space<vmem>>[vector<16xi32>, vector<16xi32>], vector<16xf32>,
      %ge3A_2186 = arith.constant 0.000000e+00 : f32
      %ge3A_2187 = vector.broadcast %ge3A_2186 : f32 to vector<16xf32>
      %ge3A_2188 = arith.cmpf oge, %gather3A_2185, %ge3A_2187 : vector<16xf32>
      %jit3A_2189 = arith.constant 1.000000e+00 : f32
      %jit3A_2190 = arith.constant 0.000000e+00 : f32
      %broadcast_in_dim3A_2191 = vector.broadcast %jit3A_2189 : f32 to vector<16xf32>
      %broadcast_in_dim3A_2192 = vector.broadcast %jit3A_2190 : f32 to vector<16xf32>
      %select_n3A_2193 = arith.select %ge3A_2188, %broadcast_in_dim3A_2191, %broadcast_in_dim3A_2192 : vector<16xi1>, vector<16xf32>
      tpu.vector_store_idx %arg11[%broadcast_in_dim3A_18, %get3A_15], %select_n3A_2193 : memref<4x2048xf32, #tpu.memory_space<vmem>>[vector<16xi32>, vector<16xi32>], vector<16xf32>,
      %gather3A_2194 = tpu.vector_load_idx %arg11[%broadcast_in_dim3A_18, %get3A_17] : memref<4x2048xf32, #tpu.memory_space<vmem>>[vector<16xi32>, vector<16xi32>], vector<16xf32>,
      %ge3A_2195 = arith.constant 0.000000e+00 : f32
      %ge3A_2196 = vector.broadcast %ge3A_2195 : f32 to vector<16xf32>
      %ge3A_2197 = arith.cmpf oge, %gather3A_2194, %ge3A_2196 : vector<16xf32>
      %jit3A_2198 = arith.constant 1.000000e+00 : f32
      %jit3A_2199 = arith.constant 0.000000e+00 : f32
      %broadcast_in_dim3A_2200 = vector.broadcast %jit3A_2198 : f32 to vector<16xf32>
      %broadcast_in_dim3A_2201 = vector.broadcast %jit3A_2199 : f32 to vector<16xf32>
      %select_n3A_2202 = arith.select %ge3A_2197, %broadcast_in_dim3A_2200, %broadcast_in_dim3A_2201 : vector<16xi1>, vector<16xf32>
      tpu.vector_store_idx %arg11[%broadcast_in_dim3A_18, %get3A_17], %select_n3A_2202 : memref<4x2048xf32, #tpu.memory_space<vmem>>[vector<16xi32>, vector<16xi32>], vector<16xf32>,
      %gather3A_2203 = tpu.vector_load_idx %arg11[%broadcast_in_dim3A_20, %get3A_3] : memref<4x2048xf32, #tpu.memory_space<vmem>>[vector<16xi32>, vector<16xi32>], vector<16xf32>,
      %ge3A_2204 = arith.constant 0.000000e+00 : f32
      %ge3A_2205 = vector.broadcast %ge3A_2204 : f32 to vector<16xf32>
      %ge3A_2206 = arith.cmpf oge, %gather3A_2203, %ge3A_2205 : vector<16xf32>
      %jit3A_2207 = arith.constant 1.000000e+00 : f32
      %jit3A_2208 = arith.constant 0.000000e+00 : f32
      %broadcast_in_dim3A_2209 = vector.broadcast %jit3A_2207 : f32 to vector<16xf32>
      %broadcast_in_dim3A_2210 = vector.broadcast %jit3A_2208 : f32 to vector<16xf32>
      %select_n3A_2211 = arith.select %ge3A_2206, %broadcast_in_dim3A_2209, %broadcast_in_dim3A_2210 : vector<16xi1>, vector<16xf32>
      tpu.vector_store_idx %arg11[%broadcast_in_dim3A_20, %get3A_3], %select_n3A_2211 : memref<4x2048xf32, #tpu.memory_space<vmem>>[vector<16xi32>, vector<16xi32>], vector<16xf32>,
      %gather3A_2212 = tpu.vector_load_idx %arg11[%broadcast_in_dim3A_20, %get3A_5] : memref<4x2048xf32, #tpu.memory_space<vmem>>[vector<16xi32>, vector<16xi32>], vector<16xf32>,
      %ge3A_2213 = arith.constant 0.000000e+00 : f32
      %ge3A_2214 = vector.broadcast %ge3A_2213 : f32 to vector<16xf32>
      %ge3A_2215 = arith.cmpf oge, %gather3A_2212, %ge3A_2214 : vector<16xf32>
      %jit3A_2216 = arith.constant 1.000000e+00 : f32
      %jit3A_2217 = arith.constant 0.000000e+00 : f32
      %broadcast_in_dim3A_2218 = vector.broadcast %jit3A_2216 : f32 to vector<16xf32>
      %broadcast_in_dim3A_2219 = vector.broadcast %jit3A_2217 : f32 to vector<16xf32>
      %select_n3A_2220 = arith.select %ge3A_2215, %broadcast_in_dim3A_2218, %broadcast_in_dim3A_2219 : vector<16xi1>, vector<16xf32>
      tpu.vector_store_idx %arg11[%broadcast_in_dim3A_20, %get3A_5], %select_n3A_2220 : memref<4x2048xf32, #tpu.memory_space<vmem>>[vector<16xi32>, vector<16xi32>], vector<16xf32>,
      %gather3A_2221 = tpu.vector_load_idx %arg11[%broadcast_in_dim3A_20, %get3A_7] : memref<4x2048xf32, #tpu.memory_space<vmem>>[vector<16xi32>, vector<16xi32>], vector<16xf32>,
      %ge3A_2222 = arith.constant 0.000000e+00 : f32
      %ge3A_2223 = vector.broadcast %ge3A_2222 : f32 to vector<16xf32>
      %ge3A_2224 = arith.cmpf oge, %gather3A_2221, %ge3A_2223 : vector<16xf32>
      %jit3A_2225 = arith.constant 1.000000e+00 : f32
      %jit3A_2226 = arith.constant 0.000000e+00 : f32
      %broadcast_in_dim3A_2227 = vector.broadcast %jit3A_2225 : f32 to vector<16xf32>
      %broadcast_in_dim3A_2228 = vector.broadcast %jit3A_2226 : f32 to vector<16xf32>
      %select_n3A_2229 = arith.select %ge3A_2224, %broadcast_in_dim3A_2227, %broadcast_in_dim3A_2228 : vector<16xi1>, vector<16xf32>
      tpu.vector_store_idx %arg11[%broadcast_in_dim3A_20, %get3A_7], %select_n3A_2229 : memref<4x2048xf32, #tpu.memory_space<vmem>>[vector<16xi32>, vector<16xi32>], vector<16xf32>,
      %gather3A_2230 = tpu.vector_load_idx %arg11[%broadcast_in_dim3A_20, %get3A_9] : memref<4x2048xf32, #tpu.memory_space<vmem>>[vector<16xi32>, vector<16xi32>], vector<16xf32>,
      %ge3A_2231 = arith.constant 0.000000e+00 : f32
      %ge3A_2232 = vector.broadcast %ge3A_2231 : f32 to vector<16xf32>
      %ge3A_2233 = arith.cmpf oge, %gather3A_2230, %ge3A_2232 : vector<16xf32>
      %jit3A_2234 = arith.constant 1.000000e+00 : f32
      %jit3A_2235 = arith.constant 0.000000e+00 : f32
      %broadcast_in_dim3A_2236 = vector.broadcast %jit3A_2234 : f32 to vector<16xf32>
      %broadcast_in_dim3A_2237 = vector.broadcast %jit3A_2235 : f32 to vector<16xf32>
      %select_n3A_2238 = arith.select %ge3A_2233, %broadcast_in_dim3A_2236, %broadcast_in_dim3A_2237 : vector<16xi1>, vector<16xf32>
      tpu.vector_store_idx %arg11[%broadcast_in_dim3A_20, %get3A_9], %select_n3A_2238 : memref<4x2048xf32, #tpu.memory_space<vmem>>[vector<16xi32>, vector<16xi32>], vector<16xf32>,
      %gather3A_2239 = tpu.vector_load_idx %arg11[%broadcast_in_dim3A_20, %get3A_11] : memref<4x2048xf32, #tpu.memory_space<vmem>>[vector<16xi32>, vector<16xi32>], vector<16xf32>,
      %ge3A_2240 = arith.constant 0.000000e+00 : f32
      %ge3A_2241 = vector.broadcast %ge3A_2240 : f32 to vector<16xf32>
      %ge3A_2242 = arith.cmpf oge, %gather3A_2239, %ge3A_2241 : vector<16xf32>
      %jit3A_2243 = arith.constant 1.000000e+00 : f32
      %jit3A_2244 = arith.constant 0.000000e+00 : f32
      %broadcast_in_dim3A_2245 = vector.broadcast %jit3A_2243 : f32 to vector<16xf32>
      %broadcast_in_dim3A_2246 = vector.broadcast %jit3A_2244 : f32 to vector<16xf32>
      %select_n3A_2247 = arith.select %ge3A_2242, %broadcast_in_dim3A_2245, %broadcast_in_dim3A_2246 : vector<16xi1>, vector<16xf32>
      tpu.vector_store_idx %arg11[%broadcast_in_dim3A_20, %get3A_11], %select_n3A_2247 : memref<4x2048xf32, #tpu.memory_space<vmem>>[vector<16xi32>, vector<16xi32>], vector<16xf32>,
      %gather3A_2248 = tpu.vector_load_idx %arg11[%broadcast_in_dim3A_20, %get3A_13] : memref<4x2048xf32, #tpu.memory_space<vmem>>[vector<16xi32>, vector<16xi32>], vector<16xf32>,
      %ge3A_2249 = arith.constant 0.000000e+00 : f32
      %ge3A_2250 = vector.broadcast %ge3A_2249 : f32 to vector<16xf32>
      %ge3A_2251 = arith.cmpf oge, %gather3A_2248, %ge3A_2250 : vector<16xf32>
      %jit3A_2252 = arith.constant 1.000000e+00 : f32
      %jit3A_2253 = arith.constant 0.000000e+00 : f32
      %broadcast_in_dim3A_2254 = vector.broadcast %jit3A_2252 : f32 to vector<16xf32>
      %broadcast_in_dim3A_2255 = vector.broadcast %jit3A_2253 : f32 to vector<16xf32>
      %select_n3A_2256 = arith.select %ge3A_2251, %broadcast_in_dim3A_2254, %broadcast_in_dim3A_2255 : vector<16xi1>, vector<16xf32>
      tpu.vector_store_idx %arg11[%broadcast_in_dim3A_20, %get3A_13], %select_n3A_2256 : memref<4x2048xf32, #tpu.memory_space<vmem>>[vector<16xi32>, vector<16xi32>], vector<16xf32>,
      %gather3A_2257 = tpu.vector_load_idx %arg11[%broadcast_in_dim3A_20, %get3A_15] : memref<4x2048xf32, #tpu.memory_space<vmem>>[vector<16xi32>, vector<16xi32>], vector<16xf32>,
      %ge3A_2258 = arith.constant 0.000000e+00 : f32
      %ge3A_2259 = vector.broadcast %ge3A_2258 : f32 to vector<16xf32>
      %ge3A_2260 = arith.cmpf oge, %gather3A_2257, %ge3A_2259 : vector<16xf32>
      %jit3A_2261 = arith.constant 1.000000e+00 : f32
      %jit3A_2262 = arith.constant 0.000000e+00 : f32
      %broadcast_in_dim3A_2263 = vector.broadcast %jit3A_2261 : f32 to vector<16xf32>
      %broadcast_in_dim3A_2264 = vector.broadcast %jit3A_2262 : f32 to vector<16xf32>
      %select_n3A_2265 = arith.select %ge3A_2260, %broadcast_in_dim3A_2263, %broadcast_in_dim3A_2264 : vector<16xi1>, vector<16xf32>
      tpu.vector_store_idx %arg11[%broadcast_in_dim3A_20, %get3A_15], %select_n3A_2265 : memref<4x2048xf32, #tpu.memory_space<vmem>>[vector<16xi32>, vector<16xi32>], vector<16xf32>,
      %gather3A_2266 = tpu.vector_load_idx %arg11[%broadcast_in_dim3A_20, %get3A_17] : memref<4x2048xf32, #tpu.memory_space<vmem>>[vector<16xi32>, vector<16xi32>], vector<16xf32>,
      %ge3A_2267 = arith.constant 0.000000e+00 : f32
      %ge3A_2268 = vector.broadcast %ge3A_2267 : f32 to vector<16xf32>
      %ge3A_2269 = arith.cmpf oge, %gather3A_2266, %ge3A_2268 : vector<16xf32>
      %jit3A_2270 = arith.constant 1.000000e+00 : f32
      %jit3A_2271 = arith.constant 0.000000e+00 : f32
      %broadcast_in_dim3A_2272 = vector.broadcast %jit3A_2270 : f32 to vector<16xf32>
      %broadcast_in_dim3A_2273 = vector.broadcast %jit3A_2271 : f32 to vector<16xf32>
      %select_n3A_2274 = arith.select %ge3A_2269, %broadcast_in_dim3A_2272, %broadcast_in_dim3A_2273 : vector<16xi1>, vector<16xf32>
      tpu.vector_store_idx %arg11[%broadcast_in_dim3A_20, %get3A_17], %select_n3A_2274 : memref<4x2048xf32, #tpu.memory_space<vmem>>[vector<16xi32>, vector<16xi32>], vector<16xf32>,
      %gather3A_2275 = tpu.vector_load_idx %arg11[%broadcast_in_dim3A_22, %get3A_3] : memref<4x2048xf32, #tpu.memory_space<vmem>>[vector<16xi32>, vector<16xi32>], vector<16xf32>,
      %ge3A_2276 = arith.constant 0.000000e+00 : f32
      %ge3A_2277 = vector.broadcast %ge3A_2276 : f32 to vector<16xf32>
      %ge3A_2278 = arith.cmpf oge, %gather3A_2275, %ge3A_2277 : vector<16xf32>
      %jit3A_2279 = arith.constant 1.000000e+00 : f32
      %jit3A_2280 = arith.constant 0.000000e+00 : f32
      %broadcast_in_dim3A_2281 = vector.broadcast %jit3A_2279 : f32 to vector<16xf32>
      %broadcast_in_dim3A_2282 = vector.broadcast %jit3A_2280 : f32 to vector<16xf32>
      %select_n3A_2283 = arith.select %ge3A_2278, %broadcast_in_dim3A_2281, %broadcast_in_dim3A_2282 : vector<16xi1>, vector<16xf32>
      tpu.vector_store_idx %arg11[%broadcast_in_dim3A_22, %get3A_3], %select_n3A_2283 : memref<4x2048xf32, #tpu.memory_space<vmem>>[vector<16xi32>, vector<16xi32>], vector<16xf32>,
      %gather3A_2284 = tpu.vector_load_idx %arg11[%broadcast_in_dim3A_22, %get3A_5] : memref<4x2048xf32, #tpu.memory_space<vmem>>[vector<16xi32>, vector<16xi32>], vector<16xf32>,
      %ge3A_2285 = arith.constant 0.000000e+00 : f32
      %ge3A_2286 = vector.broadcast %ge3A_2285 : f32 to vector<16xf32>
      %ge3A_2287 = arith.cmpf oge, %gather3A_2284, %ge3A_2286 : vector<16xf32>
      %jit3A_2288 = arith.constant 1.000000e+00 : f32
      %jit3A_2289 = arith.constant 0.000000e+00 : f32
      %broadcast_in_dim3A_2290 = vector.broadcast %jit3A_2288 : f32 to vector<16xf32>
      %broadcast_in_dim3A_2291 = vector.broadcast %jit3A_2289 : f32 to vector<16xf32>
      %select_n3A_2292 = arith.select %ge3A_2287, %broadcast_in_dim3A_2290, %broadcast_in_dim3A_2291 : vector<16xi1>, vector<16xf32>
      tpu.vector_store_idx %arg11[%broadcast_in_dim3A_22, %get3A_5], %select_n3A_2292 : memref<4x2048xf32, #tpu.memory_space<vmem>>[vector<16xi32>, vector<16xi32>], vector<16xf32>,
      %gather3A_2293 = tpu.vector_load_idx %arg11[%broadcast_in_dim3A_22, %get3A_7] : memref<4x2048xf32, #tpu.memory_space<vmem>>[vector<16xi32>, vector<16xi32>], vector<16xf32>,
      %ge3A_2294 = arith.constant 0.000000e+00 : f32
      %ge3A_2295 = vector.broadcast %ge3A_2294 : f32 to vector<16xf32>
      %ge3A_2296 = arith.cmpf oge, %gather3A_2293, %ge3A_2295 : vector<16xf32>
      %jit3A_2297 = arith.constant 1.000000e+00 : f32
      %jit3A_2298 = arith.constant 0.000000e+00 : f32
      %broadcast_in_dim3A_2299 = vector.broadcast %jit3A_2297 : f32 to vector<16xf32>
      %broadcast_in_dim3A_2300 = vector.broadcast %jit3A_2298 : f32 to vector<16xf32>
      %select_n3A_2301 = arith.select %ge3A_2296, %broadcast_in_dim3A_2299, %broadcast_in_dim3A_2300 : vector<16xi1>, vector<16xf32>
      tpu.vector_store_idx %arg11[%broadcast_in_dim3A_22, %get3A_7], %select_n3A_2301 : memref<4x2048xf32, #tpu.memory_space<vmem>>[vector<16xi32>, vector<16xi32>], vector<16xf32>,
      %gather3A_2302 = tpu.vector_load_idx %arg11[%broadcast_in_dim3A_22, %get3A_9] : memref<4x2048xf32, #tpu.memory_space<vmem>>[vector<16xi32>, vector<16xi32>], vector<16xf32>,
      %ge3A_2303 = arith.constant 0.000000e+00 : f32
      %ge3A_2304 = vector.broadcast %ge3A_2303 : f32 to vector<16xf32>
      %ge3A_2305 = arith.cmpf oge, %gather3A_2302, %ge3A_2304 : vector<16xf32>
      %jit3A_2306 = arith.constant 1.000000e+00 : f32
      %jit3A_2307 = arith.constant 0.000000e+00 : f32
      %broadcast_in_dim3A_2308 = vector.broadcast %jit3A_2306 : f32 to vector<16xf32>
      %broadcast_in_dim3A_2309 = vector.broadcast %jit3A_2307 : f32 to vector<16xf32>
      %select_n3A_2310 = arith.select %ge3A_2305, %broadcast_in_dim3A_2308, %broadcast_in_dim3A_2309 : vector<16xi1>, vector<16xf32>
      tpu.vector_store_idx %arg11[%broadcast_in_dim3A_22, %get3A_9], %select_n3A_2310 : memref<4x2048xf32, #tpu.memory_space<vmem>>[vector<16xi32>, vector<16xi32>], vector<16xf32>,
      %gather3A_2311 = tpu.vector_load_idx %arg11[%broadcast_in_dim3A_22, %get3A_11] : memref<4x2048xf32, #tpu.memory_space<vmem>>[vector<16xi32>, vector<16xi32>], vector<16xf32>,
      %ge3A_2312 = arith.constant 0.000000e+00 : f32
      %ge3A_2313 = vector.broadcast %ge3A_2312 : f32 to vector<16xf32>
      %ge3A_2314 = arith.cmpf oge, %gather3A_2311, %ge3A_2313 : vector<16xf32>
      %jit3A_2315 = arith.constant 1.000000e+00 : f32
      %jit3A_2316 = arith.constant 0.000000e+00 : f32
      %broadcast_in_dim3A_2317 = vector.broadcast %jit3A_2315 : f32 to vector<16xf32>
      %broadcast_in_dim3A_2318 = vector.broadcast %jit3A_2316 : f32 to vector<16xf32>
      %select_n3A_2319 = arith.select %ge3A_2314, %broadcast_in_dim3A_2317, %broadcast_in_dim3A_2318 : vector<16xi1>, vector<16xf32>
      tpu.vector_store_idx %arg11[%broadcast_in_dim3A_22, %get3A_11], %select_n3A_2319 : memref<4x2048xf32, #tpu.memory_space<vmem>>[vector<16xi32>, vector<16xi32>], vector<16xf32>,
      %gather3A_2320 = tpu.vector_load_idx %arg11[%broadcast_in_dim3A_22, %get3A_13] : memref<4x2048xf32, #tpu.memory_space<vmem>>[vector<16xi32>, vector<16xi32>], vector<16xf32>,
      %ge3A_2321 = arith.constant 0.000000e+00 : f32
      %ge3A_2322 = vector.broadcast %ge3A_2321 : f32 to vector<16xf32>
      %ge3A_2323 = arith.cmpf oge, %gather3A_2320, %ge3A_2322 : vector<16xf32>
      %jit3A_2324 = arith.constant 1.000000e+00 : f32
      %jit3A_2325 = arith.constant 0.000000e+00 : f32
      %broadcast_in_dim3A_2326 = vector.broadcast %jit3A_2324 : f32 to vector<16xf32>
      %broadcast_in_dim3A_2327 = vector.broadcast %jit3A_2325 : f32 to vector<16xf32>
      %select_n3A_2328 = arith.select %ge3A_2323, %broadcast_in_dim3A_2326, %broadcast_in_dim3A_2327 : vector<16xi1>, vector<16xf32>
      tpu.vector_store_idx %arg11[%broadcast_in_dim3A_22, %get3A_13], %select_n3A_2328 : memref<4x2048xf32, #tpu.memory_space<vmem>>[vector<16xi32>, vector<16xi32>], vector<16xf32>,
      %gather3A_2329 = tpu.vector_load_idx %arg11[%broadcast_in_dim3A_22, %get3A_15] : memref<4x2048xf32, #tpu.memory_space<vmem>>[vector<16xi32>, vector<16xi32>], vector<16xf32>,
      %ge3A_2330 = arith.constant 0.000000e+00 : f32
      %ge3A_2331 = vector.broadcast %ge3A_2330 : f32 to vector<16xf32>
      %ge3A_2332 = arith.cmpf oge, %gather3A_2329, %ge3A_2331 : vector<16xf32>
      %jit3A_2333 = arith.constant 1.000000e+00 : f32
      %jit3A_2334 = arith.constant 0.000000e+00 : f32
      %broadcast_in_dim3A_2335 = vector.broadcast %jit3A_2333 : f32 to vector<16xf32>
      %broadcast_in_dim3A_2336 = vector.broadcast %jit3A_2334 : f32 to vector<16xf32>
      %select_n3A_2337 = arith.select %ge3A_2332, %broadcast_in_dim3A_2335, %broadcast_in_dim3A_2336 : vector<16xi1>, vector<16xf32>
      tpu.vector_store_idx %arg11[%broadcast_in_dim3A_22, %get3A_15], %select_n3A_2337 : memref<4x2048xf32, #tpu.memory_space<vmem>>[vector<16xi32>, vector<16xi32>], vector<16xf32>,
      %gather3A_2338 = tpu.vector_load_idx %arg11[%broadcast_in_dim3A_22, %get3A_17] : memref<4x2048xf32, #tpu.memory_space<vmem>>[vector<16xi32>, vector<16xi32>], vector<16xf32>,
      %ge3A_2339 = arith.constant 0.000000e+00 : f32
      %ge3A_2340 = vector.broadcast %ge3A_2339 : f32 to vector<16xf32>
      %ge3A_2341 = arith.cmpf oge, %gather3A_2338, %ge3A_2340 : vector<16xf32>
      %jit3A_2342 = arith.constant 1.000000e+00 : f32
      %jit3A_2343 = arith.constant 0.000000e+00 : f32
      %broadcast_in_dim3A_2344 = vector.broadcast %jit3A_2342 : f32 to vector<16xf32>
      %broadcast_in_dim3A_2345 = vector.broadcast %jit3A_2343 : f32 to vector<16xf32>
      %select_n3A_2346 = arith.select %ge3A_2341, %broadcast_in_dim3A_2344, %broadcast_in_dim3A_2345 : vector<16xi1>, vector<16xf32>
      tpu.vector_store_idx %arg11[%broadcast_in_dim3A_22, %get3A_17], %select_n3A_2346 : memref<4x2048xf32, #tpu.memory_space<vmem>>[vector<16xi32>, vector<16xi32>], vector<16xf32>,
      %gather3A_2347 = tpu.vector_load_idx %arg11[%broadcast_in_dim3A_24, %get3A_3] : memref<4x2048xf32, #tpu.memory_space<vmem>>[vector<16xi32>, vector<16xi32>], vector<16xf32>,
      %ge3A_2348 = arith.constant 0.000000e+00 : f32
      %ge3A_2349 = vector.broadcast %ge3A_2348 : f32 to vector<16xf32>
      %ge3A_2350 = arith.cmpf oge, %gather3A_2347, %ge3A_2349 : vector<16xf32>
      %jit3A_2351 = arith.constant 1.000000e+00 : f32
      %jit3A_2352 = arith.constant 0.000000e+00 : f32
      %broadcast_in_dim3A_2353 = vector.broadcast %jit3A_2351 : f32 to vector<16xf32>
      %broadcast_in_dim3A_2354 = vector.broadcast %jit3A_2352 : f32 to vector<16xf32>
      %select_n3A_2355 = arith.select %ge3A_2350, %broadcast_in_dim3A_2353, %broadcast_in_dim3A_2354 : vector<16xi1>, vector<16xf32>
      tpu.vector_store_idx %arg11[%broadcast_in_dim3A_24, %get3A_3], %select_n3A_2355 : memref<4x2048xf32, #tpu.memory_space<vmem>>[vector<16xi32>, vector<16xi32>], vector<16xf32>,
      %gather3A_2356 = tpu.vector_load_idx %arg11[%broadcast_in_dim3A_24, %get3A_5] : memref<4x2048xf32, #tpu.memory_space<vmem>>[vector<16xi32>, vector<16xi32>], vector<16xf32>,
      %ge3A_2357 = arith.constant 0.000000e+00 : f32
      %ge3A_2358 = vector.broadcast %ge3A_2357 : f32 to vector<16xf32>
      %ge3A_2359 = arith.cmpf oge, %gather3A_2356, %ge3A_2358 : vector<16xf32>
      %jit3A_2360 = arith.constant 1.000000e+00 : f32
      %jit3A_2361 = arith.constant 0.000000e+00 : f32
      %broadcast_in_dim3A_2362 = vector.broadcast %jit3A_2360 : f32 to vector<16xf32>
      %broadcast_in_dim3A_2363 = vector.broadcast %jit3A_2361 : f32 to vector<16xf32>
      %select_n3A_2364 = arith.select %ge3A_2359, %broadcast_in_dim3A_2362, %broadcast_in_dim3A_2363 : vector<16xi1>, vector<16xf32>
      tpu.vector_store_idx %arg11[%broadcast_in_dim3A_24, %get3A_5], %select_n3A_2364 : memref<4x2048xf32, #tpu.memory_space<vmem>>[vector<16xi32>, vector<16xi32>], vector<16xf32>,
      %gather3A_2365 = tpu.vector_load_idx %arg11[%broadcast_in_dim3A_24, %get3A_7] : memref<4x2048xf32, #tpu.memory_space<vmem>>[vector<16xi32>, vector<16xi32>], vector<16xf32>,
      %ge3A_2366 = arith.constant 0.000000e+00 : f32
      %ge3A_2367 = vector.broadcast %ge3A_2366 : f32 to vector<16xf32>
      %ge3A_2368 = arith.cmpf oge, %gather3A_2365, %ge3A_2367 : vector<16xf32>
      %jit3A_2369 = arith.constant 1.000000e+00 : f32
      %jit3A_2370 = arith.constant 0.000000e+00 : f32
      %broadcast_in_dim3A_2371 = vector.broadcast %jit3A_2369 : f32 to vector<16xf32>
      %broadcast_in_dim3A_2372 = vector.broadcast %jit3A_2370 : f32 to vector<16xf32>
      %select_n3A_2373 = arith.select %ge3A_2368, %broadcast_in_dim3A_2371, %broadcast_in_dim3A_2372 : vector<16xi1>, vector<16xf32>
      tpu.vector_store_idx %arg11[%broadcast_in_dim3A_24, %get3A_7], %select_n3A_2373 : memref<4x2048xf32, #tpu.memory_space<vmem>>[vector<16xi32>, vector<16xi32>], vector<16xf32>,
      %gather3A_2374 = tpu.vector_load_idx %arg11[%broadcast_in_dim3A_24, %get3A_9] : memref<4x2048xf32, #tpu.memory_space<vmem>>[vector<16xi32>, vector<16xi32>], vector<16xf32>,
      %ge3A_2375 = arith.constant 0.000000e+00 : f32
      %ge3A_2376 = vector.broadcast %ge3A_2375 : f32 to vector<16xf32>
      %ge3A_2377 = arith.cmpf oge, %gather3A_2374, %ge3A_2376 : vector<16xf32>
      %jit3A_2378 = arith.constant 1.000000e+00 : f32
      %jit3A_2379 = arith.constant 0.000000e+00 : f32
      %broadcast_in_dim3A_2380 = vector.broadcast %jit3A_2378 : f32 to vector<16xf32>
      %broadcast_in_dim3A_2381 = vector.broadcast %jit3A_2379 : f32 to vector<16xf32>
      %select_n3A_2382 = arith.select %ge3A_2377, %broadcast_in_dim3A_2380, %broadcast_in_dim3A_2381 : vector<16xi1>, vector<16xf32>
      tpu.vector_store_idx %arg11[%broadcast_in_dim3A_24, %get3A_9], %select_n3A_2382 : memref<4x2048xf32, #tpu.memory_space<vmem>>[vector<16xi32>, vector<16xi32>], vector<16xf32>,
      %gather3A_2383 = tpu.vector_load_idx %arg11[%broadcast_in_dim3A_24, %get3A_11] : memref<4x2048xf32, #tpu.memory_space<vmem>>[vector<16xi32>, vector<16xi32>], vector<16xf32>,
      %ge3A_2384 = arith.constant 0.000000e+00 : f32
      %ge3A_2385 = vector.broadcast %ge3A_2384 : f32 to vector<16xf32>
      %ge3A_2386 = arith.cmpf oge, %gather3A_2383, %ge3A_2385 : vector<16xf32>
      %jit3A_2387 = arith.constant 1.000000e+00 : f32
      %jit3A_2388 = arith.constant 0.000000e+00 : f32
      %broadcast_in_dim3A_2389 = vector.broadcast %jit3A_2387 : f32 to vector<16xf32>
      %broadcast_in_dim3A_2390 = vector.broadcast %jit3A_2388 : f32 to vector<16xf32>
      %select_n3A_2391 = arith.select %ge3A_2386, %broadcast_in_dim3A_2389, %broadcast_in_dim3A_2390 : vector<16xi1>, vector<16xf32>
      tpu.vector_store_idx %arg11[%broadcast_in_dim3A_24, %get3A_11], %select_n3A_2391 : memref<4x2048xf32, #tpu.memory_space<vmem>>[vector<16xi32>, vector<16xi32>], vector<16xf32>,
      %gather3A_2392 = tpu.vector_load_idx %arg11[%broadcast_in_dim3A_24, %get3A_13] : memref<4x2048xf32, #tpu.memory_space<vmem>>[vector<16xi32>, vector<16xi32>], vector<16xf32>,
      %ge3A_2393 = arith.constant 0.000000e+00 : f32
      %ge3A_2394 = vector.broadcast %ge3A_2393 : f32 to vector<16xf32>
      %ge3A_2395 = arith.cmpf oge, %gather3A_2392, %ge3A_2394 : vector<16xf32>
      %jit3A_2396 = arith.constant 1.000000e+00 : f32
      %jit3A_2397 = arith.constant 0.000000e+00 : f32
      %broadcast_in_dim3A_2398 = vector.broadcast %jit3A_2396 : f32 to vector<16xf32>
      %broadcast_in_dim3A_2399 = vector.broadcast %jit3A_2397 : f32 to vector<16xf32>
      %select_n3A_2400 = arith.select %ge3A_2395, %broadcast_in_dim3A_2398, %broadcast_in_dim3A_2399 : vector<16xi1>, vector<16xf32>
      tpu.vector_store_idx %arg11[%broadcast_in_dim3A_24, %get3A_13], %select_n3A_2400 : memref<4x2048xf32, #tpu.memory_space<vmem>>[vector<16xi32>, vector<16xi32>], vector<16xf32>,
      %gather3A_2401 = tpu.vector_load_idx %arg11[%broadcast_in_dim3A_24, %get3A_15] : memref<4x2048xf32, #tpu.memory_space<vmem>>[vector<16xi32>, vector<16xi32>], vector<16xf32>,
      %ge3A_2402 = arith.constant 0.000000e+00 : f32
      %ge3A_2403 = vector.broadcast %ge3A_2402 : f32 to vector<16xf32>
      %ge3A_2404 = arith.cmpf oge, %gather3A_2401, %ge3A_2403 : vector<16xf32>
      %jit3A_2405 = arith.constant 1.000000e+00 : f32
      %jit3A_2406 = arith.constant 0.000000e+00 : f32
      %broadcast_in_dim3A_2407 = vector.broadcast %jit3A_2405 : f32 to vector<16xf32>
      %broadcast_in_dim3A_2408 = vector.broadcast %jit3A_2406 : f32 to vector<16xf32>
      %select_n3A_2409 = arith.select %ge3A_2404, %broadcast_in_dim3A_2407, %broadcast_in_dim3A_2408 : vector<16xi1>, vector<16xf32>
      tpu.vector_store_idx %arg11[%broadcast_in_dim3A_24, %get3A_15], %select_n3A_2409 : memref<4x2048xf32, #tpu.memory_space<vmem>>[vector<16xi32>, vector<16xi32>], vector<16xf32>,
      %gather3A_2410 = tpu.vector_load_idx %arg11[%broadcast_in_dim3A_24, %get3A_17] : memref<4x2048xf32, #tpu.memory_space<vmem>>[vector<16xi32>, vector<16xi32>], vector<16xf32>,
      %ge3A_2411 = arith.constant 0.000000e+00 : f32
      %ge3A_2412 = vector.broadcast %ge3A_2411 : f32 to vector<16xf32>
      %ge3A_2413 = arith.cmpf oge, %gather3A_2410, %ge3A_2412 : vector<16xf32>
      %jit3A_2414 = arith.constant 1.000000e+00 : f32
      %jit3A_2415 = arith.constant 0.000000e+00 : f32
      %broadcast_in_dim3A_2416 = vector.broadcast %jit3A_2414 : f32 to vector<16xf32>
      %broadcast_in_dim3A_2417 = vector.broadcast %jit3A_2415 : f32 to vector<16xf32>
      %select_n3A_2418 = arith.select %ge3A_2413, %broadcast_in_dim3A_2416, %broadcast_in_dim3A_2417 : vector<16xi1>, vector<16xf32>
      tpu.vector_store_idx %arg11[%broadcast_in_dim3A_24, %get3A_17], %select_n3A_2418 : memref<4x2048xf32, #tpu.memory_space<vmem>>[vector<16xi32>, vector<16xi32>], vector<16xf32>,
      %mul3A_2419 = arith.constant 4 : i32
      %mul3A_2420 = arith.muli %add3A_2120, %mul3A_2419 : i32
      %add3A_2421 = arith.addi %mul3A_2, %mul3A_2420 : i32
      %dma_start3A_2422 = arith.constant 6 : i32
      %dma_start3A_2423 = arith.constant 0 : i32
      %dma_start3A_2424 = tpu.memref_slice %arg4[%add3A_2421, %dma_start3A_2423] : memref<16384x2048xf32, #tpu.memory_space<hbm>> -> memref<4x2048xf32, #tpu.memory_space<hbm>>
      %dma_start3A_2425 = tpu.memref_slice %arg15[%dma_start3A_2422] : memref<8x!tpu.dma_semaphore, #tpu.memory_space<semaphore_mem>> -> memref<1x!tpu.dma_semaphore, #tpu.memory_space<semaphore_mem>>
      %dma_start3A_2426 = tpu.memref_squeeze %dma_start3A_2425 : memref<1x!tpu.dma_semaphore, #tpu.memory_space<semaphore_mem>> -> memref<!tpu.dma_semaphore, #tpu.memory_space<semaphore_mem>>
      %dma_start3A_2427 = arith.constant 0 : i32
      %dma_start3A_2428 = tpu.memref_slice %arg4[%add3A_2421, %dma_start3A_2427] : memref<16384x2048xf32, #tpu.memory_space<hbm>> -> memref<4x2048xf32, #tpu.memory_space<hbm>>
      tpu.enqueue_dma source(%arg11 : memref<4x2048xf32, #tpu.memory_space<vmem>>) target(%dma_start3A_2428 : memref<4x2048xf32, #tpu.memory_space<hbm>>) target_semaphore(%dma_start3A_2426 : memref<!tpu.dma_semaphore, #tpu.memory_space<semaphore_mem>>)
      %add3A_2429 = arith.constant 8 : i32
      %add3A_2430 = arith.addi %add3A_2120, %add3A_2429 : i32
      %sub3A_2431 = arith.constant 1 : i32
      %sub3A_2432 = arith.subi %add3A_2430, %sub3A_2431 : i32
      %ge3A_2433 = arith.constant 1 : i32
      %ge3A_2434 = arith.cmpi sge, %add3A_2120, %ge3A_2433 : i32
      %lt3A_2435 = arith.constant 128 : i32
      %lt3A_2436 = arith.cmpi slt, %sub3A_2432, %lt3A_2435 : i32
      %and3A_2437 = arith.andi %ge3A_2434, %lt3A_2436 : i1
      %convert_element_type3A_2438 = arith.extui %and3A_2437 : i1 to i32
      %cond3A_2439 = arith.constant 0 : i32
      %cond3A_2440 = arith.cmpi ne, %convert_element_type3A_2438, %cond3A_2439 : i32
      scf.if %cond3A_2440 {
        %sub3A_2773 = arith.constant 1 : i32
        %sub3A_2774 = arith.subi %add3A_2120, %sub3A_2773 : i32
        %mul3A_2775 = arith.constant 4 : i32
        %mul3A_2776 = arith.muli %sub3A_2774, %mul3A_2775 : i32
        %add3A_2777 = arith.addi %mul3A_2, %mul3A_2776 : i32
        %dma_wait3A_2778 = arith.constant 5 : i32
        %dma_wait3A_2779 = arith.constant 0 : i32
        %dma_wait3A_2780 = tpu.memref_slice %arg4[%add3A_2777, %dma_wait3A_2779] : memref<16384x2048xf32, #tpu.memory_space<hbm>> -> memref<4x2048xf32, #tpu.memory_space<hbm>>
        %dma_wait3A_2781 = tpu.memref_slice %arg15[%dma_wait3A_2778] : memref<8x!tpu.dma_semaphore, #tpu.memory_space<semaphore_mem>> -> memref<1x!tpu.dma_semaphore, #tpu.memory_space<semaphore_mem>>
        %dma_wait3A_2782 = tpu.memref_squeeze %dma_wait3A_2781 : memref<1x!tpu.dma_semaphore, #tpu.memory_space<semaphore_mem>> -> memref<!tpu.dma_semaphore, #tpu.memory_space<semaphore_mem>>
        %dma_wait3A_2783 = arith.constant 0 : i32
        %dma_wait3A_2784 = tpu.memref_slice %arg4[%add3A_2777, %dma_wait3A_2783] : memref<16384x2048xf32, #tpu.memory_space<hbm>> -> memref<4x2048xf32, #tpu.memory_space<hbm>>
        tpu.wait_dma2 semaphore(%dma_wait3A_2782 : memref<!tpu.dma_semaphore, #tpu.memory_space<semaphore_mem>>) src(%arg10 : memref<4x2048xf32, #tpu.memory_space<vmem>>) dst(%dma_wait3A_2784 : memref<4x2048xf32, #tpu.memory_space<hbm>>)
      } else {
      }
      %lt3A_2441 = arith.constant 128 : i32
      %lt3A_2442 = arith.cmpi slt, %sub3A_2432, %lt3A_2441 : i32
      %convert_element_type3A_2443 = arith.extui %lt3A_2442 : i1 to i32
      %cond3A_2444 = arith.constant 0 : i32
      %cond3A_2445 = arith.cmpi ne, %convert_element_type3A_2443, %cond3A_2444 : i32
      scf.if %cond3A_2445 {
        %mul3A_2773 = arith.constant 4 : i32
        %mul3A_2774 = arith.muli %sub3A_2432, %mul3A_2773 : i32
        %add3A_2775 = arith.addi %mul3A_2, %mul3A_2774 : i32
        %dma_start3A_2776 = arith.constant 5 : i32
        %dma_start3A_2777 = arith.constant 0 : i32
        %dma_start3A_2778 = tpu.memref_slice %arg2[%add3A_2775, %dma_start3A_2777] : memref<16384x2048xf32, #tpu.memory_space<hbm>> -> memref<4x2048xf32, #tpu.memory_space<hbm>>
        %dma_start3A_2779 = tpu.memref_slice %arg14[%dma_start3A_2776] : memref<8x!tpu.dma_semaphore, #tpu.memory_space<semaphore_mem>> -> memref<1x!tpu.dma_semaphore, #tpu.memory_space<semaphore_mem>>
        %dma_start3A_2780 = tpu.memref_squeeze %dma_start3A_2779 : memref<1x!tpu.dma_semaphore, #tpu.memory_space<semaphore_mem>> -> memref<!tpu.dma_semaphore, #tpu.memory_space<semaphore_mem>>
        %dma_start3A_2781 = arith.constant 0 : i32
        %dma_start3A_2782 = tpu.memref_slice %arg2[%add3A_2775, %dma_start3A_2781] : memref<16384x2048xf32, #tpu.memory_space<hbm>> -> memref<4x2048xf32, #tpu.memory_space<hbm>>
        tpu.enqueue_dma source(%dma_start3A_2782 : memref<4x2048xf32, #tpu.memory_space<hbm>>) target(%arg10 : memref<4x2048xf32, #tpu.memory_space<vmem>>) target_semaphore(%dma_start3A_2780 : memref<!tpu.dma_semaphore, #tpu.memory_space<semaphore_mem>>)
      } else {
      }
      %add3A_2446 = arith.constant 7 : i32
      %add3A_2447 = arith.addi %mul3A_165, %add3A_2446 : i32
      %mul3A_2448 = arith.constant 4 : i32
      %mul3A_2449 = arith.muli %add3A_2447, %mul3A_2448 : i32
      %add3A_2450 = arith.addi %mul3A_2, %mul3A_2449 : i32
      %dma_wait3A_2451 = arith.constant 7 : i32
      %dma_wait3A_2452 = arith.constant 0 : i32
      %dma_wait3A_2453 = tpu.memref_slice %arg2[%add3A_2450, %dma_wait3A_2452] : memref<16384x2048xf32, #tpu.memory_space<hbm>> -> memref<4x2048xf32, #tpu.memory_space<hbm>>
      %dma_wait3A_2454 = tpu.memref_slice %arg14[%dma_wait3A_2451] : memref<8x!tpu.dma_semaphore, #tpu.memory_space<semaphore_mem>> -> memref<1x!tpu.dma_semaphore, #tpu.memory_space<semaphore_mem>>
      %dma_wait3A_2455 = tpu.memref_squeeze %dma_wait3A_2454 : memref<1x!tpu.dma_semaphore, #tpu.memory_space<semaphore_mem>> -> memref<!tpu.dma_semaphore, #tpu.memory_space<semaphore_mem>>
      %dma_wait3A_2456 = arith.constant 0 : i32
      %dma_wait3A_2457 = tpu.memref_slice %arg2[%add3A_2450, %dma_wait3A_2456] : memref<16384x2048xf32, #tpu.memory_space<hbm>> -> memref<4x2048xf32, #tpu.memory_space<hbm>>
      tpu.wait_dma2 semaphore(%dma_wait3A_2455 : memref<!tpu.dma_semaphore, #tpu.memory_space<semaphore_mem>>) src(%dma_wait3A_2457 : memref<4x2048xf32, #tpu.memory_space<hbm>>) dst(%arg12 : memref<4x2048xf32, #tpu.memory_space<vmem>>)
      %gather3A_2458 = tpu.vector_load_idx %arg12[%broadcast_in_dim3A_18, %get3A_3] : memref<4x2048xf32, #tpu.memory_space<vmem>>[vector<16xi32>, vector<16xi32>], vector<16xf32>,
      %ge3A_2459 = arith.constant 0.000000e+00 : f32
      %ge3A_2460 = vector.broadcast %ge3A_2459 : f32 to vector<16xf32>
      %ge3A_2461 = arith.cmpf oge, %gather3A_2458, %ge3A_2460 : vector<16xf32>
      %jit3A_2462 = arith.constant 1.000000e+00 : f32
      %jit3A_2463 = arith.constant 0.000000e+00 : f32
      %broadcast_in_dim3A_2464 = vector.broadcast %jit3A_2462 : f32 to vector<16xf32>
      %broadcast_in_dim3A_2465 = vector.broadcast %jit3A_2463 : f32 to vector<16xf32>
      %select_n3A_2466 = arith.select %ge3A_2461, %broadcast_in_dim3A_2464, %broadcast_in_dim3A_2465 : vector<16xi1>, vector<16xf32>
      tpu.vector_store_idx %arg12[%broadcast_in_dim3A_18, %get3A_3], %select_n3A_2466 : memref<4x2048xf32, #tpu.memory_space<vmem>>[vector<16xi32>, vector<16xi32>], vector<16xf32>,
      %gather3A_2467 = tpu.vector_load_idx %arg12[%broadcast_in_dim3A_18, %get3A_5] : memref<4x2048xf32, #tpu.memory_space<vmem>>[vector<16xi32>, vector<16xi32>], vector<16xf32>,
      %ge3A_2468 = arith.constant 0.000000e+00 : f32
      %ge3A_2469 = vector.broadcast %ge3A_2468 : f32 to vector<16xf32>
      %ge3A_2470 = arith.cmpf oge, %gather3A_2467, %ge3A_2469 : vector<16xf32>
      %jit3A_2471 = arith.constant 1.000000e+00 : f32
      %jit3A_2472 = arith.constant 0.000000e+00 : f32
      %broadcast_in_dim3A_2473 = vector.broadcast %jit3A_2471 : f32 to vector<16xf32>
      %broadcast_in_dim3A_2474 = vector.broadcast %jit3A_2472 : f32 to vector<16xf32>
      %select_n3A_2475 = arith.select %ge3A_2470, %broadcast_in_dim3A_2473, %broadcast_in_dim3A_2474 : vector<16xi1>, vector<16xf32>
      tpu.vector_store_idx %arg12[%broadcast_in_dim3A_18, %get3A_5], %select_n3A_2475 : memref<4x2048xf32, #tpu.memory_space<vmem>>[vector<16xi32>, vector<16xi32>], vector<16xf32>,
      %gather3A_2476 = tpu.vector_load_idx %arg12[%broadcast_in_dim3A_18, %get3A_7] : memref<4x2048xf32, #tpu.memory_space<vmem>>[vector<16xi32>, vector<16xi32>], vector<16xf32>,
      %ge3A_2477 = arith.constant 0.000000e+00 : f32
      %ge3A_2478 = vector.broadcast %ge3A_2477 : f32 to vector<16xf32>
      %ge3A_2479 = arith.cmpf oge, %gather3A_2476, %ge3A_2478 : vector<16xf32>
      %jit3A_2480 = arith.constant 1.000000e+00 : f32
      %jit3A_2481 = arith.constant 0.000000e+00 : f32
      %broadcast_in_dim3A_2482 = vector.broadcast %jit3A_2480 : f32 to vector<16xf32>
      %broadcast_in_dim3A_2483 = vector.broadcast %jit3A_2481 : f32 to vector<16xf32>
      %select_n3A_2484 = arith.select %ge3A_2479, %broadcast_in_dim3A_2482, %broadcast_in_dim3A_2483 : vector<16xi1>, vector<16xf32>
      tpu.vector_store_idx %arg12[%broadcast_in_dim3A_18, %get3A_7], %select_n3A_2484 : memref<4x2048xf32, #tpu.memory_space<vmem>>[vector<16xi32>, vector<16xi32>], vector<16xf32>,
      %gather3A_2485 = tpu.vector_load_idx %arg12[%broadcast_in_dim3A_18, %get3A_9] : memref<4x2048xf32, #tpu.memory_space<vmem>>[vector<16xi32>, vector<16xi32>], vector<16xf32>,
      %ge3A_2486 = arith.constant 0.000000e+00 : f32
      %ge3A_2487 = vector.broadcast %ge3A_2486 : f32 to vector<16xf32>
      %ge3A_2488 = arith.cmpf oge, %gather3A_2485, %ge3A_2487 : vector<16xf32>
      %jit3A_2489 = arith.constant 1.000000e+00 : f32
      %jit3A_2490 = arith.constant 0.000000e+00 : f32
      %broadcast_in_dim3A_2491 = vector.broadcast %jit3A_2489 : f32 to vector<16xf32>
      %broadcast_in_dim3A_2492 = vector.broadcast %jit3A_2490 : f32 to vector<16xf32>
      %select_n3A_2493 = arith.select %ge3A_2488, %broadcast_in_dim3A_2491, %broadcast_in_dim3A_2492 : vector<16xi1>, vector<16xf32>
      tpu.vector_store_idx %arg12[%broadcast_in_dim3A_18, %get3A_9], %select_n3A_2493 : memref<4x2048xf32, #tpu.memory_space<vmem>>[vector<16xi32>, vector<16xi32>], vector<16xf32>,
      %gather3A_2494 = tpu.vector_load_idx %arg12[%broadcast_in_dim3A_18, %get3A_11] : memref<4x2048xf32, #tpu.memory_space<vmem>>[vector<16xi32>, vector<16xi32>], vector<16xf32>,
      %ge3A_2495 = arith.constant 0.000000e+00 : f32
      %ge3A_2496 = vector.broadcast %ge3A_2495 : f32 to vector<16xf32>
      %ge3A_2497 = arith.cmpf oge, %gather3A_2494, %ge3A_2496 : vector<16xf32>
      %jit3A_2498 = arith.constant 1.000000e+00 : f32
      %jit3A_2499 = arith.constant 0.000000e+00 : f32
      %broadcast_in_dim3A_2500 = vector.broadcast %jit3A_2498 : f32 to vector<16xf32>
      %broadcast_in_dim3A_2501 = vector.broadcast %jit3A_2499 : f32 to vector<16xf32>
      %select_n3A_2502 = arith.select %ge3A_2497, %broadcast_in_dim3A_2500, %broadcast_in_dim3A_2501 : vector<16xi1>, vector<16xf32>
      tpu.vector_store_idx %arg12[%broadcast_in_dim3A_18, %get3A_11], %select_n3A_2502 : memref<4x2048xf32, #tpu.memory_space<vmem>>[vector<16xi32>, vector<16xi32>], vector<16xf32>,
      %gather3A_2503 = tpu.vector_load_idx %arg12[%broadcast_in_dim3A_18, %get3A_13] : memref<4x2048xf32, #tpu.memory_space<vmem>>[vector<16xi32>, vector<16xi32>], vector<16xf32>,
      %ge3A_2504 = arith.constant 0.000000e+00 : f32
      %ge3A_2505 = vector.broadcast %ge3A_2504 : f32 to vector<16xf32>
      %ge3A_2506 = arith.cmpf oge, %gather3A_2503, %ge3A_2505 : vector<16xf32>
      %jit3A_2507 = arith.constant 1.000000e+00 : f32
      %jit3A_2508 = arith.constant 0.000000e+00 : f32
      %broadcast_in_dim3A_2509 = vector.broadcast %jit3A_2507 : f32 to vector<16xf32>
      %broadcast_in_dim3A_2510 = vector.broadcast %jit3A_2508 : f32 to vector<16xf32>
      %select_n3A_2511 = arith.select %ge3A_2506, %broadcast_in_dim3A_2509, %broadcast_in_dim3A_2510 : vector<16xi1>, vector<16xf32>
      tpu.vector_store_idx %arg12[%broadcast_in_dim3A_18, %get3A_13], %select_n3A_2511 : memref<4x2048xf32, #tpu.memory_space<vmem>>[vector<16xi32>, vector<16xi32>], vector<16xf32>,
      %gather3A_2512 = tpu.vector_load_idx %arg12[%broadcast_in_dim3A_18, %get3A_15] : memref<4x2048xf32, #tpu.memory_space<vmem>>[vector<16xi32>, vector<16xi32>], vector<16xf32>,
      %ge3A_2513 = arith.constant 0.000000e+00 : f32
      %ge3A_2514 = vector.broadcast %ge3A_2513 : f32 to vector<16xf32>
      %ge3A_2515 = arith.cmpf oge, %gather3A_2512, %ge3A_2514 : vector<16xf32>
      %jit3A_2516 = arith.constant 1.000000e+00 : f32
      %jit3A_2517 = arith.constant 0.000000e+00 : f32
      %broadcast_in_dim3A_2518 = vector.broadcast %jit3A_2516 : f32 to vector<16xf32>
      %broadcast_in_dim3A_2519 = vector.broadcast %jit3A_2517 : f32 to vector<16xf32>
      %select_n3A_2520 = arith.select %ge3A_2515, %broadcast_in_dim3A_2518, %broadcast_in_dim3A_2519 : vector<16xi1>, vector<16xf32>
      tpu.vector_store_idx %arg12[%broadcast_in_dim3A_18, %get3A_15], %select_n3A_2520 : memref<4x2048xf32, #tpu.memory_space<vmem>>[vector<16xi32>, vector<16xi32>], vector<16xf32>,
      %gather3A_2521 = tpu.vector_load_idx %arg12[%broadcast_in_dim3A_18, %get3A_17] : memref<4x2048xf32, #tpu.memory_space<vmem>>[vector<16xi32>, vector<16xi32>], vector<16xf32>,
      %ge3A_2522 = arith.constant 0.000000e+00 : f32
      %ge3A_2523 = vector.broadcast %ge3A_2522 : f32 to vector<16xf32>
      %ge3A_2524 = arith.cmpf oge, %gather3A_2521, %ge3A_2523 : vector<16xf32>
      %jit3A_2525 = arith.constant 1.000000e+00 : f32
      %jit3A_2526 = arith.constant 0.000000e+00 : f32
      %broadcast_in_dim3A_2527 = vector.broadcast %jit3A_2525 : f32 to vector<16xf32>
      %broadcast_in_dim3A_2528 = vector.broadcast %jit3A_2526 : f32 to vector<16xf32>
      %select_n3A_2529 = arith.select %ge3A_2524, %broadcast_in_dim3A_2527, %broadcast_in_dim3A_2528 : vector<16xi1>, vector<16xf32>
      tpu.vector_store_idx %arg12[%broadcast_in_dim3A_18, %get3A_17], %select_n3A_2529 : memref<4x2048xf32, #tpu.memory_space<vmem>>[vector<16xi32>, vector<16xi32>], vector<16xf32>,
      %gather3A_2530 = tpu.vector_load_idx %arg12[%broadcast_in_dim3A_20, %get3A_3] : memref<4x2048xf32, #tpu.memory_space<vmem>>[vector<16xi32>, vector<16xi32>], vector<16xf32>,
      %ge3A_2531 = arith.constant 0.000000e+00 : f32
      %ge3A_2532 = vector.broadcast %ge3A_2531 : f32 to vector<16xf32>
      %ge3A_2533 = arith.cmpf oge, %gather3A_2530, %ge3A_2532 : vector<16xf32>
      %jit3A_2534 = arith.constant 1.000000e+00 : f32
      %jit3A_2535 = arith.constant 0.000000e+00 : f32
      %broadcast_in_dim3A_2536 = vector.broadcast %jit3A_2534 : f32 to vector<16xf32>
      %broadcast_in_dim3A_2537 = vector.broadcast %jit3A_2535 : f32 to vector<16xf32>
      %select_n3A_2538 = arith.select %ge3A_2533, %broadcast_in_dim3A_2536, %broadcast_in_dim3A_2537 : vector<16xi1>, vector<16xf32>
      tpu.vector_store_idx %arg12[%broadcast_in_dim3A_20, %get3A_3], %select_n3A_2538 : memref<4x2048xf32, #tpu.memory_space<vmem>>[vector<16xi32>, vector<16xi32>], vector<16xf32>,
      %gather3A_2539 = tpu.vector_load_idx %arg12[%broadcast_in_dim3A_20, %get3A_5] : memref<4x2048xf32, #tpu.memory_space<vmem>>[vector<16xi32>, vector<16xi32>], vector<16xf32>,
      %ge3A_2540 = arith.constant 0.000000e+00 : f32
      %ge3A_2541 = vector.broadcast %ge3A_2540 : f32 to vector<16xf32>
      %ge3A_2542 = arith.cmpf oge, %gather3A_2539, %ge3A_2541 : vector<16xf32>
      %jit3A_2543 = arith.constant 1.000000e+00 : f32
      %jit3A_2544 = arith.constant 0.000000e+00 : f32
      %broadcast_in_dim3A_2545 = vector.broadcast %jit3A_2543 : f32 to vector<16xf32>
      %broadcast_in_dim3A_2546 = vector.broadcast %jit3A_2544 : f32 to vector<16xf32>
      %select_n3A_2547 = arith.select %ge3A_2542, %broadcast_in_dim3A_2545, %broadcast_in_dim3A_2546 : vector<16xi1>, vector<16xf32>
      tpu.vector_store_idx %arg12[%broadcast_in_dim3A_20, %get3A_5], %select_n3A_2547 : memref<4x2048xf32, #tpu.memory_space<vmem>>[vector<16xi32>, vector<16xi32>], vector<16xf32>,
      %gather3A_2548 = tpu.vector_load_idx %arg12[%broadcast_in_dim3A_20, %get3A_7] : memref<4x2048xf32, #tpu.memory_space<vmem>>[vector<16xi32>, vector<16xi32>], vector<16xf32>,
      %ge3A_2549 = arith.constant 0.000000e+00 : f32
      %ge3A_2550 = vector.broadcast %ge3A_2549 : f32 to vector<16xf32>
      %ge3A_2551 = arith.cmpf oge, %gather3A_2548, %ge3A_2550 : vector<16xf32>
      %jit3A_2552 = arith.constant 1.000000e+00 : f32
      %jit3A_2553 = arith.constant 0.000000e+00 : f32
      %broadcast_in_dim3A_2554 = vector.broadcast %jit3A_2552 : f32 to vector<16xf32>
      %broadcast_in_dim3A_2555 = vector.broadcast %jit3A_2553 : f32 to vector<16xf32>
      %select_n3A_2556 = arith.select %ge3A_2551, %broadcast_in_dim3A_2554, %broadcast_in_dim3A_2555 : vector<16xi1>, vector<16xf32>
      tpu.vector_store_idx %arg12[%broadcast_in_dim3A_20, %get3A_7], %select_n3A_2556 : memref<4x2048xf32, #tpu.memory_space<vmem>>[vector<16xi32>, vector<16xi32>], vector<16xf32>,
      %gather3A_2557 = tpu.vector_load_idx %arg12[%broadcast_in_dim3A_20, %get3A_9] : memref<4x2048xf32, #tpu.memory_space<vmem>>[vector<16xi32>, vector<16xi32>], vector<16xf32>,
      %ge3A_2558 = arith.constant 0.000000e+00 : f32
      %ge3A_2559 = vector.broadcast %ge3A_2558 : f32 to vector<16xf32>
      %ge3A_2560 = arith.cmpf oge, %gather3A_2557, %ge3A_2559 : vector<16xf32>
      %jit3A_2561 = arith.constant 1.000000e+00 : f32
      %jit3A_2562 = arith.constant 0.000000e+00 : f32
      %broadcast_in_dim3A_2563 = vector.broadcast %jit3A_2561 : f32 to vector<16xf32>
      %broadcast_in_dim3A_2564 = vector.broadcast %jit3A_2562 : f32 to vector<16xf32>
      %select_n3A_2565 = arith.select %ge3A_2560, %broadcast_in_dim3A_2563, %broadcast_in_dim3A_2564 : vector<16xi1>, vector<16xf32>
      tpu.vector_store_idx %arg12[%broadcast_in_dim3A_20, %get3A_9], %select_n3A_2565 : memref<4x2048xf32, #tpu.memory_space<vmem>>[vector<16xi32>, vector<16xi32>], vector<16xf32>,
      %gather3A_2566 = tpu.vector_load_idx %arg12[%broadcast_in_dim3A_20, %get3A_11] : memref<4x2048xf32, #tpu.memory_space<vmem>>[vector<16xi32>, vector<16xi32>], vector<16xf32>,
      %ge3A_2567 = arith.constant 0.000000e+00 : f32
      %ge3A_2568 = vector.broadcast %ge3A_2567 : f32 to vector<16xf32>
      %ge3A_2569 = arith.cmpf oge, %gather3A_2566, %ge3A_2568 : vector<16xf32>
      %jit3A_2570 = arith.constant 1.000000e+00 : f32
      %jit3A_2571 = arith.constant 0.000000e+00 : f32
      %broadcast_in_dim3A_2572 = vector.broadcast %jit3A_2570 : f32 to vector<16xf32>
      %broadcast_in_dim3A_2573 = vector.broadcast %jit3A_2571 : f32 to vector<16xf32>
      %select_n3A_2574 = arith.select %ge3A_2569, %broadcast_in_dim3A_2572, %broadcast_in_dim3A_2573 : vector<16xi1>, vector<16xf32>
      tpu.vector_store_idx %arg12[%broadcast_in_dim3A_20, %get3A_11], %select_n3A_2574 : memref<4x2048xf32, #tpu.memory_space<vmem>>[vector<16xi32>, vector<16xi32>], vector<16xf32>,
      %gather3A_2575 = tpu.vector_load_idx %arg12[%broadcast_in_dim3A_20, %get3A_13] : memref<4x2048xf32, #tpu.memory_space<vmem>>[vector<16xi32>, vector<16xi32>], vector<16xf32>,
      %ge3A_2576 = arith.constant 0.000000e+00 : f32
      %ge3A_2577 = vector.broadcast %ge3A_2576 : f32 to vector<16xf32>
      %ge3A_2578 = arith.cmpf oge, %gather3A_2575, %ge3A_2577 : vector<16xf32>
      %jit3A_2579 = arith.constant 1.000000e+00 : f32
      %jit3A_2580 = arith.constant 0.000000e+00 : f32
      %broadcast_in_dim3A_2581 = vector.broadcast %jit3A_2579 : f32 to vector<16xf32>
      %broadcast_in_dim3A_2582 = vector.broadcast %jit3A_2580 : f32 to vector<16xf32>
      %select_n3A_2583 = arith.select %ge3A_2578, %broadcast_in_dim3A_2581, %broadcast_in_dim3A_2582 : vector<16xi1>, vector<16xf32>
      tpu.vector_store_idx %arg12[%broadcast_in_dim3A_20, %get3A_13], %select_n3A_2583 : memref<4x2048xf32, #tpu.memory_space<vmem>>[vector<16xi32>, vector<16xi32>], vector<16xf32>,
      %gather3A_2584 = tpu.vector_load_idx %arg12[%broadcast_in_dim3A_20, %get3A_15] : memref<4x2048xf32, #tpu.memory_space<vmem>>[vector<16xi32>, vector<16xi32>], vector<16xf32>,
      %ge3A_2585 = arith.constant 0.000000e+00 : f32
      %ge3A_2586 = vector.broadcast %ge3A_2585 : f32 to vector<16xf32>
      %ge3A_2587 = arith.cmpf oge, %gather3A_2584, %ge3A_2586 : vector<16xf32>
      %jit3A_2588 = arith.constant 1.000000e+00 : f32
      %jit3A_2589 = arith.constant 0.000000e+00 : f32
      %broadcast_in_dim3A_2590 = vector.broadcast %jit3A_2588 : f32 to vector<16xf32>
      %broadcast_in_dim3A_2591 = vector.broadcast %jit3A_2589 : f32 to vector<16xf32>
      %select_n3A_2592 = arith.select %ge3A_2587, %broadcast_in_dim3A_2590, %broadcast_in_dim3A_2591 : vector<16xi1>, vector<16xf32>
      tpu.vector_store_idx %arg12[%broadcast_in_dim3A_20, %get3A_15], %select_n3A_2592 : memref<4x2048xf32, #tpu.memory_space<vmem>>[vector<16xi32>, vector<16xi32>], vector<16xf32>,
      %gather3A_2593 = tpu.vector_load_idx %arg12[%broadcast_in_dim3A_20, %get3A_17] : memref<4x2048xf32, #tpu.memory_space<vmem>>[vector<16xi32>, vector<16xi32>], vector<16xf32>,
      %ge3A_2594 = arith.constant 0.000000e+00 : f32
      %ge3A_2595 = vector.broadcast %ge3A_2594 : f32 to vector<16xf32>
      %ge3A_2596 = arith.cmpf oge, %gather3A_2593, %ge3A_2595 : vector<16xf32>
      %jit3A_2597 = arith.constant 1.000000e+00 : f32
      %jit3A_2598 = arith.constant 0.000000e+00 : f32
      %broadcast_in_dim3A_2599 = vector.broadcast %jit3A_2597 : f32 to vector<16xf32>
      %broadcast_in_dim3A_2600 = vector.broadcast %jit3A_2598 : f32 to vector<16xf32>
      %select_n3A_2601 = arith.select %ge3A_2596, %broadcast_in_dim3A_2599, %broadcast_in_dim3A_2600 : vector<16xi1>, vector<16xf32>
      tpu.vector_store_idx %arg12[%broadcast_in_dim3A_20, %get3A_17], %select_n3A_2601 : memref<4x2048xf32, #tpu.memory_space<vmem>>[vector<16xi32>, vector<16xi32>], vector<16xf32>,
      %gather3A_2602 = tpu.vector_load_idx %arg12[%broadcast_in_dim3A_22, %get3A_3] : memref<4x2048xf32, #tpu.memory_space<vmem>>[vector<16xi32>, vector<16xi32>], vector<16xf32>,
      %ge3A_2603 = arith.constant 0.000000e+00 : f32
      %ge3A_2604 = vector.broadcast %ge3A_2603 : f32 to vector<16xf32>
      %ge3A_2605 = arith.cmpf oge, %gather3A_2602, %ge3A_2604 : vector<16xf32>
      %jit3A_2606 = arith.constant 1.000000e+00 : f32
      %jit3A_2607 = arith.constant 0.000000e+00 : f32
      %broadcast_in_dim3A_2608 = vector.broadcast %jit3A_2606 : f32 to vector<16xf32>
      %broadcast_in_dim3A_2609 = vector.broadcast %jit3A_2607 : f32 to vector<16xf32>
      %select_n3A_2610 = arith.select %ge3A_2605, %broadcast_in_dim3A_2608, %broadcast_in_dim3A_2609 : vector<16xi1>, vector<16xf32>
      tpu.vector_store_idx %arg12[%broadcast_in_dim3A_22, %get3A_3], %select_n3A_2610 : memref<4x2048xf32, #tpu.memory_space<vmem>>[vector<16xi32>, vector<16xi32>], vector<16xf32>,
      %gather3A_2611 = tpu.vector_load_idx %arg12[%broadcast_in_dim3A_22, %get3A_5] : memref<4x2048xf32, #tpu.memory_space<vmem>>[vector<16xi32>, vector<16xi32>], vector<16xf32>,
      %ge3A_2612 = arith.constant 0.000000e+00 : f32
      %ge3A_2613 = vector.broadcast %ge3A_2612 : f32 to vector<16xf32>
      %ge3A_2614 = arith.cmpf oge, %gather3A_2611, %ge3A_2613 : vector<16xf32>
      %jit3A_2615 = arith.constant 1.000000e+00 : f32
      %jit3A_2616 = arith.constant 0.000000e+00 : f32
      %broadcast_in_dim3A_2617 = vector.broadcast %jit3A_2615 : f32 to vector<16xf32>
      %broadcast_in_dim3A_2618 = vector.broadcast %jit3A_2616 : f32 to vector<16xf32>
      %select_n3A_2619 = arith.select %ge3A_2614, %broadcast_in_dim3A_2617, %broadcast_in_dim3A_2618 : vector<16xi1>, vector<16xf32>
      tpu.vector_store_idx %arg12[%broadcast_in_dim3A_22, %get3A_5], %select_n3A_2619 : memref<4x2048xf32, #tpu.memory_space<vmem>>[vector<16xi32>, vector<16xi32>], vector<16xf32>,
      %gather3A_2620 = tpu.vector_load_idx %arg12[%broadcast_in_dim3A_22, %get3A_7] : memref<4x2048xf32, #tpu.memory_space<vmem>>[vector<16xi32>, vector<16xi32>], vector<16xf32>,
      %ge3A_2621 = arith.constant 0.000000e+00 : f32
      %ge3A_2622 = vector.broadcast %ge3A_2621 : f32 to vector<16xf32>
      %ge3A_2623 = arith.cmpf oge, %gather3A_2620, %ge3A_2622 : vector<16xf32>
      %jit3A_2624 = arith.constant 1.000000e+00 : f32
      %jit3A_2625 = arith.constant 0.000000e+00 : f32
      %broadcast_in_dim3A_2626 = vector.broadcast %jit3A_2624 : f32 to vector<16xf32>
      %broadcast_in_dim3A_2627 = vector.broadcast %jit3A_2625 : f32 to vector<16xf32>
      %select_n3A_2628 = arith.select %ge3A_2623, %broadcast_in_dim3A_2626, %broadcast_in_dim3A_2627 : vector<16xi1>, vector<16xf32>
      tpu.vector_store_idx %arg12[%broadcast_in_dim3A_22, %get3A_7], %select_n3A_2628 : memref<4x2048xf32, #tpu.memory_space<vmem>>[vector<16xi32>, vector<16xi32>], vector<16xf32>,
      %gather3A_2629 = tpu.vector_load_idx %arg12[%broadcast_in_dim3A_22, %get3A_9] : memref<4x2048xf32, #tpu.memory_space<vmem>>[vector<16xi32>, vector<16xi32>], vector<16xf32>,
      %ge3A_2630 = arith.constant 0.000000e+00 : f32
      %ge3A_2631 = vector.broadcast %ge3A_2630 : f32 to vector<16xf32>
      %ge3A_2632 = arith.cmpf oge, %gather3A_2629, %ge3A_2631 : vector<16xf32>
      %jit3A_2633 = arith.constant 1.000000e+00 : f32
      %jit3A_2634 = arith.constant 0.000000e+00 : f32
      %broadcast_in_dim3A_2635 = vector.broadcast %jit3A_2633 : f32 to vector<16xf32>
      %broadcast_in_dim3A_2636 = vector.broadcast %jit3A_2634 : f32 to vector<16xf32>
      %select_n3A_2637 = arith.select %ge3A_2632, %broadcast_in_dim3A_2635, %broadcast_in_dim3A_2636 : vector<16xi1>, vector<16xf32>
      tpu.vector_store_idx %arg12[%broadcast_in_dim3A_22, %get3A_9], %select_n3A_2637 : memref<4x2048xf32, #tpu.memory_space<vmem>>[vector<16xi32>, vector<16xi32>], vector<16xf32>,
      %gather3A_2638 = tpu.vector_load_idx %arg12[%broadcast_in_dim3A_22, %get3A_11] : memref<4x2048xf32, #tpu.memory_space<vmem>>[vector<16xi32>, vector<16xi32>], vector<16xf32>,
      %ge3A_2639 = arith.constant 0.000000e+00 : f32
      %ge3A_2640 = vector.broadcast %ge3A_2639 : f32 to vector<16xf32>
      %ge3A_2641 = arith.cmpf oge, %gather3A_2638, %ge3A_2640 : vector<16xf32>
      %jit3A_2642 = arith.constant 1.000000e+00 : f32
      %jit3A_2643 = arith.constant 0.000000e+00 : f32
      %broadcast_in_dim3A_2644 = vector.broadcast %jit3A_2642 : f32 to vector<16xf32>
      %broadcast_in_dim3A_2645 = vector.broadcast %jit3A_2643 : f32 to vector<16xf32>
      %select_n3A_2646 = arith.select %ge3A_2641, %broadcast_in_dim3A_2644, %broadcast_in_dim3A_2645 : vector<16xi1>, vector<16xf32>
      tpu.vector_store_idx %arg12[%broadcast_in_dim3A_22, %get3A_11], %select_n3A_2646 : memref<4x2048xf32, #tpu.memory_space<vmem>>[vector<16xi32>, vector<16xi32>], vector<16xf32>,
      %gather3A_2647 = tpu.vector_load_idx %arg12[%broadcast_in_dim3A_22, %get3A_13] : memref<4x2048xf32, #tpu.memory_space<vmem>>[vector<16xi32>, vector<16xi32>], vector<16xf32>,
      %ge3A_2648 = arith.constant 0.000000e+00 : f32
      %ge3A_2649 = vector.broadcast %ge3A_2648 : f32 to vector<16xf32>
      %ge3A_2650 = arith.cmpf oge, %gather3A_2647, %ge3A_2649 : vector<16xf32>
      %jit3A_2651 = arith.constant 1.000000e+00 : f32
      %jit3A_2652 = arith.constant 0.000000e+00 : f32
      %broadcast_in_dim3A_2653 = vector.broadcast %jit3A_2651 : f32 to vector<16xf32>
      %broadcast_in_dim3A_2654 = vector.broadcast %jit3A_2652 : f32 to vector<16xf32>
      %select_n3A_2655 = arith.select %ge3A_2650, %broadcast_in_dim3A_2653, %broadcast_in_dim3A_2654 : vector<16xi1>, vector<16xf32>
      tpu.vector_store_idx %arg12[%broadcast_in_dim3A_22, %get3A_13], %select_n3A_2655 : memref<4x2048xf32, #tpu.memory_space<vmem>>[vector<16xi32>, vector<16xi32>], vector<16xf32>,
      %gather3A_2656 = tpu.vector_load_idx %arg12[%broadcast_in_dim3A_22, %get3A_15] : memref<4x2048xf32, #tpu.memory_space<vmem>>[vector<16xi32>, vector<16xi32>], vector<16xf32>,
      %ge3A_2657 = arith.constant 0.000000e+00 : f32
      %ge3A_2658 = vector.broadcast %ge3A_2657 : f32 to vector<16xf32>
      %ge3A_2659 = arith.cmpf oge, %gather3A_2656, %ge3A_2658 : vector<16xf32>
      %jit3A_2660 = arith.constant 1.000000e+00 : f32
      %jit3A_2661 = arith.constant 0.000000e+00 : f32
      %broadcast_in_dim3A_2662 = vector.broadcast %jit3A_2660 : f32 to vector<16xf32>
      %broadcast_in_dim3A_2663 = vector.broadcast %jit3A_2661 : f32 to vector<16xf32>
      %select_n3A_2664 = arith.select %ge3A_2659, %broadcast_in_dim3A_2662, %broadcast_in_dim3A_2663 : vector<16xi1>, vector<16xf32>
      tpu.vector_store_idx %arg12[%broadcast_in_dim3A_22, %get3A_15], %select_n3A_2664 : memref<4x2048xf32, #tpu.memory_space<vmem>>[vector<16xi32>, vector<16xi32>], vector<16xf32>,
      %gather3A_2665 = tpu.vector_load_idx %arg12[%broadcast_in_dim3A_22, %get3A_17] : memref<4x2048xf32, #tpu.memory_space<vmem>>[vector<16xi32>, vector<16xi32>], vector<16xf32>,
      %ge3A_2666 = arith.constant 0.000000e+00 : f32
      %ge3A_2667 = vector.broadcast %ge3A_2666 : f32 to vector<16xf32>
      %ge3A_2668 = arith.cmpf oge, %gather3A_2665, %ge3A_2667 : vector<16xf32>
      %jit3A_2669 = arith.constant 1.000000e+00 : f32
      %jit3A_2670 = arith.constant 0.000000e+00 : f32
      %broadcast_in_dim3A_2671 = vector.broadcast %jit3A_2669 : f32 to vector<16xf32>
      %broadcast_in_dim3A_2672 = vector.broadcast %jit3A_2670 : f32 to vector<16xf32>
      %select_n3A_2673 = arith.select %ge3A_2668, %broadcast_in_dim3A_2671, %broadcast_in_dim3A_2672 : vector<16xi1>, vector<16xf32>
      tpu.vector_store_idx %arg12[%broadcast_in_dim3A_22, %get3A_17], %select_n3A_2673 : memref<4x2048xf32, #tpu.memory_space<vmem>>[vector<16xi32>, vector<16xi32>], vector<16xf32>,
      %gather3A_2674 = tpu.vector_load_idx %arg12[%broadcast_in_dim3A_24, %get3A_3] : memref<4x2048xf32, #tpu.memory_space<vmem>>[vector<16xi32>, vector<16xi32>], vector<16xf32>,
      %ge3A_2675 = arith.constant 0.000000e+00 : f32
      %ge3A_2676 = vector.broadcast %ge3A_2675 : f32 to vector<16xf32>
      %ge3A_2677 = arith.cmpf oge, %gather3A_2674, %ge3A_2676 : vector<16xf32>
      %jit3A_2678 = arith.constant 1.000000e+00 : f32
      %jit3A_2679 = arith.constant 0.000000e+00 : f32
      %broadcast_in_dim3A_2680 = vector.broadcast %jit3A_2678 : f32 to vector<16xf32>
      %broadcast_in_dim3A_2681 = vector.broadcast %jit3A_2679 : f32 to vector<16xf32>
      %select_n3A_2682 = arith.select %ge3A_2677, %broadcast_in_dim3A_2680, %broadcast_in_dim3A_2681 : vector<16xi1>, vector<16xf32>
      tpu.vector_store_idx %arg12[%broadcast_in_dim3A_24, %get3A_3], %select_n3A_2682 : memref<4x2048xf32, #tpu.memory_space<vmem>>[vector<16xi32>, vector<16xi32>], vector<16xf32>,
      %gather3A_2683 = tpu.vector_load_idx %arg12[%broadcast_in_dim3A_24, %get3A_5] : memref<4x2048xf32, #tpu.memory_space<vmem>>[vector<16xi32>, vector<16xi32>], vector<16xf32>,
      %ge3A_2684 = arith.constant 0.000000e+00 : f32
      %ge3A_2685 = vector.broadcast %ge3A_2684 : f32 to vector<16xf32>
      %ge3A_2686 = arith.cmpf oge, %gather3A_2683, %ge3A_2685 : vector<16xf32>
      %jit3A_2687 = arith.constant 1.000000e+00 : f32
      %jit3A_2688 = arith.constant 0.000000e+00 : f32
      %broadcast_in_dim3A_2689 = vector.broadcast %jit3A_2687 : f32 to vector<16xf32>
      %broadcast_in_dim3A_2690 = vector.broadcast %jit3A_2688 : f32 to vector<16xf32>
      %select_n3A_2691 = arith.select %ge3A_2686, %broadcast_in_dim3A_2689, %broadcast_in_dim3A_2690 : vector<16xi1>, vector<16xf32>
      tpu.vector_store_idx %arg12[%broadcast_in_dim3A_24, %get3A_5], %select_n3A_2691 : memref<4x2048xf32, #tpu.memory_space<vmem>>[vector<16xi32>, vector<16xi32>], vector<16xf32>,
      %gather3A_2692 = tpu.vector_load_idx %arg12[%broadcast_in_dim3A_24, %get3A_7] : memref<4x2048xf32, #tpu.memory_space<vmem>>[vector<16xi32>, vector<16xi32>], vector<16xf32>,
      %ge3A_2693 = arith.constant 0.000000e+00 : f32
      %ge3A_2694 = vector.broadcast %ge3A_2693 : f32 to vector<16xf32>
      %ge3A_2695 = arith.cmpf oge, %gather3A_2692, %ge3A_2694 : vector<16xf32>
      %jit3A_2696 = arith.constant 1.000000e+00 : f32
      %jit3A_2697 = arith.constant 0.000000e+00 : f32
      %broadcast_in_dim3A_2698 = vector.broadcast %jit3A_2696 : f32 to vector<16xf32>
      %broadcast_in_dim3A_2699 = vector.broadcast %jit3A_2697 : f32 to vector<16xf32>
      %select_n3A_2700 = arith.select %ge3A_2695, %broadcast_in_dim3A_2698, %broadcast_in_dim3A_2699 : vector<16xi1>, vector<16xf32>
      tpu.vector_store_idx %arg12[%broadcast_in_dim3A_24, %get3A_7], %select_n3A_2700 : memref<4x2048xf32, #tpu.memory_space<vmem>>[vector<16xi32>, vector<16xi32>], vector<16xf32>,
      %gather3A_2701 = tpu.vector_load_idx %arg12[%broadcast_in_dim3A_24, %get3A_9] : memref<4x2048xf32, #tpu.memory_space<vmem>>[vector<16xi32>, vector<16xi32>], vector<16xf32>,
      %ge3A_2702 = arith.constant 0.000000e+00 : f32
      %ge3A_2703 = vector.broadcast %ge3A_2702 : f32 to vector<16xf32>
      %ge3A_2704 = arith.cmpf oge, %gather3A_2701, %ge3A_2703 : vector<16xf32>
      %jit3A_2705 = arith.constant 1.000000e+00 : f32
      %jit3A_2706 = arith.constant 0.000000e+00 : f32
      %broadcast_in_dim3A_2707 = vector.broadcast %jit3A_2705 : f32 to vector<16xf32>
      %broadcast_in_dim3A_2708 = vector.broadcast %jit3A_2706 : f32 to vector<16xf32>
      %select_n3A_2709 = arith.select %ge3A_2704, %broadcast_in_dim3A_2707, %broadcast_in_dim3A_2708 : vector<16xi1>, vector<16xf32>
      tpu.vector_store_idx %arg12[%broadcast_in_dim3A_24, %get3A_9], %select_n3A_2709 : memref<4x2048xf32, #tpu.memory_space<vmem>>[vector<16xi32>, vector<16xi32>], vector<16xf32>,
      %gather3A_2710 = tpu.vector_load_idx %arg12[%broadcast_in_dim3A_24, %get3A_11] : memref<4x2048xf32, #tpu.memory_space<vmem>>[vector<16xi32>, vector<16xi32>], vector<16xf32>,
      %ge3A_2711 = arith.constant 0.000000e+00 : f32
      %ge3A_2712 = vector.broadcast %ge3A_2711 : f32 to vector<16xf32>
      %ge3A_2713 = arith.cmpf oge, %gather3A_2710, %ge3A_2712 : vector<16xf32>
      %jit3A_2714 = arith.constant 1.000000e+00 : f32
      %jit3A_2715 = arith.constant 0.000000e+00 : f32
      %broadcast_in_dim3A_2716 = vector.broadcast %jit3A_2714 : f32 to vector<16xf32>
      %broadcast_in_dim3A_2717 = vector.broadcast %jit3A_2715 : f32 to vector<16xf32>
      %select_n3A_2718 = arith.select %ge3A_2713, %broadcast_in_dim3A_2716, %broadcast_in_dim3A_2717 : vector<16xi1>, vector<16xf32>
      tpu.vector_store_idx %arg12[%broadcast_in_dim3A_24, %get3A_11], %select_n3A_2718 : memref<4x2048xf32, #tpu.memory_space<vmem>>[vector<16xi32>, vector<16xi32>], vector<16xf32>,
      %gather3A_2719 = tpu.vector_load_idx %arg12[%broadcast_in_dim3A_24, %get3A_13] : memref<4x2048xf32, #tpu.memory_space<vmem>>[vector<16xi32>, vector<16xi32>], vector<16xf32>,
      %ge3A_2720 = arith.constant 0.000000e+00 : f32
      %ge3A_2721 = vector.broadcast %ge3A_2720 : f32 to vector<16xf32>
      %ge3A_2722 = arith.cmpf oge, %gather3A_2719, %ge3A_2721 : vector<16xf32>
      %jit3A_2723 = arith.constant 1.000000e+00 : f32
      %jit3A_2724 = arith.constant 0.000000e+00 : f32
      %broadcast_in_dim3A_2725 = vector.broadcast %jit3A_2723 : f32 to vector<16xf32>
      %broadcast_in_dim3A_2726 = vector.broadcast %jit3A_2724 : f32 to vector<16xf32>
      %select_n3A_2727 = arith.select %ge3A_2722, %broadcast_in_dim3A_2725, %broadcast_in_dim3A_2726 : vector<16xi1>, vector<16xf32>
      tpu.vector_store_idx %arg12[%broadcast_in_dim3A_24, %get3A_13], %select_n3A_2727 : memref<4x2048xf32, #tpu.memory_space<vmem>>[vector<16xi32>, vector<16xi32>], vector<16xf32>,
      %gather3A_2728 = tpu.vector_load_idx %arg12[%broadcast_in_dim3A_24, %get3A_15] : memref<4x2048xf32, #tpu.memory_space<vmem>>[vector<16xi32>, vector<16xi32>], vector<16xf32>,
      %ge3A_2729 = arith.constant 0.000000e+00 : f32
      %ge3A_2730 = vector.broadcast %ge3A_2729 : f32 to vector<16xf32>
      %ge3A_2731 = arith.cmpf oge, %gather3A_2728, %ge3A_2730 : vector<16xf32>
      %jit3A_2732 = arith.constant 1.000000e+00 : f32
      %jit3A_2733 = arith.constant 0.000000e+00 : f32
      %broadcast_in_dim3A_2734 = vector.broadcast %jit3A_2732 : f32 to vector<16xf32>
      %broadcast_in_dim3A_2735 = vector.broadcast %jit3A_2733 : f32 to vector<16xf32>
      %select_n3A_2736 = arith.select %ge3A_2731, %broadcast_in_dim3A_2734, %broadcast_in_dim3A_2735 : vector<16xi1>, vector<16xf32>
      tpu.vector_store_idx %arg12[%broadcast_in_dim3A_24, %get3A_15], %select_n3A_2736 : memref<4x2048xf32, #tpu.memory_space<vmem>>[vector<16xi32>, vector<16xi32>], vector<16xf32>,
      %gather3A_2737 = tpu.vector_load_idx %arg12[%broadcast_in_dim3A_24, %get3A_17] : memref<4x2048xf32, #tpu.memory_space<vmem>>[vector<16xi32>, vector<16xi32>], vector<16xf32>,
      %ge3A_2738 = arith.constant 0.000000e+00 : f32
      %ge3A_2739 = vector.broadcast %ge3A_2738 : f32 to vector<16xf32>
      %ge3A_2740 = arith.cmpf oge, %gather3A_2737, %ge3A_2739 : vector<16xf32>
      %jit3A_2741 = arith.constant 1.000000e+00 : f32
      %jit3A_2742 = arith.constant 0.000000e+00 : f32
      %broadcast_in_dim3A_2743 = vector.broadcast %jit3A_2741 : f32 to vector<16xf32>
      %broadcast_in_dim3A_2744 = vector.broadcast %jit3A_2742 : f32 to vector<16xf32>
      %select_n3A_2745 = arith.select %ge3A_2740, %broadcast_in_dim3A_2743, %broadcast_in_dim3A_2744 : vector<16xi1>, vector<16xf32>
      tpu.vector_store_idx %arg12[%broadcast_in_dim3A_24, %get3A_17], %select_n3A_2745 : memref<4x2048xf32, #tpu.memory_space<vmem>>[vector<16xi32>, vector<16xi32>], vector<16xf32>,
      %mul3A_2746 = arith.constant 4 : i32
      %mul3A_2747 = arith.muli %add3A_2447, %mul3A_2746 : i32
      %add3A_2748 = arith.addi %mul3A_2, %mul3A_2747 : i32
      %dma_start3A_2749 = arith.constant 7 : i32
      %dma_start3A_2750 = arith.constant 0 : i32
      %dma_start3A_2751 = tpu.memref_slice %arg4[%add3A_2748, %dma_start3A_2750] : memref<16384x2048xf32, #tpu.memory_space<hbm>> -> memref<4x2048xf32, #tpu.memory_space<hbm>>
      %dma_start3A_2752 = tpu.memref_slice %arg15[%dma_start3A_2749] : memref<8x!tpu.dma_semaphore, #tpu.memory_space<semaphore_mem>> -> memref<1x!tpu.dma_semaphore, #tpu.memory_space<semaphore_mem>>
      %dma_start3A_2753 = tpu.memref_squeeze %dma_start3A_2752 : memref<1x!tpu.dma_semaphore, #tpu.memory_space<semaphore_mem>> -> memref<!tpu.dma_semaphore, #tpu.memory_space<semaphore_mem>>
      %dma_start3A_2754 = arith.constant 0 : i32
      %dma_start3A_2755 = tpu.memref_slice %arg4[%add3A_2748, %dma_start3A_2754] : memref<16384x2048xf32, #tpu.memory_space<hbm>> -> memref<4x2048xf32, #tpu.memory_space<hbm>>
      tpu.enqueue_dma source(%arg12 : memref<4x2048xf32, #tpu.memory_space<vmem>>) target(%dma_start3A_2755 : memref<4x2048xf32, #tpu.memory_space<hbm>>) target_semaphore(%dma_start3A_2753 : memref<!tpu.dma_semaphore, #tpu.memory_space<semaphore_mem>>)
      %add3A_2756 = arith.constant 8 : i32
      %add3A_2757 = arith.addi %add3A_2447, %add3A_2756 : i32
      %sub3A_2758 = arith.constant 1 : i32
      %sub3A_2759 = arith.subi %add3A_2757, %sub3A_2758 : i32
      %ge3A_2760 = arith.constant 1 : i32
      %ge3A_2761 = arith.cmpi sge, %add3A_2447, %ge3A_2760 : i32
      %lt3A_2762 = arith.constant 128 : i32
      %lt3A_2763 = arith.cmpi slt, %sub3A_2759, %lt3A_2762 : i32
      %and3A_2764 = arith.andi %ge3A_2761, %lt3A_2763 : i1
      %convert_element_type3A_2765 = arith.extui %and3A_2764 : i1 to i32
      %cond3A_2766 = arith.constant 0 : i32
      %cond3A_2767 = arith.cmpi ne, %convert_element_type3A_2765, %cond3A_2766 : i32
      scf.if %cond3A_2767 {
        %sub3A_2773 = arith.constant 1 : i32
        %sub3A_2774 = arith.subi %add3A_2447, %sub3A_2773 : i32
        %mul3A_2775 = arith.constant 4 : i32
        %mul3A_2776 = arith.muli %sub3A_2774, %mul3A_2775 : i32
        %add3A_2777 = arith.addi %mul3A_2, %mul3A_2776 : i32
        %dma_wait3A_2778 = arith.constant 6 : i32
        %dma_wait3A_2779 = arith.constant 0 : i32
        %dma_wait3A_2780 = tpu.memref_slice %arg4[%add3A_2777, %dma_wait3A_2779] : memref<16384x2048xf32, #tpu.memory_space<hbm>> -> memref<4x2048xf32, #tpu.memory_space<hbm>>
        %dma_wait3A_2781 = tpu.memref_slice %arg15[%dma_wait3A_2778] : memref<8x!tpu.dma_semaphore, #tpu.memory_space<semaphore_mem>> -> memref<1x!tpu.dma_semaphore, #tpu.memory_space<semaphore_mem>>
        %dma_wait3A_2782 = tpu.memref_squeeze %dma_wait3A_2781 : memref<1x!tpu.dma_semaphore, #tpu.memory_space<semaphore_mem>> -> memref<!tpu.dma_semaphore, #tpu.memory_space<semaphore_mem>>
        %dma_wait3A_2783 = arith.constant 0 : i32
        %dma_wait3A_2784 = tpu.memref_slice %arg4[%add3A_2777, %dma_wait3A_2783] : memref<16384x2048xf32, #tpu.memory_space<hbm>> -> memref<4x2048xf32, #tpu.memory_space<hbm>>
        tpu.wait_dma2 semaphore(%dma_wait3A_2782 : memref<!tpu.dma_semaphore, #tpu.memory_space<semaphore_mem>>) src(%arg11 : memref<4x2048xf32, #tpu.memory_space<vmem>>) dst(%dma_wait3A_2784 : memref<4x2048xf32, #tpu.memory_space<hbm>>)
      } else {
      }
      %lt3A_2768 = arith.constant 128 : i32
      %lt3A_2769 = arith.cmpi slt, %sub3A_2759, %lt3A_2768 : i32
      %convert_element_type3A_2770 = arith.extui %lt3A_2769 : i1 to i32
      %cond3A_2771 = arith.constant 0 : i32
      %cond3A_2772 = arith.cmpi ne, %convert_element_type3A_2770, %cond3A_2771 : i32
      scf.if %cond3A_2772 {
        %mul3A_2773 = arith.constant 4 : i32
        %mul3A_2774 = arith.muli %sub3A_2759, %mul3A_2773 : i32
        %add3A_2775 = arith.addi %mul3A_2, %mul3A_2774 : i32
        %dma_start3A_2776 = arith.constant 6 : i32
        %dma_start3A_2777 = arith.constant 0 : i32
        %dma_start3A_2778 = tpu.memref_slice %arg2[%add3A_2775, %dma_start3A_2777] : memref<16384x2048xf32, #tpu.memory_space<hbm>> -> memref<4x2048xf32, #tpu.memory_space<hbm>>
        %dma_start3A_2779 = tpu.memref_slice %arg14[%dma_start3A_2776] : memref<8x!tpu.dma_semaphore, #tpu.memory_space<semaphore_mem>> -> memref<1x!tpu.dma_semaphore, #tpu.memory_space<semaphore_mem>>
        %dma_start3A_2780 = tpu.memref_squeeze %dma_start3A_2779 : memref<1x!tpu.dma_semaphore, #tpu.memory_space<semaphore_mem>> -> memref<!tpu.dma_semaphore, #tpu.memory_space<semaphore_mem>>
        %dma_start3A_2781 = arith.constant 0 : i32
        %dma_start3A_2782 = tpu.memref_slice %arg2[%add3A_2775, %dma_start3A_2781] : memref<16384x2048xf32, #tpu.memory_space<hbm>> -> memref<4x2048xf32, #tpu.memory_space<hbm>>
        tpu.enqueue_dma source(%dma_start3A_2782 : memref<4x2048xf32, #tpu.memory_space<hbm>>) target(%arg11 : memref<4x2048xf32, #tpu.memory_space<vmem>>) target_semaphore(%dma_start3A_2780 : memref<!tpu.dma_semaphore, #tpu.memory_space<semaphore_mem>>)
      } else {
      }
    }
    %scan3A_91 = arith.constant 16 : i32
    %add3A_92 = arith.constant 480 : i32
    %add3A_93 = arith.addi %mul3A_2, %add3A_92 : i32
    %dma_wait3A = arith.constant 0 : i32
    %dma_wait3A_94 = arith.constant 0 : i32
    %dma_wait3A_95 = tpu.memref_slice %arg4[%add3A_93, %dma_wait3A_94] : memref<16384x2048xf32, #tpu.memory_space<hbm>> -> memref<4x2048xf32, #tpu.memory_space<hbm>>
    %dma_wait3A_96 = tpu.memref_slice %arg15[%dma_wait3A] : memref<8x!tpu.dma_semaphore, #tpu.memory_space<semaphore_mem>> -> memref<1x!tpu.dma_semaphore, #tpu.memory_space<semaphore_mem>>
    %dma_wait3A_97 = tpu.memref_squeeze %dma_wait3A_96 : memref<1x!tpu.dma_semaphore, #tpu.memory_space<semaphore_mem>> -> memref<!tpu.dma_semaphore, #tpu.memory_space<semaphore_mem>>
    %dma_wait3A_98 = arith.constant 0 : i32
    %dma_wait3A_99 = tpu.memref_slice %arg4[%add3A_93, %dma_wait3A_98] : memref<16384x2048xf32, #tpu.memory_space<hbm>> -> memref<4x2048xf32, #tpu.memory_space<hbm>>
    tpu.wait_dma2 semaphore(%dma_wait3A_97 : memref<!tpu.dma_semaphore, #tpu.memory_space<semaphore_mem>>) src(%arg5 : memref<4x2048xf32, #tpu.memory_space<vmem>>) dst(%dma_wait3A_99 : memref<4x2048xf32, #tpu.memory_space<hbm>>)
    %add3A_100 = arith.constant 484 : i32
    %add3A_101 = arith.addi %mul3A_2, %add3A_100 : i32
    %dma_wait3A_102 = arith.constant 1 : i32
    %dma_wait3A_103 = arith.constant 0 : i32
    %dma_wait3A_104 = tpu.memref_slice %arg4[%add3A_101, %dma_wait3A_103] : memref<16384x2048xf32, #tpu.memory_space<hbm>> -> memref<4x2048xf32, #tpu.memory_space<hbm>>
    %dma_wait3A_105 = tpu.memref_slice %arg15[%dma_wait3A_102] : memref<8x!tpu.dma_semaphore, #tpu.memory_space<semaphore_mem>> -> memref<1x!tpu.dma_semaphore, #tpu.memory_space<semaphore_mem>>
    %dma_wait3A_106 = tpu.memref_squeeze %dma_wait3A_105 : memref<1x!tpu.dma_semaphore, #tpu.memory_space<semaphore_mem>> -> memref<!tpu.dma_semaphore, #tpu.memory_space<semaphore_mem>>
    %dma_wait3A_107 = arith.constant 0 : i32
    %dma_wait3A_108 = tpu.memref_slice %arg4[%add3A_101, %dma_wait3A_107] : memref<16384x2048xf32, #tpu.memory_space<hbm>> -> memref<4x2048xf32, #tpu.memory_space<hbm>>
    tpu.wait_dma2 semaphore(%dma_wait3A_106 : memref<!tpu.dma_semaphore, #tpu.memory_space<semaphore_mem>>) src(%arg6 : memref<4x2048xf32, #tpu.memory_space<vmem>>) dst(%dma_wait3A_108 : memref<4x2048xf32, #tpu.memory_space<hbm>>)
    %add3A_109 = arith.constant 488 : i32
    %add3A_110 = arith.addi %mul3A_2, %add3A_109 : i32
    %dma_wait3A_111 = arith.constant 2 : i32
    %dma_wait3A_112 = arith.constant 0 : i32
    %dma_wait3A_113 = tpu.memref_slice %arg4[%add3A_110, %dma_wait3A_112] : memref<16384x2048xf32, #tpu.memory_space<hbm>> -> memref<4x2048xf32, #tpu.memory_space<hbm>>
    %dma_wait3A_114 = tpu.memref_slice %arg15[%dma_wait3A_111] : memref<8x!tpu.dma_semaphore, #tpu.memory_space<semaphore_mem>> -> memref<1x!tpu.dma_semaphore, #tpu.memory_space<semaphore_mem>>
    %dma_wait3A_115 = tpu.memref_squeeze %dma_wait3A_114 : memref<1x!tpu.dma_semaphore, #tpu.memory_space<semaphore_mem>> -> memref<!tpu.dma_semaphore, #tpu.memory_space<semaphore_mem>>
    %dma_wait3A_116 = arith.constant 0 : i32
    %dma_wait3A_117 = tpu.memref_slice %arg4[%add3A_110, %dma_wait3A_116] : memref<16384x2048xf32, #tpu.memory_space<hbm>> -> memref<4x2048xf32, #tpu.memory_space<hbm>>
    tpu.wait_dma2 semaphore(%dma_wait3A_115 : memref<!tpu.dma_semaphore, #tpu.memory_space<semaphore_mem>>) src(%arg7 : memref<4x2048xf32, #tpu.memory_space<vmem>>) dst(%dma_wait3A_117 : memref<4x2048xf32, #tpu.memory_space<hbm>>)
    %add3A_118 = arith.constant 492 : i32
    %add3A_119 = arith.addi %mul3A_2, %add3A_118 : i32
    %dma_wait3A_120 = arith.constant 3 : i32
    %dma_wait3A_121 = arith.constant 0 : i32
    %dma_wait3A_122 = tpu.memref_slice %arg4[%add3A_119, %dma_wait3A_121] : memref<16384x2048xf32, #tpu.memory_space<hbm>> -> memref<4x2048xf32, #tpu.memory_space<hbm>>
    %dma_wait3A_123 = tpu.memref_slice %arg15[%dma_wait3A_120] : memref<8x!tpu.dma_semaphore, #tpu.memory_space<semaphore_mem>> -> memref<1x!tpu.dma_semaphore, #tpu.memory_space<semaphore_mem>>
    %dma_wait3A_124 = tpu.memref_squeeze %dma_wait3A_123 : memref<1x!tpu.dma_semaphore, #tpu.memory_space<semaphore_mem>> -> memref<!tpu.dma_semaphore, #tpu.memory_space<semaphore_mem>>
    %dma_wait3A_125 = arith.constant 0 : i32
    %dma_wait3A_126 = tpu.memref_slice %arg4[%add3A_119, %dma_wait3A_125] : memref<16384x2048xf32, #tpu.memory_space<hbm>> -> memref<4x2048xf32, #tpu.memory_space<hbm>>
    tpu.wait_dma2 semaphore(%dma_wait3A_124 : memref<!tpu.dma_semaphore, #tpu.memory_space<semaphore_mem>>) src(%arg8 : memref<4x2048xf32, #tpu.memory_space<vmem>>) dst(%dma_wait3A_126 : memref<4x2048xf32, #tpu.memory_space<hbm>>)
    %add3A_127 = arith.constant 496 : i32
    %add3A_128 = arith.addi %mul3A_2, %add3A_127 : i32
    %dma_wait3A_129 = arith.constant 4 : i32
    %dma_wait3A_130 = arith.constant 0 : i32
    %dma_wait3A_131 = tpu.memref_slice %arg4[%add3A_128, %dma_wait3A_130] : memref<16384x2048xf32, #tpu.memory_space<hbm>> -> memref<4x2048xf32, #tpu.memory_space<hbm>>
    %dma_wait3A_132 = tpu.memref_slice %arg15[%dma_wait3A_129] : memref<8x!tpu.dma_semaphore, #tpu.memory_space<semaphore_mem>> -> memref<1x!tpu.dma_semaphore, #tpu.memory_space<semaphore_mem>>
    %dma_wait3A_133 = tpu.memref_squeeze %dma_wait3A_132 : memref<1x!tpu.dma_semaphore, #tpu.memory_space<semaphore_mem>> -> memref<!tpu.dma_semaphore, #tpu.memory_space<semaphore_mem>>
    %dma_wait3A_134 = arith.constant 0 : i32
    %dma_wait3A_135 = tpu.memref_slice %arg4[%add3A_128, %dma_wait3A_134] : memref<16384x2048xf32, #tpu.memory_space<hbm>> -> memref<4x2048xf32, #tpu.memory_space<hbm>>
    tpu.wait_dma2 semaphore(%dma_wait3A_133 : memref<!tpu.dma_semaphore, #tpu.memory_space<semaphore_mem>>) src(%arg9 : memref<4x2048xf32, #tpu.memory_space<vmem>>) dst(%dma_wait3A_135 : memref<4x2048xf32, #tpu.memory_space<hbm>>)
    %add3A_136 = arith.constant 500 : i32
    %add3A_137 = arith.addi %mul3A_2, %add3A_136 : i32
    %dma_wait3A_138 = arith.constant 5 : i32
    %dma_wait3A_139 = arith.constant 0 : i32
    %dma_wait3A_140 = tpu.memref_slice %arg4[%add3A_137, %dma_wait3A_139] : memref<16384x2048xf32, #tpu.memory_space<hbm>> -> memref<4x2048xf32, #tpu.memory_space<hbm>>
    %dma_wait3A_141 = tpu.memref_slice %arg15[%dma_wait3A_138] : memref<8x!tpu.dma_semaphore, #tpu.memory_space<semaphore_mem>> -> memref<1x!tpu.dma_semaphore, #tpu.memory_space<semaphore_mem>>
    %dma_wait3A_142 = tpu.memref_squeeze %dma_wait3A_141 : memref<1x!tpu.dma_semaphore, #tpu.memory_space<semaphore_mem>> -> memref<!tpu.dma_semaphore, #tpu.memory_space<semaphore_mem>>
    %dma_wait3A_143 = arith.constant 0 : i32
    %dma_wait3A_144 = tpu.memref_slice %arg4[%add3A_137, %dma_wait3A_143] : memref<16384x2048xf32, #tpu.memory_space<hbm>> -> memref<4x2048xf32, #tpu.memory_space<hbm>>
    tpu.wait_dma2 semaphore(%dma_wait3A_142 : memref<!tpu.dma_semaphore, #tpu.memory_space<semaphore_mem>>) src(%arg10 : memref<4x2048xf32, #tpu.memory_space<vmem>>) dst(%dma_wait3A_144 : memref<4x2048xf32, #tpu.memory_space<hbm>>)
    %add3A_145 = arith.constant 504 : i32
    %add3A_146 = arith.addi %mul3A_2, %add3A_145 : i32
    %dma_wait3A_147 = arith.constant 6 : i32
    %dma_wait3A_148 = arith.constant 0 : i32
    %dma_wait3A_149 = tpu.memref_slice %arg4[%add3A_146, %dma_wait3A_148] : memref<16384x2048xf32, #tpu.memory_space<hbm>> -> memref<4x2048xf32, #tpu.memory_space<hbm>>
    %dma_wait3A_150 = tpu.memref_slice %arg15[%dma_wait3A_147] : memref<8x!tpu.dma_semaphore, #tpu.memory_space<semaphore_mem>> -> memref<1x!tpu.dma_semaphore, #tpu.memory_space<semaphore_mem>>
    %dma_wait3A_151 = tpu.memref_squeeze %dma_wait3A_150 : memref<1x!tpu.dma_semaphore, #tpu.memory_space<semaphore_mem>> -> memref<!tpu.dma_semaphore, #tpu.memory_space<semaphore_mem>>
    %dma_wait3A_152 = arith.constant 0 : i32
    %dma_wait3A_153 = tpu.memref_slice %arg4[%add3A_146, %dma_wait3A_152] : memref<16384x2048xf32, #tpu.memory_space<hbm>> -> memref<4x2048xf32, #tpu.memory_space<hbm>>
    tpu.wait_dma2 semaphore(%dma_wait3A_151 : memref<!tpu.dma_semaphore, #tpu.memory_space<semaphore_mem>>) src(%arg11 : memref<4x2048xf32, #tpu.memory_space<vmem>>) dst(%dma_wait3A_153 : memref<4x2048xf32, #tpu.memory_space<hbm>>)
    %add3A_154 = arith.constant 508 : i32
    %add3A_155 = arith.addi %mul3A_2, %add3A_154 : i32
    %dma_wait3A_156 = arith.constant 7 : i32
    %dma_wait3A_157 = arith.constant 0 : i32
    %dma_wait3A_158 = tpu.memref_slice %arg4[%add3A_155, %dma_wait3A_157] : memref<16384x2048xf32, #tpu.memory_space<hbm>> -> memref<4x2048xf32, #tpu.memory_space<hbm>>
    %dma_wait3A_159 = tpu.memref_slice %arg15[%dma_wait3A_156] : memref<8x!tpu.dma_semaphore, #tpu.memory_space<semaphore_mem>> -> memref<1x!tpu.dma_semaphore, #tpu.memory_space<semaphore_mem>>
    %dma_wait3A_160 = tpu.memref_squeeze %dma_wait3A_159 : memref<1x!tpu.dma_semaphore, #tpu.memory_space<semaphore_mem>> -> memref<!tpu.dma_semaphore, #tpu.memory_space<semaphore_mem>>
    %dma_wait3A_161 = arith.constant 0 : i32
    %dma_wait3A_162 = tpu.memref_slice %arg4[%add3A_155, %dma_wait3A_161] : memref<16384x2048xf32, #tpu.memory_space<hbm>> -> memref<4x2048xf32, #tpu.memory_space<hbm>>
    tpu.wait_dma2 semaphore(%dma_wait3A_160 : memref<!tpu.dma_semaphore, #tpu.memory_space<semaphore_mem>>) src(%arg12 : memref<4x2048xf32, #tpu.memory_space<vmem>>) dst(%dma_wait3A_162 : memref<4x2048xf32, #tpu.memory_space<hbm>>)
    return
  }
}

</mosaic_0001>

<sc_bundles>
// kernel: kernel.3.cloned.1.call-start
scs
__scs_entry_jumppad:
0x0: {  	(pc) =	sbr.rel $0x88, $3  }
0x1: {  	(tag) =	ssettag $0x0;
	lr =	simm.s32 $0x1  }
0x2: {  	[smem:$0x3F9F] =	sst lr;
	_ =	strace $0xD0000000  }
0x3: {  	_ = 	snop  }
0x4: {  	_ = 	snop  }
0x5: {  	_ = 	snop  }
0x6: {  	_ = 	snop  }
0x7: {  	_ = 	snop  }
__scs_overlays_trampoline_lowered:
0x8: {  	[smem:$0x3FAE] =	sst s0  }
0x9: {  	[smem:$0x3FAF] =	sst s1  }
0xa: {  	[smem:$0x3FB0] =	sst s2  }
0xb: {  	[smem:$0x3FB1] =	sst s3  }
0xc: {  	[smem:$0x3FB2] =	sst s4  }
0xd: {  	[smem:$0x3FB3] =	sst s5  }
0xe: {  	[smem:$0x3FB4] =	sst s6  }
0xf: {  	[smem:$0x3FB5] =	sst s7  }
0x10: {  	[smem:$0x3FB6] =	sst s8  }
0x11: {  	[smem:$0x3FB7] =	sst s9;
	s0 =	simm.s32 @!p0 $0x0  }
0x12: {  	s1 =	sld [smem:$0x3F9D];
	s0 =	simm.s32 @p0 $0x1  }
0x13: {  	[smem:$0x3FB8] =	sst s0;
	s0 =	simm.s32 @!p1 $0x0  }
0x14: {  	s2 =	sld [smem:$0x3F9C];
	s0 =	simm.s32 @p1 $0x1  }
0x15: {  	[smem:$0x3FB9] =	sst s0;
	s0 =	simm.s32 @!p2 $0x0  }
0x16: {  	s3 =	sld [smem:$0x3FDB];
	s0 =	simm.s32 @p2 $0x1  }
0x17: {  	s4 =	simm.s32 $0x1BF5;
	[smem:$0x3FBB] =	sst s0  }
0x18: {  	s0 =	sld [smem:$0x3F9E];
	_ =	swait.ge [sflag:s4], $0x0  }
0x19: {  	s7 =	sld [smem:$0x3F9F]  }
0x1a: {  	s8 =	sadd.s32 $0xFFFFE003, lr  }
0x1b: {  	s9 =	sadd.s32 $0xFFFFFEF7, lr;
	s5 =	simm.s32 $0xFFFFFFFF;
	p2 =	slt.u32 s8, $0xFFFFF086  }
0x1c: {  	p1 =	slt.u32 s9, $0xF7A;
	s5 =	simm.s32 @!p2 $0x0  }
0x1d: {  	s5 =	simm.s32 @p1 $0x1;
	p0 =	seq.s32 s7, s2  }
0x1e: {  	s7 =	smul.u32 @!p0 $0xF7A, s2;
	p2 =	seq.s32 @!p0 s5, $0x0  }
0x1f: {  	s9 =	smul.u32 $0xF7A, s1;
	s8 =	simm.s32 @!p0 $0x1BF5;
	p2 =	por !p2, p0  }
0x20: {  	[sflag:s8] =	ssyncset.s32 @!p0 $0xFFFFF086;
	s6 =	sadd.s32 @!p0 s3, s7;
	s7 =	simm.s32 @!p0 $0x108  }
0x21: {  	s3 =	sadd.s32 s3, s9;
	s6 =	sadd.s32 @!p0 $0x88, s6;
	s7 =	simm.s32 @p2 $0x1082  }
0x22: {  	[simem:s7], [sflag:s8] =	dma.local @!p0 [hbm:s6], $0xF7A  }
0x23: {  	s9 =	sor.u32 $0xD0000000, s2;
	s6 =	simm.s32 $0x108;
	_ =	swait.ge @!p0 [sflag:s8], $0x0  }
0x24: {  	s3 =	sadd.s32 $0x88, s3;
	s6 =	simm.s32 @!p1 $0x1082;
	[sflag:s4] =	ssyncset.s32 $0xFFFFF086  }
0x25: {  	[simem:s6], [sflag:s4] =	dma.local [hbm:s3], $0xF7A  }
0x26: {  	[smem:$0x3F9F] =	sst s1;
	(tag) =	ssettag s2;
	_ =	strace s9  }
0x27: {  	s1 =	sld [smem:$0x3FAF]  }
0x28: {  	s2 =	sld [smem:$0x3FB0]  }
0x29: {  	s4 =	sld [smem:$0x3FB2]  }
0x2a: {  	p0 =	seq.s32 s5, $0x0;
	s5 =	sld [smem:$0x3FB3]  }
0x2b: {  	s6 =	sld [smem:$0x3FB4]  }
0x2c: {  	s7 =	sld [smem:$0x3FB5]  }
0x2d: {  	s3 =	simm.s32 $0x108;
	s8 =	sld [smem:$0x3FB6]  }
0x2e: {  	s3 =	simm.s32 @!p0 $0x1082;
	s9 =	sld [smem:$0x3FB7]  }
0x2f: {  	lr =	sadd.s32 s0, s3;
	s0 =	sld [smem:$0x3FAE]  }
0x30: {  	s3 =	sld [smem:$0x3FB1]  }
0x31: {  	[smem:$0x3FBA] =	sst s10  }
0x32: {  	s10 =	sld [smem:$0x3FB8];
	_ =	sdelay $0x3  }
0x33: {  	p0 =	seq.s32 s10, $0x1;
	s10 =	sld [smem:$0x3FBA];
	_ =	sdelay $0x3  }
0x34: {  	[smem:$0x3FBA] =	sst s10  }
0x35: {  	s10 =	sld [smem:$0x3FB9];
	_ =	sdelay $0x3  }
0x36: {  	p1 =	seq.s32 s10, $0x1;
	s10 =	sld [smem:$0x3FBA];
	_ =	sdelay $0x3  }
0x37: {  	[smem:$0x3FBA] =	sst s10  }
0x38: {  	s10 =	sld [smem:$0x3FBB]  }
0x39: {  	_ = 	snop;
	(pc) =	sbr.ind lr, $3  }
0x3a: {  	_ = 	snop  }
0x3b: {  	_ = 	snop  }
0x3c: {  	p2 =	seq.s32 s10, $0x1;
	s10 =	sld [smem:$0x3FBA]  }
0x3d: {  	_ =	shalt  }
0x3e: {  	_ =	shalt  }
0x3f: {  	_ =	shalt  }
0x40: {  	_ =	shalt  }
0x41: {  	_ =	shalt  }
0x42: {  	_ =	shalt  }
0x43: {  	_ =	shalt  }
0x44: {  	_ =	shalt  }
0x45: {  	_ =	shalt  }
0x46: {  	_ =	shalt  }
0x47: {  	_ =	shalt  }
0x48: {  	_ =	shalt  }
0x49: {  	_ =	shalt  }
0x4a: {  	_ =	shalt  }
0x4b: {  	_ =	shalt  }
0x4c: {  	_ =	shalt  }
0x4d: {  	_ =	shalt  }
0x4e: {  	_ =	shalt  }
0x4f: {  	_ =	shalt  }
0x50: {  	_ =	shalt  }
0x51: {  	_ =	shalt  }
0x52: {  	_ =	shalt  }
0x53: {  	_ =	shalt  }
0x54: {  	_ =	shalt  }
0x55: {  	_ =	shalt  }
0x56: {  	_ =	shalt  }
0x57: {  	_ =	shalt  }
0x58: {  	_ =	shalt  }
0x59: {  	_ =	shalt  }
0x5a: {  	_ =	shalt  }
0x5b: {  	_ =	shalt  }
0x5c: {  	_ =	shalt  }
0x5d: {  	_ =	shalt  }
0x5e: {  	_ =	shalt  }
0x5f: {  	_ =	shalt  }
0x60: {  	_ =	shalt  }
0x61: {  	_ =	shalt  }
0x62: {  	_ =	shalt  }
0x63: {  	_ =	shalt  }
0x64: {  	_ =	shalt  }
0x65: {  	_ =	shalt  }
0x66: {  	_ =	shalt  }
0x67: {  	_ =	shalt  }
0x68: {  	_ =	shalt  }
0x69: {  	_ =	shalt  }
0x6a: {  	_ =	shalt  }
0x6b: {  	_ =	shalt  }
0x6c: {  	_ =	shalt  }
0x6d: {  	_ =	shalt  }
0x6e: {  	_ =	shalt  }
0x6f: {  	_ =	shalt  }
0x70: {  	_ =	shalt  }
0x71: {  	_ =	shalt  }
0x72: {  	_ =	shalt  }
0x73: {  	_ =	shalt  }
0x74: {  	_ =	shalt  }
0x75: {  	_ =	shalt  }
0x76: {  	_ =	shalt  }
0x77: {  	_ =	shalt  }
0x78: {  	_ =	shalt  }
0x79: {  	_ =	shalt  }
0x7a: {  	_ =	shalt  }
0x7b: {  	_ =	shalt  }
0x7c: {  	_ =	shalt  }
0x7d: {  	_ =	shalt  }
0x7e: {  	_ =	shalt  }
0x7f: {  	_ =	shalt  }
0x80: {  	_ =	shalt  }
0x81: {  	_ =	shalt  }
0x82: {  	_ =	shalt  }
0x83: {  	_ =	shalt  }
0x84: {  	_ =	shalt  }
0x85: {  	_ =	shalt  }
0x86: {  	_ =	shalt  }
0x87: {  	_ =	shalt  }
.Lfunc_end0:
.L_simem_size_0:
called_computation_lowered:
.L_overlay_start_0:
0x88: {  	s2 =	sld [smem:$0x3FD9]  }
0x89: {  	s3 =	sld [smem:$0x3FFE];
	_ =	sdelay $0x1  }
0x8a: {  	s1 =	srdreg.scid  }
0x8b: {  	s0 =	sand.u32 $0x1, s1  }
0x8c: {  	s18 =	sshll.u32 s0, $0xA;
	s2 =	sadd.s32 s3, s2  }
0x8d: {  	s2 =	sadd.s32 s2, s18  }
0x8e: {  	[smem:$0x3FC6] =	sst s2  }
0x8f: {  	_ = 	snop  }
0x90: {  	s2 =	sld [smem:$0x3FC9]  }
0x91: {  	s19 =	sld [smem:$0x3FC8]  }
0x92: {  	s4 =	sld [smem:$0x3FD0];
	(tm) =	ssettm $0x1  }
0x93: {  	s5 =	sld [smem:$0x3FFB];
	_ =	sdelay $0x3  }
0x94: {  	_ =	strace s5  }
0x95: {  	s5 =	sld [smem:$0x3FFC];
	_ =	sdelay $0x3  }
0x96: {  	_ =	strace s5  }
0x97: {  	s5 =	sld [smem:$0x3FFD];
	_ =	sdelay $0x3  }
0x98: {  	_ =	strace s5  }
0x99: {  	_ =	strace $0x8FFFFFFF  }
0x9a: {  	s20 =	sld [smem:$0x3FDB];
	_ =	sdelay $0x1  }
0x9b: {  	s6 =	simm.s32 $_scs_section_size  }
0x9c: {  	s7 =	simm.s32 $_size__tile_overlayer_lowered;
	s8 =	simm.s32 $_tile_overlayer_lowered  }
0x9d: {  	s23 =	simm.s32 $0x1BFF;
	s22 =	sshll.u32 s8, $0x1;
	s5 =	sadd.s32 s6, s20  }
0x9e: {  	s9 =	simm.s32 $0x0;
	s21 =	sshll.u32 s7, $0x1;
	s7 =	sadd.s32 s22, s5  }
0x9f: {  	[timem:s9], [sflag:s23] =	dma.local [hbm:s7], s21  }
0xa0: {  	_ =	swait.ge [sflag:s23], s21  }
0xa1: {  	s6 =	ssub.s32 $0x0, s21;
	[sflag:s23] =	ssyncset.done $0x0  }
0xa2: {  	[sflag:s23] =	ssyncadd.s32 s6;
	_ =	sdelay $0x1  }
0xa3: {  	s24 =	simm.s32 $0x1B8B  }
0xa4: {  	_ =	swait.ge [sflag:s24], $0x1  }
0xa5: {  	[sflag:s24] =	ssyncset.done $0x0  }
0xa6: {  	s25 =	simm.s32 $0x1B8E;
	[sflag:s24] =	ssyncadd.s32 $0xFFFFFFFF  }
0xa7: {  	s26 =	simm.s32 $execute0_lowered;
	[smem:$0x3FD2] =	sst s25  }
0xa8: {  	s6 =	sshll.u32 s26, $0x1;
	_ =	strace $0x80000046;
	[dreg:$0x1] =	wrdreg $0xFFFFFFFF  }
0xa9: {  	s28 =	simm.s32 $_size_execute0_lowered;
	s5 =	sadd.s32 s5, s6;
	[dreg:$0x0] =	wrdreg $0x0  }
0xaa: {  	s6 =	sshll.u32 s28, $0x1;
	[dreg:$0x2] =	wrdreg s5  }
0xab: {  	[dreg:$0x3] =	wrdreg s6  }
0xac: {  	[dreg:$0x4] =	wrdreg $0xC0  }
0xad: {  	_ =	task [dreg:s9], $0x5FFFF  }
0xae: {  	[dreg:$0x1] =	wrdreg $0xFFFFFFFF  }
0xaf: {  	[dreg:$0x0] =	wrdreg $0x60  }
0xb0: {  	[dreg:$0x2] =	wrdreg s2  }
0xb1: {  	[dreg:$0x3] =	wrdreg s19  }
0xb2: {  	[dreg:$0x4] =	wrdreg s4  }
0xb3: {  	[dreg:$0x5] =	wrdreg $0x9  }
0xb4: {  	_ =	task.clear_ibuf [dreg:s9], $0x6FFFF;
	_ =	strace $0x90000046  }
0xb5: {  	s29 =	simm.s32 $0x9;
	_ =	strace $0x80000048  }
0xb6: {  	_ =	swait.ge [sflag:s29], $0x1  }
0xb7: {  	[sflag:s29] =	ssyncadd.s32 $0xFFFFFFFF  }
0xb8: {  	_ =	strace $0x90000048  }
0xb9: {  	_ =	sfence  }
0xba: {  	s30 =	sld [smem:$0x0];
	_ =	sdelay $0x2  }
0xbb: {  	s31 =	sshll.u32 s1, $0xD;
	s1 =	sshrl.u32 s1, $0x2  }
0xbc: {  	s3 =	sand.u32 $0x4000, s31;
	s1 =	sadd.s32 s1, s30  }
0xbd: {  	s0 =	sor.u32 s3, s0;
	s1 =	sshll.u32 s1, $0x11  }
0xbe: {  	s0 =	sor.u32 s1, s0  }
0xbf: {  	s0 =	sadd.s32 $0x8F2B, s0  }
0xc0: {  	[sflag:s0] =	ssyncadd.remote.s32 $0x1  }
0xc1: {  	_ =	sfence.sel $0xFFFF  }
0xc2: {  	[dreg:$0x0] =	wrdreg $0xFFFFFFFF;
	(pc) =	sbr.abs _section_cstart, $3  }
0xc3: {  	[dreg:$0x1] =	wrdreg $0xFFFFFFFF  }
0xc4: {  	_ =	task.clear_ibuf [dreg:s9], $0x2FFFF;
	_ =	strace $0x9FFFFFFF  }
0xc5: {  	(tm) =	ssettm $0x7FFFFFFF  }
tec
execute0_lowered:
.L_overlay_start_1:
0x0: {  	(tag) =	ssettag $0x1  }
0x1: {  	s0 =	rddreg [dreg:$0x0]  }
0x2: {  	s1 =	rddreg [dreg:$0x2];
	s2 =	srdreg.scid;
	s3 =	simm.s32 $0x0  }
0x3: {  	s5 =	stileid.u32;
	s16 =	simm.s32 $0x200;
	s17 =	simm.s32 $0x400  }
0x4: {  	s18 =	simm.s32 $0x2000;
	s19 =	simm.s32 $0x4000;
	s20 =	simm.s32 $0x6000  }
0x5: {  	s21 =	simm.s32 $0x8000;
	s28 =	simm.s32 $0x3;
	s29 =	simm.s32 $0x4  }
0x6: {  	s30 =	simm.s32 $0x5;
	s31 =	simm.s32 $0x6;
	s9 =	simm.s32 $0xF  }
0x7: {  	s10 =	simm.s32 $0x10;
	s2 =	sand.u32 $0x1, s2;
	s5 =	sshll.u32 s5, $0x12  }
0x8: {  	[smem:$0x7FF] =	sst s3;
	s4 =	ssub.s32 $0x2, s2;
	s2 =	sshll.u32 s2, $0x11  }
0x9: {  	s11 =	simm.s32 $0x0;
	_ =	strace $0x80000047;
	s7 =	sor.u32 s2, s5  }
0xa: {  	s1 =	sadd.s32 s5, s1;
	s6 =	sshrl.u32 s4, $0x1;
	s22 =	sadd.s32 s0, s7  }
0xb: {  	s12 =	sadd.s32 s2, s1;
	s7 =	sadd.s32 $0x40, s22;
	[dreg:$0x4] =	wrdreg s22  }
0xc: {  	s4 =	ssub.s32 s4, s6;
	s23 =	sadd.s32 $0x800, s22;
	[dreg:$0x5] =	wrdreg s7  }
0xd: {  	s0 =	sadd.s32 s5, s0;
	s24 =	sadd.s32 $0x840, s22;
	[dreg:$0x6] =	wrdreg s23  }
0xe: {  	s25 =	sadd.s32 $0x1000, s22;
	s26 =	sadd.s32 $0x1040, s22;
	[dreg:$0x7] =	wrdreg s24  }
.Ltmp0:
0xf: {  	s6 =	sadd.s32 $0x1800, s22;
	[dreg:$0x8] =	wrdreg s25;
	(pc) =	sbr.rel .LBB2_1-.Ltmp0, $4  }
0x10: {  	s4 =	smax.u32 s4, $0x1;
	s13 =	sadd.s32 s2, s0;
	[dreg:$0x9] =	wrdreg s26  }
0x11: {  	s22 =	simm.s32 $0xA000;
	s0 =	simm.s32 $0x7;
	[dreg:$0xa] =	wrdreg s6  }
0x12: {  	s2 =	simm.s32 $0x8;
	[dreg:$0xb] =	wrdreg s4;
	s23 =	simm.s32 $0xC000  }
0x13: {  	v0 =	vimm.f32 $0.0e+00;
	s24 =	simm.s32 $0x1;
	s25 =	simm.s32 $0xE000;
	s26 =	simm.s32 $0x2  }
.LBB2_4:
0x14: {  	s1 =	simm.s32 $0x9  }
0x15: {  	_ =	swait.ge [sflag:s1], $0x2000  }
0x16: {  	[sflag:s1] =	ssyncset.done $0x0  }
0x17: {  	s5 =	simm.s32 $0xA;
	[sflag:s1] =	ssyncadd.s32 $0xFFFFE000  }
0x18: {  	_ =	swait.ge [sflag:s5], $0x2000  }
0x19: {  	[sflag:s5] =	ssyncset.done $0x0  }
0x1a: {  	s6 =	simm.s32 $0xB;
	[sflag:s5] =	ssyncadd.s32 $0xFFFFE000  }
0x1b: {  	_ =	swait.ge [sflag:s6], $0x2000  }
0x1c: {  	[sflag:s6] =	ssyncset.done $0x0  }
0x1d: {  	s7 =	simm.s32 $0xC;
	[sflag:s6] =	ssyncadd.s32 $0xFFFFE000  }
0x1e: {  	_ =	swait.ge [sflag:s7], $0x2000  }
0x1f: {  	[sflag:s7] =	ssyncset.done $0x0  }
0x20: {  	s8 =	simm.s32 $0xD;
	[sflag:s7] =	ssyncadd.s32 $0xFFFFE000  }
0x21: {  	_ =	swait.ge [sflag:s8], $0x2000  }
0x22: {  	[sflag:s8] =	ssyncset.done $0x0  }
0x23: {  	s14 =	simm.s32 $0xE;
	[sflag:s8] =	ssyncadd.s32 $0xFFFFE000  }
0x24: {  	_ =	swait.ge [sflag:s14], $0x2000  }
0x25: {  	[sflag:s14] =	ssyncset.done $0x0  }
0x26: {  	[sflag:s14] =	ssyncadd.s32 $0xFFFFE000  }
0x27: {  	_ =	swait.ge [sflag:s9], $0x2000  }
0x28: {  	[sflag:s9] =	ssyncset.done $0x0  }
0x29: {  	[sflag:s9] =	ssyncadd.s32 $0xFFFFE000  }
0x2a: {  	_ =	swait.ge [sflag:s10], $0x2000  }
0x2b: {  	s11 =	sadd.s32 $0x1, s11;
	s15 =	rddreg [dreg:$0xb]  }
0x2c: {  	p0 =	sne.s32 s11, s15  }
.Ltmp1:
0x2d: {  	_ = 	snop;
	(pc) =	sbr.rel @!p0 .LBB2_5-.Ltmp1, $3  }
0x2e: {  	_ =	sdelay $0x1  }
0x2f: {  	[sflag:s10] =	ssyncset.done $0x0  }
0x30: {  	[sflag:s10] =	ssyncadd.s32 $0xFFFFE000  }
.LBB2_1:
0x31: {  	s1 =	rddreg [dreg:$0x1];
	s4 =	simm.s32 $0x10000;
	s15 =	simm.s32 $0x11  }
0x32: {  	[tilespmem:s4], [sflag:$0x11] =	stream.linear.gather [hbm4b:s1+s3], $0x80, $0x38;
	[tilespmem:$0x10080] =	vst v63  }
0x33: {  	_ =	swait.ge [sflag:s15], $0x80  }
0x34: {  	[sflag:s15] =	ssyncset.done $0x0  }
0x35: {  	[sflag:s15] =	ssyncadd.s32 $0xFFFFFF80  }
0x36: {  	v1 =	vld [tilespmem:$0x10000]  }
0x37: {  	v2 =	vld [tilespmem:$0x10010]  }
0x38: {  	v4 =	vld [tilespmem:$0x10030];
	_ =	sdelay $0x2  }
0x39: {  	v3 =	vld [tilespmem:$0x10020]  }
0x3a: {  	v8 =	vld [tilespmem:$0x10050];
	v6 =	vand.u32 $0x7F, v1;
	v1 =	vshll.u32 v1, $0x2  }
0x3b: {  	v7 =	vshll.u32 v2, $0x2;
	v2 =	vand.u32 $0x7F, v2;
	v10 =	vshll.u32 v4, $0x2  }
0x3c: {  	v5 =	vld [tilespmem:$0x10040];
	v4 =	vand.u32 $0x7F, v4;
	v1 =	vand.u32 $0xFFFFFE00, v1;
	v7 =	vand.u32 $0xFFFFFE00, v7  }
0x3d: {  	v10 =	vand.u32 $0xFFFFFE00, v10;
	v1 =	vor.u32 v6, v1;
	v2 =	vor.u32 v2, v7  }
0x3e: {  	v7 =	vand.u32 $0x7F, v3;
	v3 =	vshll.u32 v3, $0x2;
	v4 =	vor.u32 v4, v10  }
0x3f: {  	s4 =	rddreg [dreg:$0x4];
	v9 =	vld [tilespmem:$0x10060];
	v10 =	vshll.u32 v8, $0x2;
	v3 =	vand.u32 $0xFFFFFE00, v3;
	v17 =	vor.u32 $0x100, v1  }
0x40: {  	v6 =	vld [tilespmem:$0x10070];
	[tilespmem:s3], [sflag:$0x1] =	stream.strided.gather [hbm4b:s4+s16], $0x2000, s17, s16, $0x38;
	v18 =	vor.u32 $0x100, v2;
	v20 =	vor.u32 $0x100, v4;
	v25 =	vor.u32 $0x180, v1  }
0x41: {  	s5 =	rddreg [dreg:$0x5];
	v26 =	vor.u32 $0x180, v2;
	v3 =	vor.u32 v7, v3;
	v7 =	vshll.u32 v5, $0x2  }
0x42: {  	v28 =	vor.u32 $0x180, v4;
	[tilespmem:s18], [sflag:$0x2] =	stream.strided.gather [hbm4b:s5+s16], $0x2000, s17, s16, $0x38;
	v5 =	vand.u32 $0x7F, v5;
	v7 =	vand.u32 $0xFFFFFE00, v7;
	[tilespmem:$0x10080] =	vst v63  }
0x43: {  	s6 =	rddreg [dreg:$0x6];
	v19 =	vor.u32 $0x100, v3;
	v5 =	vor.u32 v5, v7;
	v7 =	vand.u32 $0x7F, v8  }
0x44: {  	v8 =	vand.u32 $0xFFFFFE00, v10;
	[tilespmem:s19], [sflag:$0x3] =	stream.strided.gather [hbm4b:s6+s16], $0x2000, s17, s16, $0x38;
	v10 =	vand.u32 $0x7F, v9;
	v9 =	vshll.u32 v9, $0x2;
	[tilespmem:$0x10080] =	vst v63  }
0x45: {  	s7 =	rddreg [dreg:$0x7];
	v27 =	vor.u32 $0x180, v3;
	v11 =	vshll.u32 v6, $0x2;
	v9 =	vand.u32 $0xFFFFFE00, v9  }
0x46: {  	v12 =	vand.u32 $0x7F, v6;
	v6 =	vor.u32 v7, v8;
	v13 =	vor.u32 $0x80, v5;
	[tilespmem:s20], [sflag:$0x4] =	stream.strided.gather [hbm4b:s7+s16], $0x2000, s17, s16, $0x38;
	[tilespmem:$0x10080] =	vst v63  }
0x47: {  	s8 =	rddreg [dreg:$0x8];
	v21 =	vor.u32 $0x100, v5;
	v29 =	vor.u32 $0x180, v5;
	v11 =	vand.u32 $0xFFFFFE00, v11  }
0x48: {  	v7 =	vor.u32 v10, v9;
	v9 =	vor.u32 $0x80, v1;
	v10 =	vor.u32 $0x80, v2;
	[tilespmem:s21], [sflag:$0x5] =	stream.strided.gather [hbm4b:s8+s16], $0x2000, s17, s16, $0x38;
	[tilespmem:$0x10080] =	vst v63  }
0x49: {  	s14 =	rddreg [dreg:$0x9];
	v14 =	vor.u32 $0x80, v6;
	v22 =	vor.u32 $0x100, v6;
	v30 =	vor.u32 $0x180, v6  }
0x4a: {  	v8 =	vor.u32 v12, v11;
	v11 =	vor.u32 $0x80, v3;
	v12 =	vor.u32 $0x80, v4;
	[tilespmem:s22], [sflag:$0x6] =	stream.strided.gather [hbm4b:s14+s16], $0x2000, s17, s16, $0x38;
	[tilespmem:$0x10080] =	vst v63  }
0x4b: {  	s15 =	rddreg [dreg:$0xa];
	s4 =	simm.s32 $0x0;
	v15 =	vor.u32 $0x80, v7;
	v23 =	vor.u32 $0x100, v7;
	v31 =	vor.u32 $0x180, v7  }
0x4c: {  	v16 =	vor.u32 $0x80, v8;
	v24 =	vor.u32 $0x100, v8;
	v32 =	vor.u32 $0x180, v8;
	[tilespmem:s23], [sflag:$0x7] =	stream.strided.gather [hbm4b:s15+s16], $0x2000, s17, s16, $0x38;
	[tilespmem:$0x10080] =	vst v63  }
.LBB2_2:
0x4d: {  	_ = 	snop  }
0x4e: {  	_ =	swait.ge [sflag:s24], $0x2000  }
0x4f: {  	[sflag:s24] =	ssyncset.done $0x0  }
0x50: {  	[sflag:s24] =	ssyncadd.s32 $0xFFFFE000  }
0x51: {  	v33 =	vld.idx.msk [tilespmem:v1+s3+$0x0], $0xffff;
	_ =	sdelay $0x4  }
0x52: {  	vm0 =	vge.f32 v33, $0.0e+00  }
0x53: {  	v33 =	vsel vm0, $0x3F800000, v0  }
0x54: {  	[tilespmem:v1+s3+$0x0] =	vst.idx.msk $0xffff, v33  }
0x55: {  	v33 =	vld.idx.msk [tilespmem:v2+s3+$0x0], $0xffff;
	_ =	sdelay $0x4  }
0x56: {  	vm13 =	vge.f32 v33, $0.0e+00  }
0x57: {  	v33 =	vsel vm13, $0x3F800000, v0  }
0x58: {  	[tilespmem:v2+s3+$0x0] =	vst.idx.msk $0xffff, v33  }
0x59: {  	v33 =	vld.idx.msk [tilespmem:v3+s3+$0x0], $0xffff;
	_ =	sdelay $0x4  }
0x5a: {  	vm14 =	vge.f32 v33, $0.0e+00  }
0x5b: {  	v33 =	vsel vm14, $0x3F800000, v0  }
0x5c: {  	[tilespmem:v3+s3+$0x0] =	vst.idx.msk $0xffff, v33  }
0x5d: {  	v33 =	vld.idx.msk [tilespmem:v4+s3+$0x0], $0xffff;
	_ =	sdelay $0x4  }
0x5e: {  	vm15 =	vge.f32 v33, $0.0e+00  }
0x5f: {  	v33 =	vsel vm15, $0x3F800000, v0  }
0x60: {  	[tilespmem:v4+s3+$0x0] =	vst.idx.msk $0xffff, v33  }
0x61: {  	v33 =	vld.idx.msk [tilespmem:v5+s3+$0x0], $0xffff;
	_ =	sdelay $0x4  }
0x62: {  	vm4 =	vge.f32 v33, $0.0e+00  }
0x63: {  	v33 =	vsel vm4, $0x3F800000, v0  }
0x64: {  	[tilespmem:v5+s3+$0x0] =	vst.idx.msk $0xffff, v33  }
0x65: {  	v33 =	vld.idx.msk [tilespmem:v6+s3+$0x0], $0xffff;
	_ =	sdelay $0x4  }
0x66: {  	vm5 =	vge.f32 v33, $0.0e+00  }
0x67: {  	v33 =	vsel vm5, $0x3F800000, v0  }
0x68: {  	[tilespmem:v6+s3+$0x0] =	vst.idx.msk $0xffff, v33  }
0x69: {  	v33 =	vld.idx.msk [tilespmem:v7+s3+$0x0], $0xffff;
	_ =	sdelay $0x4  }
0x6a: {  	vm6 =	vge.f32 v33, $0.0e+00  }
0x6b: {  	v33 =	vsel vm6, $0x3F800000, v0  }
0x6c: {  	[tilespmem:v7+s3+$0x0] =	vst.idx.msk $0xffff, v33  }
0x6d: {  	v33 =	vld.idx.msk [tilespmem:v8+s3+$0x0], $0xffff;
	_ =	sdelay $0x4  }
0x6e: {  	vm7 =	vge.f32 v33, $0.0e+00  }
0x6f: {  	v33 =	vsel vm7, $0x3F800000, v0  }
0x70: {  	[tilespmem:v8+s3+$0x0] =	vst.idx.msk $0xffff, v33  }
0x71: {  	v33 =	vld.idx.msk [tilespmem:v9+s3+$0x0], $0xffff;
	_ =	sdelay $0x4  }
0x72: {  	vm8 =	vge.f32 v33, $0.0e+00  }
0x73: {  	v33 =	vsel vm8, $0x3F800000, v0  }
0x74: {  	[tilespmem:v9+s3+$0x0] =	vst.idx.msk $0xffff, v33  }
0x75: {  	v33 =	vld.idx.msk [tilespmem:v10+s3+$0x0], $0xffff;
	_ =	sdelay $0x4  }
0x76: {  	vm9 =	vge.f32 v33, $0.0e+00  }
0x77: {  	v33 =	vsel vm9, $0x3F800000, v0  }
0x78: {  	[tilespmem:v10+s3+$0x0] =	vst.idx.msk $0xffff, v33  }
0x79: {  	v33 =	vld.idx.msk [tilespmem:v11+s3+$0x0], $0xffff;
	_ =	sdelay $0x4  }
0x7a: {  	vm10 =	vge.f32 v33, $0.0e+00  }
0x7b: {  	v33 =	vsel vm10, $0x3F800000, v0  }
0x7c: {  	[tilespmem:v11+s3+$0x0] =	vst.idx.msk $0xffff, v33  }
0x7d: {  	v33 =	vld.idx.msk [tilespmem:v12+s3+$0x0], $0xffff;
	_ =	sdelay $0x4  }
0x7e: {  	vm11 =	vge.f32 v33, $0.0e+00  }
0x7f: {  	v33 =	vsel vm11, $0x3F800000, v0  }
0x80: {  	[tilespmem:v12+s3+$0x0] =	vst.idx.msk $0xffff, v33  }
0x81: {  	v33 =	vld.idx.msk [tilespmem:v13+s3+$0x0], $0xffff;
	_ =	sdelay $0x4  }
0x82: {  	vm12 =	vge.f32 v33, $0.0e+00  }
0x83: {  	v33 =	vsel vm12, $0x3F800000, v0  }
0x84: {  	[tilespmem:v13+s3+$0x0] =	vst.idx.msk $0xffff, v33  }
0x85: {  	v33 =	vld.idx.msk [tilespmem:v14+s3+$0x0], $0xffff;
	_ =	sdelay $0x4  }
0x86: {  	vm13 =	vge.f32 v33, $0.0e+00  }
0x87: {  	v33 =	vsel vm13, $0x3F800000, v0  }
0x88: {  	[tilespmem:v14+s3+$0x0] =	vst.idx.msk $0xffff, v33  }
0x89: {  	v33 =	vld.idx.msk [tilespmem:v15+s3+$0x0], $0xffff;
	_ =	sdelay $0x4  }
0x8a: {  	vm14 =	vge.f32 v33, $0.0e+00  }
0x8b: {  	v33 =	vsel vm14, $0x3F800000, v0  }
0x8c: {  	[tilespmem:v15+s3+$0x0] =	vst.idx.msk $0xffff, v33  }
0x8d: {  	v33 =	vld.idx.msk [tilespmem:v16+s3+$0x0], $0xffff;
	_ =	sdelay $0x4  }
0x8e: {  	vm15 =	vge.f32 v33, $0.0e+00  }
0x8f: {  	v33 =	vsel vm15, $0x3F800000, v0  }
0x90: {  	[tilespmem:v16+s3+$0x0] =	vst.idx.msk $0xffff, v33  }
0x91: {  	v33 =	vld.idx.msk [tilespmem:v17+s3+$0x0], $0xffff;
	_ =	sdelay $0x4  }
0x92: {  	vm4 =	vge.f32 v33, $0.0e+00  }
0x93: {  	v33 =	vsel vm4, $0x3F800000, v0  }
0x94: {  	[tilespmem:v17+s3+$0x0] =	vst.idx.msk $0xffff, v33  }
0x95: {  	v33 =	vld.idx.msk [tilespmem:v18+s3+$0x0], $0xffff;
	_ =	sdelay $0x4  }
0x96: {  	vm5 =	vge.f32 v33, $0.0e+00  }
0x97: {  	v33 =	vsel vm5, $0x3F800000, v0  }
0x98: {  	[tilespmem:v18+s3+$0x0] =	vst.idx.msk $0xffff, v33  }
0x99: {  	v33 =	vld.idx.msk [tilespmem:v19+s3+$0x0], $0xffff;
	_ =	sdelay $0x4  }
0x9a: {  	vm6 =	vge.f32 v33, $0.0e+00  }
0x9b: {  	v33 =	vsel vm6, $0x3F800000, v0  }
0x9c: {  	[tilespmem:v19+s3+$0x0] =	vst.idx.msk $0xffff, v33  }
0x9d: {  	v33 =	vld.idx.msk [tilespmem:v20+s3+$0x0], $0xffff;
	_ =	sdelay $0x4  }
0x9e: {  	vm7 =	vge.f32 v33, $0.0e+00  }
0x9f: {  	v33 =	vsel vm7, $0x3F800000, v0  }
0xa0: {  	[tilespmem:v20+s3+$0x0] =	vst.idx.msk $0xffff, v33  }
0xa1: {  	v33 =	vld.idx.msk [tilespmem:v21+s3+$0x0], $0xffff;
	_ =	sdelay $0x4  }
0xa2: {  	vm8 =	vge.f32 v33, $0.0e+00  }
0xa3: {  	v33 =	vsel vm8, $0x3F800000, v0  }
0xa4: {  	[tilespmem:v21+s3+$0x0] =	vst.idx.msk $0xffff, v33  }
0xa5: {  	v33 =	vld.idx.msk [tilespmem:v22+s3+$0x0], $0xffff;
	_ =	sdelay $0x4  }
0xa6: {  	vm9 =	vge.f32 v33, $0.0e+00  }
0xa7: {  	v33 =	vsel vm9, $0x3F800000, v0  }
0xa8: {  	[tilespmem:v22+s3+$0x0] =	vst.idx.msk $0xffff, v33  }
0xa9: {  	v33 =	vld.idx.msk [tilespmem:v23+s3+$0x0], $0xffff;
	_ =	sdelay $0x4  }
0xaa: {  	vm10 =	vge.f32 v33, $0.0e+00  }
0xab: {  	v33 =	vsel vm10, $0x3F800000, v0  }
0xac: {  	[tilespmem:v23+s3+$0x0] =	vst.idx.msk $0xffff, v33  }
0xad: {  	v33 =	vld.idx.msk [tilespmem:v24+s3+$0x0], $0xffff;
	_ =	sdelay $0x4  }
0xae: {  	vm11 =	vge.f32 v33, $0.0e+00  }
0xaf: {  	v33 =	vsel vm11, $0x3F800000, v0  }
0xb0: {  	[tilespmem:v24+s3+$0x0] =	vst.idx.msk $0xffff, v33  }
0xb1: {  	v33 =	vld.idx.msk [tilespmem:v25+s3+$0x0], $0xffff;
	_ =	sdelay $0x4  }
0xb2: {  	vm12 =	vge.f32 v33, $0.0e+00  }
0xb3: {  	v33 =	vsel vm12, $0x3F800000, v0  }
0xb4: {  	[tilespmem:v25+s3+$0x0] =	vst.idx.msk $0xffff, v33  }
0xb5: {  	v33 =	vld.idx.msk [tilespmem:v26+s3+$0x0], $0xffff;
	_ =	sdelay $0x4  }
0xb6: {  	vm13 =	vge.f32 v33, $0.0e+00  }
0xb7: {  	v33 =	vsel vm13, $0x3F800000, v0  }
0xb8: {  	[tilespmem:v26+s3+$0x0] =	vst.idx.msk $0xffff, v33  }
0xb9: {  	v33 =	vld.idx.msk [tilespmem:v27+s3+$0x0], $0xffff;
	_ =	sdelay $0x4  }
0xba: {  	vm14 =	vge.f32 v33, $0.0e+00  }
0xbb: {  	v33 =	vsel vm14, $0x3F800000, v0  }
0xbc: {  	[tilespmem:v27+s3+$0x0] =	vst.idx.msk $0xffff, v33  }
0xbd: {  	v33 =	vld.idx.msk [tilespmem:v28+s3+$0x0], $0xffff;
	_ =	sdelay $0x4  }
0xbe: {  	vm15 =	vge.f32 v33, $0.0e+00  }
0xbf: {  	v33 =	vsel vm15, $0x3F800000, v0  }
0xc0: {  	[tilespmem:v28+s3+$0x0] =	vst.idx.msk $0xffff, v33  }
0xc1: {  	v33 =	vld.idx.msk [tilespmem:v29+s3+$0x0], $0xffff;
	_ =	sdelay $0x4  }
0xc2: {  	vm4 =	vge.f32 v33, $0.0e+00  }
0xc3: {  	v33 =	vsel vm4, $0x3F800000, v0  }
0xc4: {  	[tilespmem:v29+s3+$0x0] =	vst.idx.msk $0xffff, v33  }
0xc5: {  	v33 =	vld.idx.msk [tilespmem:v30+s3+$0x0], $0xffff;
	_ =	sdelay $0x4  }
0xc6: {  	vm5 =	vge.f32 v33, $0.0e+00  }
0xc7: {  	v33 =	vsel vm5, $0x3F800000, v0  }
0xc8: {  	[tilespmem:v30+s3+$0x0] =	vst.idx.msk $0xffff, v33  }
0xc9: {  	v33 =	vld.idx.msk [tilespmem:v31+s3+$0x0], $0xffff;
	_ =	sdelay $0x4  }
0xca: {  	vm6 =	vge.f32 v33, $0.0e+00  }
0xcb: {  	v33 =	vsel vm6, $0x3F800000, v0  }
0xcc: {  	[tilespmem:v31+s3+$0x0] =	vst.idx.msk $0xffff, v33  }
0xcd: {  	v33 =	vld.idx.msk [tilespmem:v32+s3+$0x0], $0xffff;
	_ =	sdelay $0x4  }
0xce: {  	vm7 =	vge.f32 v33, $0.0e+00  }
0xcf: {  	p0 =	seq.s32 s4, $0x0;
	v33 =	vsel vm7, $0x3F800000, v0  }
0xd0: {  	s1 =	sadd.s32 s4, s12;
	s5 =	simm.s32 @!p0 $0x10;
	[tilespmem:v32+s3+$0x0] =	vst.idx.msk $0xffff, v33  }
0xd1: {  	[hbm4b:s1+s16] =	stream.strided.scatter [tilespmem:s3], [sflag:$0x9], $0x2000, s17, s16, $0x38;
	[tilespmem:$0x10080] =	vst v63  }
0xd2: {  	_ =	swait.ge @!p0 [sflag:s5], $0x2000  }
0xd3: {  	s15 =	sadd.s32 s4, s13;
	[sflag:s5] =	ssyncset.done @!p0 $0x0  }
0xd4: {  	s6 =	sadd.s32 $0x1840, s15;
	[sflag:s5] =	ssyncadd.s32 @!p0 $0xFFFFE000  }
0xd5: {  	[tilespmem:s25], [sflag:$0x8] =	stream.strided.gather [hbm4b:s6+s16], $0x2000, s17, s16, $0x38;
	[tilespmem:$0x10080] =	vst v63  }
0xd6: {  	_ =	swait.ge [sflag:s26], $0x2000  }
0xd7: {  	[sflag:s26] =	ssyncset.done $0x0  }
0xd8: {  	[sflag:s26] =	ssyncadd.s32 $0xFFFFE000  }
0xd9: {  	v57 =	vld.idx.msk [tilespmem:v1+s18+$0x0], $0xffff;
	_ =	sdelay $0x4  }
0xda: {  	vm8 =	vge.f32 v57, $0.0e+00  }
0xdb: {  	v33 =	vsel vm8, $0x3F800000, v0  }
0xdc: {  	[tilespmem:v1+s18+$0x0] =	vst.idx.msk $0xffff, v33  }
0xdd: {  	v33 =	vld.idx.msk [tilespmem:v2+s18+$0x0], $0xffff;
	_ =	sdelay $0x4  }
0xde: {  	vm9 =	vge.f32 v33, $0.0e+00  }
0xdf: {  	v33 =	vsel vm9, $0x3F800000, v0  }
0xe0: {  	[tilespmem:v2+s18+$0x0] =	vst.idx.msk $0xffff, v33  }
0xe1: {  	v33 =	vld.idx.msk [tilespmem:v3+s18+$0x0], $0xffff;
	_ =	sdelay $0x4  }
0xe2: {  	vm10 =	vge.f32 v33, $0.0e+00  }
0xe3: {  	v33 =	vsel vm10, $0x3F800000, v0  }
0xe4: {  	[tilespmem:v3+s18+$0x0] =	vst.idx.msk $0xffff, v33  }
0xe5: {  	v33 =	vld.idx.msk [tilespmem:v4+s18+$0x0], $0xffff;
	_ =	sdelay $0x4  }
0xe6: {  	vm11 =	vge.f32 v33, $0.0e+00  }
0xe7: {  	v33 =	vsel vm11, $0x3F800000, v0  }
0xe8: {  	[tilespmem:v4+s18+$0x0] =	vst.idx.msk $0xffff, v33  }
0xe9: {  	v33 =	vld.idx.msk [tilespmem:v5+s18+$0x0], $0xffff;
	_ =	sdelay $0x4  }
0xea: {  	vm12 =	vge.f32 v33, $0.0e+00  }
0xeb: {  	v33 =	vsel vm12, $0x3F800000, v0  }
0xec: {  	[tilespmem:v5+s18+$0x0] =	vst.idx.msk $0xffff, v33  }
0xed: {  	v33 =	vld.idx.msk [tilespmem:v6+s18+$0x0], $0xffff;
	_ =	sdelay $0x4  }
0xee: {  	vm13 =	vge.f32 v33, $0.0e+00  }
0xef: {  	v33 =	vsel vm13, $0x3F800000, v0  }
0xf0: {  	[tilespmem:v6+s18+$0x0] =	vst.idx.msk $0xffff, v33  }
0xf1: {  	v33 =	vld.idx.msk [tilespmem:v7+s18+$0x0], $0xffff;
	_ =	sdelay $0x4  }
0xf2: {  	vm14 =	vge.f32 v33, $0.0e+00  }
0xf3: {  	v33 =	vsel vm14, $0x3F800000, v0  }
0xf4: {  	[tilespmem:v7+s18+$0x0] =	vst.idx.msk $0xffff, v33  }
0xf5: {  	v33 =	vld.idx.msk [tilespmem:v8+s18+$0x0], $0xffff;
	_ =	sdelay $0x4  }
0xf6: {  	vm15 =	vge.f32 v33, $0.0e+00  }
0xf7: {  	v33 =	vsel vm15, $0x3F800000, v0  }
0xf8: {  	[tilespmem:v8+s18+$0x0] =	vst.idx.msk $0xffff, v33  }
0xf9: {  	v33 =	vld.idx.msk [tilespmem:v9+s18+$0x0], $0xffff;
	_ =	sdelay $0x4  }
0xfa: {  	vm4 =	vge.f32 v33, $0.0e+00  }
0xfb: {  	v33 =	vsel vm4, $0x3F800000, v0  }
0xfc: {  	[tilespmem:v9+s18+$0x0] =	vst.idx.msk $0xffff, v33  }
0xfd: {  	v33 =	vld.idx.msk [tilespmem:v10+s18+$0x0], $0xffff;
	_ =	sdelay $0x4  }
0xfe: {  	vm5 =	vge.f32 v33, $0.0e+00  }
0xff: {  	v33 =	vsel vm5, $0x3F800000, v0  }
0x100: {  	[tilespmem:v10+s18+$0x0] =	vst.idx.msk $0xffff, v33  }
0x101: {  	v33 =	vld.idx.msk [tilespmem:v11+s18+$0x0], $0xffff;
	_ =	sdelay $0x4  }
0x102: {  	vm6 =	vge.f32 v33, $0.0e+00  }
0x103: {  	v33 =	vsel vm6, $0x3F800000, v0  }
0x104: {  	[tilespmem:v11+s18+$0x0] =	vst.idx.msk $0xffff, v33  }
0x105: {  	v33 =	vld.idx.msk [tilespmem:v12+s18+$0x0], $0xffff;
	_ =	sdelay $0x4  }
0x106: {  	vm7 =	vge.f32 v33, $0.0e+00  }
0x107: {  	v33 =	vsel vm7, $0x3F800000, v0  }
0x108: {  	[tilespmem:v12+s18+$0x0] =	vst.idx.msk $0xffff, v33  }
0x109: {  	v33 =	vld.idx.msk [tilespmem:v13+s18+$0x0], $0xffff;
	_ =	sdelay $0x4  }
0x10a: {  	vm8 =	vge.f32 v33, $0.0e+00  }
0x10b: {  	v33 =	vsel vm8, $0x3F800000, v0  }
0x10c: {  	[tilespmem:v13+s18+$0x0] =	vst.idx.msk $0xffff, v33  }
0x10d: {  	v33 =	vld.idx.msk [tilespmem:v14+s18+$0x0], $0xffff;
	_ =	sdelay $0x4  }
0x10e: {  	vm9 =	vge.f32 v33, $0.0e+00  }
0x10f: {  	v33 =	vsel vm9, $0x3F800000, v0  }
0x110: {  	[tilespmem:v14+s18+$0x0] =	vst.idx.msk $0xffff, v33  }
0x111: {  	v33 =	vld.idx.msk [tilespmem:v15+s18+$0x0], $0xffff;
	_ =	sdelay $0x4  }
0x112: {  	vm10 =	vge.f32 v33, $0.0e+00  }
0x113: {  	v33 =	vsel vm10, $0x3F800000, v0  }
0x114: {  	[tilespmem:v15+s18+$0x0] =	vst.idx.msk $0xffff, v33  }
0x115: {  	v33 =	vld.idx.msk [tilespmem:v16+s18+$0x0], $0xffff;
	_ =	sdelay $0x4  }
0x116: {  	vm11 =	vge.f32 v33, $0.0e+00  }
0x117: {  	v33 =	vsel vm11, $0x3F800000, v0  }
0x118: {  	[tilespmem:v16+s18+$0x0] =	vst.idx.msk $0xffff, v33  }
0x119: {  	v33 =	vld.idx.msk [tilespmem:v17+s18+$0x0], $0xffff;
	_ =	sdelay $0x4  }
0x11a: {  	vm12 =	vge.f32 v33, $0.0e+00  }
0x11b: {  	v33 =	vsel vm12, $0x3F800000, v0  }
0x11c: {  	[tilespmem:v17+s18+$0x0] =	vst.idx.msk $0xffff, v33  }
0x11d: {  	v33 =	vld.idx.msk [tilespmem:v18+s18+$0x0], $0xffff;
	_ =	sdelay $0x4  }
0x11e: {  	vm13 =	vge.f32 v33, $0.0e+00  }
0x11f: {  	v33 =	vsel vm13, $0x3F800000, v0  }
0x120: {  	[tilespmem:v18+s18+$0x0] =	vst.idx.msk $0xffff, v33  }
0x121: {  	v33 =	vld.idx.msk [tilespmem:v19+s18+$0x0], $0xffff;
	_ =	sdelay $0x4  }
0x122: {  	vm14 =	vge.f32 v33, $0.0e+00  }
0x123: {  	v33 =	vsel vm14, $0x3F800000, v0  }
0x124: {  	[tilespmem:v19+s18+$0x0] =	vst.idx.msk $0xffff, v33  }
0x125: {  	v33 =	vld.idx.msk [tilespmem:v20+s18+$0x0], $0xffff;
	_ =	sdelay $0x4  }
0x126: {  	vm15 =	vge.f32 v33, $0.0e+00  }
0x127: {  	v33 =	vsel vm15, $0x3F800000, v0  }
0x128: {  	[tilespmem:v20+s18+$0x0] =	vst.idx.msk $0xffff, v33  }
0x129: {  	v33 =	vld.idx.msk [tilespmem:v21+s18+$0x0], $0xffff;
	_ =	sdelay $0x4  }
0x12a: {  	vm4 =	vge.f32 v33, $0.0e+00  }
0x12b: {  	v33 =	vsel vm4, $0x3F800000, v0  }
0x12c: {  	[tilespmem:v21+s18+$0x0] =	vst.idx.msk $0xffff, v33  }
0x12d: {  	v33 =	vld.idx.msk [tilespmem:v22+s18+$0x0], $0xffff;
	_ =	sdelay $0x4  }
0x12e: {  	vm5 =	vge.f32 v33, $0.0e+00  }
0x12f: {  	v33 =	vsel vm5, $0x3F800000, v0  }
0x130: {  	[tilespmem:v22+s18+$0x0] =	vst.idx.msk $0xffff, v33  }
0x131: {  	v33 =	vld.idx.msk [tilespmem:v23+s18+$0x0], $0xffff;
	_ =	sdelay $0x4  }
0x132: {  	vm6 =	vge.f32 v33, $0.0e+00  }
0x133: {  	v33 =	vsel vm6, $0x3F800000, v0  }
0x134: {  	[tilespmem:v23+s18+$0x0] =	vst.idx.msk $0xffff, v33  }
0x135: {  	v33 =	vld.idx.msk [tilespmem:v24+s18+$0x0], $0xffff;
	_ =	sdelay $0x4  }
0x136: {  	vm7 =	vge.f32 v33, $0.0e+00  }
0x137: {  	v33 =	vsel vm7, $0x3F800000, v0  }
0x138: {  	[tilespmem:v24+s18+$0x0] =	vst.idx.msk $0xffff, v33  }
0x139: {  	v33 =	vld.idx.msk [tilespmem:v25+s18+$0x0], $0xffff;
	_ =	sdelay $0x4  }
0x13a: {  	vm8 =	vge.f32 v33, $0.0e+00  }
0x13b: {  	v33 =	vsel vm8, $0x3F800000, v0  }
0x13c: {  	[tilespmem:v25+s18+$0x0] =	vst.idx.msk $0xffff, v33  }
0x13d: {  	v33 =	vld.idx.msk [tilespmem:v26+s18+$0x0], $0xffff;
	_ =	sdelay $0x4  }
0x13e: {  	vm9 =	vge.f32 v33, $0.0e+00  }
0x13f: {  	v33 =	vsel vm9, $0x3F800000, v0  }
0x140: {  	[tilespmem:v26+s18+$0x0] =	vst.idx.msk $0xffff, v33  }
0x141: {  	v33 =	vld.idx.msk [tilespmem:v27+s18+$0x0], $0xffff;
	_ =	sdelay $0x4  }
0x142: {  	vm10 =	vge.f32 v33, $0.0e+00  }
0x143: {  	v33 =	vsel vm10, $0x3F800000, v0  }
0x144: {  	[tilespmem:v27+s18+$0x0] =	vst.idx.msk $0xffff, v33  }
0x145: {  	v33 =	vld.idx.msk [tilespmem:v28+s18+$0x0], $0xffff;
	_ =	sdelay $0x4  }
0x146: {  	vm11 =	vge.f32 v33, $0.0e+00  }
0x147: {  	v33 =	vsel vm11, $0x3F800000, v0  }
0x148: {  	[tilespmem:v28+s18+$0x0] =	vst.idx.msk $0xffff, v33  }
0x149: {  	v33 =	vld.idx.msk [tilespmem:v29+s18+$0x0], $0xffff;
	_ =	sdelay $0x4  }
0x14a: {  	vm12 =	vge.f32 v33, $0.0e+00  }
0x14b: {  	v33 =	vsel vm12, $0x3F800000, v0  }
0x14c: {  	[tilespmem:v29+s18+$0x0] =	vst.idx.msk $0xffff, v33  }
0x14d: {  	v33 =	vld.idx.msk [tilespmem:v30+s18+$0x0], $0xffff;
	_ =	sdelay $0x4  }
0x14e: {  	vm13 =	vge.f32 v33, $0.0e+00  }
0x14f: {  	v33 =	vsel vm13, $0x3F800000, v0  }
0x150: {  	[tilespmem:v30+s18+$0x0] =	vst.idx.msk $0xffff, v33  }
0x151: {  	v33 =	vld.idx.msk [tilespmem:v31+s18+$0x0], $0xffff;
	_ =	sdelay $0x4  }
0x152: {  	vm14 =	vge.f32 v33, $0.0e+00  }
0x153: {  	v33 =	vsel vm14, $0x3F800000, v0  }
0x154: {  	[tilespmem:v31+s18+$0x0] =	vst.idx.msk $0xffff, v33  }
0x155: {  	v33 =	vld.idx.msk [tilespmem:v32+s18+$0x0], $0xffff;
	_ =	sdelay $0x4  }
0x156: {  	vm15 =	vge.f32 v33, $0.0e+00  }
0x157: {  	p0 =	seq.s32 s4, $0x1E000;
	v33 =	vsel vm15, $0x3F800000, v0  }
0x158: {  	s7 =	sadd.s32 $0x40, s1;
	s5 =	simm.s32 @!p0 $0x9;
	[tilespmem:v32+s18+$0x0] =	vst.idx.msk $0xffff, v33  }
0x159: {  	[hbm4b:s7+s16] =	stream.strided.scatter [tilespmem:s18], [sflag:$0xA], $0x2000, s17, s16, $0x38;
	[tilespmem:$0x10080] =	vst v63  }
0x15a: {  	s14 =	sadd.s32 @!p0 s4, s13;
	_ =	swait.ge @!p0 [sflag:s5], $0x2000  }
0x15b: {  	s6 =	simm.s32 @!p0 $0x400;
	s8 =	simm.s32 @!p0 $0x0;
	[sflag:s5] =	ssyncset.done @!p0 $0x0  }
0x15c: {  	s7 =	sadd.s32 @!p0 $0x2000, s14;
	[sflag:s5] =	ssyncadd.s32 @!p0 $0xFFFFE000;
	s5 =	simm.s32 @!p0 $0x200  }
0x15d: {  	[tilespmem:s8], [sflag:$0x1] =	stream.strided.gather @!p0 [hbm4b:s7+s5], $0x2000, s6, s5, $0x38;
	[tilespmem:$0x10080] =	vst v63  }
0x15e: {  	_ =	swait.ge [sflag:s28], $0x2000  }
0x15f: {  	[sflag:s28] =	ssyncset.done $0x0  }
0x160: {  	[sflag:s28] =	ssyncadd.s32 $0xFFFFE000  }
0x161: {  	v58 =	vld.idx.msk [tilespmem:v1+s19+$0x0], $0xffff;
	_ =	sdelay $0x4  }
0x162: {  	vm4 =	vge.f32 v58, $0.0e+00  }
0x163: {  	v33 =	vsel vm4, $0x3F800000, v0  }
0x164: {  	[tilespmem:v1+s19+$0x0] =	vst.idx.msk $0xffff, v33  }
0x165: {  	v33 =	vld.idx.msk [tilespmem:v2+s19+$0x0], $0xffff;
	_ =	sdelay $0x4  }
0x166: {  	vm5 =	vge.f32 v33, $0.0e+00  }
0x167: {  	v33 =	vsel vm5, $0x3F800000, v0  }
0x168: {  	[tilespmem:v2+s19+$0x0] =	vst.idx.msk $0xffff, v33  }
0x169: {  	v33 =	vld.idx.msk [tilespmem:v3+s19+$0x0], $0xffff;
	_ =	sdelay $0x4  }
0x16a: {  	vm6 =	vge.f32 v33, $0.0e+00  }
0x16b: {  	v33 =	vsel vm6, $0x3F800000, v0  }
0x16c: {  	[tilespmem:v3+s19+$0x0] =	vst.idx.msk $0xffff, v33  }
0x16d: {  	v33 =	vld.idx.msk [tilespmem:v4+s19+$0x0], $0xffff;
	_ =	sdelay $0x4  }
0x16e: {  	vm7 =	vge.f32 v33, $0.0e+00  }
0x16f: {  	v33 =	vsel vm7, $0x3F800000, v0  }
0x170: {  	[tilespmem:v4+s19+$0x0] =	vst.idx.msk $0xffff, v33  }
0x171: {  	v33 =	vld.idx.msk [tilespmem:v5+s19+$0x0], $0xffff;
	_ =	sdelay $0x4  }
0x172: {  	vm8 =	vge.f32 v33, $0.0e+00  }
0x173: {  	v33 =	vsel vm8, $0x3F800000, v0  }
0x174: {  	[tilespmem:v5+s19+$0x0] =	vst.idx.msk $0xffff, v33  }
0x175: {  	v33 =	vld.idx.msk [tilespmem:v6+s19+$0x0], $0xffff;
	_ =	sdelay $0x4  }
0x176: {  	vm9 =	vge.f32 v33, $0.0e+00  }
0x177: {  	v33 =	vsel vm9, $0x3F800000, v0  }
0x178: {  	[tilespmem:v6+s19+$0x0] =	vst.idx.msk $0xffff, v33  }
0x179: {  	v33 =	vld.idx.msk [tilespmem:v7+s19+$0x0], $0xffff;
	_ =	sdelay $0x4  }
0x17a: {  	vm10 =	vge.f32 v33, $0.0e+00  }
0x17b: {  	v33 =	vsel vm10, $0x3F800000, v0  }
0x17c: {  	[tilespmem:v7+s19+$0x0] =	vst.idx.msk $0xffff, v33  }
0x17d: {  	v33 =	vld.idx.msk [tilespmem:v8+s19+$0x0], $0xffff;
	_ =	sdelay $0x4  }
0x17e: {  	vm11 =	vge.f32 v33, $0.0e+00  }
0x17f: {  	v33 =	vsel vm11, $0x3F800000, v0  }
0x180: {  	[tilespmem:v8+s19+$0x0] =	vst.idx.msk $0xffff, v33  }
0x181: {  	v33 =	vld.idx.msk [tilespmem:v9+s19+$0x0], $0xffff;
	_ =	sdelay $0x4  }
0x182: {  	vm12 =	vge.f32 v33, $0.0e+00  }
0x183: {  	v33 =	vsel vm12, $0x3F800000, v0  }
0x184: {  	[tilespmem:v9+s19+$0x0] =	vst.idx.msk $0xffff, v33  }
0x185: {  	v33 =	vld.idx.msk [tilespmem:v10+s19+$0x0], $0xffff;
	_ =	sdelay $0x4  }
0x186: {  	vm13 =	vge.f32 v33, $0.0e+00  }
0x187: {  	v33 =	vsel vm13, $0x3F800000, v0  }
0x188: {  	[tilespmem:v10+s19+$0x0] =	vst.idx.msk $0xffff, v33  }
0x189: {  	v33 =	vld.idx.msk [tilespmem:v11+s19+$0x0], $0xffff;
	_ =	sdelay $0x4  }
0x18a: {  	vm14 =	vge.f32 v33, $0.0e+00  }
0x18b: {  	v33 =	vsel vm14, $0x3F800000, v0  }
0x18c: {  	[tilespmem:v11+s19+$0x0] =	vst.idx.msk $0xffff, v33  }
0x18d: {  	v33 =	vld.idx.msk [tilespmem:v12+s19+$0x0], $0xffff;
	_ =	sdelay $0x4  }
0x18e: {  	vm15 =	vge.f32 v33, $0.0e+00  }
0x18f: {  	v33 =	vsel vm15, $0x3F800000, v0  }
0x190: {  	[tilespmem:v12+s19+$0x0] =	vst.idx.msk $0xffff, v33  }
0x191: {  	v33 =	vld.idx.msk [tilespmem:v13+s19+$0x0], $0xffff;
	_ =	sdelay $0x4  }
0x192: {  	vm4 =	vge.f32 v33, $0.0e+00  }
0x193: {  	v33 =	vsel vm4, $0x3F800000, v0  }
0x194: {  	[tilespmem:v13+s19+$0x0] =	vst.idx.msk $0xffff, v33  }
0x195: {  	v33 =	vld.idx.msk [tilespmem:v14+s19+$0x0], $0xffff;
	_ =	sdelay $0x4  }
0x196: {  	vm5 =	vge.f32 v33, $0.0e+00  }
0x197: {  	v33 =	vsel vm5, $0x3F800000, v0  }
0x198: {  	[tilespmem:v14+s19+$0x0] =	vst.idx.msk $0xffff, v33  }
0x199: {  	v33 =	vld.idx.msk [tilespmem:v15+s19+$0x0], $0xffff;
	_ =	sdelay $0x4  }
0x19a: {  	vm6 =	vge.f32 v33, $0.0e+00  }
0x19b: {  	v33 =	vsel vm6, $0x3F800000, v0  }
0x19c: {  	[tilespmem:v15+s19+$0x0] =	vst.idx.msk $0xffff, v33  }
0x19d: {  	v33 =	vld.idx.msk [tilespmem:v16+s19+$0x0], $0xffff;
	_ =	sdelay $0x4  }
0x19e: {  	vm7 =	vge.f32 v33, $0.0e+00  }
0x19f: {  	v33 =	vsel vm7, $0x3F800000, v0  }
0x1a0: {  	[tilespmem:v16+s19+$0x0] =	vst.idx.msk $0xffff, v33  }
0x1a1: {  	v33 =	vld.idx.msk [tilespmem:v17+s19+$0x0], $0xffff;
	_ =	sdelay $0x4  }
0x1a2: {  	vm8 =	vge.f32 v33, $0.0e+00  }
0x1a3: {  	v33 =	vsel vm8, $0x3F800000, v0  }
0x1a4: {  	[tilespmem:v17+s19+$0x0] =	vst.idx.msk $0xffff, v33  }
0x1a5: {  	v33 =	vld.idx.msk [tilespmem:v18+s19+$0x0], $0xffff;
	_ =	sdelay $0x4  }
0x1a6: {  	vm9 =	vge.f32 v33, $0.0e+00  }
0x1a7: {  	v33 =	vsel vm9, $0x3F800000, v0  }
0x1a8: {  	[tilespmem:v18+s19+$0x0] =	vst.idx.msk $0xffff, v33  }
0x1a9: {  	v33 =	vld.idx.msk [tilespmem:v19+s19+$0x0], $0xffff;
	_ =	sdelay $0x4  }
0x1aa: {  	vm10 =	vge.f32 v33, $0.0e+00  }
0x1ab: {  	v33 =	vsel vm10, $0x3F800000, v0  }
0x1ac: {  	[tilespmem:v19+s19+$0x0] =	vst.idx.msk $0xffff, v33  }
0x1ad: {  	v33 =	vld.idx.msk [tilespmem:v20+s19+$0x0], $0xffff;
	_ =	sdelay $0x4  }
0x1ae: {  	vm11 =	vge.f32 v33, $0.0e+00  }
0x1af: {  	v33 =	vsel vm11, $0x3F800000, v0  }
0x1b0: {  	[tilespmem:v20+s19+$0x0] =	vst.idx.msk $0xffff, v33  }
0x1b1: {  	v33 =	vld.idx.msk [tilespmem:v21+s19+$0x0], $0xffff;
	_ =	sdelay $0x4  }
0x1b2: {  	vm12 =	vge.f32 v33, $0.0e+00  }
0x1b3: {  	v33 =	vsel vm12, $0x3F800000, v0  }
0x1b4: {  	[tilespmem:v21+s19+$0x0] =	vst.idx.msk $0xffff, v33  }
0x1b5: {  	v33 =	vld.idx.msk [tilespmem:v22+s19+$0x0], $0xffff;
	_ =	sdelay $0x4  }
0x1b6: {  	vm13 =	vge.f32 v33, $0.0e+00  }
0x1b7: {  	v33 =	vsel vm13, $0x3F800000, v0  }
0x1b8: {  	[tilespmem:v22+s19+$0x0] =	vst.idx.msk $0xffff, v33  }
0x1b9: {  	v33 =	vld.idx.msk [tilespmem:v23+s19+$0x0], $0xffff;
	_ =	sdelay $0x4  }
0x1ba: {  	vm14 =	vge.f32 v33, $0.0e+00  }
0x1bb: {  	v33 =	vsel vm14, $0x3F800000, v0  }
0x1bc: {  	[tilespmem:v23+s19+$0x0] =	vst.idx.msk $0xffff, v33  }
0x1bd: {  	v33 =	vld.idx.msk [tilespmem:v24+s19+$0x0], $0xffff;
	_ =	sdelay $0x4  }
0x1be: {  	vm15 =	vge.f32 v33, $0.0e+00  }
0x1bf: {  	v33 =	vsel vm15, $0x3F800000, v0  }
0x1c0: {  	[tilespmem:v24+s19+$0x0] =	vst.idx.msk $0xffff, v33  }
0x1c1: {  	v33 =	vld.idx.msk [tilespmem:v25+s19+$0x0], $0xffff;
	_ =	sdelay $0x4  }
0x1c2: {  	vm4 =	vge.f32 v33, $0.0e+00  }
0x1c3: {  	v33 =	vsel vm4, $0x3F800000, v0  }
0x1c4: {  	[tilespmem:v25+s19+$0x0] =	vst.idx.msk $0xffff, v33  }
0x1c5: {  	v33 =	vld.idx.msk [tilespmem:v26+s19+$0x0], $0xffff;
	_ =	sdelay $0x4  }
0x1c6: {  	vm5 =	vge.f32 v33, $0.0e+00  }
0x1c7: {  	v33 =	vsel vm5, $0x3F800000, v0  }
0x1c8: {  	[tilespmem:v26+s19+$0x0] =	vst.idx.msk $0xffff, v33  }
0x1c9: {  	v33 =	vld.idx.msk [tilespmem:v27+s19+$0x0], $0xffff;
	_ =	sdelay $0x4  }
0x1ca: {  	vm6 =	vge.f32 v33, $0.0e+00  }
0x1cb: {  	v33 =	vsel vm6, $0x3F800000, v0  }
0x1cc: {  	[tilespmem:v27+s19+$0x0] =	vst.idx.msk $0xffff, v33  }
0x1cd: {  	v33 =	vld.idx.msk [tilespmem:v28+s19+$0x0], $0xffff;
	_ =	sdelay $0x4  }
0x1ce: {  	vm7 =	vge.f32 v33, $0.0e+00  }
0x1cf: {  	v33 =	vsel vm7, $0x3F800000, v0  }
0x1d0: {  	[tilespmem:v28+s19+$0x0] =	vst.idx.msk $0xffff, v33  }
0x1d1: {  	v33 =	vld.idx.msk [tilespmem:v29+s19+$0x0], $0xffff;
	_ =	sdelay $0x4  }
0x1d2: {  	vm8 =	vge.f32 v33, $0.0e+00  }
0x1d3: {  	v33 =	vsel vm8, $0x3F800000, v0  }
0x1d4: {  	[tilespmem:v29+s19+$0x0] =	vst.idx.msk $0xffff, v33  }
0x1d5: {  	v33 =	vld.idx.msk [tilespmem:v30+s19+$0x0], $0xffff;
	_ =	sdelay $0x4  }
0x1d6: {  	vm9 =	vge.f32 v33, $0.0e+00  }
0x1d7: {  	v33 =	vsel vm9, $0x3F800000, v0  }
0x1d8: {  	[tilespmem:v30+s19+$0x0] =	vst.idx.msk $0xffff, v33  }
0x1d9: {  	v33 =	vld.idx.msk [tilespmem:v31+s19+$0x0], $0xffff;
	_ =	sdelay $0x4  }
0x1da: {  	vm10 =	vge.f32 v33, $0.0e+00  }
0x1db: {  	v33 =	vsel vm10, $0x3F800000, v0  }
0x1dc: {  	[tilespmem:v31+s19+$0x0] =	vst.idx.msk $0xffff, v33  }
0x1dd: {  	v33 =	vld.idx.msk [tilespmem:v32+s19+$0x0], $0xffff;
	_ =	sdelay $0x4  }
0x1de: {  	vm11 =	vge.f32 v33, $0.0e+00  }
0x1df: {  	v33 =	vsel vm11, $0x3F800000, v0  }
0x1e0: {  	s8 =	sadd.s32 $0x800, s1;
	s7 =	simm.s32 @!p0 $0xA;
	[tilespmem:v32+s19+$0x0] =	vst.idx.msk $0xffff, v33  }
0x1e1: {  	[hbm4b:s8+s16] =	stream.strided.scatter [tilespmem:s19], [sflag:$0xB], $0x2000, s17, s16, $0x38;
	[tilespmem:$0x10080] =	vst v63  }
0x1e2: {  	_ =	swait.ge @!p0 [sflag:s7], $0x2000  }
0x1e3: {  	[sflag:s7] =	ssyncset.done @!p0 $0x0  }
0x1e4: {  	s8 =	simm.s32 @!p0 $0x2000;
	[sflag:s7] =	ssyncadd.s32 @!p0 $0xFFFFE000;
	s7 =	sadd.s32 @!p0 $0x2040, s14  }
0x1e5: {  	[tilespmem:s8], [sflag:$0x2] =	stream.strided.gather @!p0 [hbm4b:s7+s5], $0x2000, s6, s5, $0x38;
	[tilespmem:$0x10080] =	vst v63  }
0x1e6: {  	_ =	swait.ge [sflag:s29], $0x2000  }
0x1e7: {  	[sflag:s29] =	ssyncset.done $0x0  }
0x1e8: {  	[sflag:s29] =	ssyncadd.s32 $0xFFFFE000  }
0x1e9: {  	v59 =	vld.idx.msk [tilespmem:v1+s20+$0x0], $0xffff;
	_ =	sdelay $0x4  }
0x1ea: {  	vm12 =	vge.f32 v59, $0.0e+00  }
0x1eb: {  	v33 =	vsel vm12, $0x3F800000, v0  }
0x1ec: {  	[tilespmem:v1+s20+$0x0] =	vst.idx.msk $0xffff, v33  }
0x1ed: {  	v33 =	vld.idx.msk [tilespmem:v2+s20+$0x0], $0xffff;
	_ =	sdelay $0x4  }
0x1ee: {  	vm13 =	vge.f32 v33, $0.0e+00  }
0x1ef: {  	v33 =	vsel vm13, $0x3F800000, v0  }
0x1f0: {  	[tilespmem:v2+s20+$0x0] =	vst.idx.msk $0xffff, v33  }
0x1f1: {  	v33 =	vld.idx.msk [tilespmem:v3+s20+$0x0], $0xffff;
	_ =	sdelay $0x4  }
0x1f2: {  	vm14 =	vge.f32 v33, $0.0e+00  }
0x1f3: {  	v33 =	vsel vm14, $0x3F800000, v0  }
0x1f4: {  	[tilespmem:v3+s20+$0x0] =	vst.idx.msk $0xffff, v33  }
0x1f5: {  	v33 =	vld.idx.msk [tilespmem:v4+s20+$0x0], $0xffff;
	_ =	sdelay $0x4  }
0x1f6: {  	vm15 =	vge.f32 v33, $0.0e+00  }
0x1f7: {  	v33 =	vsel vm15, $0x3F800000, v0  }
0x1f8: {  	[tilespmem:v4+s20+$0x0] =	vst.idx.msk $0xffff, v33  }
0x1f9: {  	v33 =	vld.idx.msk [tilespmem:v5+s20+$0x0], $0xffff;
	_ =	sdelay $0x4  }
0x1fa: {  	vm4 =	vge.f32 v33, $0.0e+00  }
0x1fb: {  	v33 =	vsel vm4, $0x3F800000, v0  }
0x1fc: {  	[tilespmem:v5+s20+$0x0] =	vst.idx.msk $0xffff, v33  }
0x1fd: {  	v33 =	vld.idx.msk [tilespmem:v6+s20+$0x0], $0xffff;
	_ =	sdelay $0x4  }
0x1fe: {  	vm5 =	vge.f32 v33, $0.0e+00  }
0x1ff: {  	v33 =	vsel vm5, $0x3F800000, v0  }
0x200: {  	[tilespmem:v6+s20+$0x0] =	vst.idx.msk $0xffff, v33  }
0x201: {  	v33 =	vld.idx.msk [tilespmem:v7+s20+$0x0], $0xffff;
	_ =	sdelay $0x4  }
0x202: {  	vm6 =	vge.f32 v33, $0.0e+00  }
0x203: {  	v33 =	vsel vm6, $0x3F800000, v0  }
0x204: {  	[tilespmem:v7+s20+$0x0] =	vst.idx.msk $0xffff, v33  }
0x205: {  	v33 =	vld.idx.msk [tilespmem:v8+s20+$0x0], $0xffff;
	_ =	sdelay $0x4  }
0x206: {  	vm7 =	vge.f32 v33, $0.0e+00  }
0x207: {  	v33 =	vsel vm7, $0x3F800000, v0  }
0x208: {  	[tilespmem:v8+s20+$0x0] =	vst.idx.msk $0xffff, v33  }
0x209: {  	v33 =	vld.idx.msk [tilespmem:v9+s20+$0x0], $0xffff;
	_ =	sdelay $0x4  }
0x20a: {  	vm8 =	vge.f32 v33, $0.0e+00  }
0x20b: {  	v33 =	vsel vm8, $0x3F800000, v0  }
0x20c: {  	[tilespmem:v9+s20+$0x0] =	vst.idx.msk $0xffff, v33  }
0x20d: {  	v33 =	vld.idx.msk [tilespmem:v10+s20+$0x0], $0xffff;
	_ =	sdelay $0x4  }
0x20e: {  	vm9 =	vge.f32 v33, $0.0e+00  }
0x20f: {  	v33 =	vsel vm9, $0x3F800000, v0  }
0x210: {  	[tilespmem:v10+s20+$0x0] =	vst.idx.msk $0xffff, v33  }
0x211: {  	v33 =	vld.idx.msk [tilespmem:v11+s20+$0x0], $0xffff;
	_ =	sdelay $0x4  }
0x212: {  	vm10 =	vge.f32 v33, $0.0e+00  }
0x213: {  	v33 =	vsel vm10, $0x3F800000, v0  }
0x214: {  	[tilespmem:v11+s20+$0x0] =	vst.idx.msk $0xffff, v33  }
0x215: {  	v33 =	vld.idx.msk [tilespmem:v12+s20+$0x0], $0xffff;
	_ =	sdelay $0x4  }
0x216: {  	vm11 =	vge.f32 v33, $0.0e+00  }
0x217: {  	v33 =	vsel vm11, $0x3F800000, v0  }
0x218: {  	[tilespmem:v12+s20+$0x0] =	vst.idx.msk $0xffff, v33  }
0x219: {  	v33 =	vld.idx.msk [tilespmem:v13+s20+$0x0], $0xffff;
	_ =	sdelay $0x4  }
0x21a: {  	vm12 =	vge.f32 v33, $0.0e+00  }
0x21b: {  	v33 =	vsel vm12, $0x3F800000, v0  }
0x21c: {  	[tilespmem:v13+s20+$0x0] =	vst.idx.msk $0xffff, v33  }
0x21d: {  	v33 =	vld.idx.msk [tilespmem:v14+s20+$0x0], $0xffff;
	_ =	sdelay $0x4  }
0x21e: {  	vm13 =	vge.f32 v33, $0.0e+00  }
0x21f: {  	v33 =	vsel vm13, $0x3F800000, v0  }
0x220: {  	[tilespmem:v14+s20+$0x0] =	vst.idx.msk $0xffff, v33  }
0x221: {  	v33 =	vld.idx.msk [tilespmem:v15+s20+$0x0], $0xffff;
	_ =	sdelay $0x4  }
0x222: {  	vm14 =	vge.f32 v33, $0.0e+00  }
0x223: {  	v33 =	vsel vm14, $0x3F800000, v0  }
0x224: {  	[tilespmem:v15+s20+$0x0] =	vst.idx.msk $0xffff, v33  }
0x225: {  	v33 =	vld.idx.msk [tilespmem:v16+s20+$0x0], $0xffff;
	_ =	sdelay $0x4  }
0x226: {  	vm15 =	vge.f32 v33, $0.0e+00  }
0x227: {  	v33 =	vsel vm15, $0x3F800000, v0  }
0x228: {  	[tilespmem:v16+s20+$0x0] =	vst.idx.msk $0xffff, v33  }
0x229: {  	v33 =	vld.idx.msk [tilespmem:v17+s20+$0x0], $0xffff;
	_ =	sdelay $0x4  }
0x22a: {  	vm4 =	vge.f32 v33, $0.0e+00  }
0x22b: {  	v33 =	vsel vm4, $0x3F800000, v0  }
0x22c: {  	[tilespmem:v17+s20+$0x0] =	vst.idx.msk $0xffff, v33  }
0x22d: {  	v33 =	vld.idx.msk [tilespmem:v18+s20+$0x0], $0xffff;
	_ =	sdelay $0x4  }
0x22e: {  	vm5 =	vge.f32 v33, $0.0e+00  }
0x22f: {  	v33 =	vsel vm5, $0x3F800000, v0  }
0x230: {  	[tilespmem:v18+s20+$0x0] =	vst.idx.msk $0xffff, v33  }
0x231: {  	v33 =	vld.idx.msk [tilespmem:v19+s20+$0x0], $0xffff;
	_ =	sdelay $0x4  }
0x232: {  	vm6 =	vge.f32 v33, $0.0e+00  }
0x233: {  	v33 =	vsel vm6, $0x3F800000, v0  }
0x234: {  	[tilespmem:v19+s20+$0x0] =	vst.idx.msk $0xffff, v33  }
0x235: {  	v33 =	vld.idx.msk [tilespmem:v20+s20+$0x0], $0xffff;
	_ =	sdelay $0x4  }
0x236: {  	vm7 =	vge.f32 v33, $0.0e+00  }
0x237: {  	v33 =	vsel vm7, $0x3F800000, v0  }
0x238: {  	[tilespmem:v20+s20+$0x0] =	vst.idx.msk $0xffff, v33  }
0x239: {  	v33 =	vld.idx.msk [tilespmem:v21+s20+$0x0], $0xffff;
	_ =	sdelay $0x4  }
0x23a: {  	vm8 =	vge.f32 v33, $0.0e+00  }
0x23b: {  	v33 =	vsel vm8, $0x3F800000, v0  }
0x23c: {  	[tilespmem:v21+s20+$0x0] =	vst.idx.msk $0xffff, v33  }
0x23d: {  	v33 =	vld.idx.msk [tilespmem:v22+s20+$0x0], $0xffff;
	_ =	sdelay $0x4  }
0x23e: {  	vm9 =	vge.f32 v33, $0.0e+00  }
0x23f: {  	v33 =	vsel vm9, $0x3F800000, v0  }
0x240: {  	[tilespmem:v22+s20+$0x0] =	vst.idx.msk $0xffff, v33  }
0x241: {  	v33 =	vld.idx.msk [tilespmem:v23+s20+$0x0], $0xffff;
	_ =	sdelay $0x4  }
0x242: {  	vm10 =	vge.f32 v33, $0.0e+00  }
0x243: {  	v33 =	vsel vm10, $0x3F800000, v0  }
0x244: {  	[tilespmem:v23+s20+$0x0] =	vst.idx.msk $0xffff, v33  }
0x245: {  	v33 =	vld.idx.msk [tilespmem:v24+s20+$0x0], $0xffff;
	_ =	sdelay $0x4  }
0x246: {  	vm11 =	vge.f32 v33, $0.0e+00  }
0x247: {  	v33 =	vsel vm11, $0x3F800000, v0  }
0x248: {  	[tilespmem:v24+s20+$0x0] =	vst.idx.msk $0xffff, v33  }
0x249: {  	v33 =	vld.idx.msk [tilespmem:v25+s20+$0x0], $0xffff;
	_ =	sdelay $0x4  }
0x24a: {  	vm12 =	vge.f32 v33, $0.0e+00  }
0x24b: {  	v33 =	vsel vm12, $0x3F800000, v0  }
0x24c: {  	[tilespmem:v25+s20+$0x0] =	vst.idx.msk $0xffff, v33  }
0x24d: {  	v33 =	vld.idx.msk [tilespmem:v26+s20+$0x0], $0xffff;
	_ =	sdelay $0x4  }
0x24e: {  	vm13 =	vge.f32 v33, $0.0e+00  }
0x24f: {  	v33 =	vsel vm13, $0x3F800000, v0  }
0x250: {  	[tilespmem:v26+s20+$0x0] =	vst.idx.msk $0xffff, v33  }
0x251: {  	v33 =	vld.idx.msk [tilespmem:v27+s20+$0x0], $0xffff;
	_ =	sdelay $0x4  }
0x252: {  	vm14 =	vge.f32 v33, $0.0e+00  }
0x253: {  	v33 =	vsel vm14, $0x3F800000, v0  }
0x254: {  	[tilespmem:v27+s20+$0x0] =	vst.idx.msk $0xffff, v33  }
0x255: {  	v33 =	vld.idx.msk [tilespmem:v28+s20+$0x0], $0xffff;
	_ =	sdelay $0x4  }
0x256: {  	vm15 =	vge.f32 v33, $0.0e+00  }
0x257: {  	v33 =	vsel vm15, $0x3F800000, v0  }
0x258: {  	[tilespmem:v28+s20+$0x0] =	vst.idx.msk $0xffff, v33  }
0x259: {  	v33 =	vld.idx.msk [tilespmem:v29+s20+$0x0], $0xffff;
	_ =	sdelay $0x4  }
0x25a: {  	vm4 =	vge.f32 v33, $0.0e+00  }
0x25b: {  	v33 =	vsel vm4, $0x3F800000, v0  }
0x25c: {  	[tilespmem:v29+s20+$0x0] =	vst.idx.msk $0xffff, v33  }
0x25d: {  	v33 =	vld.idx.msk [tilespmem:v30+s20+$0x0], $0xffff;
	_ =	sdelay $0x4  }
0x25e: {  	vm5 =	vge.f32 v33, $0.0e+00  }
0x25f: {  	v33 =	vsel vm5, $0x3F800000, v0  }
0x260: {  	[tilespmem:v30+s20+$0x0] =	vst.idx.msk $0xffff, v33  }
0x261: {  	v33 =	vld.idx.msk [tilespmem:v31+s20+$0x0], $0xffff;
	_ =	sdelay $0x4  }
0x262: {  	vm6 =	vge.f32 v33, $0.0e+00  }
0x263: {  	v33 =	vsel vm6, $0x3F800000, v0  }
0x264: {  	[tilespmem:v31+s20+$0x0] =	vst.idx.msk $0xffff, v33  }
0x265: {  	v33 =	vld.idx.msk [tilespmem:v32+s20+$0x0], $0xffff;
	_ =	sdelay $0x4  }
0x266: {  	vm7 =	vge.f32 v33, $0.0e+00  }
0x267: {  	v33 =	vsel vm7, $0x3F800000, v0  }
0x268: {  	s8 =	sadd.s32 $0x840, s1;
	s7 =	simm.s32 @!p0 $0xB;
	[tilespmem:v32+s20+$0x0] =	vst.idx.msk $0xffff, v33  }
0x269: {  	[hbm4b:s8+s16] =	stream.strided.scatter [tilespmem:s20], [sflag:$0xC], $0x2000, s17, s16, $0x38;
	[tilespmem:$0x10080] =	vst v63  }
0x26a: {  	_ =	swait.ge @!p0 [sflag:s7], $0x2000  }
0x26b: {  	[sflag:s7] =	ssyncset.done @!p0 $0x0  }
0x26c: {  	s8 =	simm.s32 @!p0 $0x4000;
	[sflag:s7] =	ssyncadd.s32 @!p0 $0xFFFFE000;
	s7 =	sadd.s32 @!p0 $0x2800, s14  }
0x26d: {  	[tilespmem:s8], [sflag:$0x3] =	stream.strided.gather @!p0 [hbm4b:s7+s5], $0x2000, s6, s5, $0x38;
	[tilespmem:$0x10080] =	vst v63  }
0x26e: {  	_ =	swait.ge [sflag:s30], $0x2000  }
0x26f: {  	[sflag:s30] =	ssyncset.done $0x0  }
0x270: {  	[sflag:s30] =	ssyncadd.s32 $0xFFFFE000  }
0x271: {  	v60 =	vld.idx.msk [tilespmem:v1+s21+$0x0], $0xffff;
	_ =	sdelay $0x4  }
0x272: {  	vm8 =	vge.f32 v60, $0.0e+00  }
0x273: {  	v33 =	vsel vm8, $0x3F800000, v0  }
0x274: {  	[tilespmem:v1+s21+$0x0] =	vst.idx.msk $0xffff, v33  }
0x275: {  	v33 =	vld.idx.msk [tilespmem:v2+s21+$0x0], $0xffff;
	_ =	sdelay $0x4  }
0x276: {  	vm9 =	vge.f32 v33, $0.0e+00  }
0x277: {  	v33 =	vsel vm9, $0x3F800000, v0  }
0x278: {  	[tilespmem:v2+s21+$0x0] =	vst.idx.msk $0xffff, v33  }
0x279: {  	v33 =	vld.idx.msk [tilespmem:v3+s21+$0x0], $0xffff;
	_ =	sdelay $0x4  }
0x27a: {  	vm10 =	vge.f32 v33, $0.0e+00  }
0x27b: {  	v33 =	vsel vm10, $0x3F800000, v0  }
0x27c: {  	[tilespmem:v3+s21+$0x0] =	vst.idx.msk $0xffff, v33  }
0x27d: {  	v33 =	vld.idx.msk [tilespmem:v4+s21+$0x0], $0xffff;
	_ =	sdelay $0x4  }
0x27e: {  	vm11 =	vge.f32 v33, $0.0e+00  }
0x27f: {  	v33 =	vsel vm11, $0x3F800000, v0  }
0x280: {  	[tilespmem:v4+s21+$0x0] =	vst.idx.msk $0xffff, v33  }
0x281: {  	v33 =	vld.idx.msk [tilespmem:v5+s21+$0x0], $0xffff;
	_ =	sdelay $0x4  }
0x282: {  	vm12 =	vge.f32 v33, $0.0e+00  }
0x283: {  	v33 =	vsel vm12, $0x3F800000, v0  }
0x284: {  	[tilespmem:v5+s21+$0x0] =	vst.idx.msk $0xffff, v33  }
0x285: {  	v33 =	vld.idx.msk [tilespmem:v6+s21+$0x0], $0xffff;
	_ =	sdelay $0x4  }
0x286: {  	vm13 =	vge.f32 v33, $0.0e+00  }
0x287: {  	v33 =	vsel vm13, $0x3F800000, v0  }
0x288: {  	[tilespmem:v6+s21+$0x0] =	vst.idx.msk $0xffff, v33  }
0x289: {  	v33 =	vld.idx.msk [tilespmem:v7+s21+$0x0], $0xffff;
	_ =	sdelay $0x4  }
0x28a: {  	vm14 =	vge.f32 v33, $0.0e+00  }
0x28b: {  	v33 =	vsel vm14, $0x3F800000, v0  }
0x28c: {  	[tilespmem:v7+s21+$0x0] =	vst.idx.msk $0xffff, v33  }
0x28d: {  	v33 =	vld.idx.msk [tilespmem:v8+s21+$0x0], $0xffff;
	_ =	sdelay $0x4  }
0x28e: {  	vm15 =	vge.f32 v33, $0.0e+00  }
0x28f: {  	v33 =	vsel vm15, $0x3F800000, v0  }
0x290: {  	[tilespmem:v8+s21+$0x0] =	vst.idx.msk $0xffff, v33  }
0x291: {  	v33 =	vld.idx.msk [tilespmem:v9+s21+$0x0], $0xffff;
	_ =	sdelay $0x4  }
0x292: {  	vm4 =	vge.f32 v33, $0.0e+00  }
0x293: {  	v33 =	vsel vm4, $0x3F800000, v0  }
0x294: {  	[tilespmem:v9+s21+$0x0] =	vst.idx.msk $0xffff, v33  }
0x295: {  	v33 =	vld.idx.msk [tilespmem:v10+s21+$0x0], $0xffff;
	_ =	sdelay $0x4  }
0x296: {  	vm5 =	vge.f32 v33, $0.0e+00  }
0x297: {  	v33 =	vsel vm5, $0x3F800000, v0  }
0x298: {  	[tilespmem:v10+s21+$0x0] =	vst.idx.msk $0xffff, v33  }
0x299: {  	v33 =	vld.idx.msk [tilespmem:v11+s21+$0x0], $0xffff;
	_ =	sdelay $0x4  }
0x29a: {  	vm6 =	vge.f32 v33, $0.0e+00  }
0x29b: {  	v33 =	vsel vm6, $0x3F800000, v0  }
0x29c: {  	[tilespmem:v11+s21+$0x0] =	vst.idx.msk $0xffff, v33  }
0x29d: {  	v33 =	vld.idx.msk [tilespmem:v12+s21+$0x0], $0xffff;
	_ =	sdelay $0x4  }
0x29e: {  	vm7 =	vge.f32 v33, $0.0e+00  }
0x29f: {  	v33 =	vsel vm7, $0x3F800000, v0  }
0x2a0: {  	[tilespmem:v12+s21+$0x0] =	vst.idx.msk $0xffff, v33  }
0x2a1: {  	v33 =	vld.idx.msk [tilespmem:v13+s21+$0x0], $0xffff;
	_ =	sdelay $0x4  }
0x2a2: {  	vm8 =	vge.f32 v33, $0.0e+00  }
0x2a3: {  	v33 =	vsel vm8, $0x3F800000, v0  }
0x2a4: {  	[tilespmem:v13+s21+$0x0] =	vst.idx.msk $0xffff, v33  }
0x2a5: {  	v33 =	vld.idx.msk [tilespmem:v14+s21+$0x0], $0xffff;
	_ =	sdelay $0x4  }
0x2a6: {  	vm9 =	vge.f32 v33, $0.0e+00  }
0x2a7: {  	v33 =	vsel vm9, $0x3F800000, v0  }
0x2a8: {  	[tilespmem:v14+s21+$0x0] =	vst.idx.msk $0xffff, v33  }
0x2a9: {  	v33 =	vld.idx.msk [tilespmem:v15+s21+$0x0], $0xffff;
	_ =	sdelay $0x4  }
0x2aa: {  	vm10 =	vge.f32 v33, $0.0e+00  }
0x2ab: {  	v33 =	vsel vm10, $0x3F800000, v0  }
0x2ac: {  	[tilespmem:v15+s21+$0x0] =	vst.idx.msk $0xffff, v33  }
0x2ad: {  	v33 =	vld.idx.msk [tilespmem:v16+s21+$0x0], $0xffff;
	_ =	sdelay $0x4  }
0x2ae: {  	vm11 =	vge.f32 v33, $0.0e+00  }
0x2af: {  	v33 =	vsel vm11, $0x3F800000, v0  }
0x2b0: {  	[tilespmem:v16+s21+$0x0] =	vst.idx.msk $0xffff, v33  }
0x2b1: {  	v33 =	vld.idx.msk [tilespmem:v17+s21+$0x0], $0xffff;
	_ =	sdelay $0x4  }
0x2b2: {  	vm12 =	vge.f32 v33, $0.0e+00  }
0x2b3: {  	v33 =	vsel vm12, $0x3F800000, v0  }
0x2b4: {  	[tilespmem:v17+s21+$0x0] =	vst.idx.msk $0xffff, v33  }
0x2b5: {  	v33 =	vld.idx.msk [tilespmem:v18+s21+$0x0], $0xffff;
	_ =	sdelay $0x4  }
0x2b6: {  	vm13 =	vge.f32 v33, $0.0e+00  }
0x2b7: {  	v33 =	vsel vm13, $0x3F800000, v0  }
0x2b8: {  	[tilespmem:v18+s21+$0x0] =	vst.idx.msk $0xffff, v33  }
0x2b9: {  	v33 =	vld.idx.msk [tilespmem:v19+s21+$0x0], $0xffff;
	_ =	sdelay $0x4  }
0x2ba: {  	vm14 =	vge.f32 v33, $0.0e+00  }
0x2bb: {  	v33 =	vsel vm14, $0x3F800000, v0  }
0x2bc: {  	[tilespmem:v19+s21+$0x0] =	vst.idx.msk $0xffff, v33  }
0x2bd: {  	v33 =	vld.idx.msk [tilespmem:v20+s21+$0x0], $0xffff;
	_ =	sdelay $0x4  }
0x2be: {  	vm15 =	vge.f32 v33, $0.0e+00  }
0x2bf: {  	v33 =	vsel vm15, $0x3F800000, v0  }
0x2c0: {  	[tilespmem:v20+s21+$0x0] =	vst.idx.msk $0xffff, v33  }
0x2c1: {  	v33 =	vld.idx.msk [tilespmem:v21+s21+$0x0], $0xffff;
	_ =	sdelay $0x4  }
0x2c2: {  	vm4 =	vge.f32 v33, $0.0e+00  }
0x2c3: {  	v33 =	vsel vm4, $0x3F800000, v0  }
0x2c4: {  	[tilespmem:v21+s21+$0x0] =	vst.idx.msk $0xffff, v33  }
0x2c5: {  	v33 =	vld.idx.msk [tilespmem:v22+s21+$0x0], $0xffff;
	_ =	sdelay $0x4  }
0x2c6: {  	vm5 =	vge.f32 v33, $0.0e+00  }
0x2c7: {  	v33 =	vsel vm5, $0x3F800000, v0  }
0x2c8: {  	[tilespmem:v22+s21+$0x0] =	vst.idx.msk $0xffff, v33  }
0x2c9: {  	v33 =	vld.idx.msk [tilespmem:v23+s21+$0x0], $0xffff;
	_ =	sdelay $0x4  }
0x2ca: {  	vm6 =	vge.f32 v33, $0.0e+00  }
0x2cb: {  	v33 =	vsel vm6, $0x3F800000, v0  }
0x2cc: {  	[tilespmem:v23+s21+$0x0] =	vst.idx.msk $0xffff, v33  }
0x2cd: {  	v33 =	vld.idx.msk [tilespmem:v24+s21+$0x0], $0xffff;
	_ =	sdelay $0x4  }
0x2ce: {  	vm7 =	vge.f32 v33, $0.0e+00  }
0x2cf: {  	v33 =	vsel vm7, $0x3F800000, v0  }
0x2d0: {  	[tilespmem:v24+s21+$0x0] =	vst.idx.msk $0xffff, v33  }
0x2d1: {  	v33 =	vld.idx.msk [tilespmem:v25+s21+$0x0], $0xffff;
	_ =	sdelay $0x4  }
0x2d2: {  	vm8 =	vge.f32 v33, $0.0e+00  }
0x2d3: {  	v33 =	vsel vm8, $0x3F800000, v0  }
0x2d4: {  	[tilespmem:v25+s21+$0x0] =	vst.idx.msk $0xffff, v33  }
0x2d5: {  	v33 =	vld.idx.msk [tilespmem:v26+s21+$0x0], $0xffff;
	_ =	sdelay $0x4  }
0x2d6: {  	vm9 =	vge.f32 v33, $0.0e+00  }
0x2d7: {  	v33 =	vsel vm9, $0x3F800000, v0  }
0x2d8: {  	[tilespmem:v26+s21+$0x0] =	vst.idx.msk $0xffff, v33  }
0x2d9: {  	v33 =	vld.idx.msk [tilespmem:v27+s21+$0x0], $0xffff;
	_ =	sdelay $0x4  }
0x2da: {  	vm10 =	vge.f32 v33, $0.0e+00  }
0x2db: {  	v33 =	vsel vm10, $0x3F800000, v0  }
0x2dc: {  	[tilespmem:v27+s21+$0x0] =	vst.idx.msk $0xffff, v33  }
0x2dd: {  	v33 =	vld.idx.msk [tilespmem:v28+s21+$0x0], $0xffff;
	_ =	sdelay $0x4  }
0x2de: {  	vm11 =	vge.f32 v33, $0.0e+00  }
0x2df: {  	v33 =	vsel vm11, $0x3F800000, v0  }
0x2e0: {  	[tilespmem:v28+s21+$0x0] =	vst.idx.msk $0xffff, v33  }
0x2e1: {  	v33 =	vld.idx.msk [tilespmem:v29+s21+$0x0], $0xffff;
	_ =	sdelay $0x4  }
0x2e2: {  	vm12 =	vge.f32 v33, $0.0e+00  }
0x2e3: {  	v33 =	vsel vm12, $0x3F800000, v0  }
0x2e4: {  	[tilespmem:v29+s21+$0x0] =	vst.idx.msk $0xffff, v33  }
0x2e5: {  	v33 =	vld.idx.msk [tilespmem:v30+s21+$0x0], $0xffff;
	_ =	sdelay $0x4  }
0x2e6: {  	vm13 =	vge.f32 v33, $0.0e+00  }
0x2e7: {  	v33 =	vsel vm13, $0x3F800000, v0  }
0x2e8: {  	[tilespmem:v30+s21+$0x0] =	vst.idx.msk $0xffff, v33  }
0x2e9: {  	v33 =	vld.idx.msk [tilespmem:v31+s21+$0x0], $0xffff;
	_ =	sdelay $0x4  }
0x2ea: {  	vm14 =	vge.f32 v33, $0.0e+00  }
0x2eb: {  	v33 =	vsel vm14, $0x3F800000, v0  }
0x2ec: {  	[tilespmem:v31+s21+$0x0] =	vst.idx.msk $0xffff, v33  }
0x2ed: {  	v33 =	vld.idx.msk [tilespmem:v32+s21+$0x0], $0xffff;
	_ =	sdelay $0x4  }
0x2ee: {  	vm15 =	vge.f32 v33, $0.0e+00  }
0x2ef: {  	v33 =	vsel vm15, $0x3F800000, v0  }
0x2f0: {  	s8 =	sadd.s32 $0x1000, s1;
	s7 =	simm.s32 @!p0 $0xC;
	[tilespmem:v32+s21+$0x0] =	vst.idx.msk $0xffff, v33  }
0x2f1: {  	[hbm4b:s8+s16] =	stream.strided.scatter [tilespmem:s21], [sflag:$0xD], $0x2000, s17, s16, $0x38;
	[tilespmem:$0x10080] =	vst v63  }
0x2f2: {  	_ =	swait.ge @!p0 [sflag:s7], $0x2000  }
0x2f3: {  	[sflag:s7] =	ssyncset.done @!p0 $0x0  }
0x2f4: {  	s8 =	simm.s32 @!p0 $0x6000;
	[sflag:s7] =	ssyncadd.s32 @!p0 $0xFFFFE000;
	s7 =	sadd.s32 @!p0 $0x2840, s14  }
0x2f5: {  	[tilespmem:s8], [sflag:$0x4] =	stream.strided.gather @!p0 [hbm4b:s7+s5], $0x2000, s6, s5, $0x38;
	[tilespmem:$0x10080] =	vst v63  }
0x2f6: {  	_ =	swait.ge [sflag:s31], $0x2000  }
0x2f7: {  	[sflag:s31] =	ssyncset.done $0x0  }
0x2f8: {  	[sflag:s31] =	ssyncadd.s32 $0xFFFFE000  }
0x2f9: {  	v61 =	vld.idx.msk [tilespmem:v1+s22+$0x0], $0xffff;
	_ =	sdelay $0x4  }
0x2fa: {  	vm4 =	vge.f32 v61, $0.0e+00  }
0x2fb: {  	v33 =	vsel vm4, $0x3F800000, v0  }
0x2fc: {  	[tilespmem:v1+s22+$0x0] =	vst.idx.msk $0xffff, v33  }
0x2fd: {  	v33 =	vld.idx.msk [tilespmem:v2+s22+$0x0], $0xffff;
	_ =	sdelay $0x4  }
0x2fe: {  	vm5 =	vge.f32 v33, $0.0e+00  }
0x2ff: {  	v33 =	vsel vm5, $0x3F800000, v0  }
0x300: {  	[tilespmem:v2+s22+$0x0] =	vst.idx.msk $0xffff, v33  }
0x301: {  	v33 =	vld.idx.msk [tilespmem:v3+s22+$0x0], $0xffff;
	_ =	sdelay $0x4  }
0x302: {  	vm6 =	vge.f32 v33, $0.0e+00  }
0x303: {  	v33 =	vsel vm6, $0x3F800000, v0  }
0x304: {  	[tilespmem:v3+s22+$0x0] =	vst.idx.msk $0xffff, v33  }
0x305: {  	v33 =	vld.idx.msk [tilespmem:v4+s22+$0x0], $0xffff;
	_ =	sdelay $0x4  }
0x306: {  	vm7 =	vge.f32 v33, $0.0e+00  }
0x307: {  	v33 =	vsel vm7, $0x3F800000, v0  }
0x308: {  	[tilespmem:v4+s22+$0x0] =	vst.idx.msk $0xffff, v33  }
0x309: {  	v33 =	vld.idx.msk [tilespmem:v5+s22+$0x0], $0xffff;
	_ =	sdelay $0x4  }
0x30a: {  	vm8 =	vge.f32 v33, $0.0e+00  }
0x30b: {  	v33 =	vsel vm8, $0x3F800000, v0  }
0x30c: {  	[tilespmem:v5+s22+$0x0] =	vst.idx.msk $0xffff, v33  }
0x30d: {  	v33 =	vld.idx.msk [tilespmem:v6+s22+$0x0], $0xffff;
	_ =	sdelay $0x4  }
0x30e: {  	vm9 =	vge.f32 v33, $0.0e+00  }
0x30f: {  	v33 =	vsel vm9, $0x3F800000, v0  }
0x310: {  	[tilespmem:v6+s22+$0x0] =	vst.idx.msk $0xffff, v33  }
0x311: {  	v33 =	vld.idx.msk [tilespmem:v7+s22+$0x0], $0xffff;
	_ =	sdelay $0x4  }
0x312: {  	vm10 =	vge.f32 v33, $0.0e+00  }
0x313: {  	v33 =	vsel vm10, $0x3F800000, v0  }
0x314: {  	[tilespmem:v7+s22+$0x0] =	vst.idx.msk $0xffff, v33  }
0x315: {  	v33 =	vld.idx.msk [tilespmem:v8+s22+$0x0], $0xffff;
	_ =	sdelay $0x4  }
0x316: {  	vm11 =	vge.f32 v33, $0.0e+00  }
0x317: {  	v33 =	vsel vm11, $0x3F800000, v0  }
0x318: {  	[tilespmem:v8+s22+$0x0] =	vst.idx.msk $0xffff, v33  }
0x319: {  	v33 =	vld.idx.msk [tilespmem:v9+s22+$0x0], $0xffff;
	_ =	sdelay $0x4  }
0x31a: {  	vm12 =	vge.f32 v33, $0.0e+00  }
0x31b: {  	v33 =	vsel vm12, $0x3F800000, v0  }
0x31c: {  	[tilespmem:v9+s22+$0x0] =	vst.idx.msk $0xffff, v33  }
0x31d: {  	v33 =	vld.idx.msk [tilespmem:v10+s22+$0x0], $0xffff;
	_ =	sdelay $0x4  }
0x31e: {  	vm13 =	vge.f32 v33, $0.0e+00  }
0x31f: {  	v33 =	vsel vm13, $0x3F800000, v0  }
0x320: {  	[tilespmem:v10+s22+$0x0] =	vst.idx.msk $0xffff, v33  }
0x321: {  	v33 =	vld.idx.msk [tilespmem:v11+s22+$0x0], $0xffff;
	_ =	sdelay $0x4  }
0x322: {  	vm14 =	vge.f32 v33, $0.0e+00  }
0x323: {  	v33 =	vsel vm14, $0x3F800000, v0  }
0x324: {  	[tilespmem:v11+s22+$0x0] =	vst.idx.msk $0xffff, v33  }
0x325: {  	v33 =	vld.idx.msk [tilespmem:v12+s22+$0x0], $0xffff;
	_ =	sdelay $0x4  }
0x326: {  	vm15 =	vge.f32 v33, $0.0e+00  }
0x327: {  	v33 =	vsel vm15, $0x3F800000, v0  }
0x328: {  	[tilespmem:v12+s22+$0x0] =	vst.idx.msk $0xffff, v33  }
0x329: {  	v33 =	vld.idx.msk [tilespmem:v13+s22+$0x0], $0xffff;
	_ =	sdelay $0x4  }
0x32a: {  	vm4 =	vge.f32 v33, $0.0e+00  }
0x32b: {  	v33 =	vsel vm4, $0x3F800000, v0  }
0x32c: {  	[tilespmem:v13+s22+$0x0] =	vst.idx.msk $0xffff, v33  }
0x32d: {  	v33 =	vld.idx.msk [tilespmem:v14+s22+$0x0], $0xffff;
	_ =	sdelay $0x4  }
0x32e: {  	vm5 =	vge.f32 v33, $0.0e+00  }
0x32f: {  	v33 =	vsel vm5, $0x3F800000, v0  }
0x330: {  	[tilespmem:v14+s22+$0x0] =	vst.idx.msk $0xffff, v33  }
0x331: {  	v33 =	vld.idx.msk [tilespmem:v15+s22+$0x0], $0xffff;
	_ =	sdelay $0x4  }
0x332: {  	vm6 =	vge.f32 v33, $0.0e+00  }
0x333: {  	v33 =	vsel vm6, $0x3F800000, v0  }
0x334: {  	[tilespmem:v15+s22+$0x0] =	vst.idx.msk $0xffff, v33  }
0x335: {  	v33 =	vld.idx.msk [tilespmem:v16+s22+$0x0], $0xffff;
	_ =	sdelay $0x4  }
0x336: {  	vm7 =	vge.f32 v33, $0.0e+00  }
0x337: {  	v33 =	vsel vm7, $0x3F800000, v0  }
0x338: {  	[tilespmem:v16+s22+$0x0] =	vst.idx.msk $0xffff, v33  }
0x339: {  	v33 =	vld.idx.msk [tilespmem:v17+s22+$0x0], $0xffff;
	_ =	sdelay $0x4  }
0x33a: {  	vm8 =	vge.f32 v33, $0.0e+00  }
0x33b: {  	v33 =	vsel vm8, $0x3F800000, v0  }
0x33c: {  	[tilespmem:v17+s22+$0x0] =	vst.idx.msk $0xffff, v33  }
0x33d: {  	v33 =	vld.idx.msk [tilespmem:v18+s22+$0x0], $0xffff;
	_ =	sdelay $0x4  }
0x33e: {  	vm9 =	vge.f32 v33, $0.0e+00  }
0x33f: {  	v33 =	vsel vm9, $0x3F800000, v0  }
0x340: {  	[tilespmem:v18+s22+$0x0] =	vst.idx.msk $0xffff, v33  }
0x341: {  	v33 =	vld.idx.msk [tilespmem:v19+s22+$0x0], $0xffff;
	_ =	sdelay $0x4  }
0x342: {  	vm10 =	vge.f32 v33, $0.0e+00  }
0x343: {  	v33 =	vsel vm10, $0x3F800000, v0  }
0x344: {  	[tilespmem:v19+s22+$0x0] =	vst.idx.msk $0xffff, v33  }
0x345: {  	v33 =	vld.idx.msk [tilespmem:v20+s22+$0x0], $0xffff;
	_ =	sdelay $0x4  }
0x346: {  	vm11 =	vge.f32 v33, $0.0e+00  }
0x347: {  	v33 =	vsel vm11, $0x3F800000, v0  }
0x348: {  	[tilespmem:v20+s22+$0x0] =	vst.idx.msk $0xffff, v33  }
0x349: {  	v33 =	vld.idx.msk [tilespmem:v21+s22+$0x0], $0xffff;
	_ =	sdelay $0x4  }
0x34a: {  	vm12 =	vge.f32 v33, $0.0e+00  }
0x34b: {  	v33 =	vsel vm12, $0x3F800000, v0  }
0x34c: {  	[tilespmem:v21+s22+$0x0] =	vst.idx.msk $0xffff, v33  }
0x34d: {  	v33 =	vld.idx.msk [tilespmem:v22+s22+$0x0], $0xffff;
	_ =	sdelay $0x4  }
0x34e: {  	vm13 =	vge.f32 v33, $0.0e+00  }
0x34f: {  	v33 =	vsel vm13, $0x3F800000, v0  }
0x350: {  	[tilespmem:v22+s22+$0x0] =	vst.idx.msk $0xffff, v33  }
0x351: {  	v33 =	vld.idx.msk [tilespmem:v23+s22+$0x0], $0xffff;
	_ =	sdelay $0x4  }
0x352: {  	vm14 =	vge.f32 v33, $0.0e+00  }
0x353: {  	v33 =	vsel vm14, $0x3F800000, v0  }
0x354: {  	[tilespmem:v23+s22+$0x0] =	vst.idx.msk $0xffff, v33  }
0x355: {  	v33 =	vld.idx.msk [tilespmem:v24+s22+$0x0], $0xffff;
	_ =	sdelay $0x4  }
0x356: {  	vm15 =	vge.f32 v33, $0.0e+00  }
0x357: {  	v33 =	vsel vm15, $0x3F800000, v0  }
0x358: {  	[tilespmem:v24+s22+$0x0] =	vst.idx.msk $0xffff, v33  }
0x359: {  	v33 =	vld.idx.msk [tilespmem:v25+s22+$0x0], $0xffff;
	_ =	sdelay $0x4  }
0x35a: {  	vm4 =	vge.f32 v33, $0.0e+00  }
0x35b: {  	v33 =	vsel vm4, $0x3F800000, v0  }
0x35c: {  	[tilespmem:v25+s22+$0x0] =	vst.idx.msk $0xffff, v33  }
0x35d: {  	v33 =	vld.idx.msk [tilespmem:v26+s22+$0x0], $0xffff;
	_ =	sdelay $0x4  }
0x35e: {  	vm5 =	vge.f32 v33, $0.0e+00  }
0x35f: {  	v33 =	vsel vm5, $0x3F800000, v0  }
0x360: {  	[tilespmem:v26+s22+$0x0] =	vst.idx.msk $0xffff, v33  }
0x361: {  	v33 =	vld.idx.msk [tilespmem:v27+s22+$0x0], $0xffff;
	_ =	sdelay $0x4  }
0x362: {  	vm6 =	vge.f32 v33, $0.0e+00  }
0x363: {  	v33 =	vsel vm6, $0x3F800000, v0  }
0x364: {  	[tilespmem:v27+s22+$0x0] =	vst.idx.msk $0xffff, v33  }
0x365: {  	v33 =	vld.idx.msk [tilespmem:v28+s22+$0x0], $0xffff;
	_ =	sdelay $0x4  }
0x366: {  	vm7 =	vge.f32 v33, $0.0e+00  }
0x367: {  	v33 =	vsel vm7, $0x3F800000, v0  }
0x368: {  	[tilespmem:v28+s22+$0x0] =	vst.idx.msk $0xffff, v33  }
0x369: {  	v33 =	vld.idx.msk [tilespmem:v29+s22+$0x0], $0xffff;
	_ =	sdelay $0x4  }
0x36a: {  	vm8 =	vge.f32 v33, $0.0e+00  }
0x36b: {  	v33 =	vsel vm8, $0x3F800000, v0  }
0x36c: {  	[tilespmem:v29+s22+$0x0] =	vst.idx.msk $0xffff, v33  }
0x36d: {  	v33 =	vld.idx.msk [tilespmem:v30+s22+$0x0], $0xffff;
	_ =	sdelay $0x4  }
0x36e: {  	vm9 =	vge.f32 v33, $0.0e+00  }
0x36f: {  	v33 =	vsel vm9, $0x3F800000, v0  }
0x370: {  	[tilespmem:v30+s22+$0x0] =	vst.idx.msk $0xffff, v33  }
0x371: {  	v33 =	vld.idx.msk [tilespmem:v31+s22+$0x0], $0xffff;
	_ =	sdelay $0x4  }
0x372: {  	vm10 =	vge.f32 v33, $0.0e+00  }
0x373: {  	v33 =	vsel vm10, $0x3F800000, v0  }
0x374: {  	[tilespmem:v31+s22+$0x0] =	vst.idx.msk $0xffff, v33  }
0x375: {  	v33 =	vld.idx.msk [tilespmem:v32+s22+$0x0], $0xffff;
	_ =	sdelay $0x4  }
0x376: {  	vm11 =	vge.f32 v33, $0.0e+00  }
0x377: {  	v33 =	vsel vm11, $0x3F800000, v0  }
0x378: {  	s8 =	sadd.s32 $0x1040, s1;
	s7 =	simm.s32 @!p0 $0xD;
	[tilespmem:v32+s22+$0x0] =	vst.idx.msk $0xffff, v33  }
0x379: {  	[hbm4b:s8+s16] =	stream.strided.scatter [tilespmem:s22], [sflag:$0xE], $0x2000, s17, s16, $0x38;
	[tilespmem:$0x10080] =	vst v63  }
0x37a: {  	_ =	swait.ge @!p0 [sflag:s7], $0x2000  }
0x37b: {  	[sflag:s7] =	ssyncset.done @!p0 $0x0  }
0x37c: {  	s8 =	simm.s32 @!p0 $0x8000;
	[sflag:s7] =	ssyncadd.s32 @!p0 $0xFFFFE000;
	s7 =	sadd.s32 @!p0 $0x3000, s14  }
0x37d: {  	[tilespmem:s8], [sflag:$0x5] =	stream.strided.gather @!p0 [hbm4b:s7+s5], $0x2000, s6, s5, $0x38;
	[tilespmem:$0x10080] =	vst v63  }
0x37e: {  	_ =	swait.ge [sflag:s0], $0x2000  }
0x37f: {  	[sflag:s0] =	ssyncset.done $0x0  }
0x380: {  	[sflag:s0] =	ssyncadd.s32 $0xFFFFE000  }
0x381: {  	v62 =	vld.idx.msk [tilespmem:v1+s23+$0x0], $0xffff;
	_ =	sdelay $0x4  }
0x382: {  	vm12 =	vge.f32 v62, $0.0e+00  }
0x383: {  	v33 =	vsel vm12, $0x3F800000, v0  }
0x384: {  	[tilespmem:v1+s23+$0x0] =	vst.idx.msk $0xffff, v33  }
0x385: {  	v33 =	vld.idx.msk [tilespmem:v2+s23+$0x0], $0xffff;
	_ =	sdelay $0x4  }
0x386: {  	vm13 =	vge.f32 v33, $0.0e+00  }
0x387: {  	v33 =	vsel vm13, $0x3F800000, v0  }
0x388: {  	[tilespmem:v2+s23+$0x0] =	vst.idx.msk $0xffff, v33  }
0x389: {  	v33 =	vld.idx.msk [tilespmem:v3+s23+$0x0], $0xffff;
	_ =	sdelay $0x4  }
0x38a: {  	vm14 =	vge.f32 v33, $0.0e+00  }
0x38b: {  	v33 =	vsel vm14, $0x3F800000, v0  }
0x38c: {  	[tilespmem:v3+s23+$0x0] =	vst.idx.msk $0xffff, v33  }
0x38d: {  	v33 =	vld.idx.msk [tilespmem:v4+s23+$0x0], $0xffff;
	_ =	sdelay $0x4  }
0x38e: {  	vm15 =	vge.f32 v33, $0.0e+00  }
0x38f: {  	v33 =	vsel vm15, $0x3F800000, v0  }
0x390: {  	[tilespmem:v4+s23+$0x0] =	vst.idx.msk $0xffff, v33  }
0x391: {  	v33 =	vld.idx.msk [tilespmem:v5+s23+$0x0], $0xffff;
	_ =	sdelay $0x4  }
0x392: {  	vm4 =	vge.f32 v33, $0.0e+00  }
0x393: {  	v33 =	vsel vm4, $0x3F800000, v0  }
0x394: {  	[tilespmem:v5+s23+$0x0] =	vst.idx.msk $0xffff, v33  }
0x395: {  	v33 =	vld.idx.msk [tilespmem:v6+s23+$0x0], $0xffff;
	_ =	sdelay $0x4  }
0x396: {  	vm5 =	vge.f32 v33, $0.0e+00  }
0x397: {  	v33 =	vsel vm5, $0x3F800000, v0  }
0x398: {  	[tilespmem:v6+s23+$0x0] =	vst.idx.msk $0xffff, v33  }
0x399: {  	v33 =	vld.idx.msk [tilespmem:v7+s23+$0x0], $0xffff;
	_ =	sdelay $0x4  }
0x39a: {  	vm6 =	vge.f32 v33, $0.0e+00  }
0x39b: {  	v33 =	vsel vm6, $0x3F800000, v0  }
0x39c: {  	[tilespmem:v7+s23+$0x0] =	vst.idx.msk $0xffff, v33  }
0x39d: {  	v33 =	vld.idx.msk [tilespmem:v8+s23+$0x0], $0xffff;
	_ =	sdelay $0x4  }
0x39e: {  	vm7 =	vge.f32 v33, $0.0e+00  }
0x39f: {  	v33 =	vsel vm7, $0x3F800000, v0  }
0x3a0: {  	[tilespmem:v8+s23+$0x0] =	vst.idx.msk $0xffff, v33  }
0x3a1: {  	v33 =	vld.idx.msk [tilespmem:v9+s23+$0x0], $0xffff;
	_ =	sdelay $0x4  }
0x3a2: {  	vm8 =	vge.f32 v33, $0.0e+00  }
0x3a3: {  	v33 =	vsel vm8, $0x3F800000, v0  }
0x3a4: {  	[tilespmem:v9+s23+$0x0] =	vst.idx.msk $0xffff, v33  }
0x3a5: {  	v33 =	vld.idx.msk [tilespmem:v10+s23+$0x0], $0xffff;
	_ =	sdelay $0x4  }
0x3a6: {  	vm9 =	vge.f32 v33, $0.0e+00  }
0x3a7: {  	v33 =	vsel vm9, $0x3F800000, v0  }
0x3a8: {  	[tilespmem:v10+s23+$0x0] =	vst.idx.msk $0xffff, v33  }
0x3a9: {  	v33 =	vld.idx.msk [tilespmem:v11+s23+$0x0], $0xffff;
	_ =	sdelay $0x4  }
0x3aa: {  	vm10 =	vge.f32 v33, $0.0e+00  }
0x3ab: {  	v33 =	vsel vm10, $0x3F800000, v0  }
0x3ac: {  	[tilespmem:v11+s23+$0x0] =	vst.idx.msk $0xffff, v33  }
0x3ad: {  	v33 =	vld.idx.msk [tilespmem:v12+s23+$0x0], $0xffff;
	_ =	sdelay $0x4  }
0x3ae: {  	vm11 =	vge.f32 v33, $0.0e+00  }
0x3af: {  	v33 =	vsel vm11, $0x3F800000, v0  }
0x3b0: {  	[tilespmem:v12+s23+$0x0] =	vst.idx.msk $0xffff, v33  }
0x3b1: {  	v33 =	vld.idx.msk [tilespmem:v13+s23+$0x0], $0xffff;
	_ =	sdelay $0x4  }
0x3b2: {  	vm12 =	vge.f32 v33, $0.0e+00  }
0x3b3: {  	v33 =	vsel vm12, $0x3F800000, v0  }
0x3b4: {  	[tilespmem:v13+s23+$0x0] =	vst.idx.msk $0xffff, v33  }
0x3b5: {  	v33 =	vld.idx.msk [tilespmem:v14+s23+$0x0], $0xffff;
	_ =	sdelay $0x4  }
0x3b6: {  	vm13 =	vge.f32 v33, $0.0e+00  }
0x3b7: {  	v33 =	vsel vm13, $0x3F800000, v0  }
0x3b8: {  	[tilespmem:v14+s23+$0x0] =	vst.idx.msk $0xffff, v33  }
0x3b9: {  	v33 =	vld.idx.msk [tilespmem:v15+s23+$0x0], $0xffff;
	_ =	sdelay $0x4  }
0x3ba: {  	vm14 =	vge.f32 v33, $0.0e+00  }
0x3bb: {  	v33 =	vsel vm14, $0x3F800000, v0  }
0x3bc: {  	[tilespmem:v15+s23+$0x0] =	vst.idx.msk $0xffff, v33  }
0x3bd: {  	v33 =	vld.idx.msk [tilespmem:v16+s23+$0x0], $0xffff;
	_ =	sdelay $0x4  }
0x3be: {  	vm15 =	vge.f32 v33, $0.0e+00  }
0x3bf: {  	v33 =	vsel vm15, $0x3F800000, v0  }
0x3c0: {  	[tilespmem:v16+s23+$0x0] =	vst.idx.msk $0xffff, v33  }
0x3c1: {  	v33 =	vld.idx.msk [tilespmem:v17+s23+$0x0], $0xffff;
	_ =	sdelay $0x4  }
0x3c2: {  	vm4 =	vge.f32 v33, $0.0e+00  }
0x3c3: {  	v33 =	vsel vm4, $0x3F800000, v0  }
0x3c4: {  	[tilespmem:v17+s23+$0x0] =	vst.idx.msk $0xffff, v33  }
0x3c5: {  	v33 =	vld.idx.msk [tilespmem:v18+s23+$0x0], $0xffff;
	_ =	sdelay $0x4  }
0x3c6: {  	vm5 =	vge.f32 v33, $0.0e+00  }
0x3c7: {  	v33 =	vsel vm5, $0x3F800000, v0  }
0x3c8: {  	[tilespmem:v18+s23+$0x0] =	vst.idx.msk $0xffff, v33  }
0x3c9: {  	v33 =	vld.idx.msk [tilespmem:v19+s23+$0x0], $0xffff;
	_ =	sdelay $0x4  }
0x3ca: {  	vm6 =	vge.f32 v33, $0.0e+00  }
0x3cb: {  	v33 =	vsel vm6, $0x3F800000, v0  }
0x3cc: {  	[tilespmem:v19+s23+$0x0] =	vst.idx.msk $0xffff, v33  }
0x3cd: {  	v33 =	vld.idx.msk [tilespmem:v20+s23+$0x0], $0xffff;
	_ =	sdelay $0x4  }
0x3ce: {  	vm7 =	vge.f32 v33, $0.0e+00  }
0x3cf: {  	v33 =	vsel vm7, $0x3F800000, v0  }
0x3d0: {  	[tilespmem:v20+s23+$0x0] =	vst.idx.msk $0xffff, v33  }
0x3d1: {  	v33 =	vld.idx.msk [tilespmem:v21+s23+$0x0], $0xffff;
	_ =	sdelay $0x4  }
0x3d2: {  	vm8 =	vge.f32 v33, $0.0e+00  }
0x3d3: {  	v33 =	vsel vm8, $0x3F800000, v0  }
0x3d4: {  	[tilespmem:v21+s23+$0x0] =	vst.idx.msk $0xffff, v33  }
0x3d5: {  	v33 =	vld.idx.msk [tilespmem:v22+s23+$0x0], $0xffff;
	_ =	sdelay $0x4  }
0x3d6: {  	vm9 =	vge.f32 v33, $0.0e+00  }
0x3d7: {  	v33 =	vsel vm9, $0x3F800000, v0  }
0x3d8: {  	[tilespmem:v22+s23+$0x0] =	vst.idx.msk $0xffff, v33  }
0x3d9: {  	v33 =	vld.idx.msk [tilespmem:v23+s23+$0x0], $0xffff;
	_ =	sdelay $0x4  }
0x3da: {  	vm10 =	vge.f32 v33, $0.0e+00  }
0x3db: {  	v33 =	vsel vm10, $0x3F800000, v0  }
0x3dc: {  	[tilespmem:v23+s23+$0x0] =	vst.idx.msk $0xffff, v33  }
0x3dd: {  	v33 =	vld.idx.msk [tilespmem:v24+s23+$0x0], $0xffff;
	_ =	sdelay $0x4  }
0x3de: {  	vm11 =	vge.f32 v33, $0.0e+00  }
0x3df: {  	v33 =	vsel vm11, $0x3F800000, v0  }
0x3e0: {  	[tilespmem:v24+s23+$0x0] =	vst.idx.msk $0xffff, v33  }
0x3e1: {  	v33 =	vld.idx.msk [tilespmem:v25+s23+$0x0], $0xffff;
	_ =	sdelay $0x4  }
0x3e2: {  	vm12 =	vge.f32 v33, $0.0e+00  }
0x3e3: {  	v33 =	vsel vm12, $0x3F800000, v0  }
0x3e4: {  	[tilespmem:v25+s23+$0x0] =	vst.idx.msk $0xffff, v33  }
0x3e5: {  	v33 =	vld.idx.msk [tilespmem:v26+s23+$0x0], $0xffff;
	_ =	sdelay $0x4  }
0x3e6: {  	vm13 =	vge.f32 v33, $0.0e+00  }
0x3e7: {  	v33 =	vsel vm13, $0x3F800000, v0  }
0x3e8: {  	[tilespmem:v26+s23+$0x0] =	vst.idx.msk $0xffff, v33  }
0x3e9: {  	v33 =	vld.idx.msk [tilespmem:v27+s23+$0x0], $0xffff;
	_ =	sdelay $0x4  }
0x3ea: {  	vm14 =	vge.f32 v33, $0.0e+00  }
0x3eb: {  	v33 =	vsel vm14, $0x3F800000, v0  }
0x3ec: {  	[tilespmem:v27+s23+$0x0] =	vst.idx.msk $0xffff, v33  }
0x3ed: {  	v33 =	vld.idx.msk [tilespmem:v28+s23+$0x0], $0xffff;
	_ =	sdelay $0x4  }
0x3ee: {  	vm15 =	vge.f32 v33, $0.0e+00  }
0x3ef: {  	v33 =	vsel vm15, $0x3F800000, v0  }
0x3f0: {  	[tilespmem:v28+s23+$0x0] =	vst.idx.msk $0xffff, v33  }
0x3f1: {  	v33 =	vld.idx.msk [tilespmem:v29+s23+$0x0], $0xffff;
	_ =	sdelay $0x4  }
0x3f2: {  	vm4 =	vge.f32 v33, $0.0e+00  }
0x3f3: {  	v33 =	vsel vm4, $0x3F800000, v0  }
0x3f4: {  	[tilespmem:v29+s23+$0x0] =	vst.idx.msk $0xffff, v33  }
0x3f5: {  	v33 =	vld.idx.msk [tilespmem:v30+s23+$0x0], $0xffff;
	_ =	sdelay $0x4  }
0x3f6: {  	vm5 =	vge.f32 v33, $0.0e+00  }
0x3f7: {  	v33 =	vsel vm5, $0x3F800000, v0  }
0x3f8: {  	[tilespmem:v30+s23+$0x0] =	vst.idx.msk $0xffff, v33  }
0x3f9: {  	v33 =	vld.idx.msk [tilespmem:v31+s23+$0x0], $0xffff;
	_ =	sdelay $0x4  }
0x3fa: {  	vm6 =	vge.f32 v33, $0.0e+00  }
0x3fb: {  	v33 =	vsel vm6, $0x3F800000, v0  }
0x3fc: {  	[tilespmem:v31+s23+$0x0] =	vst.idx.msk $0xffff, v33  }
0x3fd: {  	v33 =	vld.idx.msk [tilespmem:v32+s23+$0x0], $0xffff;
	_ =	sdelay $0x4  }
0x3fe: {  	vm7 =	vge.f32 v33, $0.0e+00  }
0x3ff: {  	v33 =	vsel vm7, $0x3F800000, v0  }
0x400: {  	s8 =	sadd.s32 $0x1800, s1;
	s7 =	simm.s32 @!p0 $0xE;
	[tilespmem:v32+s23+$0x0] =	vst.idx.msk $0xffff, v33  }
0x401: {  	[hbm4b:s8+s16] =	stream.strided.scatter [tilespmem:s23], [sflag:$0xF], $0x2000, s17, s16, $0x38;
	[tilespmem:$0x10080] =	vst v63  }
0x402: {  	_ =	swait.ge @!p0 [sflag:s7], $0x2000  }
0x403: {  	[sflag:s7] =	ssyncset.done @!p0 $0x0  }
0x404: {  	s8 =	simm.s32 @!p0 $0xA000;
	[sflag:s7] =	ssyncadd.s32 @!p0 $0xFFFFE000;
	s7 =	sadd.s32 @!p0 $0x3040, s14  }
0x405: {  	[tilespmem:s8], [sflag:$0x6] =	stream.strided.gather @!p0 [hbm4b:s7+s5], $0x2000, s6, s5, $0x38;
	[tilespmem:$0x10080] =	vst v63  }
0x406: {  	_ =	swait.ge [sflag:s2], $0x2000  }
0x407: {  	[sflag:s2] =	ssyncset.done $0x0  }
0x408: {  	[sflag:s2] =	ssyncadd.s32 $0xFFFFE000  }
0x409: {  	v63 =	vld.idx.msk [tilespmem:v1+s25+$0x0], $0xffff;
	_ =	sdelay $0x4  }
0x40a: {  	vm8 =	vge.f32 v63, $0.0e+00  }
0x40b: {  	v33 =	vsel vm8, $0x3F800000, v0  }
0x40c: {  	[tilespmem:v1+s25+$0x0] =	vst.idx.msk $0xffff, v33  }
0x40d: {  	v33 =	vld.idx.msk [tilespmem:v2+s25+$0x0], $0xffff;
	_ =	sdelay $0x4  }
0x40e: {  	vm9 =	vge.f32 v33, $0.0e+00  }
0x40f: {  	v33 =	vsel vm9, $0x3F800000, v0  }
0x410: {  	[tilespmem:v2+s25+$0x0] =	vst.idx.msk $0xffff, v33  }
0x411: {  	v33 =	vld.idx.msk [tilespmem:v3+s25+$0x0], $0xffff;
	_ =	sdelay $0x4  }
0x412: {  	vm10 =	vge.f32 v33, $0.0e+00  }
0x413: {  	v33 =	vsel vm10, $0x3F800000, v0  }
0x414: {  	[tilespmem:v3+s25+$0x0] =	vst.idx.msk $0xffff, v33  }
0x415: {  	v33 =	vld.idx.msk [tilespmem:v4+s25+$0x0], $0xffff;
	_ =	sdelay $0x4  }
0x416: {  	vm11 =	vge.f32 v33, $0.0e+00  }
0x417: {  	v33 =	vsel vm11, $0x3F800000, v0  }
0x418: {  	[tilespmem:v4+s25+$0x0] =	vst.idx.msk $0xffff, v33  }
0x419: {  	v33 =	vld.idx.msk [tilespmem:v5+s25+$0x0], $0xffff;
	_ =	sdelay $0x4  }
0x41a: {  	vm12 =	vge.f32 v33, $0.0e+00  }
0x41b: {  	v33 =	vsel vm12, $0x3F800000, v0  }
0x41c: {  	[tilespmem:v5+s25+$0x0] =	vst.idx.msk $0xffff, v33  }
0x41d: {  	v33 =	vld.idx.msk [tilespmem:v6+s25+$0x0], $0xffff;
	_ =	sdelay $0x4  }
0x41e: {  	vm13 =	vge.f32 v33, $0.0e+00  }
0x41f: {  	v33 =	vsel vm13, $0x3F800000, v0  }
0x420: {  	[tilespmem:v6+s25+$0x0] =	vst.idx.msk $0xffff, v33  }
0x421: {  	v33 =	vld.idx.msk [tilespmem:v7+s25+$0x0], $0xffff;
	_ =	sdelay $0x4  }
0x422: {  	vm14 =	vge.f32 v33, $0.0e+00  }
0x423: {  	v33 =	vsel vm14, $0x3F800000, v0  }
0x424: {  	[tilespmem:v7+s25+$0x0] =	vst.idx.msk $0xffff, v33  }
0x425: {  	v33 =	vld.idx.msk [tilespmem:v8+s25+$0x0], $0xffff;
	_ =	sdelay $0x4  }
0x426: {  	vm15 =	vge.f32 v33, $0.0e+00  }
0x427: {  	v33 =	vsel vm15, $0x3F800000, v0  }
0x428: {  	[tilespmem:v8+s25+$0x0] =	vst.idx.msk $0xffff, v33  }
0x429: {  	v33 =	vld.idx.msk [tilespmem:v9+s25+$0x0], $0xffff;
	_ =	sdelay $0x4  }
0x42a: {  	vm4 =	vge.f32 v33, $0.0e+00  }
0x42b: {  	v33 =	vsel vm4, $0x3F800000, v0  }
0x42c: {  	[tilespmem:v9+s25+$0x0] =	vst.idx.msk $0xffff, v33  }
0x42d: {  	v33 =	vld.idx.msk [tilespmem:v10+s25+$0x0], $0xffff;
	_ =	sdelay $0x4  }
0x42e: {  	vm5 =	vge.f32 v33, $0.0e+00  }
0x42f: {  	v33 =	vsel vm5, $0x3F800000, v0  }
0x430: {  	[tilespmem:v10+s25+$0x0] =	vst.idx.msk $0xffff, v33  }
0x431: {  	v33 =	vld.idx.msk [tilespmem:v11+s25+$0x0], $0xffff;
	_ =	sdelay $0x4  }
0x432: {  	vm6 =	vge.f32 v33, $0.0e+00  }
0x433: {  	v33 =	vsel vm6, $0x3F800000, v0  }
0x434: {  	[tilespmem:v11+s25+$0x0] =	vst.idx.msk $0xffff, v33  }
0x435: {  	v33 =	vld.idx.msk [tilespmem:v12+s25+$0x0], $0xffff;
	_ =	sdelay $0x4  }
0x436: {  	vm7 =	vge.f32 v33, $0.0e+00  }
0x437: {  	v33 =	vsel vm7, $0x3F800000, v0  }
0x438: {  	[tilespmem:v12+s25+$0x0] =	vst.idx.msk $0xffff, v33  }
0x439: {  	v33 =	vld.idx.msk [tilespmem:v13+s25+$0x0], $0xffff;
	_ =	sdelay $0x4  }
0x43a: {  	vm8 =	vge.f32 v33, $0.0e+00  }
0x43b: {  	v33 =	vsel vm8, $0x3F800000, v0  }
0x43c: {  	[tilespmem:v13+s25+$0x0] =	vst.idx.msk $0xffff, v33  }
0x43d: {  	v33 =	vld.idx.msk [tilespmem:v14+s25+$0x0], $0xffff;
	_ =	sdelay $0x4  }
0x43e: {  	vm9 =	vge.f32 v33, $0.0e+00  }
0x43f: {  	v33 =	vsel vm9, $0x3F800000, v0  }
0x440: {  	[tilespmem:v14+s25+$0x0] =	vst.idx.msk $0xffff, v33  }
0x441: {  	v33 =	vld.idx.msk [tilespmem:v15+s25+$0x0], $0xffff;
	_ =	sdelay $0x4  }
0x442: {  	vm10 =	vge.f32 v33, $0.0e+00  }
0x443: {  	v33 =	vsel vm10, $0x3F800000, v0  }
0x444: {  	[tilespmem:v15+s25+$0x0] =	vst.idx.msk $0xffff, v33  }
0x445: {  	v33 =	vld.idx.msk [tilespmem:v16+s25+$0x0], $0xffff;
	_ =	sdelay $0x4  }
0x446: {  	vm11 =	vge.f32 v33, $0.0e+00  }
0x447: {  	v33 =	vsel vm11, $0x3F800000, v0  }
0x448: {  	[tilespmem:v16+s25+$0x0] =	vst.idx.msk $0xffff, v33  }
0x449: {  	v33 =	vld.idx.msk [tilespmem:v17+s25+$0x0], $0xffff;
	_ =	sdelay $0x4  }
0x44a: {  	vm12 =	vge.f32 v33, $0.0e+00  }
0x44b: {  	v33 =	vsel vm12, $0x3F800000, v0  }
0x44c: {  	[tilespmem:v17+s25+$0x0] =	vst.idx.msk $0xffff, v33  }
0x44d: {  	v33 =	vld.idx.msk [tilespmem:v18+s25+$0x0], $0xffff;
	_ =	sdelay $0x4  }
0x44e: {  	vm13 =	vge.f32 v33, $0.0e+00  }
0x44f: {  	v33 =	vsel vm13, $0x3F800000, v0  }
0x450: {  	[tilespmem:v18+s25+$0x0] =	vst.idx.msk $0xffff, v33  }
0x451: {  	v33 =	vld.idx.msk [tilespmem:v19+s25+$0x0], $0xffff;
	_ =	sdelay $0x4  }
0x452: {  	vm14 =	vge.f32 v33, $0.0e+00  }
0x453: {  	v33 =	vsel vm14, $0x3F800000, v0  }
0x454: {  	[tilespmem:v19+s25+$0x0] =	vst.idx.msk $0xffff, v33  }
0x455: {  	v33 =	vld.idx.msk [tilespmem:v20+s25+$0x0], $0xffff;
	_ =	sdelay $0x4  }
0x456: {  	vm15 =	vge.f32 v33, $0.0e+00  }
0x457: {  	v33 =	vsel vm15, $0x3F800000, v0  }
0x458: {  	[tilespmem:v20+s25+$0x0] =	vst.idx.msk $0xffff, v33  }
0x459: {  	v33 =	vld.idx.msk [tilespmem:v21+s25+$0x0], $0xffff;
	_ =	sdelay $0x4  }
0x45a: {  	vm4 =	vge.f32 v33, $0.0e+00  }
0x45b: {  	v33 =	vsel vm4, $0x3F800000, v0  }
0x45c: {  	[tilespmem:v21+s25+$0x0] =	vst.idx.msk $0xffff, v33  }
0x45d: {  	v33 =	vld.idx.msk [tilespmem:v22+s25+$0x0], $0xffff;
	_ =	sdelay $0x4  }
0x45e: {  	vm5 =	vge.f32 v33, $0.0e+00  }
0x45f: {  	v33 =	vsel vm5, $0x3F800000, v0  }
0x460: {  	[tilespmem:v22+s25+$0x0] =	vst.idx.msk $0xffff, v33  }
0x461: {  	v33 =	vld.idx.msk [tilespmem:v23+s25+$0x0], $0xffff;
	_ =	sdelay $0x4  }
0x462: {  	vm6 =	vge.f32 v33, $0.0e+00  }
0x463: {  	v33 =	vsel vm6, $0x3F800000, v0  }
0x464: {  	[tilespmem:v23+s25+$0x0] =	vst.idx.msk $0xffff, v33  }
0x465: {  	v33 =	vld.idx.msk [tilespmem:v24+s25+$0x0], $0xffff;
	_ =	sdelay $0x4  }
0x466: {  	vm7 =	vge.f32 v33, $0.0e+00  }
0x467: {  	v33 =	vsel vm7, $0x3F800000, v0  }
0x468: {  	[tilespmem:v24+s25+$0x0] =	vst.idx.msk $0xffff, v33  }
0x469: {  	v33 =	vld.idx.msk [tilespmem:v25+s25+$0x0], $0xffff;
	_ =	sdelay $0x4  }
0x46a: {  	vm8 =	vge.f32 v33, $0.0e+00  }
0x46b: {  	v33 =	vsel vm8, $0x3F800000, v0  }
0x46c: {  	[tilespmem:v25+s25+$0x0] =	vst.idx.msk $0xffff, v33  }
0x46d: {  	v33 =	vld.idx.msk [tilespmem:v26+s25+$0x0], $0xffff;
	_ =	sdelay $0x4  }
0x46e: {  	vm9 =	vge.f32 v33, $0.0e+00  }
0x46f: {  	v33 =	vsel vm9, $0x3F800000, v0  }
0x470: {  	[tilespmem:v26+s25+$0x0] =	vst.idx.msk $0xffff, v33  }
0x471: {  	v33 =	vld.idx.msk [tilespmem:v27+s25+$0x0], $0xffff;
	_ =	sdelay $0x4  }
0x472: {  	vm10 =	vge.f32 v33, $0.0e+00  }
0x473: {  	v33 =	vsel vm10, $0x3F800000, v0  }
0x474: {  	[tilespmem:v27+s25+$0x0] =	vst.idx.msk $0xffff, v33  }
0x475: {  	v33 =	vld.idx.msk [tilespmem:v28+s25+$0x0], $0xffff;
	_ =	sdelay $0x4  }
0x476: {  	vm11 =	vge.f32 v33, $0.0e+00  }
0x477: {  	v33 =	vsel vm11, $0x3F800000, v0  }
0x478: {  	[tilespmem:v28+s25+$0x0] =	vst.idx.msk $0xffff, v33  }
0x479: {  	v33 =	vld.idx.msk [tilespmem:v29+s25+$0x0], $0xffff;
	_ =	sdelay $0x4  }
0x47a: {  	vm12 =	vge.f32 v33, $0.0e+00  }
0x47b: {  	v33 =	vsel vm12, $0x3F800000, v0  }
0x47c: {  	[tilespmem:v29+s25+$0x0] =	vst.idx.msk $0xffff, v33  }
0x47d: {  	v33 =	vld.idx.msk [tilespmem:v30+s25+$0x0], $0xffff;
	_ =	sdelay $0x4  }
0x47e: {  	vm13 =	vge.f32 v33, $0.0e+00  }
0x47f: {  	v33 =	vsel vm13, $0x3F800000, v0  }
0x480: {  	[tilespmem:v30+s25+$0x0] =	vst.idx.msk $0xffff, v33  }
0x481: {  	v33 =	vld.idx.msk [tilespmem:v31+s25+$0x0], $0xffff;
	_ =	sdelay $0x4  }
0x482: {  	vm14 =	vge.f32 v33, $0.0e+00  }
0x483: {  	v33 =	vsel vm14, $0x3F800000, v0  }
0x484: {  	[tilespmem:v31+s25+$0x0] =	vst.idx.msk $0xffff, v33  }
0x485: {  	v33 =	vld.idx.msk [tilespmem:v32+s25+$0x0], $0xffff;
	_ =	sdelay $0x3  }
.Ltmp2:
0x486: {  	_ = 	snop;
	(pc) =	sbr.rel @p0 .LBB2_4-.Ltmp2, $4  }
0x487: {  	vm15 =	vge.f32 v33, $0.0e+00  }
0x488: {  	v33 =	vsel vm15, $0x3F800000, v0  }
0x489: {  	s1 =	sadd.s32 $0x1840, s1;
	[tilespmem:v32+s25+$0x0] =	vst.idx.msk $0xffff, v33  }
0x48a: {  	[hbm4b:s1+s16] =	stream.strided.scatter [tilespmem:s25], [sflag:$0x10], $0x2000, s17, s16, $0x38;
	[tilespmem:$0x10080] =	vst v63  }
.Ltmp3:
0x48b: {  	(pc) =	sbr.rel .LBB2_2-.Ltmp3, $4  }
0x48c: {  	_ =	swait.ge [sflag:s9], $0x2000  }
0x48d: {  	[sflag:s9] =	ssyncset.done $0x0  }
0x48e: {  	s1 =	sadd.s32 $0x3800, s15;
	s4 =	sadd.s32 $0x2000, s4;
	[sflag:s9] =	ssyncadd.s32 $0xFFFFE000  }
0x48f: {  	[tilespmem:s23], [sflag:$0x7] =	stream.strided.gather [hbm4b:s1+s16], $0x2000, s17, s16, $0x38;
	[tilespmem:$0x10080] =	vst v63  }
.LBB2_5:
0x490: {  	_ =	sfence.sel $0x180000  }
0x491: {  	[bflag:$0x0] =	sbarrier.arrive $0xFFFF  }
0x492: {  	_ =	strace $0x90000047  }
0x493: {  	s0 =	stileid.u32;
	[bflag:$0x2] =	sbarrier.arrive $0xFFFF  }
0x494: {  	p0 =	sne.s32 s0, $0x0;
	s0 =	rddreg [dreg:$0x3]  }
0x495: {  	s0 =	sadd.s32 @!p0 $0x100000, s0  }
0x496: {  	[sflag:s0] =	ssyncadd.tile.s32 @!p0 $0x1;
	_ =	shalt  }
.Lfunc_end2:
_tile_overlayer_lowered:
.L_overlay_start_2:
0x497: {  	(tag) =	ssettag $0x2  }
0x498: {  	s0 =	rddreg [dreg:$0x0];
	s2 =	stileid.u32  }
0x499: {  	s1 =	rddreg [dreg:$0x1];
	p0 =	sne.s32 s2, $0x0  }
0x49a: {  	s3 =	rddreg [dreg:$0x2];
	[bflag:$0x3] =	sbarrier.arrive $0xFFFF;
	s2 =	simm.s32 @!p0 $0x1C11  }
0x49b: {  	[timem:s3], [sflag:s2] =	dma.local @!p0 [hbm:s0], s1  }
0x49c: {  	s0 =	simm.s32 @!p0 $0x11  }
0x49d: {  	_ =	swait.ge @!p0 [sflag:s0], s1  }
0x49e: {  	s1 =	ssub.s32 @!p0 $0x0, s1;
	[sflag:s0] =	ssyncset.done @!p0 $0x0  }
0x49f: {  	[sflag:s0] =	ssyncadd.s32 @!p0 s1  }
0x4a0: {  	[bflag:$0x3] =	sbarrier.arrive $0xFFFF  }
0x4a1: {  	_ =	shalt  }

</sc_bundles>
